<compile_context>
chip_gen: v7x
topology: tpu7x:2x2x1
jax: 0.10.2.dev20260603
libtpu: 0.0.44.dev20260713+nightly
codegen_flags: <defaults>
</compile_context>

<pallas_src>
import functools

import jax
import jax.numpy as jnp
from jax import lax
from jax.experimental import pallas as pl
from jax.experimental.pallas import tpu as pltpu
from jax.experimental.pallas import tpu_sc as plsc

L = 16
NC = 2
NS = 16
NW = NC * NS
CHUNK = 128
NB = 2048
Z0 = -8.0
SCALE = NB / 16.0
INV_SCALE = 16.0 / NB


def _sc_body(F, T, x_hbm, thr_hbm, idx_hbm, out_hbm,
             idx_v, thr_v, table,
             xin0, xin1, yout0, yout1,
             sem_in0, sem_in1, sem_out0, sem_out1):
    rows_per_w = out_hbm.shape[0] // NW
    n_chunks = rows_per_w // CHUNK
    ngroups = T // L

    wid = lax.axis_index("s") * NC + lax.axis_index("c")
    base = wid * rows_per_w

    xins = (xin0, xin1)
    youts = (yout0, yout1)
    sin = (sem_in0, sem_in1)
    sout = (sem_out0, sem_out1)

    def in_slice(c):
        return x_hbm.at[pl.ds(base + c * CHUNK, CHUNK)]

    def out_slice(c):
        return out_hbm.at[pl.ds(base + c * CHUNK, CHUNK)]

    pltpu.async_copy(in_slice(0), xin0, sem_in0)
    pltpu.async_copy(in_slice(1), xin1, sem_in1)

    pltpu.sync_copy(idx_hbm, idx_v)
    pltpu.sync_copy(thr_hbm.at[0], thr_v)

    lane = lax.iota(jnp.int32, 16).astype(jnp.float32)

    @plsc.parallel_loop(0, NB // L, unroll=4)
    def _tb(i):
        zc = Z0 + (lane + (i * 16).astype(jnp.float32) + 0.5) * INV_SCALE
        table[pl.ds(i * L, L)] = 1.0 / (1.0 + jnp.exp(-zc))

    def compute_chunk(xin_b, yout_b):
        for g in range(ngroups):
            cols_g = idx_v[pl.ds(g * L, L)]
            offs_g = NB / 2.0 - thr_v[pl.ds(g * L, L)] * SCALE

            @plsc.parallel_loop(0, CHUNK, unroll=4)
            def _row(r, cols_g=cols_g, offs_g=offs_g, g=g):
                v = plsc.load_gather(xin_b.at[r], [cols_g])
                t = v * SCALE + offs_g
                t = jnp.minimum(jnp.maximum(t, 0.0), NB - 1.0)
                yout_b[r, pl.ds(g * L, L)] = plsc.load_gather(
                    table, [t.astype(jnp.int32)])

    def process(c, b, wait_out):
        pltpu.make_async_copy(in_slice(c), xins[b], sin[b]).wait()
        if wait_out:
            pltpu.make_async_copy(youts[b], out_slice(c), sout[b]).wait()
        compute_chunk(xins[b], youts[b])
        pltpu.async_copy(youts[b], out_slice(c), sout[b])

        @pl.when(c + 2 < n_chunks)
        def _():
            pltpu.async_copy(in_slice(c + 2), xins[b], sin[b])

    process(0, 0, False)
    process(1, 1, False)

    def pair(j, _):
        process(2 * j, 0, True)
        process(2 * j + 1, 1, True)
        return 0

    lax.fori_loop(1, n_chunks // 2, pair, 0)

    pltpu.make_async_copy(youts[0], out_slice(n_chunks - 2), sout[0]).wait()
    pltpu.make_async_copy(youts[1], out_slice(n_chunks - 1), sout[1]).wait()


def kernel(x, thresholds, thresholds_index):
    B, F = x.shape
    T = thresholds.shape[1]
    mesh = plsc.VectorSubcoreMesh(
        core_axis_name="c", subcore_axis_name="s", num_cores=NC, num_subcores=NS
    )
    run = pl.kernel(
        functools.partial(_sc_body, F, T),
        out_type=jax.ShapeDtypeStruct((B, T), jnp.float32),
        mesh=mesh,
        scratch_types=[
            pltpu.VMEM((T,), jnp.int32),
            pltpu.VMEM((T,), jnp.float32),
            pltpu.VMEM((NB,), jnp.float32),
            pltpu.VMEM((CHUNK, F), jnp.float32),
            pltpu.VMEM((CHUNK, F), jnp.float32),
            pltpu.VMEM((CHUNK, T), jnp.float32),
            pltpu.VMEM((CHUNK, T), jnp.float32),
            pltpu.SemaphoreType.DMA,
            pltpu.SemaphoreType.DMA,
            pltpu.SemaphoreType.DMA,
            pltpu.SemaphoreType.DMA,
        ],
        compiler_params=pltpu.CompilerParams(needs_layout_passes=False),
    )
    return run(x, thresholds, thresholds_index)

# --- scband reference (transcript-rebuilt; emitter-appended) ---
"""Pipeline reference for scband-bitwise-soft-quantization-layer-71528385347915 (READ-ONLY COPY).

The authoritative reference and input builder live on the scoring server;
editing this copy changes nothing except your own understanding.
"""

import jax, jax.numpy as jnp
import numpy as np

TAU = 1.0
BATCH = 65536
NUM_FEATURES = 128
NUM_THRESHOLDS = 128

def setup_inputs(seed: int = 0) -> dict:
    key = jax.random.key(seed)
    k1, k2 = jax.random.split(key)
    x = jax.random.normal(k1, (BATCH, NUM_FEATURES), dtype=jnp.float32)
    # learned parameter: thresholds, shape [1, num_thresholds]
    thresholds = jax.random.normal(k2, (1, NUM_THRESHOLDS), dtype=jnp.float32) * 0.1
    # constant buffer: feature index of each threshold
    thresholds_index = jnp.arange(NUM_THRESHOLDS, dtype=jnp.int32)
    return {"x": x, "thresholds": thresholds, "thresholds_index": thresholds_index}

def reference(x, thresholds, thresholds_index):
    # y = sigmoid((x[:, thresholds_index] - thresholds) / tau)
    gathered = jnp.take(x, thresholds_index, axis=1)  # [B, num_thresholds]
    y = jax.nn.sigmoid((gathered - thresholds) / TAU)
    return y

if __name__ == "__main__":
    import jax
    _d = setup_inputs()
    print(jax.jit(kernel)(*tuple(_d.values())))

</pallas_src>

<mosaic_0001>
#map = affine_map<(d0, d1) -> (0, 0)>
#map1 = affine_map<(d0, d1) -> (0)>
module attributes {stable_mosaic.version = 14 : i64} {
  func.func @_sc_body(%arg0: i32, %arg1: i32, %arg2: memref<65536x128xf32, #tpu.memory_space<hbm>>, %arg3: memref<1x128xf32, #tpu.memory_space<hbm>>, %arg4: memref<128xi32, #tpu.memory_space<hbm>>, %arg5: memref<65536x128xf32, #tpu.memory_space<hbm>>, %arg6: memref<128xi32, #tpu.memory_space<vmem>>, %arg7: memref<128xf32, #tpu.memory_space<vmem>>, %arg8: memref<2048xf32, #tpu.memory_space<vmem>>, %arg9: memref<128x128xf32, #tpu.memory_space<vmem>>, %arg10: memref<128x128xf32, #tpu.memory_space<vmem>>, %arg11: memref<128x128xf32, #tpu.memory_space<vmem>>, %arg12: memref<128x128xf32, #tpu.memory_space<vmem>>, %arg13: memref<!tpu.dma_semaphore, #tpu.memory_space<semaphore_mem>>, %arg14: memref<!tpu.dma_semaphore, #tpu.memory_space<semaphore_mem>>, %arg15: memref<!tpu.dma_semaphore, #tpu.memory_space<semaphore_mem>>, %arg16: memref<!tpu.dma_semaphore, #tpu.memory_space<semaphore_mem>>) attributes {dimension_semantics = [#tpu.dimension_semantics<core_parallel>, #tpu.dimension_semantics<subcore_parallel>], iteration_bounds = array<i64: 2, 16>, scalar_prefetch = 0 : i64, scratch_operands = 11 : i64, tpu.core_type = #tpu.core_type<sc_vector_subcore>, window_params = [{transform_indices = #map}, {transform_indices = #map}, {transform_indices = #map1}, {transform_indices = #map}]} {
    %mul3A = arith.constant 2 : i32
    %mul3A_0 = arith.muli %arg1, %mul3A : i32
    %add3A = arith.addi %mul3A_0, %arg0 : i32
    %mul3A_1 = arith.constant 2048 : i32
    %mul3A_2 = arith.muli %add3A, %mul3A_1 : i32
    %add3A_3 = arith.constant 0 : i32
    %add3A_4 = arith.addi %mul3A_2, %add3A_3 : i32
    %dma_start3A = arith.constant 0 : i32
    %dma_start3A_5 = tpu.memref_slice %arg2[%add3A_4, %dma_start3A] : memref<65536x128xf32, #tpu.memory_space<hbm>> -> memref<128x128xf32, #tpu.memory_space<hbm>>
    %dma_start3A_6 = arith.constant 0 : i32
    %dma_start3A_7 = tpu.memref_slice %arg2[%add3A_4, %dma_start3A_6] : memref<65536x128xf32, #tpu.memory_space<hbm>> -> memref<128x128xf32, #tpu.memory_space<hbm>>
    tpu.enqueue_dma source(%dma_start3A_7 : memref<128x128xf32, #tpu.memory_space<hbm>>) target(%arg9 : memref<128x128xf32, #tpu.memory_space<vmem>>) target_semaphore(%arg13 : memref<!tpu.dma_semaphore, #tpu.memory_space<semaphore_mem>>)
    %add3A_8 = arith.constant 128 : i32
    %add3A_9 = arith.addi %mul3A_2, %add3A_8 : i32
    %dma_start3A_10 = arith.constant 0 : i32
    %dma_start3A_11 = tpu.memref_slice %arg2[%add3A_9, %dma_start3A_10] : memref<65536x128xf32, #tpu.memory_space<hbm>> -> memref<128x128xf32, #tpu.memory_space<hbm>>
    %dma_start3A_12 = arith.constant 0 : i32
    %dma_start3A_13 = tpu.memref_slice %arg2[%add3A_9, %dma_start3A_12] : memref<65536x128xf32, #tpu.memory_space<hbm>> -> memref<128x128xf32, #tpu.memory_space<hbm>>
    tpu.enqueue_dma source(%dma_start3A_13 : memref<128x128xf32, #tpu.memory_space<hbm>>) target(%arg10 : memref<128x128xf32, #tpu.memory_space<vmem>>) target_semaphore(%arg14 : memref<!tpu.dma_semaphore, #tpu.memory_space<semaphore_mem>>)
    "tpu.region"() ({
      %run_scoped3A_275 = tpu.sem_alloc : memref<!tpu.dma_semaphore, #tpu.memory_space<semaphore_mem>>
      tpu.enqueue_dma source(%arg4 : memref<128xi32, #tpu.memory_space<hbm>>) target(%arg6 : memref<128xi32, #tpu.memory_space<vmem>>) target_semaphore(%run_scoped3A_275 : memref<!tpu.dma_semaphore, #tpu.memory_space<semaphore_mem>>)
      tpu.wait_dma2 semaphore(%run_scoped3A_275 : memref<!tpu.dma_semaphore, #tpu.memory_space<semaphore_mem>>) src(%arg4 : memref<128xi32, #tpu.memory_space<hbm>>) dst(%arg6 : memref<128xi32, #tpu.memory_space<vmem>>)
      tpu.yield
    }) : () -> ()
    %run_scoped3A = arith.constant 0 : i32
    "tpu.region"() ({
      %run_scoped3A_275 = tpu.sem_alloc : memref<!tpu.dma_semaphore, #tpu.memory_space<semaphore_mem>>
      %dma_start3A_276 = arith.constant 0 : i32
      %dma_start3A_277 = tpu.memref_slice %arg3[%run_scoped3A, %dma_start3A_276] : memref<1x128xf32, #tpu.memory_space<hbm>> -> memref<1x128xf32, #tpu.memory_space<hbm>>
      %dma_start3A_278 = tpu.memref_squeeze %dma_start3A_277 : memref<1x128xf32, #tpu.memory_space<hbm>> -> memref<128xf32, #tpu.memory_space<hbm>>
      %dma_start3A_279 = arith.constant 0 : i32
      %dma_start3A_280 = tpu.memref_slice %arg3[%run_scoped3A, %dma_start3A_279] : memref<1x128xf32, #tpu.memory_space<hbm>> -> memref<1x128xf32, #tpu.memory_space<hbm>>
      %dma_start3A_281 = tpu.memref_squeeze %dma_start3A_280 : memref<1x128xf32, #tpu.memory_space<hbm>> -> memref<128xf32, #tpu.memory_space<hbm>>
      tpu.enqueue_dma source(%dma_start3A_281 : memref<128xf32, #tpu.memory_space<hbm>>) target(%arg7 : memref<128xf32, #tpu.memory_space<vmem>>) target_semaphore(%run_scoped3A_275 : memref<!tpu.dma_semaphore, #tpu.memory_space<semaphore_mem>>)
      %dma_wait3A_282 = arith.constant 0 : i32
      %dma_wait3A_283 = tpu.memref_slice %arg3[%run_scoped3A, %dma_wait3A_282] : memref<1x128xf32, #tpu.memory_space<hbm>> -> memref<1x128xf32, #tpu.memory_space<hbm>>
      %dma_wait3A_284 = tpu.memref_squeeze %dma_wait3A_283 : memref<1x128xf32, #tpu.memory_space<hbm>> -> memref<128xf32, #tpu.memory_space<hbm>>
      %dma_wait3A_285 = arith.constant 0 : i32
      %dma_wait3A_286 = tpu.memref_slice %arg3[%run_scoped3A, %dma_wait3A_285] : memref<1x128xf32, #tpu.memory_space<hbm>> -> memref<1x128xf32, #tpu.memory_space<hbm>>
      %dma_wait3A_287 = tpu.memref_squeeze %dma_wait3A_286 : memref<1x128xf32, #tpu.memory_space<hbm>> -> memref<128xf32, #tpu.memory_space<hbm>>
      tpu.wait_dma2 semaphore(%run_scoped3A_275 : memref<!tpu.dma_semaphore, #tpu.memory_space<semaphore_mem>>) src(%dma_wait3A_287 : memref<128xf32, #tpu.memory_space<hbm>>) dst(%arg7 : memref<128xf32, #tpu.memory_space<vmem>>)
      tpu.yield
    }) : () -> ()
    %iota3A = tpu.iota {dimensions = array<i32: 0>} : vector<16xi32>
    %convert_element_type3A = arith.sitofp %iota3A : vector<16xi32> to vector<16xf32>
    %parallel_loop3A = arith.constant 0 : i32
    %parallel_loop3A_14 = arith.constant 128 : i32
    %parallel_loop3A_15 = arith.constant 1 : i32
    scf.for %parallel_loop3A_275 = %parallel_loop3A to %parallel_loop3A_14 step %parallel_loop3A_15  : i32 {
      %parallel_loop3A_276 = arith.constant 16 : i32
      %parallel_loop3A_277 = arith.muli %parallel_loop3A_275, %parallel_loop3A_276 : i32
      %parallel_loop3A_278 = arith.sitofp %parallel_loop3A_277 : i32 to f32
      %parallel_loop3A_279 = vector.broadcast %parallel_loop3A_278 : f32 to vector<16xf32>
      %parallel_loop3A_280 = arith.addf %convert_element_type3A, %parallel_loop3A_279 : vector<16xf32>
      %parallel_loop3A_281 = arith.constant 5.000000e-01 : f32
      %parallel_loop3A_282 = vector.broadcast %parallel_loop3A_281 : f32 to vector<16xf32>
      %parallel_loop3A_283 = arith.addf %parallel_loop3A_280, %parallel_loop3A_282 : vector<16xf32>
      %parallel_loop3A_284 = arith.constant 7.812500e-03 : f32
      %parallel_loop3A_285 = vector.broadcast %parallel_loop3A_284 : f32 to vector<16xf32>
      %parallel_loop3A_286 = arith.mulf %parallel_loop3A_283, %parallel_loop3A_285 : vector<16xf32>
      %parallel_loop3A_287 = arith.constant -8.000000e+00 : f32
      %parallel_loop3A_288 = vector.broadcast %parallel_loop3A_287 : f32 to vector<16xf32>
      %parallel_loop3A_289 = arith.addf %parallel_loop3A_288, %parallel_loop3A_286 : vector<16xf32>
      %parallel_loop3A_290 = arith.constant 0.000000e+00 : f32
      %parallel_loop3A_291 = vector.broadcast %parallel_loop3A_290 : f32 to vector<16xf32>
      %parallel_loop3A_292 = arith.subf %parallel_loop3A_291, %parallel_loop3A_289 : vector<16xf32>
      %parallel_loop3A_293 = math.exp %parallel_loop3A_292 : vector<16xf32>
      %parallel_loop3A_294 = arith.constant 1.000000e+00 : f32
      %parallel_loop3A_295 = vector.broadcast %parallel_loop3A_294 : f32 to vector<16xf32>
      %parallel_loop3A_296 = arith.addf %parallel_loop3A_295, %parallel_loop3A_293 : vector<16xf32>
      %parallel_loop3A_297 = arith.constant 1.000000e+00 : f32
      %parallel_loop3A_298 = vector.broadcast %parallel_loop3A_297 : f32 to vector<16xf32>
      %parallel_loop3A_299 = arith.divf %parallel_loop3A_298, %parallel_loop3A_296 : vector<16xf32>
      %parallel_loop3A_300 = arith.constant 16 : i32
      %parallel_loop3A_301 = arith.muli %parallel_loop3A_275, %parallel_loop3A_300 : i32
      %parallel_loop3A_302 = arith.index_cast %parallel_loop3A_301 : i32 to index
      %parallel_loop3A_303 = tpu.vector_load %arg8[%parallel_loop3A_302] {strides = array<i32>} : memref<2048xf32, #tpu.memory_space<vmem>>, vector<16xf32>,
      tpu.vector_store %arg8[%parallel_loop3A_302], %parallel_loop3A_299 {strides = array<i32>} : memref<2048xf32, #tpu.memory_space<vmem>>, vector<16xf32>,
    } {sc.loop_unroll_factor = 4 : i64, sc.parallel_access}
    %add3A_16 = arith.constant 0 : i32
    %add3A_17 = arith.addi %mul3A_2, %add3A_16 : i32
    %dma_wait3A = arith.constant 0 : i32
    %dma_wait3A_18 = tpu.memref_slice %arg2[%add3A_17, %dma_wait3A] : memref<65536x128xf32, #tpu.memory_space<hbm>> -> memref<128x128xf32, #tpu.memory_space<hbm>>
    %dma_wait3A_19 = arith.constant 0 : i32
    %dma_wait3A_20 = tpu.memref_slice %arg2[%add3A_17, %dma_wait3A_19] : memref<65536x128xf32, #tpu.memory_space<hbm>> -> memref<128x128xf32, #tpu.memory_space<hbm>>
    tpu.wait_dma2 semaphore(%arg13 : memref<!tpu.dma_semaphore, #tpu.memory_space<semaphore_mem>>) src(%dma_wait3A_20 : memref<128x128xf32, #tpu.memory_space<hbm>>) dst(%arg9 : memref<128x128xf32, #tpu.memory_space<vmem>>)
    %get3A = arith.constant 0 : index
    %get3A_21 = tpu.vector_load %arg6[%get3A] {strides = array<i32>} : memref<128xi32, #tpu.memory_space<vmem>>, vector<16xi32>,
    %get3A_22 = arith.constant 0 : index
    %get3A_23 = tpu.vector_load %arg7[%get3A_22] {strides = array<i32>} : memref<128xf32, #tpu.memory_space<vmem>>, vector<16xf32>,
    %mul3A_24 = arith.constant 1.280000e+02 : f32
    %mul3A_25 = vector.broadcast %mul3A_24 : f32 to vector<16xf32>
    %mul3A_26 = arith.mulf %get3A_23, %mul3A_25 : vector<16xf32>
    %sub3A = arith.constant 1.024000e+03 : f32
    %sub3A_27 = vector.broadcast %sub3A : f32 to vector<16xf32>
    %sub3A_28 = arith.subf %sub3A_27, %mul3A_26 : vector<16xf32>
    %parallel_loop3A_29 = arith.constant 0 : i32
    %parallel_loop3A_30 = arith.constant 128 : i32
    %parallel_loop3A_31 = arith.constant 1 : i32
    scf.for %parallel_loop3A_275 = %parallel_loop3A_29 to %parallel_loop3A_30 step %parallel_loop3A_31  : i32 {
      %parallel_loop3A_276 = arith.constant 0 : i32
      %parallel_loop3A_277 = tpu.memref_slice %arg9[%parallel_loop3A_275, %parallel_loop3A_276] : memref<128x128xf32, #tpu.memory_space<vmem>> -> memref<1x128xf32, #tpu.memory_space<vmem>>
      %parallel_loop3A_278 = tpu.memref_squeeze %parallel_loop3A_277 : memref<1x128xf32, #tpu.memory_space<vmem>> -> memref<128xf32, #tpu.memory_space<vmem>>
      %parallel_loop3A_279 = tpu.vector_load_idx %parallel_loop3A_278[%get3A_21] : memref<128xf32, #tpu.memory_space<vmem>>[vector<16xi32>], vector<16xf32>,
      %parallel_loop3A_280 = arith.constant 1.280000e+02 : f32
      %parallel_loop3A_281 = vector.broadcast %parallel_loop3A_280 : f32 to vector<16xf32>
      %parallel_loop3A_282 = arith.mulf %parallel_loop3A_279, %parallel_loop3A_281 : vector<16xf32>
      %parallel_loop3A_283 = arith.addf %parallel_loop3A_282, %sub3A_28 : vector<16xf32>
      %parallel_loop3A_284 = arith.constant 0.000000e+00 : f32
      %parallel_loop3A_285 = vector.broadcast %parallel_loop3A_284 : f32 to vector<16xf32>
      %parallel_loop3A_286 = arith.maximumf %parallel_loop3A_283, %parallel_loop3A_285 : vector<16xf32>
      %parallel_loop3A_287 = arith.constant 2.047000e+03 : f32
      %parallel_loop3A_288 = vector.broadcast %parallel_loop3A_287 : f32 to vector<16xf32>
      %parallel_loop3A_289 = arith.minimumf %parallel_loop3A_286, %parallel_loop3A_288 : vector<16xf32>
      %parallel_loop3A_290 = arith.fptosi %parallel_loop3A_289 : vector<16xf32> to vector<16xi32>
      %parallel_loop3A_291 = tpu.vector_load_idx %arg8[%parallel_loop3A_290] : memref<2048xf32, #tpu.memory_space<vmem>>[vector<16xi32>], vector<16xf32>,
      %parallel_loop3A_292 = arith.index_cast %parallel_loop3A_275 : i32 to index
      %parallel_loop3A_293 = arith.constant 0 : index
      %parallel_loop3A_294 = tpu.vector_load %arg11[%parallel_loop3A_292, %parallel_loop3A_293] {strides = array<i32>} : memref<128x128xf32, #tpu.memory_space<vmem>>, vector<16xf32>,
      tpu.vector_store %arg11[%parallel_loop3A_292, %parallel_loop3A_293], %parallel_loop3A_291 {strides = array<i32>} : memref<128x128xf32, #tpu.memory_space<vmem>>, vector<16xf32>,
    } {sc.loop_unroll_factor = 4 : i64, sc.parallel_access}
    %get3A_32 = arith.constant 16 : index
    %get3A_33 = tpu.vector_load %arg6[%get3A_32] {strides = array<i32>} : memref<128xi32, #tpu.memory_space<vmem>>, vector<16xi32>,
    %get3A_34 = arith.constant 16 : index
    %get3A_35 = tpu.vector_load %arg7[%get3A_34] {strides = array<i32>} : memref<128xf32, #tpu.memory_space<vmem>>, vector<16xf32>,
    %mul3A_36 = arith.constant 1.280000e+02 : f32
    %mul3A_37 = vector.broadcast %mul3A_36 : f32 to vector<16xf32>
    %mul3A_38 = arith.mulf %get3A_35, %mul3A_37 : vector<16xf32>
    %sub3A_39 = arith.constant 1.024000e+03 : f32
    %sub3A_40 = vector.broadcast %sub3A_39 : f32 to vector<16xf32>
    %sub3A_41 = arith.subf %sub3A_40, %mul3A_38 : vector<16xf32>
    %parallel_loop3A_42 = arith.constant 0 : i32
    %parallel_loop3A_43 = arith.constant 128 : i32
    %parallel_loop3A_44 = arith.constant 1 : i32
    scf.for %parallel_loop3A_275 = %parallel_loop3A_42 to %parallel_loop3A_43 step %parallel_loop3A_44  : i32 {
      %parallel_loop3A_276 = arith.constant 0 : i32
      %parallel_loop3A_277 = tpu.memref_slice %arg9[%parallel_loop3A_275, %parallel_loop3A_276] : memref<128x128xf32, #tpu.memory_space<vmem>> -> memref<1x128xf32, #tpu.memory_space<vmem>>
      %parallel_loop3A_278 = tpu.memref_squeeze %parallel_loop3A_277 : memref<1x128xf32, #tpu.memory_space<vmem>> -> memref<128xf32, #tpu.memory_space<vmem>>
      %parallel_loop3A_279 = tpu.vector_load_idx %parallel_loop3A_278[%get3A_33] : memref<128xf32, #tpu.memory_space<vmem>>[vector<16xi32>], vector<16xf32>,
      %parallel_loop3A_280 = arith.constant 1.280000e+02 : f32
      %parallel_loop3A_281 = vector.broadcast %parallel_loop3A_280 : f32 to vector<16xf32>
      %parallel_loop3A_282 = arith.mulf %parallel_loop3A_279, %parallel_loop3A_281 : vector<16xf32>
      %parallel_loop3A_283 = arith.addf %parallel_loop3A_282, %sub3A_41 : vector<16xf32>
      %parallel_loop3A_284 = arith.constant 0.000000e+00 : f32
      %parallel_loop3A_285 = vector.broadcast %parallel_loop3A_284 : f32 to vector<16xf32>
      %parallel_loop3A_286 = arith.maximumf %parallel_loop3A_283, %parallel_loop3A_285 : vector<16xf32>
      %parallel_loop3A_287 = arith.constant 2.047000e+03 : f32
      %parallel_loop3A_288 = vector.broadcast %parallel_loop3A_287 : f32 to vector<16xf32>
      %parallel_loop3A_289 = arith.minimumf %parallel_loop3A_286, %parallel_loop3A_288 : vector<16xf32>
      %parallel_loop3A_290 = arith.fptosi %parallel_loop3A_289 : vector<16xf32> to vector<16xi32>
      %parallel_loop3A_291 = tpu.vector_load_idx %arg8[%parallel_loop3A_290] : memref<2048xf32, #tpu.memory_space<vmem>>[vector<16xi32>], vector<16xf32>,
      %parallel_loop3A_292 = arith.index_cast %parallel_loop3A_275 : i32 to index
      %parallel_loop3A_293 = arith.constant 16 : index
      %parallel_loop3A_294 = tpu.vector_load %arg11[%parallel_loop3A_292, %parallel_loop3A_293] {strides = array<i32>} : memref<128x128xf32, #tpu.memory_space<vmem>>, vector<16xf32>,
      tpu.vector_store %arg11[%parallel_loop3A_292, %parallel_loop3A_293], %parallel_loop3A_291 {strides = array<i32>} : memref<128x128xf32, #tpu.memory_space<vmem>>, vector<16xf32>,
    } {sc.loop_unroll_factor = 4 : i64, sc.parallel_access}
    %get3A_45 = arith.constant 32 : index
    %get3A_46 = tpu.vector_load %arg6[%get3A_45] {strides = array<i32>} : memref<128xi32, #tpu.memory_space<vmem>>, vector<16xi32>,
    %get3A_47 = arith.constant 32 : index
    %get3A_48 = tpu.vector_load %arg7[%get3A_47] {strides = array<i32>} : memref<128xf32, #tpu.memory_space<vmem>>, vector<16xf32>,
    %mul3A_49 = arith.constant 1.280000e+02 : f32
    %mul3A_50 = vector.broadcast %mul3A_49 : f32 to vector<16xf32>
    %mul3A_51 = arith.mulf %get3A_48, %mul3A_50 : vector<16xf32>
    %sub3A_52 = arith.constant 1.024000e+03 : f32
    %sub3A_53 = vector.broadcast %sub3A_52 : f32 to vector<16xf32>
    %sub3A_54 = arith.subf %sub3A_53, %mul3A_51 : vector<16xf32>
    %parallel_loop3A_55 = arith.constant 0 : i32
    %parallel_loop3A_56 = arith.constant 128 : i32
    %parallel_loop3A_57 = arith.constant 1 : i32
    scf.for %parallel_loop3A_275 = %parallel_loop3A_55 to %parallel_loop3A_56 step %parallel_loop3A_57  : i32 {
      %parallel_loop3A_276 = arith.constant 0 : i32
      %parallel_loop3A_277 = tpu.memref_slice %arg9[%parallel_loop3A_275, %parallel_loop3A_276] : memref<128x128xf32, #tpu.memory_space<vmem>> -> memref<1x128xf32, #tpu.memory_space<vmem>>
      %parallel_loop3A_278 = tpu.memref_squeeze %parallel_loop3A_277 : memref<1x128xf32, #tpu.memory_space<vmem>> -> memref<128xf32, #tpu.memory_space<vmem>>
      %parallel_loop3A_279 = tpu.vector_load_idx %parallel_loop3A_278[%get3A_46] : memref<128xf32, #tpu.memory_space<vmem>>[vector<16xi32>], vector<16xf32>,
      %parallel_loop3A_280 = arith.constant 1.280000e+02 : f32
      %parallel_loop3A_281 = vector.broadcast %parallel_loop3A_280 : f32 to vector<16xf32>
      %parallel_loop3A_282 = arith.mulf %parallel_loop3A_279, %parallel_loop3A_281 : vector<16xf32>
      %parallel_loop3A_283 = arith.addf %parallel_loop3A_282, %sub3A_54 : vector<16xf32>
      %parallel_loop3A_284 = arith.constant 0.000000e+00 : f32
      %parallel_loop3A_285 = vector.broadcast %parallel_loop3A_284 : f32 to vector<16xf32>
      %parallel_loop3A_286 = arith.maximumf %parallel_loop3A_283, %parallel_loop3A_285 : vector<16xf32>
      %parallel_loop3A_287 = arith.constant 2.047000e+03 : f32
      %parallel_loop3A_288 = vector.broadcast %parallel_loop3A_287 : f32 to vector<16xf32>
      %parallel_loop3A_289 = arith.minimumf %parallel_loop3A_286, %parallel_loop3A_288 : vector<16xf32>
      %parallel_loop3A_290 = arith.fptosi %parallel_loop3A_289 : vector<16xf32> to vector<16xi32>
      %parallel_loop3A_291 = tpu.vector_load_idx %arg8[%parallel_loop3A_290] : memref<2048xf32, #tpu.memory_space<vmem>>[vector<16xi32>], vector<16xf32>,
      %parallel_loop3A_292 = arith.index_cast %parallel_loop3A_275 : i32 to index
      %parallel_loop3A_293 = arith.constant 32 : index
      %parallel_loop3A_294 = tpu.vector_load %arg11[%parallel_loop3A_292, %parallel_loop3A_293] {strides = array<i32>} : memref<128x128xf32, #tpu.memory_space<vmem>>, vector<16xf32>,
      tpu.vector_store %arg11[%parallel_loop3A_292, %parallel_loop3A_293], %parallel_loop3A_291 {strides = array<i32>} : memref<128x128xf32, #tpu.memory_space<vmem>>, vector<16xf32>,
    } {sc.loop_unroll_factor = 4 : i64, sc.parallel_access}
    %get3A_58 = arith.constant 48 : index
    %get3A_59 = tpu.vector_load %arg6[%get3A_58] {strides = array<i32>} : memref<128xi32, #tpu.memory_space<vmem>>, vector<16xi32>,
    %get3A_60 = arith.constant 48 : index
    %get3A_61 = tpu.vector_load %arg7[%get3A_60] {strides = array<i32>} : memref<128xf32, #tpu.memory_space<vmem>>, vector<16xf32>,
    %mul3A_62 = arith.constant 1.280000e+02 : f32
    %mul3A_63 = vector.broadcast %mul3A_62 : f32 to vector<16xf32>
    %mul3A_64 = arith.mulf %get3A_61, %mul3A_63 : vector<16xf32>
    %sub3A_65 = arith.constant 1.024000e+03 : f32
    %sub3A_66 = vector.broadcast %sub3A_65 : f32 to vector<16xf32>
    %sub3A_67 = arith.subf %sub3A_66, %mul3A_64 : vector<16xf32>
    %parallel_loop3A_68 = arith.constant 0 : i32
    %parallel_loop3A_69 = arith.constant 128 : i32
    %parallel_loop3A_70 = arith.constant 1 : i32
    scf.for %parallel_loop3A_275 = %parallel_loop3A_68 to %parallel_loop3A_69 step %parallel_loop3A_70  : i32 {
      %parallel_loop3A_276 = arith.constant 0 : i32
      %parallel_loop3A_277 = tpu.memref_slice %arg9[%parallel_loop3A_275, %parallel_loop3A_276] : memref<128x128xf32, #tpu.memory_space<vmem>> -> memref<1x128xf32, #tpu.memory_space<vmem>>
      %parallel_loop3A_278 = tpu.memref_squeeze %parallel_loop3A_277 : memref<1x128xf32, #tpu.memory_space<vmem>> -> memref<128xf32, #tpu.memory_space<vmem>>
      %parallel_loop3A_279 = tpu.vector_load_idx %parallel_loop3A_278[%get3A_59] : memref<128xf32, #tpu.memory_space<vmem>>[vector<16xi32>], vector<16xf32>,
      %parallel_loop3A_280 = arith.constant 1.280000e+02 : f32
      %parallel_loop3A_281 = vector.broadcast %parallel_loop3A_280 : f32 to vector<16xf32>
      %parallel_loop3A_282 = arith.mulf %parallel_loop3A_279, %parallel_loop3A_281 : vector<16xf32>
      %parallel_loop3A_283 = arith.addf %parallel_loop3A_282, %sub3A_67 : vector<16xf32>
      %parallel_loop3A_284 = arith.constant 0.000000e+00 : f32
      %parallel_loop3A_285 = vector.broadcast %parallel_loop3A_284 : f32 to vector<16xf32>
      %parallel_loop3A_286 = arith.maximumf %parallel_loop3A_283, %parallel_loop3A_285 : vector<16xf32>
      %parallel_loop3A_287 = arith.constant 2.047000e+03 : f32
      %parallel_loop3A_288 = vector.broadcast %parallel_loop3A_287 : f32 to vector<16xf32>
      %parallel_loop3A_289 = arith.minimumf %parallel_loop3A_286, %parallel_loop3A_288 : vector<16xf32>
      %parallel_loop3A_290 = arith.fptosi %parallel_loop3A_289 : vector<16xf32> to vector<16xi32>
      %parallel_loop3A_291 = tpu.vector_load_idx %arg8[%parallel_loop3A_290] : memref<2048xf32, #tpu.memory_space<vmem>>[vector<16xi32>], vector<16xf32>,
      %parallel_loop3A_292 = arith.index_cast %parallel_loop3A_275 : i32 to index
      %parallel_loop3A_293 = arith.constant 48 : index
      %parallel_loop3A_294 = tpu.vector_load %arg11[%parallel_loop3A_292, %parallel_loop3A_293] {strides = array<i32>} : memref<128x128xf32, #tpu.memory_space<vmem>>, vector<16xf32>,
      tpu.vector_store %arg11[%parallel_loop3A_292, %parallel_loop3A_293], %parallel_loop3A_291 {strides = array<i32>} : memref<128x128xf32, #tpu.memory_space<vmem>>, vector<16xf32>,
    } {sc.loop_unroll_factor = 4 : i64, sc.parallel_access}
    %get3A_71 = arith.constant 64 : index
    %get3A_72 = tpu.vector_load %arg6[%get3A_71] {strides = array<i32>} : memref<128xi32, #tpu.memory_space<vmem>>, vector<16xi32>,
    %get3A_73 = arith.constant 64 : index
    %get3A_74 = tpu.vector_load %arg7[%get3A_73] {strides = array<i32>} : memref<128xf32, #tpu.memory_space<vmem>>, vector<16xf32>,
    %mul3A_75 = arith.constant 1.280000e+02 : f32
    %mul3A_76 = vector.broadcast %mul3A_75 : f32 to vector<16xf32>
    %mul3A_77 = arith.mulf %get3A_74, %mul3A_76 : vector<16xf32>
    %sub3A_78 = arith.constant 1.024000e+03 : f32
    %sub3A_79 = vector.broadcast %sub3A_78 : f32 to vector<16xf32>
    %sub3A_80 = arith.subf %sub3A_79, %mul3A_77 : vector<16xf32>
    %parallel_loop3A_81 = arith.constant 0 : i32
    %parallel_loop3A_82 = arith.constant 128 : i32
    %parallel_loop3A_83 = arith.constant 1 : i32
    scf.for %parallel_loop3A_275 = %parallel_loop3A_81 to %parallel_loop3A_82 step %parallel_loop3A_83  : i32 {
      %parallel_loop3A_276 = arith.constant 0 : i32
      %parallel_loop3A_277 = tpu.memref_slice %arg9[%parallel_loop3A_275, %parallel_loop3A_276] : memref<128x128xf32, #tpu.memory_space<vmem>> -> memref<1x128xf32, #tpu.memory_space<vmem>>
      %parallel_loop3A_278 = tpu.memref_squeeze %parallel_loop3A_277 : memref<1x128xf32, #tpu.memory_space<vmem>> -> memref<128xf32, #tpu.memory_space<vmem>>
      %parallel_loop3A_279 = tpu.vector_load_idx %parallel_loop3A_278[%get3A_72] : memref<128xf32, #tpu.memory_space<vmem>>[vector<16xi32>], vector<16xf32>,
      %parallel_loop3A_280 = arith.constant 1.280000e+02 : f32
      %parallel_loop3A_281 = vector.broadcast %parallel_loop3A_280 : f32 to vector<16xf32>
      %parallel_loop3A_282 = arith.mulf %parallel_loop3A_279, %parallel_loop3A_281 : vector<16xf32>
      %parallel_loop3A_283 = arith.addf %parallel_loop3A_282, %sub3A_80 : vector<16xf32>
      %parallel_loop3A_284 = arith.constant 0.000000e+00 : f32
      %parallel_loop3A_285 = vector.broadcast %parallel_loop3A_284 : f32 to vector<16xf32>
      %parallel_loop3A_286 = arith.maximumf %parallel_loop3A_283, %parallel_loop3A_285 : vector<16xf32>
      %parallel_loop3A_287 = arith.constant 2.047000e+03 : f32
      %parallel_loop3A_288 = vector.broadcast %parallel_loop3A_287 : f32 to vector<16xf32>
      %parallel_loop3A_289 = arith.minimumf %parallel_loop3A_286, %parallel_loop3A_288 : vector<16xf32>
      %parallel_loop3A_290 = arith.fptosi %parallel_loop3A_289 : vector<16xf32> to vector<16xi32>
      %parallel_loop3A_291 = tpu.vector_load_idx %arg8[%parallel_loop3A_290] : memref<2048xf32, #tpu.memory_space<vmem>>[vector<16xi32>], vector<16xf32>,
      %parallel_loop3A_292 = arith.index_cast %parallel_loop3A_275 : i32 to index
      %parallel_loop3A_293 = arith.constant 64 : index
      %parallel_loop3A_294 = tpu.vector_load %arg11[%parallel_loop3A_292, %parallel_loop3A_293] {strides = array<i32>} : memref<128x128xf32, #tpu.memory_space<vmem>>, vector<16xf32>,
      tpu.vector_store %arg11[%parallel_loop3A_292, %parallel_loop3A_293], %parallel_loop3A_291 {strides = array<i32>} : memref<128x128xf32, #tpu.memory_space<vmem>>, vector<16xf32>,
    } {sc.loop_unroll_factor = 4 : i64, sc.parallel_access}
    %get3A_84 = arith.constant 80 : index
    %get3A_85 = tpu.vector_load %arg6[%get3A_84] {strides = array<i32>} : memref<128xi32, #tpu.memory_space<vmem>>, vector<16xi32>,
    %get3A_86 = arith.constant 80 : index
    %get3A_87 = tpu.vector_load %arg7[%get3A_86] {strides = array<i32>} : memref<128xf32, #tpu.memory_space<vmem>>, vector<16xf32>,
    %mul3A_88 = arith.constant 1.280000e+02 : f32
    %mul3A_89 = vector.broadcast %mul3A_88 : f32 to vector<16xf32>
    %mul3A_90 = arith.mulf %get3A_87, %mul3A_89 : vector<16xf32>
    %sub3A_91 = arith.constant 1.024000e+03 : f32
    %sub3A_92 = vector.broadcast %sub3A_91 : f32 to vector<16xf32>
    %sub3A_93 = arith.subf %sub3A_92, %mul3A_90 : vector<16xf32>
    %parallel_loop3A_94 = arith.constant 0 : i32
    %parallel_loop3A_95 = arith.constant 128 : i32
    %parallel_loop3A_96 = arith.constant 1 : i32
    scf.for %parallel_loop3A_275 = %parallel_loop3A_94 to %parallel_loop3A_95 step %parallel_loop3A_96  : i32 {
      %parallel_loop3A_276 = arith.constant 0 : i32
      %parallel_loop3A_277 = tpu.memref_slice %arg9[%parallel_loop3A_275, %parallel_loop3A_276] : memref<128x128xf32, #tpu.memory_space<vmem>> -> memref<1x128xf32, #tpu.memory_space<vmem>>
      %parallel_loop3A_278 = tpu.memref_squeeze %parallel_loop3A_277 : memref<1x128xf32, #tpu.memory_space<vmem>> -> memref<128xf32, #tpu.memory_space<vmem>>
      %parallel_loop3A_279 = tpu.vector_load_idx %parallel_loop3A_278[%get3A_85] : memref<128xf32, #tpu.memory_space<vmem>>[vector<16xi32>], vector<16xf32>,
      %parallel_loop3A_280 = arith.constant 1.280000e+02 : f32
      %parallel_loop3A_281 = vector.broadcast %parallel_loop3A_280 : f32 to vector<16xf32>
      %parallel_loop3A_282 = arith.mulf %parallel_loop3A_279, %parallel_loop3A_281 : vector<16xf32>
      %parallel_loop3A_283 = arith.addf %parallel_loop3A_282, %sub3A_93 : vector<16xf32>
      %parallel_loop3A_284 = arith.constant 0.000000e+00 : f32
      %parallel_loop3A_285 = vector.broadcast %parallel_loop3A_284 : f32 to vector<16xf32>
      %parallel_loop3A_286 = arith.maximumf %parallel_loop3A_283, %parallel_loop3A_285 : vector<16xf32>
      %parallel_loop3A_287 = arith.constant 2.047000e+03 : f32
      %parallel_loop3A_288 = vector.broadcast %parallel_loop3A_287 : f32 to vector<16xf32>
      %parallel_loop3A_289 = arith.minimumf %parallel_loop3A_286, %parallel_loop3A_288 : vector<16xf32>
      %parallel_loop3A_290 = arith.fptosi %parallel_loop3A_289 : vector<16xf32> to vector<16xi32>
      %parallel_loop3A_291 = tpu.vector_load_idx %arg8[%parallel_loop3A_290] : memref<2048xf32, #tpu.memory_space<vmem>>[vector<16xi32>], vector<16xf32>,
      %parallel_loop3A_292 = arith.index_cast %parallel_loop3A_275 : i32 to index
      %parallel_loop3A_293 = arith.constant 80 : index
      %parallel_loop3A_294 = tpu.vector_load %arg11[%parallel_loop3A_292, %parallel_loop3A_293] {strides = array<i32>} : memref<128x128xf32, #tpu.memory_space<vmem>>, vector<16xf32>,
      tpu.vector_store %arg11[%parallel_loop3A_292, %parallel_loop3A_293], %parallel_loop3A_291 {strides = array<i32>} : memref<128x128xf32, #tpu.memory_space<vmem>>, vector<16xf32>,
    } {sc.loop_unroll_factor = 4 : i64, sc.parallel_access}
    %get3A_97 = arith.constant 96 : index
    %get3A_98 = tpu.vector_load %arg6[%get3A_97] {strides = array<i32>} : memref<128xi32, #tpu.memory_space<vmem>>, vector<16xi32>,
    %get3A_99 = arith.constant 96 : index
    %get3A_100 = tpu.vector_load %arg7[%get3A_99] {strides = array<i32>} : memref<128xf32, #tpu.memory_space<vmem>>, vector<16xf32>,
    %mul3A_101 = arith.constant 1.280000e+02 : f32
    %mul3A_102 = vector.broadcast %mul3A_101 : f32 to vector<16xf32>
    %mul3A_103 = arith.mulf %get3A_100, %mul3A_102 : vector<16xf32>
    %sub3A_104 = arith.constant 1.024000e+03 : f32
    %sub3A_105 = vector.broadcast %sub3A_104 : f32 to vector<16xf32>
    %sub3A_106 = arith.subf %sub3A_105, %mul3A_103 : vector<16xf32>
    %parallel_loop3A_107 = arith.constant 0 : i32
    %parallel_loop3A_108 = arith.constant 128 : i32
    %parallel_loop3A_109 = arith.constant 1 : i32
    scf.for %parallel_loop3A_275 = %parallel_loop3A_107 to %parallel_loop3A_108 step %parallel_loop3A_109  : i32 {
      %parallel_loop3A_276 = arith.constant 0 : i32
      %parallel_loop3A_277 = tpu.memref_slice %arg9[%parallel_loop3A_275, %parallel_loop3A_276] : memref<128x128xf32, #tpu.memory_space<vmem>> -> memref<1x128xf32, #tpu.memory_space<vmem>>
      %parallel_loop3A_278 = tpu.memref_squeeze %parallel_loop3A_277 : memref<1x128xf32, #tpu.memory_space<vmem>> -> memref<128xf32, #tpu.memory_space<vmem>>
      %parallel_loop3A_279 = tpu.vector_load_idx %parallel_loop3A_278[%get3A_98] : memref<128xf32, #tpu.memory_space<vmem>>[vector<16xi32>], vector<16xf32>,
      %parallel_loop3A_280 = arith.constant 1.280000e+02 : f32
      %parallel_loop3A_281 = vector.broadcast %parallel_loop3A_280 : f32 to vector<16xf32>
      %parallel_loop3A_282 = arith.mulf %parallel_loop3A_279, %parallel_loop3A_281 : vector<16xf32>
      %parallel_loop3A_283 = arith.addf %parallel_loop3A_282, %sub3A_106 : vector<16xf32>
      %parallel_loop3A_284 = arith.constant 0.000000e+00 : f32
      %parallel_loop3A_285 = vector.broadcast %parallel_loop3A_284 : f32 to vector<16xf32>
      %parallel_loop3A_286 = arith.maximumf %parallel_loop3A_283, %parallel_loop3A_285 : vector<16xf32>
      %parallel_loop3A_287 = arith.constant 2.047000e+03 : f32
      %parallel_loop3A_288 = vector.broadcast %parallel_loop3A_287 : f32 to vector<16xf32>
      %parallel_loop3A_289 = arith.minimumf %parallel_loop3A_286, %parallel_loop3A_288 : vector<16xf32>
      %parallel_loop3A_290 = arith.fptosi %parallel_loop3A_289 : vector<16xf32> to vector<16xi32>
      %parallel_loop3A_291 = tpu.vector_load_idx %arg8[%parallel_loop3A_290] : memref<2048xf32, #tpu.memory_space<vmem>>[vector<16xi32>], vector<16xf32>,
      %parallel_loop3A_292 = arith.index_cast %parallel_loop3A_275 : i32 to index
      %parallel_loop3A_293 = arith.constant 96 : index
      %parallel_loop3A_294 = tpu.vector_load %arg11[%parallel_loop3A_292, %parallel_loop3A_293] {strides = array<i32>} : memref<128x128xf32, #tpu.memory_space<vmem>>, vector<16xf32>,
      tpu.vector_store %arg11[%parallel_loop3A_292, %parallel_loop3A_293], %parallel_loop3A_291 {strides = array<i32>} : memref<128x128xf32, #tpu.memory_space<vmem>>, vector<16xf32>,
    } {sc.loop_unroll_factor = 4 : i64, sc.parallel_access}
    %get3A_110 = arith.constant 112 : index
    %get3A_111 = tpu.vector_load %arg6[%get3A_110] {strides = array<i32>} : memref<128xi32, #tpu.memory_space<vmem>>, vector<16xi32>,
    %get3A_112 = arith.constant 112 : index
    %get3A_113 = tpu.vector_load %arg7[%get3A_112] {strides = array<i32>} : memref<128xf32, #tpu.memory_space<vmem>>, vector<16xf32>,
    %mul3A_114 = arith.constant 1.280000e+02 : f32
    %mul3A_115 = vector.broadcast %mul3A_114 : f32 to vector<16xf32>
    %mul3A_116 = arith.mulf %get3A_113, %mul3A_115 : vector<16xf32>
    %sub3A_117 = arith.constant 1.024000e+03 : f32
    %sub3A_118 = vector.broadcast %sub3A_117 : f32 to vector<16xf32>
    %sub3A_119 = arith.subf %sub3A_118, %mul3A_116 : vector<16xf32>
    %parallel_loop3A_120 = arith.constant 0 : i32
    %parallel_loop3A_121 = arith.constant 128 : i32
    %parallel_loop3A_122 = arith.constant 1 : i32
    scf.for %parallel_loop3A_275 = %parallel_loop3A_120 to %parallel_loop3A_121 step %parallel_loop3A_122  : i32 {
      %parallel_loop3A_276 = arith.constant 0 : i32
      %parallel_loop3A_277 = tpu.memref_slice %arg9[%parallel_loop3A_275, %parallel_loop3A_276] : memref<128x128xf32, #tpu.memory_space<vmem>> -> memref<1x128xf32, #tpu.memory_space<vmem>>
      %parallel_loop3A_278 = tpu.memref_squeeze %parallel_loop3A_277 : memref<1x128xf32, #tpu.memory_space<vmem>> -> memref<128xf32, #tpu.memory_space<vmem>>
      %parallel_loop3A_279 = tpu.vector_load_idx %parallel_loop3A_278[%get3A_111] : memref<128xf32, #tpu.memory_space<vmem>>[vector<16xi32>], vector<16xf32>,
      %parallel_loop3A_280 = arith.constant 1.280000e+02 : f32
      %parallel_loop3A_281 = vector.broadcast %parallel_loop3A_280 : f32 to vector<16xf32>
      %parallel_loop3A_282 = arith.mulf %parallel_loop3A_279, %parallel_loop3A_281 : vector<16xf32>
      %parallel_loop3A_283 = arith.addf %parallel_loop3A_282, %sub3A_119 : vector<16xf32>
      %parallel_loop3A_284 = arith.constant 0.000000e+00 : f32
      %parallel_loop3A_285 = vector.broadcast %parallel_loop3A_284 : f32 to vector<16xf32>
      %parallel_loop3A_286 = arith.maximumf %parallel_loop3A_283, %parallel_loop3A_285 : vector<16xf32>
      %parallel_loop3A_287 = arith.constant 2.047000e+03 : f32
      %parallel_loop3A_288 = vector.broadcast %parallel_loop3A_287 : f32 to vector<16xf32>
      %parallel_loop3A_289 = arith.minimumf %parallel_loop3A_286, %parallel_loop3A_288 : vector<16xf32>
      %parallel_loop3A_290 = arith.fptosi %parallel_loop3A_289 : vector<16xf32> to vector<16xi32>
      %parallel_loop3A_291 = tpu.vector_load_idx %arg8[%parallel_loop3A_290] : memref<2048xf32, #tpu.memory_space<vmem>>[vector<16xi32>], vector<16xf32>,
      %parallel_loop3A_292 = arith.index_cast %parallel_loop3A_275 : i32 to index
      %parallel_loop3A_293 = arith.constant 112 : index
      %parallel_loop3A_294 = tpu.vector_load %arg11[%parallel_loop3A_292, %parallel_loop3A_293] {strides = array<i32>} : memref<128x128xf32, #tpu.memory_space<vmem>>, vector<16xf32>,
      tpu.vector_store %arg11[%parallel_loop3A_292, %parallel_loop3A_293], %parallel_loop3A_291 {strides = array<i32>} : memref<128x128xf32, #tpu.memory_space<vmem>>, vector<16xf32>,
    } {sc.loop_unroll_factor = 4 : i64, sc.parallel_access}
    %add3A_123 = arith.constant 0 : i32
    %add3A_124 = arith.addi %mul3A_2, %add3A_123 : i32
    %dma_start3A_125 = arith.constant 0 : i32
    %dma_start3A_126 = tpu.memref_slice %arg5[%add3A_124, %dma_start3A_125] : memref<65536x128xf32, #tpu.memory_space<hbm>> -> memref<128x128xf32, #tpu.memory_space<hbm>>
    %dma_start3A_127 = arith.constant 0 : i32
    %dma_start3A_128 = tpu.memref_slice %arg5[%add3A_124, %dma_start3A_127] : memref<65536x128xf32, #tpu.memory_space<hbm>> -> memref<128x128xf32, #tpu.memory_space<hbm>>
    tpu.enqueue_dma source(%arg11 : memref<128x128xf32, #tpu.memory_space<vmem>>) target(%dma_start3A_128 : memref<128x128xf32, #tpu.memory_space<hbm>>) target_semaphore(%arg15 : memref<!tpu.dma_semaphore, #tpu.memory_space<semaphore_mem>>)
    %add3A_129 = arith.constant 256 : i32
    %add3A_130 = arith.addi %mul3A_2, %add3A_129 : i32
    %dma_start3A_131 = arith.constant 0 : i32
    %dma_start3A_132 = tpu.memref_slice %arg2[%add3A_130, %dma_start3A_131] : memref<65536x128xf32, #tpu.memory_space<hbm>> -> memref<128x128xf32, #tpu.memory_space<hbm>>
    %dma_start3A_133 = arith.constant 0 : i32
    %dma_start3A_134 = tpu.memref_slice %arg2[%add3A_130, %dma_start3A_133] : memref<65536x128xf32, #tpu.memory_space<hbm>> -> memref<128x128xf32, #tpu.memory_space<hbm>>
    tpu.enqueue_dma source(%dma_start3A_134 : memref<128x128xf32, #tpu.memory_space<hbm>>) target(%arg9 : memref<128x128xf32, #tpu.memory_space<vmem>>) target_semaphore(%arg13 : memref<!tpu.dma_semaphore, #tpu.memory_space<semaphore_mem>>)
    %add3A_135 = arith.constant 128 : i32
    %add3A_136 = arith.addi %mul3A_2, %add3A_135 : i32
    %dma_wait3A_137 = arith.constant 0 : i32
    %dma_wait3A_138 = tpu.memref_slice %arg2[%add3A_136, %dma_wait3A_137] : memref<65536x128xf32, #tpu.memory_space<hbm>> -> memref<128x128xf32, #tpu.memory_space<hbm>>
    %dma_wait3A_139 = arith.constant 0 : i32
    %dma_wait3A_140 = tpu.memref_slice %arg2[%add3A_136, %dma_wait3A_139] : memref<65536x128xf32, #tpu.memory_space<hbm>> -> memref<128x128xf32, #tpu.memory_space<hbm>>
    tpu.wait_dma2 semaphore(%arg14 : memref<!tpu.dma_semaphore, #tpu.memory_space<semaphore_mem>>) src(%dma_wait3A_140 : memref<128x128xf32, #tpu.memory_space<hbm>>) dst(%arg10 : memref<128x128xf32, #tpu.memory_space<vmem>>)
    %get3A_141 = arith.constant 0 : index
    %get3A_142 = tpu.vector_load %arg6[%get3A_141] {strides = array<i32>} : memref<128xi32, #tpu.memory_space<vmem>>, vector<16xi32>,
    %get3A_143 = arith.constant 0 : index
    %get3A_144 = tpu.vector_load %arg7[%get3A_143] {strides = array<i32>} : memref<128xf32, #tpu.memory_space<vmem>>, vector<16xf32>,
    %mul3A_145 = arith.constant 1.280000e+02 : f32
    %mul3A_146 = vector.broadcast %mul3A_145 : f32 to vector<16xf32>
    %mul3A_147 = arith.mulf %get3A_144, %mul3A_146 : vector<16xf32>
    %sub3A_148 = arith.constant 1.024000e+03 : f32
    %sub3A_149 = vector.broadcast %sub3A_148 : f32 to vector<16xf32>
    %sub3A_150 = arith.subf %sub3A_149, %mul3A_147 : vector<16xf32>
    %parallel_loop3A_151 = arith.constant 0 : i32
    %parallel_loop3A_152 = arith.constant 128 : i32
    %parallel_loop3A_153 = arith.constant 1 : i32
    scf.for %parallel_loop3A_275 = %parallel_loop3A_151 to %parallel_loop3A_152 step %parallel_loop3A_153  : i32 {
      %parallel_loop3A_276 = arith.constant 0 : i32
      %parallel_loop3A_277 = tpu.memref_slice %arg10[%parallel_loop3A_275, %parallel_loop3A_276] : memref<128x128xf32, #tpu.memory_space<vmem>> -> memref<1x128xf32, #tpu.memory_space<vmem>>
      %parallel_loop3A_278 = tpu.memref_squeeze %parallel_loop3A_277 : memref<1x128xf32, #tpu.memory_space<vmem>> -> memref<128xf32, #tpu.memory_space<vmem>>
      %parallel_loop3A_279 = tpu.vector_load_idx %parallel_loop3A_278[%get3A_142] : memref<128xf32, #tpu.memory_space<vmem>>[vector<16xi32>], vector<16xf32>,
      %parallel_loop3A_280 = arith.constant 1.280000e+02 : f32
      %parallel_loop3A_281 = vector.broadcast %parallel_loop3A_280 : f32 to vector<16xf32>
      %parallel_loop3A_282 = arith.mulf %parallel_loop3A_279, %parallel_loop3A_281 : vector<16xf32>
      %parallel_loop3A_283 = arith.addf %parallel_loop3A_282, %sub3A_150 : vector<16xf32>
      %parallel_loop3A_284 = arith.constant 0.000000e+00 : f32
      %parallel_loop3A_285 = vector.broadcast %parallel_loop3A_284 : f32 to vector<16xf32>
      %parallel_loop3A_286 = arith.maximumf %parallel_loop3A_283, %parallel_loop3A_285 : vector<16xf32>
      %parallel_loop3A_287 = arith.constant 2.047000e+03 : f32
      %parallel_loop3A_288 = vector.broadcast %parallel_loop3A_287 : f32 to vector<16xf32>
      %parallel_loop3A_289 = arith.minimumf %parallel_loop3A_286, %parallel_loop3A_288 : vector<16xf32>
      %parallel_loop3A_290 = arith.fptosi %parallel_loop3A_289 : vector<16xf32> to vector<16xi32>
      %parallel_loop3A_291 = tpu.vector_load_idx %arg8[%parallel_loop3A_290] : memref<2048xf32, #tpu.memory_space<vmem>>[vector<16xi32>], vector<16xf32>,
      %parallel_loop3A_292 = arith.index_cast %parallel_loop3A_275 : i32 to index
      %parallel_loop3A_293 = arith.constant 0 : index
      %parallel_loop3A_294 = tpu.vector_load %arg12[%parallel_loop3A_292, %parallel_loop3A_293] {strides = array<i32>} : memref<128x128xf32, #tpu.memory_space<vmem>>, vector<16xf32>,
      tpu.vector_store %arg12[%parallel_loop3A_292, %parallel_loop3A_293], %parallel_loop3A_291 {strides = array<i32>} : memref<128x128xf32, #tpu.memory_space<vmem>>, vector<16xf32>,
    } {sc.loop_unroll_factor = 4 : i64, sc.parallel_access}
    %get3A_154 = arith.constant 16 : index
    %get3A_155 = tpu.vector_load %arg6[%get3A_154] {strides = array<i32>} : memref<128xi32, #tpu.memory_space<vmem>>, vector<16xi32>,
    %get3A_156 = arith.constant 16 : index
    %get3A_157 = tpu.vector_load %arg7[%get3A_156] {strides = array<i32>} : memref<128xf32, #tpu.memory_space<vmem>>, vector<16xf32>,
    %mul3A_158 = arith.constant 1.280000e+02 : f32
    %mul3A_159 = vector.broadcast %mul3A_158 : f32 to vector<16xf32>
    %mul3A_160 = arith.mulf %get3A_157, %mul3A_159 : vector<16xf32>
    %sub3A_161 = arith.constant 1.024000e+03 : f32
    %sub3A_162 = vector.broadcast %sub3A_161 : f32 to vector<16xf32>
    %sub3A_163 = arith.subf %sub3A_162, %mul3A_160 : vector<16xf32>
    %parallel_loop3A_164 = arith.constant 0 : i32
    %parallel_loop3A_165 = arith.constant 128 : i32
    %parallel_loop3A_166 = arith.constant 1 : i32
    scf.for %parallel_loop3A_275 = %parallel_loop3A_164 to %parallel_loop3A_165 step %parallel_loop3A_166  : i32 {
      %parallel_loop3A_276 = arith.constant 0 : i32
      %parallel_loop3A_277 = tpu.memref_slice %arg10[%parallel_loop3A_275, %parallel_loop3A_276] : memref<128x128xf32, #tpu.memory_space<vmem>> -> memref<1x128xf32, #tpu.memory_space<vmem>>
      %parallel_loop3A_278 = tpu.memref_squeeze %parallel_loop3A_277 : memref<1x128xf32, #tpu.memory_space<vmem>> -> memref<128xf32, #tpu.memory_space<vmem>>
      %parallel_loop3A_279 = tpu.vector_load_idx %parallel_loop3A_278[%get3A_155] : memref<128xf32, #tpu.memory_space<vmem>>[vector<16xi32>], vector<16xf32>,
      %parallel_loop3A_280 = arith.constant 1.280000e+02 : f32
      %parallel_loop3A_281 = vector.broadcast %parallel_loop3A_280 : f32 to vector<16xf32>
      %parallel_loop3A_282 = arith.mulf %parallel_loop3A_279, %parallel_loop3A_281 : vector<16xf32>
      %parallel_loop3A_283 = arith.addf %parallel_loop3A_282, %sub3A_163 : vector<16xf32>
      %parallel_loop3A_284 = arith.constant 0.000000e+00 : f32
      %parallel_loop3A_285 = vector.broadcast %parallel_loop3A_284 : f32 to vector<16xf32>
      %parallel_loop3A_286 = arith.maximumf %parallel_loop3A_283, %parallel_loop3A_285 : vector<16xf32>
      %parallel_loop3A_287 = arith.constant 2.047000e+03 : f32
      %parallel_loop3A_288 = vector.broadcast %parallel_loop3A_287 : f32 to vector<16xf32>
      %parallel_loop3A_289 = arith.minimumf %parallel_loop3A_286, %parallel_loop3A_288 : vector<16xf32>
      %parallel_loop3A_290 = arith.fptosi %parallel_loop3A_289 : vector<16xf32> to vector<16xi32>
      %parallel_loop3A_291 = tpu.vector_load_idx %arg8[%parallel_loop3A_290] : memref<2048xf32, #tpu.memory_space<vmem>>[vector<16xi32>], vector<16xf32>,
      %parallel_loop3A_292 = arith.index_cast %parallel_loop3A_275 : i32 to index
      %parallel_loop3A_293 = arith.constant 16 : index
      %parallel_loop3A_294 = tpu.vector_load %arg12[%parallel_loop3A_292, %parallel_loop3A_293] {strides = array<i32>} : memref<128x128xf32, #tpu.memory_space<vmem>>, vector<16xf32>,
      tpu.vector_store %arg12[%parallel_loop3A_292, %parallel_loop3A_293], %parallel_loop3A_291 {strides = array<i32>} : memref<128x128xf32, #tpu.memory_space<vmem>>, vector<16xf32>,
    } {sc.loop_unroll_factor = 4 : i64, sc.parallel_access}
    %get3A_167 = arith.constant 32 : index
    %get3A_168 = tpu.vector_load %arg6[%get3A_167] {strides = array<i32>} : memref<128xi32, #tpu.memory_space<vmem>>, vector<16xi32>,
    %get3A_169 = arith.constant 32 : index
    %get3A_170 = tpu.vector_load %arg7[%get3A_169] {strides = array<i32>} : memref<128xf32, #tpu.memory_space<vmem>>, vector<16xf32>,
    %mul3A_171 = arith.constant 1.280000e+02 : f32
    %mul3A_172 = vector.broadcast %mul3A_171 : f32 to vector<16xf32>
    %mul3A_173 = arith.mulf %get3A_170, %mul3A_172 : vector<16xf32>
    %sub3A_174 = arith.constant 1.024000e+03 : f32
    %sub3A_175 = vector.broadcast %sub3A_174 : f32 to vector<16xf32>
    %sub3A_176 = arith.subf %sub3A_175, %mul3A_173 : vector<16xf32>
    %parallel_loop3A_177 = arith.constant 0 : i32
    %parallel_loop3A_178 = arith.constant 128 : i32
    %parallel_loop3A_179 = arith.constant 1 : i32
    scf.for %parallel_loop3A_275 = %parallel_loop3A_177 to %parallel_loop3A_178 step %parallel_loop3A_179  : i32 {
      %parallel_loop3A_276 = arith.constant 0 : i32
      %parallel_loop3A_277 = tpu.memref_slice %arg10[%parallel_loop3A_275, %parallel_loop3A_276] : memref<128x128xf32, #tpu.memory_space<vmem>> -> memref<1x128xf32, #tpu.memory_space<vmem>>
      %parallel_loop3A_278 = tpu.memref_squeeze %parallel_loop3A_277 : memref<1x128xf32, #tpu.memory_space<vmem>> -> memref<128xf32, #tpu.memory_space<vmem>>
      %parallel_loop3A_279 = tpu.vector_load_idx %parallel_loop3A_278[%get3A_168] : memref<128xf32, #tpu.memory_space<vmem>>[vector<16xi32>], vector<16xf32>,
      %parallel_loop3A_280 = arith.constant 1.280000e+02 : f32
      %parallel_loop3A_281 = vector.broadcast %parallel_loop3A_280 : f32 to vector<16xf32>
      %parallel_loop3A_282 = arith.mulf %parallel_loop3A_279, %parallel_loop3A_281 : vector<16xf32>
      %parallel_loop3A_283 = arith.addf %parallel_loop3A_282, %sub3A_176 : vector<16xf32>
      %parallel_loop3A_284 = arith.constant 0.000000e+00 : f32
      %parallel_loop3A_285 = vector.broadcast %parallel_loop3A_284 : f32 to vector<16xf32>
      %parallel_loop3A_286 = arith.maximumf %parallel_loop3A_283, %parallel_loop3A_285 : vector<16xf32>
      %parallel_loop3A_287 = arith.constant 2.047000e+03 : f32
      %parallel_loop3A_288 = vector.broadcast %parallel_loop3A_287 : f32 to vector<16xf32>
      %parallel_loop3A_289 = arith.minimumf %parallel_loop3A_286, %parallel_loop3A_288 : vector<16xf32>
      %parallel_loop3A_290 = arith.fptosi %parallel_loop3A_289 : vector<16xf32> to vector<16xi32>
      %parallel_loop3A_291 = tpu.vector_load_idx %arg8[%parallel_loop3A_290] : memref<2048xf32, #tpu.memory_space<vmem>>[vector<16xi32>], vector<16xf32>,
      %parallel_loop3A_292 = arith.index_cast %parallel_loop3A_275 : i32 to index
      %parallel_loop3A_293 = arith.constant 32 : index
      %parallel_loop3A_294 = tpu.vector_load %arg12[%parallel_loop3A_292, %parallel_loop3A_293] {strides = array<i32>} : memref<128x128xf32, #tpu.memory_space<vmem>>, vector<16xf32>,
      tpu.vector_store %arg12[%parallel_loop3A_292, %parallel_loop3A_293], %parallel_loop3A_291 {strides = array<i32>} : memref<128x128xf32, #tpu.memory_space<vmem>>, vector<16xf32>,
    } {sc.loop_unroll_factor = 4 : i64, sc.parallel_access}
    %get3A_180 = arith.constant 48 : index
    %get3A_181 = tpu.vector_load %arg6[%get3A_180] {strides = array<i32>} : memref<128xi32, #tpu.memory_space<vmem>>, vector<16xi32>,
    %get3A_182 = arith.constant 48 : index
    %get3A_183 = tpu.vector_load %arg7[%get3A_182] {strides = array<i32>} : memref<128xf32, #tpu.memory_space<vmem>>, vector<16xf32>,
    %mul3A_184 = arith.constant 1.280000e+02 : f32
    %mul3A_185 = vector.broadcast %mul3A_184 : f32 to vector<16xf32>
    %mul3A_186 = arith.mulf %get3A_183, %mul3A_185 : vector<16xf32>
    %sub3A_187 = arith.constant 1.024000e+03 : f32
    %sub3A_188 = vector.broadcast %sub3A_187 : f32 to vector<16xf32>
    %sub3A_189 = arith.subf %sub3A_188, %mul3A_186 : vector<16xf32>
    %parallel_loop3A_190 = arith.constant 0 : i32
    %parallel_loop3A_191 = arith.constant 128 : i32
    %parallel_loop3A_192 = arith.constant 1 : i32
    scf.for %parallel_loop3A_275 = %parallel_loop3A_190 to %parallel_loop3A_191 step %parallel_loop3A_192  : i32 {
      %parallel_loop3A_276 = arith.constant 0 : i32
      %parallel_loop3A_277 = tpu.memref_slice %arg10[%parallel_loop3A_275, %parallel_loop3A_276] : memref<128x128xf32, #tpu.memory_space<vmem>> -> memref<1x128xf32, #tpu.memory_space<vmem>>
      %parallel_loop3A_278 = tpu.memref_squeeze %parallel_loop3A_277 : memref<1x128xf32, #tpu.memory_space<vmem>> -> memref<128xf32, #tpu.memory_space<vmem>>
      %parallel_loop3A_279 = tpu.vector_load_idx %parallel_loop3A_278[%get3A_181] : memref<128xf32, #tpu.memory_space<vmem>>[vector<16xi32>], vector<16xf32>,
      %parallel_loop3A_280 = arith.constant 1.280000e+02 : f32
      %parallel_loop3A_281 = vector.broadcast %parallel_loop3A_280 : f32 to vector<16xf32>
      %parallel_loop3A_282 = arith.mulf %parallel_loop3A_279, %parallel_loop3A_281 : vector<16xf32>
      %parallel_loop3A_283 = arith.addf %parallel_loop3A_282, %sub3A_189 : vector<16xf32>
      %parallel_loop3A_284 = arith.constant 0.000000e+00 : f32
      %parallel_loop3A_285 = vector.broadcast %parallel_loop3A_284 : f32 to vector<16xf32>
      %parallel_loop3A_286 = arith.maximumf %parallel_loop3A_283, %parallel_loop3A_285 : vector<16xf32>
      %parallel_loop3A_287 = arith.constant 2.047000e+03 : f32
      %parallel_loop3A_288 = vector.broadcast %parallel_loop3A_287 : f32 to vector<16xf32>
      %parallel_loop3A_289 = arith.minimumf %parallel_loop3A_286, %parallel_loop3A_288 : vector<16xf32>
      %parallel_loop3A_290 = arith.fptosi %parallel_loop3A_289 : vector<16xf32> to vector<16xi32>
      %parallel_loop3A_291 = tpu.vector_load_idx %arg8[%parallel_loop3A_290] : memref<2048xf32, #tpu.memory_space<vmem>>[vector<16xi32>], vector<16xf32>,
      %parallel_loop3A_292 = arith.index_cast %parallel_loop3A_275 : i32 to index
      %parallel_loop3A_293 = arith.constant 48 : index
      %parallel_loop3A_294 = tpu.vector_load %arg12[%parallel_loop3A_292, %parallel_loop3A_293] {strides = array<i32>} : memref<128x128xf32, #tpu.memory_space<vmem>>, vector<16xf32>,
      tpu.vector_store %arg12[%parallel_loop3A_292, %parallel_loop3A_293], %parallel_loop3A_291 {strides = array<i32>} : memref<128x128xf32, #tpu.memory_space<vmem>>, vector<16xf32>,
    } {sc.loop_unroll_factor = 4 : i64, sc.parallel_access}
    %get3A_193 = arith.constant 64 : index
    %get3A_194 = tpu.vector_load %arg6[%get3A_193] {strides = array<i32>} : memref<128xi32, #tpu.memory_space<vmem>>, vector<16xi32>,
    %get3A_195 = arith.constant 64 : index
    %get3A_196 = tpu.vector_load %arg7[%get3A_195] {strides = array<i32>} : memref<128xf32, #tpu.memory_space<vmem>>, vector<16xf32>,
    %mul3A_197 = arith.constant 1.280000e+02 : f32
    %mul3A_198 = vector.broadcast %mul3A_197 : f32 to vector<16xf32>
    %mul3A_199 = arith.mulf %get3A_196, %mul3A_198 : vector<16xf32>
    %sub3A_200 = arith.constant 1.024000e+03 : f32
    %sub3A_201 = vector.broadcast %sub3A_200 : f32 to vector<16xf32>
    %sub3A_202 = arith.subf %sub3A_201, %mul3A_199 : vector<16xf32>
    %parallel_loop3A_203 = arith.constant 0 : i32
    %parallel_loop3A_204 = arith.constant 128 : i32
    %parallel_loop3A_205 = arith.constant 1 : i32
    scf.for %parallel_loop3A_275 = %parallel_loop3A_203 to %parallel_loop3A_204 step %parallel_loop3A_205  : i32 {
      %parallel_loop3A_276 = arith.constant 0 : i32
      %parallel_loop3A_277 = tpu.memref_slice %arg10[%parallel_loop3A_275, %parallel_loop3A_276] : memref<128x128xf32, #tpu.memory_space<vmem>> -> memref<1x128xf32, #tpu.memory_space<vmem>>
      %parallel_loop3A_278 = tpu.memref_squeeze %parallel_loop3A_277 : memref<1x128xf32, #tpu.memory_space<vmem>> -> memref<128xf32, #tpu.memory_space<vmem>>
      %parallel_loop3A_279 = tpu.vector_load_idx %parallel_loop3A_278[%get3A_194] : memref<128xf32, #tpu.memory_space<vmem>>[vector<16xi32>], vector<16xf32>,
      %parallel_loop3A_280 = arith.constant 1.280000e+02 : f32
      %parallel_loop3A_281 = vector.broadcast %parallel_loop3A_280 : f32 to vector<16xf32>
      %parallel_loop3A_282 = arith.mulf %parallel_loop3A_279, %parallel_loop3A_281 : vector<16xf32>
      %parallel_loop3A_283 = arith.addf %parallel_loop3A_282, %sub3A_202 : vector<16xf32>
      %parallel_loop3A_284 = arith.constant 0.000000e+00 : f32
      %parallel_loop3A_285 = vector.broadcast %parallel_loop3A_284 : f32 to vector<16xf32>
      %parallel_loop3A_286 = arith.maximumf %parallel_loop3A_283, %parallel_loop3A_285 : vector<16xf32>
      %parallel_loop3A_287 = arith.constant 2.047000e+03 : f32
      %parallel_loop3A_288 = vector.broadcast %parallel_loop3A_287 : f32 to vector<16xf32>
      %parallel_loop3A_289 = arith.minimumf %parallel_loop3A_286, %parallel_loop3A_288 : vector<16xf32>
      %parallel_loop3A_290 = arith.fptosi %parallel_loop3A_289 : vector<16xf32> to vector<16xi32>
      %parallel_loop3A_291 = tpu.vector_load_idx %arg8[%parallel_loop3A_290] : memref<2048xf32, #tpu.memory_space<vmem>>[vector<16xi32>], vector<16xf32>,
      %parallel_loop3A_292 = arith.index_cast %parallel_loop3A_275 : i32 to index
      %parallel_loop3A_293 = arith.constant 64 : index
      %parallel_loop3A_294 = tpu.vector_load %arg12[%parallel_loop3A_292, %parallel_loop3A_293] {strides = array<i32>} : memref<128x128xf32, #tpu.memory_space<vmem>>, vector<16xf32>,
      tpu.vector_store %arg12[%parallel_loop3A_292, %parallel_loop3A_293], %parallel_loop3A_291 {strides = array<i32>} : memref<128x128xf32, #tpu.memory_space<vmem>>, vector<16xf32>,
    } {sc.loop_unroll_factor = 4 : i64, sc.parallel_access}
    %get3A_206 = arith.constant 80 : index
    %get3A_207 = tpu.vector_load %arg6[%get3A_206] {strides = array<i32>} : memref<128xi32, #tpu.memory_space<vmem>>, vector<16xi32>,
    %get3A_208 = arith.constant 80 : index
    %get3A_209 = tpu.vector_load %arg7[%get3A_208] {strides = array<i32>} : memref<128xf32, #tpu.memory_space<vmem>>, vector<16xf32>,
    %mul3A_210 = arith.constant 1.280000e+02 : f32
    %mul3A_211 = vector.broadcast %mul3A_210 : f32 to vector<16xf32>
    %mul3A_212 = arith.mulf %get3A_209, %mul3A_211 : vector<16xf32>
    %sub3A_213 = arith.constant 1.024000e+03 : f32
    %sub3A_214 = vector.broadcast %sub3A_213 : f32 to vector<16xf32>
    %sub3A_215 = arith.subf %sub3A_214, %mul3A_212 : vector<16xf32>
    %parallel_loop3A_216 = arith.constant 0 : i32
    %parallel_loop3A_217 = arith.constant 128 : i32
    %parallel_loop3A_218 = arith.constant 1 : i32
    scf.for %parallel_loop3A_275 = %parallel_loop3A_216 to %parallel_loop3A_217 step %parallel_loop3A_218  : i32 {
      %parallel_loop3A_276 = arith.constant 0 : i32
      %parallel_loop3A_277 = tpu.memref_slice %arg10[%parallel_loop3A_275, %parallel_loop3A_276] : memref<128x128xf32, #tpu.memory_space<vmem>> -> memref<1x128xf32, #tpu.memory_space<vmem>>
      %parallel_loop3A_278 = tpu.memref_squeeze %parallel_loop3A_277 : memref<1x128xf32, #tpu.memory_space<vmem>> -> memref<128xf32, #tpu.memory_space<vmem>>
      %parallel_loop3A_279 = tpu.vector_load_idx %parallel_loop3A_278[%get3A_207] : memref<128xf32, #tpu.memory_space<vmem>>[vector<16xi32>], vector<16xf32>,
      %parallel_loop3A_280 = arith.constant 1.280000e+02 : f32
      %parallel_loop3A_281 = vector.broadcast %parallel_loop3A_280 : f32 to vector<16xf32>
      %parallel_loop3A_282 = arith.mulf %parallel_loop3A_279, %parallel_loop3A_281 : vector<16xf32>
      %parallel_loop3A_283 = arith.addf %parallel_loop3A_282, %sub3A_215 : vector<16xf32>
      %parallel_loop3A_284 = arith.constant 0.000000e+00 : f32
      %parallel_loop3A_285 = vector.broadcast %parallel_loop3A_284 : f32 to vector<16xf32>
      %parallel_loop3A_286 = arith.maximumf %parallel_loop3A_283, %parallel_loop3A_285 : vector<16xf32>
      %parallel_loop3A_287 = arith.constant 2.047000e+03 : f32
      %parallel_loop3A_288 = vector.broadcast %parallel_loop3A_287 : f32 to vector<16xf32>
      %parallel_loop3A_289 = arith.minimumf %parallel_loop3A_286, %parallel_loop3A_288 : vector<16xf32>
      %parallel_loop3A_290 = arith.fptosi %parallel_loop3A_289 : vector<16xf32> to vector<16xi32>
      %parallel_loop3A_291 = tpu.vector_load_idx %arg8[%parallel_loop3A_290] : memref<2048xf32, #tpu.memory_space<vmem>>[vector<16xi32>], vector<16xf32>,
      %parallel_loop3A_292 = arith.index_cast %parallel_loop3A_275 : i32 to index
      %parallel_loop3A_293 = arith.constant 80 : index
      %parallel_loop3A_294 = tpu.vector_load %arg12[%parallel_loop3A_292, %parallel_loop3A_293] {strides = array<i32>} : memref<128x128xf32, #tpu.memory_space<vmem>>, vector<16xf32>,
      tpu.vector_store %arg12[%parallel_loop3A_292, %parallel_loop3A_293], %parallel_loop3A_291 {strides = array<i32>} : memref<128x128xf32, #tpu.memory_space<vmem>>, vector<16xf32>,
    } {sc.loop_unroll_factor = 4 : i64, sc.parallel_access}
    %get3A_219 = arith.constant 96 : index
    %get3A_220 = tpu.vector_load %arg6[%get3A_219] {strides = array<i32>} : memref<128xi32, #tpu.memory_space<vmem>>, vector<16xi32>,
    %get3A_221 = arith.constant 96 : index
    %get3A_222 = tpu.vector_load %arg7[%get3A_221] {strides = array<i32>} : memref<128xf32, #tpu.memory_space<vmem>>, vector<16xf32>,
    %mul3A_223 = arith.constant 1.280000e+02 : f32
    %mul3A_224 = vector.broadcast %mul3A_223 : f32 to vector<16xf32>
    %mul3A_225 = arith.mulf %get3A_222, %mul3A_224 : vector<16xf32>
    %sub3A_226 = arith.constant 1.024000e+03 : f32
    %sub3A_227 = vector.broadcast %sub3A_226 : f32 to vector<16xf32>
    %sub3A_228 = arith.subf %sub3A_227, %mul3A_225 : vector<16xf32>
    %parallel_loop3A_229 = arith.constant 0 : i32
    %parallel_loop3A_230 = arith.constant 128 : i32
    %parallel_loop3A_231 = arith.constant 1 : i32
    scf.for %parallel_loop3A_275 = %parallel_loop3A_229 to %parallel_loop3A_230 step %parallel_loop3A_231  : i32 {
      %parallel_loop3A_276 = arith.constant 0 : i32
      %parallel_loop3A_277 = tpu.memref_slice %arg10[%parallel_loop3A_275, %parallel_loop3A_276] : memref<128x128xf32, #tpu.memory_space<vmem>> -> memref<1x128xf32, #tpu.memory_space<vmem>>
      %parallel_loop3A_278 = tpu.memref_squeeze %parallel_loop3A_277 : memref<1x128xf32, #tpu.memory_space<vmem>> -> memref<128xf32, #tpu.memory_space<vmem>>
      %parallel_loop3A_279 = tpu.vector_load_idx %parallel_loop3A_278[%get3A_220] : memref<128xf32, #tpu.memory_space<vmem>>[vector<16xi32>], vector<16xf32>,
      %parallel_loop3A_280 = arith.constant 1.280000e+02 : f32
      %parallel_loop3A_281 = vector.broadcast %parallel_loop3A_280 : f32 to vector<16xf32>
      %parallel_loop3A_282 = arith.mulf %parallel_loop3A_279, %parallel_loop3A_281 : vector<16xf32>
      %parallel_loop3A_283 = arith.addf %parallel_loop3A_282, %sub3A_228 : vector<16xf32>
      %parallel_loop3A_284 = arith.constant 0.000000e+00 : f32
      %parallel_loop3A_285 = vector.broadcast %parallel_loop3A_284 : f32 to vector<16xf32>
      %parallel_loop3A_286 = arith.maximumf %parallel_loop3A_283, %parallel_loop3A_285 : vector<16xf32>
      %parallel_loop3A_287 = arith.constant 2.047000e+03 : f32
      %parallel_loop3A_288 = vector.broadcast %parallel_loop3A_287 : f32 to vector<16xf32>
      %parallel_loop3A_289 = arith.minimumf %parallel_loop3A_286, %parallel_loop3A_288 : vector<16xf32>
      %parallel_loop3A_290 = arith.fptosi %parallel_loop3A_289 : vector<16xf32> to vector<16xi32>
      %parallel_loop3A_291 = tpu.vector_load_idx %arg8[%parallel_loop3A_290] : memref<2048xf32, #tpu.memory_space<vmem>>[vector<16xi32>], vector<16xf32>,
      %parallel_loop3A_292 = arith.index_cast %parallel_loop3A_275 : i32 to index
      %parallel_loop3A_293 = arith.constant 96 : index
      %parallel_loop3A_294 = tpu.vector_load %arg12[%parallel_loop3A_292, %parallel_loop3A_293] {strides = array<i32>} : memref<128x128xf32, #tpu.memory_space<vmem>>, vector<16xf32>,
      tpu.vector_store %arg12[%parallel_loop3A_292, %parallel_loop3A_293], %parallel_loop3A_291 {strides = array<i32>} : memref<128x128xf32, #tpu.memory_space<vmem>>, vector<16xf32>,
    } {sc.loop_unroll_factor = 4 : i64, sc.parallel_access}
    %get3A_232 = arith.constant 112 : index
    %get3A_233 = tpu.vector_load %arg6[%get3A_232] {strides = array<i32>} : memref<128xi32, #tpu.memory_space<vmem>>, vector<16xi32>,
    %get3A_234 = arith.constant 112 : index
    %get3A_235 = tpu.vector_load %arg7[%get3A_234] {strides = array<i32>} : memref<128xf32, #tpu.memory_space<vmem>>, vector<16xf32>,
    %mul3A_236 = arith.constant 1.280000e+02 : f32
    %mul3A_237 = vector.broadcast %mul3A_236 : f32 to vector<16xf32>
    %mul3A_238 = arith.mulf %get3A_235, %mul3A_237 : vector<16xf32>
    %sub3A_239 = arith.constant 1.024000e+03 : f32
    %sub3A_240 = vector.broadcast %sub3A_239 : f32 to vector<16xf32>
    %sub3A_241 = arith.subf %sub3A_240, %mul3A_238 : vector<16xf32>
    %parallel_loop3A_242 = arith.constant 0 : i32
    %parallel_loop3A_243 = arith.constant 128 : i32
    %parallel_loop3A_244 = arith.constant 1 : i32
    scf.for %parallel_loop3A_275 = %parallel_loop3A_242 to %parallel_loop3A_243 step %parallel_loop3A_244  : i32 {
      %parallel_loop3A_276 = arith.constant 0 : i32
      %parallel_loop3A_277 = tpu.memref_slice %arg10[%parallel_loop3A_275, %parallel_loop3A_276] : memref<128x128xf32, #tpu.memory_space<vmem>> -> memref<1x128xf32, #tpu.memory_space<vmem>>
      %parallel_loop3A_278 = tpu.memref_squeeze %parallel_loop3A_277 : memref<1x128xf32, #tpu.memory_space<vmem>> -> memref<128xf32, #tpu.memory_space<vmem>>
      %parallel_loop3A_279 = tpu.vector_load_idx %parallel_loop3A_278[%get3A_233] : memref<128xf32, #tpu.memory_space<vmem>>[vector<16xi32>], vector<16xf32>,
      %parallel_loop3A_280 = arith.constant 1.280000e+02 : f32
      %parallel_loop3A_281 = vector.broadcast %parallel_loop3A_280 : f32 to vector<16xf32>
      %parallel_loop3A_282 = arith.mulf %parallel_loop3A_279, %parallel_loop3A_281 : vector<16xf32>
      %parallel_loop3A_283 = arith.addf %parallel_loop3A_282, %sub3A_241 : vector<16xf32>
      %parallel_loop3A_284 = arith.constant 0.000000e+00 : f32
      %parallel_loop3A_285 = vector.broadcast %parallel_loop3A_284 : f32 to vector<16xf32>
      %parallel_loop3A_286 = arith.maximumf %parallel_loop3A_283, %parallel_loop3A_285 : vector<16xf32>
      %parallel_loop3A_287 = arith.constant 2.047000e+03 : f32
      %parallel_loop3A_288 = vector.broadcast %parallel_loop3A_287 : f32 to vector<16xf32>
      %parallel_loop3A_289 = arith.minimumf %parallel_loop3A_286, %parallel_loop3A_288 : vector<16xf32>
      %parallel_loop3A_290 = arith.fptosi %parallel_loop3A_289 : vector<16xf32> to vector<16xi32>
      %parallel_loop3A_291 = tpu.vector_load_idx %arg8[%parallel_loop3A_290] : memref<2048xf32, #tpu.memory_space<vmem>>[vector<16xi32>], vector<16xf32>,
      %parallel_loop3A_292 = arith.index_cast %parallel_loop3A_275 : i32 to index
      %parallel_loop3A_293 = arith.constant 112 : index
      %parallel_loop3A_294 = tpu.vector_load %arg12[%parallel_loop3A_292, %parallel_loop3A_293] {strides = array<i32>} : memref<128x128xf32, #tpu.memory_space<vmem>>, vector<16xf32>,
      tpu.vector_store %arg12[%parallel_loop3A_292, %parallel_loop3A_293], %parallel_loop3A_291 {strides = array<i32>} : memref<128x128xf32, #tpu.memory_space<vmem>>, vector<16xf32>,
    } {sc.loop_unroll_factor = 4 : i64, sc.parallel_access}
    %add3A_245 = arith.constant 128 : i32
    %add3A_246 = arith.addi %mul3A_2, %add3A_245 : i32
    %dma_start3A_247 = arith.constant 0 : i32
    %dma_start3A_248 = tpu.memref_slice %arg5[%add3A_246, %dma_start3A_247] : memref<65536x128xf32, #tpu.memory_space<hbm>> -> memref<128x128xf32, #tpu.memory_space<hbm>>
    %dma_start3A_249 = arith.constant 0 : i32
    %dma_start3A_250 = tpu.memref_slice %arg5[%add3A_246, %dma_start3A_249] : memref<65536x128xf32, #tpu.memory_space<hbm>> -> memref<128x128xf32, #tpu.memory_space<hbm>>
    tpu.enqueue_dma source(%arg12 : memref<128x128xf32, #tpu.memory_space<vmem>>) target(%dma_start3A_250 : memref<128x128xf32, #tpu.memory_space<hbm>>) target_semaphore(%arg16 : memref<!tpu.dma_semaphore, #tpu.memory_space<semaphore_mem>>)
    %add3A_251 = arith.constant 384 : i32
    %add3A_252 = arith.addi %mul3A_2, %add3A_251 : i32
    %dma_start3A_253 = arith.constant 0 : i32
    %dma_start3A_254 = tpu.memref_slice %arg2[%add3A_252, %dma_start3A_253] : memref<65536x128xf32, #tpu.memory_space<hbm>> -> memref<128x128xf32, #tpu.memory_space<hbm>>
    %dma_start3A_255 = arith.constant 0 : i32
    %dma_start3A_256 = tpu.memref_slice %arg2[%add3A_252, %dma_start3A_255] : memref<65536x128xf32, #tpu.memory_space<hbm>> -> memref<128x128xf32, #tpu.memory_space<hbm>>
    tpu.enqueue_dma source(%dma_start3A_256 : memref<128x128xf32, #tpu.memory_space<hbm>>) target(%arg10 : memref<128x128xf32, #tpu.memory_space<vmem>>) target_semaphore(%arg14 : memref<!tpu.dma_semaphore, #tpu.memory_space<semaphore_mem>>)
    %scan3A = arith.constant 0 : i32
    %scan3A_257 = arith.constant 1 : i32
    %scan3A_258 = arith.constant 7 : i32
    %scan3A_259 = arith.addi %scan3A_257, %scan3A_258 : i32
    %scan3A_260 = arith.constant 1 : i32
    %scan3A_261 = scf.for %scan3A_275 = %scan3A_257 to %scan3A_259 step %scan3A_260 iter_args(%scan3A_276 = %scan3A) -> (i32)  : i32 {
      %mul3A_277 = arith.constant 2 : i32
      %mul3A_278 = arith.muli %mul3A_277, %scan3A_275 : i32
      %mul3A_279 = arith.constant 128 : i32
      %mul3A_280 = arith.muli %mul3A_278, %mul3A_279 : i32
      %add3A_281 = arith.addi %mul3A_2, %mul3A_280 : i32
      %dma_wait3A_282 = arith.constant 0 : i32
      %dma_wait3A_283 = tpu.memref_slice %arg2[%add3A_281, %dma_wait3A_282] : memref<65536x128xf32, #tpu.memory_space<hbm>> -> memref<128x128xf32, #tpu.memory_space<hbm>>
      %dma_wait3A_284 = arith.constant 0 : i32
      %dma_wait3A_285 = tpu.memref_slice %arg2[%add3A_281, %dma_wait3A_284] : memref<65536x128xf32, #tpu.memory_space<hbm>> -> memref<128x128xf32, #tpu.memory_space<hbm>>
      tpu.wait_dma2 semaphore(%arg13 : memref<!tpu.dma_semaphore, #tpu.memory_space<semaphore_mem>>) src(%dma_wait3A_285 : memref<128x128xf32, #tpu.memory_space<hbm>>) dst(%arg9 : memref<128x128xf32, #tpu.memory_space<vmem>>)
      %mul3A_286 = arith.constant 128 : i32
      %mul3A_287 = arith.muli %mul3A_278, %mul3A_286 : i32
      %add3A_288 = arith.addi %mul3A_2, %mul3A_287 : i32
      %dma_wait3A_289 = arith.constant 0 : i32
      %dma_wait3A_290 = tpu.memref_slice %arg5[%add3A_288, %dma_wait3A_289] : memref<65536x128xf32, #tpu.memory_space<hbm>> -> memref<128x128xf32, #tpu.memory_space<hbm>>
      %dma_wait3A_291 = arith.constant 0 : i32
      %dma_wait3A_292 = tpu.memref_slice %arg5[%add3A_288, %dma_wait3A_291] : memref<65536x128xf32, #tpu.memory_space<hbm>> -> memref<128x128xf32, #tpu.memory_space<hbm>>
      tpu.wait_dma2 semaphore(%arg15 : memref<!tpu.dma_semaphore, #tpu.memory_space<semaphore_mem>>) src(%arg11 : memref<128x128xf32, #tpu.memory_space<vmem>>) dst(%dma_wait3A_292 : memref<128x128xf32, #tpu.memory_space<hbm>>)
      %get3A_293 = arith.constant 0 : index
      %get3A_294 = tpu.vector_load %arg6[%get3A_293] {strides = array<i32>} : memref<128xi32, #tpu.memory_space<vmem>>, vector<16xi32>,
      %get3A_295 = arith.constant 0 : index
      %get3A_296 = tpu.vector_load %arg7[%get3A_295] {strides = array<i32>} : memref<128xf32, #tpu.memory_space<vmem>>, vector<16xf32>,
      %mul3A_297 = arith.constant 1.280000e+02 : f32
      %mul3A_298 = vector.broadcast %mul3A_297 : f32 to vector<16xf32>
      %mul3A_299 = arith.mulf %get3A_296, %mul3A_298 : vector<16xf32>
      %sub3A_300 = arith.constant 1.024000e+03 : f32
      %sub3A_301 = vector.broadcast %sub3A_300 : f32 to vector<16xf32>
      %sub3A_302 = arith.subf %sub3A_301, %mul3A_299 : vector<16xf32>
      %parallel_loop3A_303 = arith.constant 0 : i32
      %parallel_loop3A_304 = arith.constant 128 : i32
      %parallel_loop3A_305 = arith.constant 1 : i32
      scf.for %parallel_loop3A_546 = %parallel_loop3A_303 to %parallel_loop3A_304 step %parallel_loop3A_305  : i32 {
        %parallel_loop3A_547 = arith.constant 0 : i32
        %parallel_loop3A_548 = tpu.memref_slice %arg9[%parallel_loop3A_546, %parallel_loop3A_547] : memref<128x128xf32, #tpu.memory_space<vmem>> -> memref<1x128xf32, #tpu.memory_space<vmem>>
        %parallel_loop3A_549 = tpu.memref_squeeze %parallel_loop3A_548 : memref<1x128xf32, #tpu.memory_space<vmem>> -> memref<128xf32, #tpu.memory_space<vmem>>
        %parallel_loop3A_550 = tpu.vector_load_idx %parallel_loop3A_549[%get3A_294] : memref<128xf32, #tpu.memory_space<vmem>>[vector<16xi32>], vector<16xf32>,
        %parallel_loop3A_551 = arith.constant 1.280000e+02 : f32
        %parallel_loop3A_552 = vector.broadcast %parallel_loop3A_551 : f32 to vector<16xf32>
        %parallel_loop3A_553 = arith.mulf %parallel_loop3A_550, %parallel_loop3A_552 : vector<16xf32>
        %parallel_loop3A_554 = arith.addf %parallel_loop3A_553, %sub3A_302 : vector<16xf32>
        %parallel_loop3A_555 = arith.constant 0.000000e+00 : f32
        %parallel_loop3A_556 = vector.broadcast %parallel_loop3A_555 : f32 to vector<16xf32>
        %parallel_loop3A_557 = arith.maximumf %parallel_loop3A_554, %parallel_loop3A_556 : vector<16xf32>
        %parallel_loop3A_558 = arith.constant 2.047000e+03 : f32
        %parallel_loop3A_559 = vector.broadcast %parallel_loop3A_558 : f32 to vector<16xf32>
        %parallel_loop3A_560 = arith.minimumf %parallel_loop3A_557, %parallel_loop3A_559 : vector<16xf32>
        %parallel_loop3A_561 = arith.fptosi %parallel_loop3A_560 : vector<16xf32> to vector<16xi32>
        %parallel_loop3A_562 = tpu.vector_load_idx %arg8[%parallel_loop3A_561] : memref<2048xf32, #tpu.memory_space<vmem>>[vector<16xi32>], vector<16xf32>,
        %parallel_loop3A_563 = arith.index_cast %parallel_loop3A_546 : i32 to index
        %parallel_loop3A_564 = arith.constant 0 : index
        %parallel_loop3A_565 = tpu.vector_load %arg11[%parallel_loop3A_563, %parallel_loop3A_564] {strides = array<i32>} : memref<128x128xf32, #tpu.memory_space<vmem>>, vector<16xf32>,
        tpu.vector_store %arg11[%parallel_loop3A_563, %parallel_loop3A_564], %parallel_loop3A_562 {strides = array<i32>} : memref<128x128xf32, #tpu.memory_space<vmem>>, vector<16xf32>,
      } {sc.loop_unroll_factor = 4 : i64, sc.parallel_access}
      %get3A_306 = arith.constant 16 : index
      %get3A_307 = tpu.vector_load %arg6[%get3A_306] {strides = array<i32>} : memref<128xi32, #tpu.memory_space<vmem>>, vector<16xi32>,
      %get3A_308 = arith.constant 16 : index
      %get3A_309 = tpu.vector_load %arg7[%get3A_308] {strides = array<i32>} : memref<128xf32, #tpu.memory_space<vmem>>, vector<16xf32>,
      %mul3A_310 = arith.constant 1.280000e+02 : f32
      %mul3A_311 = vector.broadcast %mul3A_310 : f32 to vector<16xf32>
      %mul3A_312 = arith.mulf %get3A_309, %mul3A_311 : vector<16xf32>
      %sub3A_313 = arith.constant 1.024000e+03 : f32
      %sub3A_314 = vector.broadcast %sub3A_313 : f32 to vector<16xf32>
      %sub3A_315 = arith.subf %sub3A_314, %mul3A_312 : vector<16xf32>
      %parallel_loop3A_316 = arith.constant 0 : i32
      %parallel_loop3A_317 = arith.constant 128 : i32
      %parallel_loop3A_318 = arith.constant 1 : i32
      scf.for %parallel_loop3A_546 = %parallel_loop3A_316 to %parallel_loop3A_317 step %parallel_loop3A_318  : i32 {
        %parallel_loop3A_547 = arith.constant 0 : i32
        %parallel_loop3A_548 = tpu.memref_slice %arg9[%parallel_loop3A_546, %parallel_loop3A_547] : memref<128x128xf32, #tpu.memory_space<vmem>> -> memref<1x128xf32, #tpu.memory_space<vmem>>
        %parallel_loop3A_549 = tpu.memref_squeeze %parallel_loop3A_548 : memref<1x128xf32, #tpu.memory_space<vmem>> -> memref<128xf32, #tpu.memory_space<vmem>>
        %parallel_loop3A_550 = tpu.vector_load_idx %parallel_loop3A_549[%get3A_307] : memref<128xf32, #tpu.memory_space<vmem>>[vector<16xi32>], vector<16xf32>,
        %parallel_loop3A_551 = arith.constant 1.280000e+02 : f32
        %parallel_loop3A_552 = vector.broadcast %parallel_loop3A_551 : f32 to vector<16xf32>
        %parallel_loop3A_553 = arith.mulf %parallel_loop3A_550, %parallel_loop3A_552 : vector<16xf32>
        %parallel_loop3A_554 = arith.addf %parallel_loop3A_553, %sub3A_315 : vector<16xf32>
        %parallel_loop3A_555 = arith.constant 0.000000e+00 : f32
        %parallel_loop3A_556 = vector.broadcast %parallel_loop3A_555 : f32 to vector<16xf32>
        %parallel_loop3A_557 = arith.maximumf %parallel_loop3A_554, %parallel_loop3A_556 : vector<16xf32>
        %parallel_loop3A_558 = arith.constant 2.047000e+03 : f32
        %parallel_loop3A_559 = vector.broadcast %parallel_loop3A_558 : f32 to vector<16xf32>
        %parallel_loop3A_560 = arith.minimumf %parallel_loop3A_557, %parallel_loop3A_559 : vector<16xf32>
        %parallel_loop3A_561 = arith.fptosi %parallel_loop3A_560 : vector<16xf32> to vector<16xi32>
        %parallel_loop3A_562 = tpu.vector_load_idx %arg8[%parallel_loop3A_561] : memref<2048xf32, #tpu.memory_space<vmem>>[vector<16xi32>], vector<16xf32>,
        %parallel_loop3A_563 = arith.index_cast %parallel_loop3A_546 : i32 to index
        %parallel_loop3A_564 = arith.constant 16 : index
        %parallel_loop3A_565 = tpu.vector_load %arg11[%parallel_loop3A_563, %parallel_loop3A_564] {strides = array<i32>} : memref<128x128xf32, #tpu.memory_space<vmem>>, vector<16xf32>,
        tpu.vector_store %arg11[%parallel_loop3A_563, %parallel_loop3A_564], %parallel_loop3A_562 {strides = array<i32>} : memref<128x128xf32, #tpu.memory_space<vmem>>, vector<16xf32>,
      } {sc.loop_unroll_factor = 4 : i64, sc.parallel_access}
      %get3A_319 = arith.constant 32 : index
      %get3A_320 = tpu.vector_load %arg6[%get3A_319] {strides = array<i32>} : memref<128xi32, #tpu.memory_space<vmem>>, vector<16xi32>,
      %get3A_321 = arith.constant 32 : index
      %get3A_322 = tpu.vector_load %arg7[%get3A_321] {strides = array<i32>} : memref<128xf32, #tpu.memory_space<vmem>>, vector<16xf32>,
      %mul3A_323 = arith.constant 1.280000e+02 : f32
      %mul3A_324 = vector.broadcast %mul3A_323 : f32 to vector<16xf32>
      %mul3A_325 = arith.mulf %get3A_322, %mul3A_324 : vector<16xf32>
      %sub3A_326 = arith.constant 1.024000e+03 : f32
      %sub3A_327 = vector.broadcast %sub3A_326 : f32 to vector<16xf32>
      %sub3A_328 = arith.subf %sub3A_327, %mul3A_325 : vector<16xf32>
      %parallel_loop3A_329 = arith.constant 0 : i32
      %parallel_loop3A_330 = arith.constant 128 : i32
      %parallel_loop3A_331 = arith.constant 1 : i32
      scf.for %parallel_loop3A_546 = %parallel_loop3A_329 to %parallel_loop3A_330 step %parallel_loop3A_331  : i32 {
        %parallel_loop3A_547 = arith.constant 0 : i32
        %parallel_loop3A_548 = tpu.memref_slice %arg9[%parallel_loop3A_546, %parallel_loop3A_547] : memref<128x128xf32, #tpu.memory_space<vmem>> -> memref<1x128xf32, #tpu.memory_space<vmem>>
        %parallel_loop3A_549 = tpu.memref_squeeze %parallel_loop3A_548 : memref<1x128xf32, #tpu.memory_space<vmem>> -> memref<128xf32, #tpu.memory_space<vmem>>
        %parallel_loop3A_550 = tpu.vector_load_idx %parallel_loop3A_549[%get3A_320] : memref<128xf32, #tpu.memory_space<vmem>>[vector<16xi32>], vector<16xf32>,
        %parallel_loop3A_551 = arith.constant 1.280000e+02 : f32
        %parallel_loop3A_552 = vector.broadcast %parallel_loop3A_551 : f32 to vector<16xf32>
        %parallel_loop3A_553 = arith.mulf %parallel_loop3A_550, %parallel_loop3A_552 : vector<16xf32>
        %parallel_loop3A_554 = arith.addf %parallel_loop3A_553, %sub3A_328 : vector<16xf32>
        %parallel_loop3A_555 = arith.constant 0.000000e+00 : f32
        %parallel_loop3A_556 = vector.broadcast %parallel_loop3A_555 : f32 to vector<16xf32>
        %parallel_loop3A_557 = arith.maximumf %parallel_loop3A_554, %parallel_loop3A_556 : vector<16xf32>
        %parallel_loop3A_558 = arith.constant 2.047000e+03 : f32
        %parallel_loop3A_559 = vector.broadcast %parallel_loop3A_558 : f32 to vector<16xf32>
        %parallel_loop3A_560 = arith.minimumf %parallel_loop3A_557, %parallel_loop3A_559 : vector<16xf32>
        %parallel_loop3A_561 = arith.fptosi %parallel_loop3A_560 : vector<16xf32> to vector<16xi32>
        %parallel_loop3A_562 = tpu.vector_load_idx %arg8[%parallel_loop3A_561] : memref<2048xf32, #tpu.memory_space<vmem>>[vector<16xi32>], vector<16xf32>,
        %parallel_loop3A_563 = arith.index_cast %parallel_loop3A_546 : i32 to index
        %parallel_loop3A_564 = arith.constant 32 : index
        %parallel_loop3A_565 = tpu.vector_load %arg11[%parallel_loop3A_563, %parallel_loop3A_564] {strides = array<i32>} : memref<128x128xf32, #tpu.memory_space<vmem>>, vector<16xf32>,
        tpu.vector_store %arg11[%parallel_loop3A_563, %parallel_loop3A_564], %parallel_loop3A_562 {strides = array<i32>} : memref<128x128xf32, #tpu.memory_space<vmem>>, vector<16xf32>,
      } {sc.loop_unroll_factor = 4 : i64, sc.parallel_access}
      %get3A_332 = arith.constant 48 : index
      %get3A_333 = tpu.vector_load %arg6[%get3A_332] {strides = array<i32>} : memref<128xi32, #tpu.memory_space<vmem>>, vector<16xi32>,
      %get3A_334 = arith.constant 48 : index
      %get3A_335 = tpu.vector_load %arg7[%get3A_334] {strides = array<i32>} : memref<128xf32, #tpu.memory_space<vmem>>, vector<16xf32>,
      %mul3A_336 = arith.constant 1.280000e+02 : f32
      %mul3A_337 = vector.broadcast %mul3A_336 : f32 to vector<16xf32>
      %mul3A_338 = arith.mulf %get3A_335, %mul3A_337 : vector<16xf32>
      %sub3A_339 = arith.constant 1.024000e+03 : f32
      %sub3A_340 = vector.broadcast %sub3A_339 : f32 to vector<16xf32>
      %sub3A_341 = arith.subf %sub3A_340, %mul3A_338 : vector<16xf32>
      %parallel_loop3A_342 = arith.constant 0 : i32
      %parallel_loop3A_343 = arith.constant 128 : i32
      %parallel_loop3A_344 = arith.constant 1 : i32
      scf.for %parallel_loop3A_546 = %parallel_loop3A_342 to %parallel_loop3A_343 step %parallel_loop3A_344  : i32 {
        %parallel_loop3A_547 = arith.constant 0 : i32
        %parallel_loop3A_548 = tpu.memref_slice %arg9[%parallel_loop3A_546, %parallel_loop3A_547] : memref<128x128xf32, #tpu.memory_space<vmem>> -> memref<1x128xf32, #tpu.memory_space<vmem>>
        %parallel_loop3A_549 = tpu.memref_squeeze %parallel_loop3A_548 : memref<1x128xf32, #tpu.memory_space<vmem>> -> memref<128xf32, #tpu.memory_space<vmem>>
        %parallel_loop3A_550 = tpu.vector_load_idx %parallel_loop3A_549[%get3A_333] : memref<128xf32, #tpu.memory_space<vmem>>[vector<16xi32>], vector<16xf32>,
        %parallel_loop3A_551 = arith.constant 1.280000e+02 : f32
        %parallel_loop3A_552 = vector.broadcast %parallel_loop3A_551 : f32 to vector<16xf32>
        %parallel_loop3A_553 = arith.mulf %parallel_loop3A_550, %parallel_loop3A_552 : vector<16xf32>
        %parallel_loop3A_554 = arith.addf %parallel_loop3A_553, %sub3A_341 : vector<16xf32>
        %parallel_loop3A_555 = arith.constant 0.000000e+00 : f32
        %parallel_loop3A_556 = vector.broadcast %parallel_loop3A_555 : f32 to vector<16xf32>
        %parallel_loop3A_557 = arith.maximumf %parallel_loop3A_554, %parallel_loop3A_556 : vector<16xf32>
        %parallel_loop3A_558 = arith.constant 2.047000e+03 : f32
        %parallel_loop3A_559 = vector.broadcast %parallel_loop3A_558 : f32 to vector<16xf32>
        %parallel_loop3A_560 = arith.minimumf %parallel_loop3A_557, %parallel_loop3A_559 : vector<16xf32>
        %parallel_loop3A_561 = arith.fptosi %parallel_loop3A_560 : vector<16xf32> to vector<16xi32>
        %parallel_loop3A_562 = tpu.vector_load_idx %arg8[%parallel_loop3A_561] : memref<2048xf32, #tpu.memory_space<vmem>>[vector<16xi32>], vector<16xf32>,
        %parallel_loop3A_563 = arith.index_cast %parallel_loop3A_546 : i32 to index
        %parallel_loop3A_564 = arith.constant 48 : index
        %parallel_loop3A_565 = tpu.vector_load %arg11[%parallel_loop3A_563, %parallel_loop3A_564] {strides = array<i32>} : memref<128x128xf32, #tpu.memory_space<vmem>>, vector<16xf32>,
        tpu.vector_store %arg11[%parallel_loop3A_563, %parallel_loop3A_564], %parallel_loop3A_562 {strides = array<i32>} : memref<128x128xf32, #tpu.memory_space<vmem>>, vector<16xf32>,
      } {sc.loop_unroll_factor = 4 : i64, sc.parallel_access}
      %get3A_345 = arith.constant 64 : index
      %get3A_346 = tpu.vector_load %arg6[%get3A_345] {strides = array<i32>} : memref<128xi32, #tpu.memory_space<vmem>>, vector<16xi32>,
      %get3A_347 = arith.constant 64 : index
      %get3A_348 = tpu.vector_load %arg7[%get3A_347] {strides = array<i32>} : memref<128xf32, #tpu.memory_space<vmem>>, vector<16xf32>,
      %mul3A_349 = arith.constant 1.280000e+02 : f32
      %mul3A_350 = vector.broadcast %mul3A_349 : f32 to vector<16xf32>
      %mul3A_351 = arith.mulf %get3A_348, %mul3A_350 : vector<16xf32>
      %sub3A_352 = arith.constant 1.024000e+03 : f32
      %sub3A_353 = vector.broadcast %sub3A_352 : f32 to vector<16xf32>
      %sub3A_354 = arith.subf %sub3A_353, %mul3A_351 : vector<16xf32>
      %parallel_loop3A_355 = arith.constant 0 : i32
      %parallel_loop3A_356 = arith.constant 128 : i32
      %parallel_loop3A_357 = arith.constant 1 : i32
      scf.for %parallel_loop3A_546 = %parallel_loop3A_355 to %parallel_loop3A_356 step %parallel_loop3A_357  : i32 {
        %parallel_loop3A_547 = arith.constant 0 : i32
        %parallel_loop3A_548 = tpu.memref_slice %arg9[%parallel_loop3A_546, %parallel_loop3A_547] : memref<128x128xf32, #tpu.memory_space<vmem>> -> memref<1x128xf32, #tpu.memory_space<vmem>>
        %parallel_loop3A_549 = tpu.memref_squeeze %parallel_loop3A_548 : memref<1x128xf32, #tpu.memory_space<vmem>> -> memref<128xf32, #tpu.memory_space<vmem>>
        %parallel_loop3A_550 = tpu.vector_load_idx %parallel_loop3A_549[%get3A_346] : memref<128xf32, #tpu.memory_space<vmem>>[vector<16xi32>], vector<16xf32>,
        %parallel_loop3A_551 = arith.constant 1.280000e+02 : f32
        %parallel_loop3A_552 = vector.broadcast %parallel_loop3A_551 : f32 to vector<16xf32>
        %parallel_loop3A_553 = arith.mulf %parallel_loop3A_550, %parallel_loop3A_552 : vector<16xf32>
        %parallel_loop3A_554 = arith.addf %parallel_loop3A_553, %sub3A_354 : vector<16xf32>
        %parallel_loop3A_555 = arith.constant 0.000000e+00 : f32
        %parallel_loop3A_556 = vector.broadcast %parallel_loop3A_555 : f32 to vector<16xf32>
        %parallel_loop3A_557 = arith.maximumf %parallel_loop3A_554, %parallel_loop3A_556 : vector<16xf32>
        %parallel_loop3A_558 = arith.constant 2.047000e+03 : f32
        %parallel_loop3A_559 = vector.broadcast %parallel_loop3A_558 : f32 to vector<16xf32>
        %parallel_loop3A_560 = arith.minimumf %parallel_loop3A_557, %parallel_loop3A_559 : vector<16xf32>
        %parallel_loop3A_561 = arith.fptosi %parallel_loop3A_560 : vector<16xf32> to vector<16xi32>
        %parallel_loop3A_562 = tpu.vector_load_idx %arg8[%parallel_loop3A_561] : memref<2048xf32, #tpu.memory_space<vmem>>[vector<16xi32>], vector<16xf32>,
        %parallel_loop3A_563 = arith.index_cast %parallel_loop3A_546 : i32 to index
        %parallel_loop3A_564 = arith.constant 64 : index
        %parallel_loop3A_565 = tpu.vector_load %arg11[%parallel_loop3A_563, %parallel_loop3A_564] {strides = array<i32>} : memref<128x128xf32, #tpu.memory_space<vmem>>, vector<16xf32>,
        tpu.vector_store %arg11[%parallel_loop3A_563, %parallel_loop3A_564], %parallel_loop3A_562 {strides = array<i32>} : memref<128x128xf32, #tpu.memory_space<vmem>>, vector<16xf32>,
      } {sc.loop_unroll_factor = 4 : i64, sc.parallel_access}
      %get3A_358 = arith.constant 80 : index
      %get3A_359 = tpu.vector_load %arg6[%get3A_358] {strides = array<i32>} : memref<128xi32, #tpu.memory_space<vmem>>, vector<16xi32>,
      %get3A_360 = arith.constant 80 : index
      %get3A_361 = tpu.vector_load %arg7[%get3A_360] {strides = array<i32>} : memref<128xf32, #tpu.memory_space<vmem>>, vector<16xf32>,
      %mul3A_362 = arith.constant 1.280000e+02 : f32
      %mul3A_363 = vector.broadcast %mul3A_362 : f32 to vector<16xf32>
      %mul3A_364 = arith.mulf %get3A_361, %mul3A_363 : vector<16xf32>
      %sub3A_365 = arith.constant 1.024000e+03 : f32
      %sub3A_366 = vector.broadcast %sub3A_365 : f32 to vector<16xf32>
      %sub3A_367 = arith.subf %sub3A_366, %mul3A_364 : vector<16xf32>
      %parallel_loop3A_368 = arith.constant 0 : i32
      %parallel_loop3A_369 = arith.constant 128 : i32
      %parallel_loop3A_370 = arith.constant 1 : i32
      scf.for %parallel_loop3A_546 = %parallel_loop3A_368 to %parallel_loop3A_369 step %parallel_loop3A_370  : i32 {
        %parallel_loop3A_547 = arith.constant 0 : i32
        %parallel_loop3A_548 = tpu.memref_slice %arg9[%parallel_loop3A_546, %parallel_loop3A_547] : memref<128x128xf32, #tpu.memory_space<vmem>> -> memref<1x128xf32, #tpu.memory_space<vmem>>
        %parallel_loop3A_549 = tpu.memref_squeeze %parallel_loop3A_548 : memref<1x128xf32, #tpu.memory_space<vmem>> -> memref<128xf32, #tpu.memory_space<vmem>>
        %parallel_loop3A_550 = tpu.vector_load_idx %parallel_loop3A_549[%get3A_359] : memref<128xf32, #tpu.memory_space<vmem>>[vector<16xi32>], vector<16xf32>,
        %parallel_loop3A_551 = arith.constant 1.280000e+02 : f32
        %parallel_loop3A_552 = vector.broadcast %parallel_loop3A_551 : f32 to vector<16xf32>
        %parallel_loop3A_553 = arith.mulf %parallel_loop3A_550, %parallel_loop3A_552 : vector<16xf32>
        %parallel_loop3A_554 = arith.addf %parallel_loop3A_553, %sub3A_367 : vector<16xf32>
        %parallel_loop3A_555 = arith.constant 0.000000e+00 : f32
        %parallel_loop3A_556 = vector.broadcast %parallel_loop3A_555 : f32 to vector<16xf32>
        %parallel_loop3A_557 = arith.maximumf %parallel_loop3A_554, %parallel_loop3A_556 : vector<16xf32>
        %parallel_loop3A_558 = arith.constant 2.047000e+03 : f32
        %parallel_loop3A_559 = vector.broadcast %parallel_loop3A_558 : f32 to vector<16xf32>
        %parallel_loop3A_560 = arith.minimumf %parallel_loop3A_557, %parallel_loop3A_559 : vector<16xf32>
        %parallel_loop3A_561 = arith.fptosi %parallel_loop3A_560 : vector<16xf32> to vector<16xi32>
        %parallel_loop3A_562 = tpu.vector_load_idx %arg8[%parallel_loop3A_561] : memref<2048xf32, #tpu.memory_space<vmem>>[vector<16xi32>], vector<16xf32>,
        %parallel_loop3A_563 = arith.index_cast %parallel_loop3A_546 : i32 to index
        %parallel_loop3A_564 = arith.constant 80 : index
        %parallel_loop3A_565 = tpu.vector_load %arg11[%parallel_loop3A_563, %parallel_loop3A_564] {strides = array<i32>} : memref<128x128xf32, #tpu.memory_space<vmem>>, vector<16xf32>,
        tpu.vector_store %arg11[%parallel_loop3A_563, %parallel_loop3A_564], %parallel_loop3A_562 {strides = array<i32>} : memref<128x128xf32, #tpu.memory_space<vmem>>, vector<16xf32>,
      } {sc.loop_unroll_factor = 4 : i64, sc.parallel_access}
      %get3A_371 = arith.constant 96 : index
      %get3A_372 = tpu.vector_load %arg6[%get3A_371] {strides = array<i32>} : memref<128xi32, #tpu.memory_space<vmem>>, vector<16xi32>,
      %get3A_373 = arith.constant 96 : index
      %get3A_374 = tpu.vector_load %arg7[%get3A_373] {strides = array<i32>} : memref<128xf32, #tpu.memory_space<vmem>>, vector<16xf32>,
      %mul3A_375 = arith.constant 1.280000e+02 : f32
      %mul3A_376 = vector.broadcast %mul3A_375 : f32 to vector<16xf32>
      %mul3A_377 = arith.mulf %get3A_374, %mul3A_376 : vector<16xf32>
      %sub3A_378 = arith.constant 1.024000e+03 : f32
      %sub3A_379 = vector.broadcast %sub3A_378 : f32 to vector<16xf32>
      %sub3A_380 = arith.subf %sub3A_379, %mul3A_377 : vector<16xf32>
      %parallel_loop3A_381 = arith.constant 0 : i32
      %parallel_loop3A_382 = arith.constant 128 : i32
      %parallel_loop3A_383 = arith.constant 1 : i32
      scf.for %parallel_loop3A_546 = %parallel_loop3A_381 to %parallel_loop3A_382 step %parallel_loop3A_383  : i32 {
        %parallel_loop3A_547 = arith.constant 0 : i32
        %parallel_loop3A_548 = tpu.memref_slice %arg9[%parallel_loop3A_546, %parallel_loop3A_547] : memref<128x128xf32, #tpu.memory_space<vmem>> -> memref<1x128xf32, #tpu.memory_space<vmem>>
        %parallel_loop3A_549 = tpu.memref_squeeze %parallel_loop3A_548 : memref<1x128xf32, #tpu.memory_space<vmem>> -> memref<128xf32, #tpu.memory_space<vmem>>
        %parallel_loop3A_550 = tpu.vector_load_idx %parallel_loop3A_549[%get3A_372] : memref<128xf32, #tpu.memory_space<vmem>>[vector<16xi32>], vector<16xf32>,
        %parallel_loop3A_551 = arith.constant 1.280000e+02 : f32
        %parallel_loop3A_552 = vector.broadcast %parallel_loop3A_551 : f32 to vector<16xf32>
        %parallel_loop3A_553 = arith.mulf %parallel_loop3A_550, %parallel_loop3A_552 : vector<16xf32>
        %parallel_loop3A_554 = arith.addf %parallel_loop3A_553, %sub3A_380 : vector<16xf32>
        %parallel_loop3A_555 = arith.constant 0.000000e+00 : f32
        %parallel_loop3A_556 = vector.broadcast %parallel_loop3A_555 : f32 to vector<16xf32>
        %parallel_loop3A_557 = arith.maximumf %parallel_loop3A_554, %parallel_loop3A_556 : vector<16xf32>
        %parallel_loop3A_558 = arith.constant 2.047000e+03 : f32
        %parallel_loop3A_559 = vector.broadcast %parallel_loop3A_558 : f32 to vector<16xf32>
        %parallel_loop3A_560 = arith.minimumf %parallel_loop3A_557, %parallel_loop3A_559 : vector<16xf32>
        %parallel_loop3A_561 = arith.fptosi %parallel_loop3A_560 : vector<16xf32> to vector<16xi32>
        %parallel_loop3A_562 = tpu.vector_load_idx %arg8[%parallel_loop3A_561] : memref<2048xf32, #tpu.memory_space<vmem>>[vector<16xi32>], vector<16xf32>,
        %parallel_loop3A_563 = arith.index_cast %parallel_loop3A_546 : i32 to index
        %parallel_loop3A_564 = arith.constant 96 : index
        %parallel_loop3A_565 = tpu.vector_load %arg11[%parallel_loop3A_563, %parallel_loop3A_564] {strides = array<i32>} : memref<128x128xf32, #tpu.memory_space<vmem>>, vector<16xf32>,
        tpu.vector_store %arg11[%parallel_loop3A_563, %parallel_loop3A_564], %parallel_loop3A_562 {strides = array<i32>} : memref<128x128xf32, #tpu.memory_space<vmem>>, vector<16xf32>,
      } {sc.loop_unroll_factor = 4 : i64, sc.parallel_access}
      %get3A_384 = arith.constant 112 : index
      %get3A_385 = tpu.vector_load %arg6[%get3A_384] {strides = array<i32>} : memref<128xi32, #tpu.memory_space<vmem>>, vector<16xi32>,
      %get3A_386 = arith.constant 112 : index
      %get3A_387 = tpu.vector_load %arg7[%get3A_386] {strides = array<i32>} : memref<128xf32, #tpu.memory_space<vmem>>, vector<16xf32>,
      %mul3A_388 = arith.constant 1.280000e+02 : f32
      %mul3A_389 = vector.broadcast %mul3A_388 : f32 to vector<16xf32>
      %mul3A_390 = arith.mulf %get3A_387, %mul3A_389 : vector<16xf32>
      %sub3A_391 = arith.constant 1.024000e+03 : f32
      %sub3A_392 = vector.broadcast %sub3A_391 : f32 to vector<16xf32>
      %sub3A_393 = arith.subf %sub3A_392, %mul3A_390 : vector<16xf32>
      %parallel_loop3A_394 = arith.constant 0 : i32
      %parallel_loop3A_395 = arith.constant 128 : i32
      %parallel_loop3A_396 = arith.constant 1 : i32
      scf.for %parallel_loop3A_546 = %parallel_loop3A_394 to %parallel_loop3A_395 step %parallel_loop3A_396  : i32 {
        %parallel_loop3A_547 = arith.constant 0 : i32
        %parallel_loop3A_548 = tpu.memref_slice %arg9[%parallel_loop3A_546, %parallel_loop3A_547] : memref<128x128xf32, #tpu.memory_space<vmem>> -> memref<1x128xf32, #tpu.memory_space<vmem>>
        %parallel_loop3A_549 = tpu.memref_squeeze %parallel_loop3A_548 : memref<1x128xf32, #tpu.memory_space<vmem>> -> memref<128xf32, #tpu.memory_space<vmem>>
        %parallel_loop3A_550 = tpu.vector_load_idx %parallel_loop3A_549[%get3A_385] : memref<128xf32, #tpu.memory_space<vmem>>[vector<16xi32>], vector<16xf32>,
        %parallel_loop3A_551 = arith.constant 1.280000e+02 : f32
        %parallel_loop3A_552 = vector.broadcast %parallel_loop3A_551 : f32 to vector<16xf32>
        %parallel_loop3A_553 = arith.mulf %parallel_loop3A_550, %parallel_loop3A_552 : vector<16xf32>
        %parallel_loop3A_554 = arith.addf %parallel_loop3A_553, %sub3A_393 : vector<16xf32>
        %parallel_loop3A_555 = arith.constant 0.000000e+00 : f32
        %parallel_loop3A_556 = vector.broadcast %parallel_loop3A_555 : f32 to vector<16xf32>
        %parallel_loop3A_557 = arith.maximumf %parallel_loop3A_554, %parallel_loop3A_556 : vector<16xf32>
        %parallel_loop3A_558 = arith.constant 2.047000e+03 : f32
        %parallel_loop3A_559 = vector.broadcast %parallel_loop3A_558 : f32 to vector<16xf32>
        %parallel_loop3A_560 = arith.minimumf %parallel_loop3A_557, %parallel_loop3A_559 : vector<16xf32>
        %parallel_loop3A_561 = arith.fptosi %parallel_loop3A_560 : vector<16xf32> to vector<16xi32>
        %parallel_loop3A_562 = tpu.vector_load_idx %arg8[%parallel_loop3A_561] : memref<2048xf32, #tpu.memory_space<vmem>>[vector<16xi32>], vector<16xf32>,
        %parallel_loop3A_563 = arith.index_cast %parallel_loop3A_546 : i32 to index
        %parallel_loop3A_564 = arith.constant 112 : index
        %parallel_loop3A_565 = tpu.vector_load %arg11[%parallel_loop3A_563, %parallel_loop3A_564] {strides = array<i32>} : memref<128x128xf32, #tpu.memory_space<vmem>>, vector<16xf32>,
        tpu.vector_store %arg11[%parallel_loop3A_563, %parallel_loop3A_564], %parallel_loop3A_562 {strides = array<i32>} : memref<128x128xf32, #tpu.memory_space<vmem>>, vector<16xf32>,
      } {sc.loop_unroll_factor = 4 : i64, sc.parallel_access}
      %mul3A_397 = arith.constant 128 : i32
      %mul3A_398 = arith.muli %mul3A_278, %mul3A_397 : i32
      %add3A_399 = arith.addi %mul3A_2, %mul3A_398 : i32
      %dma_start3A_400 = arith.constant 0 : i32
      %dma_start3A_401 = tpu.memref_slice %arg5[%add3A_399, %dma_start3A_400] : memref<65536x128xf32, #tpu.memory_space<hbm>> -> memref<128x128xf32, #tpu.memory_space<hbm>>
      %dma_start3A_402 = arith.constant 0 : i32
      %dma_start3A_403 = tpu.memref_slice %arg5[%add3A_399, %dma_start3A_402] : memref<65536x128xf32, #tpu.memory_space<hbm>> -> memref<128x128xf32, #tpu.memory_space<hbm>>
      tpu.enqueue_dma source(%arg11 : memref<128x128xf32, #tpu.memory_space<vmem>>) target(%dma_start3A_403 : memref<128x128xf32, #tpu.memory_space<hbm>>) target_semaphore(%arg15 : memref<!tpu.dma_semaphore, #tpu.memory_space<semaphore_mem>>)
      %add3A_404 = arith.constant 2 : i32
      %add3A_405 = arith.addi %mul3A_278, %add3A_404 : i32
      %lt3A = arith.constant 16 : i32
      %lt3A_406 = arith.cmpi slt, %add3A_405, %lt3A : i32
      %convert_element_type3A_407 = arith.extui %lt3A_406 : i1 to i32
      %cond3A = arith.constant 0 : i32
      %cond3A_408 = arith.cmpi ne, %convert_element_type3A_407, %cond3A : i32
      scf.if %cond3A_408 {
        %add3A_546 = arith.constant 2 : i32
        %add3A_547 = arith.addi %mul3A_278, %add3A_546 : i32
        %mul3A_548 = arith.constant 128 : i32
        %mul3A_549 = arith.muli %add3A_547, %mul3A_548 : i32
        %add3A_550 = arith.addi %mul3A_2, %mul3A_549 : i32
        %dma_start3A_551 = arith.constant 0 : i32
        %dma_start3A_552 = tpu.memref_slice %arg2[%add3A_550, %dma_start3A_551] : memref<65536x128xf32, #tpu.memory_space<hbm>> -> memref<128x128xf32, #tpu.memory_space<hbm>>
        %dma_start3A_553 = arith.constant 0 : i32
        %dma_start3A_554 = tpu.memref_slice %arg2[%add3A_550, %dma_start3A_553] : memref<65536x128xf32, #tpu.memory_space<hbm>> -> memref<128x128xf32, #tpu.memory_space<hbm>>
        tpu.enqueue_dma source(%dma_start3A_554 : memref<128x128xf32, #tpu.memory_space<hbm>>) target(%arg9 : memref<128x128xf32, #tpu.memory_space<vmem>>) target_semaphore(%arg13 : memref<!tpu.dma_semaphore, #tpu.memory_space<semaphore_mem>>)
      } else {
      }
      %mul3A_409 = arith.constant 2 : i32
      %mul3A_410 = arith.muli %mul3A_409, %scan3A_275 : i32
      %add3A_411 = arith.constant 1 : i32
      %add3A_412 = arith.addi %mul3A_410, %add3A_411 : i32
      %mul3A_413 = arith.constant 128 : i32
      %mul3A_414 = arith.muli %add3A_412, %mul3A_413 : i32
      %add3A_415 = arith.addi %mul3A_2, %mul3A_414 : i32
      %dma_wait3A_416 = arith.constant 0 : i32
      %dma_wait3A_417 = tpu.memref_slice %arg2[%add3A_415, %dma_wait3A_416] : memref<65536x128xf32, #tpu.memory_space<hbm>> -> memref<128x128xf32, #tpu.memory_space<hbm>>
      %dma_wait3A_418 = arith.constant 0 : i32
      %dma_wait3A_419 = tpu.memref_slice %arg2[%add3A_415, %dma_wait3A_418] : memref<65536x128xf32, #tpu.memory_space<hbm>> -> memref<128x128xf32, #tpu.memory_space<hbm>>
      tpu.wait_dma2 semaphore(%arg14 : memref<!tpu.dma_semaphore, #tpu.memory_space<semaphore_mem>>) src(%dma_wait3A_419 : memref<128x128xf32, #tpu.memory_space<hbm>>) dst(%arg10 : memref<128x128xf32, #tpu.memory_space<vmem>>)
      %mul3A_420 = arith.constant 128 : i32
      %mul3A_421 = arith.muli %add3A_412, %mul3A_420 : i32
      %add3A_422 = arith.addi %mul3A_2, %mul3A_421 : i32
      %dma_wait3A_423 = arith.constant 0 : i32
      %dma_wait3A_424 = tpu.memref_slice %arg5[%add3A_422, %dma_wait3A_423] : memref<65536x128xf32, #tpu.memory_space<hbm>> -> memref<128x128xf32, #tpu.memory_space<hbm>>
      %dma_wait3A_425 = arith.constant 0 : i32
      %dma_wait3A_426 = tpu.memref_slice %arg5[%add3A_422, %dma_wait3A_425] : memref<65536x128xf32, #tpu.memory_space<hbm>> -> memref<128x128xf32, #tpu.memory_space<hbm>>
      tpu.wait_dma2 semaphore(%arg16 : memref<!tpu.dma_semaphore, #tpu.memory_space<semaphore_mem>>) src(%arg12 : memref<128x128xf32, #tpu.memory_space<vmem>>) dst(%dma_wait3A_426 : memref<128x128xf32, #tpu.memory_space<hbm>>)
      %get3A_427 = arith.constant 0 : index
      %get3A_428 = tpu.vector_load %arg6[%get3A_427] {strides = array<i32>} : memref<128xi32, #tpu.memory_space<vmem>>, vector<16xi32>,
      %get3A_429 = arith.constant 0 : index
      %get3A_430 = tpu.vector_load %arg7[%get3A_429] {strides = array<i32>} : memref<128xf32, #tpu.memory_space<vmem>>, vector<16xf32>,
      %mul3A_431 = arith.constant 1.280000e+02 : f32
      %mul3A_432 = vector.broadcast %mul3A_431 : f32 to vector<16xf32>
      %mul3A_433 = arith.mulf %get3A_430, %mul3A_432 : vector<16xf32>
      %sub3A_434 = arith.constant 1.024000e+03 : f32
      %sub3A_435 = vector.broadcast %sub3A_434 : f32 to vector<16xf32>
      %sub3A_436 = arith.subf %sub3A_435, %mul3A_433 : vector<16xf32>
      %parallel_loop3A_437 = arith.constant 0 : i32
      %parallel_loop3A_438 = arith.constant 128 : i32
      %parallel_loop3A_439 = arith.constant 1 : i32
      scf.for %parallel_loop3A_546 = %parallel_loop3A_437 to %parallel_loop3A_438 step %parallel_loop3A_439  : i32 {
        %parallel_loop3A_547 = arith.constant 0 : i32
        %parallel_loop3A_548 = tpu.memref_slice %arg10[%parallel_loop3A_546, %parallel_loop3A_547] : memref<128x128xf32, #tpu.memory_space<vmem>> -> memref<1x128xf32, #tpu.memory_space<vmem>>
        %parallel_loop3A_549 = tpu.memref_squeeze %parallel_loop3A_548 : memref<1x128xf32, #tpu.memory_space<vmem>> -> memref<128xf32, #tpu.memory_space<vmem>>
        %parallel_loop3A_550 = tpu.vector_load_idx %parallel_loop3A_549[%get3A_428] : memref<128xf32, #tpu.memory_space<vmem>>[vector<16xi32>], vector<16xf32>,
        %parallel_loop3A_551 = arith.constant 1.280000e+02 : f32
        %parallel_loop3A_552 = vector.broadcast %parallel_loop3A_551 : f32 to vector<16xf32>
        %parallel_loop3A_553 = arith.mulf %parallel_loop3A_550, %parallel_loop3A_552 : vector<16xf32>
        %parallel_loop3A_554 = arith.addf %parallel_loop3A_553, %sub3A_436 : vector<16xf32>
        %parallel_loop3A_555 = arith.constant 0.000000e+00 : f32
        %parallel_loop3A_556 = vector.broadcast %parallel_loop3A_555 : f32 to vector<16xf32>
        %parallel_loop3A_557 = arith.maximumf %parallel_loop3A_554, %parallel_loop3A_556 : vector<16xf32>
        %parallel_loop3A_558 = arith.constant 2.047000e+03 : f32
        %parallel_loop3A_559 = vector.broadcast %parallel_loop3A_558 : f32 to vector<16xf32>
        %parallel_loop3A_560 = arith.minimumf %parallel_loop3A_557, %parallel_loop3A_559 : vector<16xf32>
        %parallel_loop3A_561 = arith.fptosi %parallel_loop3A_560 : vector<16xf32> to vector<16xi32>
        %parallel_loop3A_562 = tpu.vector_load_idx %arg8[%parallel_loop3A_561] : memref<2048xf32, #tpu.memory_space<vmem>>[vector<16xi32>], vector<16xf32>,
        %parallel_loop3A_563 = arith.index_cast %parallel_loop3A_546 : i32 to index
        %parallel_loop3A_564 = arith.constant 0 : index
        %parallel_loop3A_565 = tpu.vector_load %arg12[%parallel_loop3A_563, %parallel_loop3A_564] {strides = array<i32>} : memref<128x128xf32, #tpu.memory_space<vmem>>, vector<16xf32>,
        tpu.vector_store %arg12[%parallel_loop3A_563, %parallel_loop3A_564], %parallel_loop3A_562 {strides = array<i32>} : memref<128x128xf32, #tpu.memory_space<vmem>>, vector<16xf32>,
      } {sc.loop_unroll_factor = 4 : i64, sc.parallel_access}
      %get3A_440 = arith.constant 16 : index
      %get3A_441 = tpu.vector_load %arg6[%get3A_440] {strides = array<i32>} : memref<128xi32, #tpu.memory_space<vmem>>, vector<16xi32>,
      %get3A_442 = arith.constant 16 : index
      %get3A_443 = tpu.vector_load %arg7[%get3A_442] {strides = array<i32>} : memref<128xf32, #tpu.memory_space<vmem>>, vector<16xf32>,
      %mul3A_444 = arith.constant 1.280000e+02 : f32
      %mul3A_445 = vector.broadcast %mul3A_444 : f32 to vector<16xf32>
      %mul3A_446 = arith.mulf %get3A_443, %mul3A_445 : vector<16xf32>
      %sub3A_447 = arith.constant 1.024000e+03 : f32
      %sub3A_448 = vector.broadcast %sub3A_447 : f32 to vector<16xf32>
      %sub3A_449 = arith.subf %sub3A_448, %mul3A_446 : vector<16xf32>
      %parallel_loop3A_450 = arith.constant 0 : i32
      %parallel_loop3A_451 = arith.constant 128 : i32
      %parallel_loop3A_452 = arith.constant 1 : i32
      scf.for %parallel_loop3A_546 = %parallel_loop3A_450 to %parallel_loop3A_451 step %parallel_loop3A_452  : i32 {
        %parallel_loop3A_547 = arith.constant 0 : i32
        %parallel_loop3A_548 = tpu.memref_slice %arg10[%parallel_loop3A_546, %parallel_loop3A_547] : memref<128x128xf32, #tpu.memory_space<vmem>> -> memref<1x128xf32, #tpu.memory_space<vmem>>
        %parallel_loop3A_549 = tpu.memref_squeeze %parallel_loop3A_548 : memref<1x128xf32, #tpu.memory_space<vmem>> -> memref<128xf32, #tpu.memory_space<vmem>>
        %parallel_loop3A_550 = tpu.vector_load_idx %parallel_loop3A_549[%get3A_441] : memref<128xf32, #tpu.memory_space<vmem>>[vector<16xi32>], vector<16xf32>,
        %parallel_loop3A_551 = arith.constant 1.280000e+02 : f32
        %parallel_loop3A_552 = vector.broadcast %parallel_loop3A_551 : f32 to vector<16xf32>
        %parallel_loop3A_553 = arith.mulf %parallel_loop3A_550, %parallel_loop3A_552 : vector<16xf32>
        %parallel_loop3A_554 = arith.addf %parallel_loop3A_553, %sub3A_449 : vector<16xf32>
        %parallel_loop3A_555 = arith.constant 0.000000e+00 : f32
        %parallel_loop3A_556 = vector.broadcast %parallel_loop3A_555 : f32 to vector<16xf32>
        %parallel_loop3A_557 = arith.maximumf %parallel_loop3A_554, %parallel_loop3A_556 : vector<16xf32>
        %parallel_loop3A_558 = arith.constant 2.047000e+03 : f32
        %parallel_loop3A_559 = vector.broadcast %parallel_loop3A_558 : f32 to vector<16xf32>
        %parallel_loop3A_560 = arith.minimumf %parallel_loop3A_557, %parallel_loop3A_559 : vector<16xf32>
        %parallel_loop3A_561 = arith.fptosi %parallel_loop3A_560 : vector<16xf32> to vector<16xi32>
        %parallel_loop3A_562 = tpu.vector_load_idx %arg8[%parallel_loop3A_561] : memref<2048xf32, #tpu.memory_space<vmem>>[vector<16xi32>], vector<16xf32>,
        %parallel_loop3A_563 = arith.index_cast %parallel_loop3A_546 : i32 to index
        %parallel_loop3A_564 = arith.constant 16 : index
        %parallel_loop3A_565 = tpu.vector_load %arg12[%parallel_loop3A_563, %parallel_loop3A_564] {strides = array<i32>} : memref<128x128xf32, #tpu.memory_space<vmem>>, vector<16xf32>,
        tpu.vector_store %arg12[%parallel_loop3A_563, %parallel_loop3A_564], %parallel_loop3A_562 {strides = array<i32>} : memref<128x128xf32, #tpu.memory_space<vmem>>, vector<16xf32>,
      } {sc.loop_unroll_factor = 4 : i64, sc.parallel_access}
      %get3A_453 = arith.constant 32 : index
      %get3A_454 = tpu.vector_load %arg6[%get3A_453] {strides = array<i32>} : memref<128xi32, #tpu.memory_space<vmem>>, vector<16xi32>,
      %get3A_455 = arith.constant 32 : index
      %get3A_456 = tpu.vector_load %arg7[%get3A_455] {strides = array<i32>} : memref<128xf32, #tpu.memory_space<vmem>>, vector<16xf32>,
      %mul3A_457 = arith.constant 1.280000e+02 : f32
      %mul3A_458 = vector.broadcast %mul3A_457 : f32 to vector<16xf32>
      %mul3A_459 = arith.mulf %get3A_456, %mul3A_458 : vector<16xf32>
      %sub3A_460 = arith.constant 1.024000e+03 : f32
      %sub3A_461 = vector.broadcast %sub3A_460 : f32 to vector<16xf32>
      %sub3A_462 = arith.subf %sub3A_461, %mul3A_459 : vector<16xf32>
      %parallel_loop3A_463 = arith.constant 0 : i32
      %parallel_loop3A_464 = arith.constant 128 : i32
      %parallel_loop3A_465 = arith.constant 1 : i32
      scf.for %parallel_loop3A_546 = %parallel_loop3A_463 to %parallel_loop3A_464 step %parallel_loop3A_465  : i32 {
        %parallel_loop3A_547 = arith.constant 0 : i32
        %parallel_loop3A_548 = tpu.memref_slice %arg10[%parallel_loop3A_546, %parallel_loop3A_547] : memref<128x128xf32, #tpu.memory_space<vmem>> -> memref<1x128xf32, #tpu.memory_space<vmem>>
        %parallel_loop3A_549 = tpu.memref_squeeze %parallel_loop3A_548 : memref<1x128xf32, #tpu.memory_space<vmem>> -> memref<128xf32, #tpu.memory_space<vmem>>
        %parallel_loop3A_550 = tpu.vector_load_idx %parallel_loop3A_549[%get3A_454] : memref<128xf32, #tpu.memory_space<vmem>>[vector<16xi32>], vector<16xf32>,
        %parallel_loop3A_551 = arith.constant 1.280000e+02 : f32
        %parallel_loop3A_552 = vector.broadcast %parallel_loop3A_551 : f32 to vector<16xf32>
        %parallel_loop3A_553 = arith.mulf %parallel_loop3A_550, %parallel_loop3A_552 : vector<16xf32>
        %parallel_loop3A_554 = arith.addf %parallel_loop3A_553, %sub3A_462 : vector<16xf32>
        %parallel_loop3A_555 = arith.constant 0.000000e+00 : f32
        %parallel_loop3A_556 = vector.broadcast %parallel_loop3A_555 : f32 to vector<16xf32>
        %parallel_loop3A_557 = arith.maximumf %parallel_loop3A_554, %parallel_loop3A_556 : vector<16xf32>
        %parallel_loop3A_558 = arith.constant 2.047000e+03 : f32
        %parallel_loop3A_559 = vector.broadcast %parallel_loop3A_558 : f32 to vector<16xf32>
        %parallel_loop3A_560 = arith.minimumf %parallel_loop3A_557, %parallel_loop3A_559 : vector<16xf32>
        %parallel_loop3A_561 = arith.fptosi %parallel_loop3A_560 : vector<16xf32> to vector<16xi32>
        %parallel_loop3A_562 = tpu.vector_load_idx %arg8[%parallel_loop3A_561] : memref<2048xf32, #tpu.memory_space<vmem>>[vector<16xi32>], vector<16xf32>,
        %parallel_loop3A_563 = arith.index_cast %parallel_loop3A_546 : i32 to index
        %parallel_loop3A_564 = arith.constant 32 : index
        %parallel_loop3A_565 = tpu.vector_load %arg12[%parallel_loop3A_563, %parallel_loop3A_564] {strides = array<i32>} : memref<128x128xf32, #tpu.memory_space<vmem>>, vector<16xf32>,
        tpu.vector_store %arg12[%parallel_loop3A_563, %parallel_loop3A_564], %parallel_loop3A_562 {strides = array<i32>} : memref<128x128xf32, #tpu.memory_space<vmem>>, vector<16xf32>,
      } {sc.loop_unroll_factor = 4 : i64, sc.parallel_access}
      %get3A_466 = arith.constant 48 : index
      %get3A_467 = tpu.vector_load %arg6[%get3A_466] {strides = array<i32>} : memref<128xi32, #tpu.memory_space<vmem>>, vector<16xi32>,
      %get3A_468 = arith.constant 48 : index
      %get3A_469 = tpu.vector_load %arg7[%get3A_468] {strides = array<i32>} : memref<128xf32, #tpu.memory_space<vmem>>, vector<16xf32>,
      %mul3A_470 = arith.constant 1.280000e+02 : f32
      %mul3A_471 = vector.broadcast %mul3A_470 : f32 to vector<16xf32>
      %mul3A_472 = arith.mulf %get3A_469, %mul3A_471 : vector<16xf32>
      %sub3A_473 = arith.constant 1.024000e+03 : f32
      %sub3A_474 = vector.broadcast %sub3A_473 : f32 to vector<16xf32>
      %sub3A_475 = arith.subf %sub3A_474, %mul3A_472 : vector<16xf32>
      %parallel_loop3A_476 = arith.constant 0 : i32
      %parallel_loop3A_477 = arith.constant 128 : i32
      %parallel_loop3A_478 = arith.constant 1 : i32
      scf.for %parallel_loop3A_546 = %parallel_loop3A_476 to %parallel_loop3A_477 step %parallel_loop3A_478  : i32 {
        %parallel_loop3A_547 = arith.constant 0 : i32
        %parallel_loop3A_548 = tpu.memref_slice %arg10[%parallel_loop3A_546, %parallel_loop3A_547] : memref<128x128xf32, #tpu.memory_space<vmem>> -> memref<1x128xf32, #tpu.memory_space<vmem>>
        %parallel_loop3A_549 = tpu.memref_squeeze %parallel_loop3A_548 : memref<1x128xf32, #tpu.memory_space<vmem>> -> memref<128xf32, #tpu.memory_space<vmem>>
        %parallel_loop3A_550 = tpu.vector_load_idx %parallel_loop3A_549[%get3A_467] : memref<128xf32, #tpu.memory_space<vmem>>[vector<16xi32>], vector<16xf32>,
        %parallel_loop3A_551 = arith.constant 1.280000e+02 : f32
        %parallel_loop3A_552 = vector.broadcast %parallel_loop3A_551 : f32 to vector<16xf32>
        %parallel_loop3A_553 = arith.mulf %parallel_loop3A_550, %parallel_loop3A_552 : vector<16xf32>
        %parallel_loop3A_554 = arith.addf %parallel_loop3A_553, %sub3A_475 : vector<16xf32>
        %parallel_loop3A_555 = arith.constant 0.000000e+00 : f32
        %parallel_loop3A_556 = vector.broadcast %parallel_loop3A_555 : f32 to vector<16xf32>
        %parallel_loop3A_557 = arith.maximumf %parallel_loop3A_554, %parallel_loop3A_556 : vector<16xf32>
        %parallel_loop3A_558 = arith.constant 2.047000e+03 : f32
        %parallel_loop3A_559 = vector.broadcast %parallel_loop3A_558 : f32 to vector<16xf32>
        %parallel_loop3A_560 = arith.minimumf %parallel_loop3A_557, %parallel_loop3A_559 : vector<16xf32>
        %parallel_loop3A_561 = arith.fptosi %parallel_loop3A_560 : vector<16xf32> to vector<16xi32>
        %parallel_loop3A_562 = tpu.vector_load_idx %arg8[%parallel_loop3A_561] : memref<2048xf32, #tpu.memory_space<vmem>>[vector<16xi32>], vector<16xf32>,
        %parallel_loop3A_563 = arith.index_cast %parallel_loop3A_546 : i32 to index
        %parallel_loop3A_564 = arith.constant 48 : index
        %parallel_loop3A_565 = tpu.vector_load %arg12[%parallel_loop3A_563, %parallel_loop3A_564] {strides = array<i32>} : memref<128x128xf32, #tpu.memory_space<vmem>>, vector<16xf32>,
        tpu.vector_store %arg12[%parallel_loop3A_563, %parallel_loop3A_564], %parallel_loop3A_562 {strides = array<i32>} : memref<128x128xf32, #tpu.memory_space<vmem>>, vector<16xf32>,
      } {sc.loop_unroll_factor = 4 : i64, sc.parallel_access}
      %get3A_479 = arith.constant 64 : index
      %get3A_480 = tpu.vector_load %arg6[%get3A_479] {strides = array<i32>} : memref<128xi32, #tpu.memory_space<vmem>>, vector<16xi32>,
      %get3A_481 = arith.constant 64 : index
      %get3A_482 = tpu.vector_load %arg7[%get3A_481] {strides = array<i32>} : memref<128xf32, #tpu.memory_space<vmem>>, vector<16xf32>,
      %mul3A_483 = arith.constant 1.280000e+02 : f32
      %mul3A_484 = vector.broadcast %mul3A_483 : f32 to vector<16xf32>
      %mul3A_485 = arith.mulf %get3A_482, %mul3A_484 : vector<16xf32>
      %sub3A_486 = arith.constant 1.024000e+03 : f32
      %sub3A_487 = vector.broadcast %sub3A_486 : f32 to vector<16xf32>
      %sub3A_488 = arith.subf %sub3A_487, %mul3A_485 : vector<16xf32>
      %parallel_loop3A_489 = arith.constant 0 : i32
      %parallel_loop3A_490 = arith.constant 128 : i32
      %parallel_loop3A_491 = arith.constant 1 : i32
      scf.for %parallel_loop3A_546 = %parallel_loop3A_489 to %parallel_loop3A_490 step %parallel_loop3A_491  : i32 {
        %parallel_loop3A_547 = arith.constant 0 : i32
        %parallel_loop3A_548 = tpu.memref_slice %arg10[%parallel_loop3A_546, %parallel_loop3A_547] : memref<128x128xf32, #tpu.memory_space<vmem>> -> memref<1x128xf32, #tpu.memory_space<vmem>>
        %parallel_loop3A_549 = tpu.memref_squeeze %parallel_loop3A_548 : memref<1x128xf32, #tpu.memory_space<vmem>> -> memref<128xf32, #tpu.memory_space<vmem>>
        %parallel_loop3A_550 = tpu.vector_load_idx %parallel_loop3A_549[%get3A_480] : memref<128xf32, #tpu.memory_space<vmem>>[vector<16xi32>], vector<16xf32>,
        %parallel_loop3A_551 = arith.constant 1.280000e+02 : f32
        %parallel_loop3A_552 = vector.broadcast %parallel_loop3A_551 : f32 to vector<16xf32>
        %parallel_loop3A_553 = arith.mulf %parallel_loop3A_550, %parallel_loop3A_552 : vector<16xf32>
        %parallel_loop3A_554 = arith.addf %parallel_loop3A_553, %sub3A_488 : vector<16xf32>
        %parallel_loop3A_555 = arith.constant 0.000000e+00 : f32
        %parallel_loop3A_556 = vector.broadcast %parallel_loop3A_555 : f32 to vector<16xf32>
        %parallel_loop3A_557 = arith.maximumf %parallel_loop3A_554, %parallel_loop3A_556 : vector<16xf32>
        %parallel_loop3A_558 = arith.constant 2.047000e+03 : f32
        %parallel_loop3A_559 = vector.broadcast %parallel_loop3A_558 : f32 to vector<16xf32>
        %parallel_loop3A_560 = arith.minimumf %parallel_loop3A_557, %parallel_loop3A_559 : vector<16xf32>
        %parallel_loop3A_561 = arith.fptosi %parallel_loop3A_560 : vector<16xf32> to vector<16xi32>
        %parallel_loop3A_562 = tpu.vector_load_idx %arg8[%parallel_loop3A_561] : memref<2048xf32, #tpu.memory_space<vmem>>[vector<16xi32>], vector<16xf32>,
        %parallel_loop3A_563 = arith.index_cast %parallel_loop3A_546 : i32 to index
        %parallel_loop3A_564 = arith.constant 64 : index
        %parallel_loop3A_565 = tpu.vector_load %arg12[%parallel_loop3A_563, %parallel_loop3A_564] {strides = array<i32>} : memref<128x128xf32, #tpu.memory_space<vmem>>, vector<16xf32>,
        tpu.vector_store %arg12[%parallel_loop3A_563, %parallel_loop3A_564], %parallel_loop3A_562 {strides = array<i32>} : memref<128x128xf32, #tpu.memory_space<vmem>>, vector<16xf32>,
      } {sc.loop_unroll_factor = 4 : i64, sc.parallel_access}
      %get3A_492 = arith.constant 80 : index
      %get3A_493 = tpu.vector_load %arg6[%get3A_492] {strides = array<i32>} : memref<128xi32, #tpu.memory_space<vmem>>, vector<16xi32>,
      %get3A_494 = arith.constant 80 : index
      %get3A_495 = tpu.vector_load %arg7[%get3A_494] {strides = array<i32>} : memref<128xf32, #tpu.memory_space<vmem>>, vector<16xf32>,
      %mul3A_496 = arith.constant 1.280000e+02 : f32
      %mul3A_497 = vector.broadcast %mul3A_496 : f32 to vector<16xf32>
      %mul3A_498 = arith.mulf %get3A_495, %mul3A_497 : vector<16xf32>
      %sub3A_499 = arith.constant 1.024000e+03 : f32
      %sub3A_500 = vector.broadcast %sub3A_499 : f32 to vector<16xf32>
      %sub3A_501 = arith.subf %sub3A_500, %mul3A_498 : vector<16xf32>
      %parallel_loop3A_502 = arith.constant 0 : i32
      %parallel_loop3A_503 = arith.constant 128 : i32
      %parallel_loop3A_504 = arith.constant 1 : i32
      scf.for %parallel_loop3A_546 = %parallel_loop3A_502 to %parallel_loop3A_503 step %parallel_loop3A_504  : i32 {
        %parallel_loop3A_547 = arith.constant 0 : i32
        %parallel_loop3A_548 = tpu.memref_slice %arg10[%parallel_loop3A_546, %parallel_loop3A_547] : memref<128x128xf32, #tpu.memory_space<vmem>> -> memref<1x128xf32, #tpu.memory_space<vmem>>
        %parallel_loop3A_549 = tpu.memref_squeeze %parallel_loop3A_548 : memref<1x128xf32, #tpu.memory_space<vmem>> -> memref<128xf32, #tpu.memory_space<vmem>>
        %parallel_loop3A_550 = tpu.vector_load_idx %parallel_loop3A_549[%get3A_493] : memref<128xf32, #tpu.memory_space<vmem>>[vector<16xi32>], vector<16xf32>,
        %parallel_loop3A_551 = arith.constant 1.280000e+02 : f32
        %parallel_loop3A_552 = vector.broadcast %parallel_loop3A_551 : f32 to vector<16xf32>
        %parallel_loop3A_553 = arith.mulf %parallel_loop3A_550, %parallel_loop3A_552 : vector<16xf32>
        %parallel_loop3A_554 = arith.addf %parallel_loop3A_553, %sub3A_501 : vector<16xf32>
        %parallel_loop3A_555 = arith.constant 0.000000e+00 : f32
        %parallel_loop3A_556 = vector.broadcast %parallel_loop3A_555 : f32 to vector<16xf32>
        %parallel_loop3A_557 = arith.maximumf %parallel_loop3A_554, %parallel_loop3A_556 : vector<16xf32>
        %parallel_loop3A_558 = arith.constant 2.047000e+03 : f32
        %parallel_loop3A_559 = vector.broadcast %parallel_loop3A_558 : f32 to vector<16xf32>
        %parallel_loop3A_560 = arith.minimumf %parallel_loop3A_557, %parallel_loop3A_559 : vector<16xf32>
        %parallel_loop3A_561 = arith.fptosi %parallel_loop3A_560 : vector<16xf32> to vector<16xi32>
        %parallel_loop3A_562 = tpu.vector_load_idx %arg8[%parallel_loop3A_561] : memref<2048xf32, #tpu.memory_space<vmem>>[vector<16xi32>], vector<16xf32>,
        %parallel_loop3A_563 = arith.index_cast %parallel_loop3A_546 : i32 to index
        %parallel_loop3A_564 = arith.constant 80 : index
        %parallel_loop3A_565 = tpu.vector_load %arg12[%parallel_loop3A_563, %parallel_loop3A_564] {strides = array<i32>} : memref<128x128xf32, #tpu.memory_space<vmem>>, vector<16xf32>,
        tpu.vector_store %arg12[%parallel_loop3A_563, %parallel_loop3A_564], %parallel_loop3A_562 {strides = array<i32>} : memref<128x128xf32, #tpu.memory_space<vmem>>, vector<16xf32>,
      } {sc.loop_unroll_factor = 4 : i64, sc.parallel_access}
      %get3A_505 = arith.constant 96 : index
      %get3A_506 = tpu.vector_load %arg6[%get3A_505] {strides = array<i32>} : memref<128xi32, #tpu.memory_space<vmem>>, vector<16xi32>,
      %get3A_507 = arith.constant 96 : index
      %get3A_508 = tpu.vector_load %arg7[%get3A_507] {strides = array<i32>} : memref<128xf32, #tpu.memory_space<vmem>>, vector<16xf32>,
      %mul3A_509 = arith.constant 1.280000e+02 : f32
      %mul3A_510 = vector.broadcast %mul3A_509 : f32 to vector<16xf32>
      %mul3A_511 = arith.mulf %get3A_508, %mul3A_510 : vector<16xf32>
      %sub3A_512 = arith.constant 1.024000e+03 : f32
      %sub3A_513 = vector.broadcast %sub3A_512 : f32 to vector<16xf32>
      %sub3A_514 = arith.subf %sub3A_513, %mul3A_511 : vector<16xf32>
      %parallel_loop3A_515 = arith.constant 0 : i32
      %parallel_loop3A_516 = arith.constant 128 : i32
      %parallel_loop3A_517 = arith.constant 1 : i32
      scf.for %parallel_loop3A_546 = %parallel_loop3A_515 to %parallel_loop3A_516 step %parallel_loop3A_517  : i32 {
        %parallel_loop3A_547 = arith.constant 0 : i32
        %parallel_loop3A_548 = tpu.memref_slice %arg10[%parallel_loop3A_546, %parallel_loop3A_547] : memref<128x128xf32, #tpu.memory_space<vmem>> -> memref<1x128xf32, #tpu.memory_space<vmem>>
        %parallel_loop3A_549 = tpu.memref_squeeze %parallel_loop3A_548 : memref<1x128xf32, #tpu.memory_space<vmem>> -> memref<128xf32, #tpu.memory_space<vmem>>
        %parallel_loop3A_550 = tpu.vector_load_idx %parallel_loop3A_549[%get3A_506] : memref<128xf32, #tpu.memory_space<vmem>>[vector<16xi32>], vector<16xf32>,
        %parallel_loop3A_551 = arith.constant 1.280000e+02 : f32
        %parallel_loop3A_552 = vector.broadcast %parallel_loop3A_551 : f32 to vector<16xf32>
        %parallel_loop3A_553 = arith.mulf %parallel_loop3A_550, %parallel_loop3A_552 : vector<16xf32>
        %parallel_loop3A_554 = arith.addf %parallel_loop3A_553, %sub3A_514 : vector<16xf32>
        %parallel_loop3A_555 = arith.constant 0.000000e+00 : f32
        %parallel_loop3A_556 = vector.broadcast %parallel_loop3A_555 : f32 to vector<16xf32>
        %parallel_loop3A_557 = arith.maximumf %parallel_loop3A_554, %parallel_loop3A_556 : vector<16xf32>
        %parallel_loop3A_558 = arith.constant 2.047000e+03 : f32
        %parallel_loop3A_559 = vector.broadcast %parallel_loop3A_558 : f32 to vector<16xf32>
        %parallel_loop3A_560 = arith.minimumf %parallel_loop3A_557, %parallel_loop3A_559 : vector<16xf32>
        %parallel_loop3A_561 = arith.fptosi %parallel_loop3A_560 : vector<16xf32> to vector<16xi32>
        %parallel_loop3A_562 = tpu.vector_load_idx %arg8[%parallel_loop3A_561] : memref<2048xf32, #tpu.memory_space<vmem>>[vector<16xi32>], vector<16xf32>,
        %parallel_loop3A_563 = arith.index_cast %parallel_loop3A_546 : i32 to index
        %parallel_loop3A_564 = arith.constant 96 : index
        %parallel_loop3A_565 = tpu.vector_load %arg12[%parallel_loop3A_563, %parallel_loop3A_564] {strides = array<i32>} : memref<128x128xf32, #tpu.memory_space<vmem>>, vector<16xf32>,
        tpu.vector_store %arg12[%parallel_loop3A_563, %parallel_loop3A_564], %parallel_loop3A_562 {strides = array<i32>} : memref<128x128xf32, #tpu.memory_space<vmem>>, vector<16xf32>,
      } {sc.loop_unroll_factor = 4 : i64, sc.parallel_access}
      %get3A_518 = arith.constant 112 : index
      %get3A_519 = tpu.vector_load %arg6[%get3A_518] {strides = array<i32>} : memref<128xi32, #tpu.memory_space<vmem>>, vector<16xi32>,
      %get3A_520 = arith.constant 112 : index
      %get3A_521 = tpu.vector_load %arg7[%get3A_520] {strides = array<i32>} : memref<128xf32, #tpu.memory_space<vmem>>, vector<16xf32>,
      %mul3A_522 = arith.constant 1.280000e+02 : f32
      %mul3A_523 = vector.broadcast %mul3A_522 : f32 to vector<16xf32>
      %mul3A_524 = arith.mulf %get3A_521, %mul3A_523 : vector<16xf32>
      %sub3A_525 = arith.constant 1.024000e+03 : f32
      %sub3A_526 = vector.broadcast %sub3A_525 : f32 to vector<16xf32>
      %sub3A_527 = arith.subf %sub3A_526, %mul3A_524 : vector<16xf32>
      %parallel_loop3A_528 = arith.constant 0 : i32
      %parallel_loop3A_529 = arith.constant 128 : i32
      %parallel_loop3A_530 = arith.constant 1 : i32
      scf.for %parallel_loop3A_546 = %parallel_loop3A_528 to %parallel_loop3A_529 step %parallel_loop3A_530  : i32 {
        %parallel_loop3A_547 = arith.constant 0 : i32
        %parallel_loop3A_548 = tpu.memref_slice %arg10[%parallel_loop3A_546, %parallel_loop3A_547] : memref<128x128xf32, #tpu.memory_space<vmem>> -> memref<1x128xf32, #tpu.memory_space<vmem>>
        %parallel_loop3A_549 = tpu.memref_squeeze %parallel_loop3A_548 : memref<1x128xf32, #tpu.memory_space<vmem>> -> memref<128xf32, #tpu.memory_space<vmem>>
        %parallel_loop3A_550 = tpu.vector_load_idx %parallel_loop3A_549[%get3A_519] : memref<128xf32, #tpu.memory_space<vmem>>[vector<16xi32>], vector<16xf32>,
        %parallel_loop3A_551 = arith.constant 1.280000e+02 : f32
        %parallel_loop3A_552 = vector.broadcast %parallel_loop3A_551 : f32 to vector<16xf32>
        %parallel_loop3A_553 = arith.mulf %parallel_loop3A_550, %parallel_loop3A_552 : vector<16xf32>
        %parallel_loop3A_554 = arith.addf %parallel_loop3A_553, %sub3A_527 : vector<16xf32>
        %parallel_loop3A_555 = arith.constant 0.000000e+00 : f32
        %parallel_loop3A_556 = vector.broadcast %parallel_loop3A_555 : f32 to vector<16xf32>
        %parallel_loop3A_557 = arith.maximumf %parallel_loop3A_554, %parallel_loop3A_556 : vector<16xf32>
        %parallel_loop3A_558 = arith.constant 2.047000e+03 : f32
        %parallel_loop3A_559 = vector.broadcast %parallel_loop3A_558 : f32 to vector<16xf32>
        %parallel_loop3A_560 = arith.minimumf %parallel_loop3A_557, %parallel_loop3A_559 : vector<16xf32>
        %parallel_loop3A_561 = arith.fptosi %parallel_loop3A_560 : vector<16xf32> to vector<16xi32>
        %parallel_loop3A_562 = tpu.vector_load_idx %arg8[%parallel_loop3A_561] : memref<2048xf32, #tpu.memory_space<vmem>>[vector<16xi32>], vector<16xf32>,
        %parallel_loop3A_563 = arith.index_cast %parallel_loop3A_546 : i32 to index
        %parallel_loop3A_564 = arith.constant 112 : index
        %parallel_loop3A_565 = tpu.vector_load %arg12[%parallel_loop3A_563, %parallel_loop3A_564] {strides = array<i32>} : memref<128x128xf32, #tpu.memory_space<vmem>>, vector<16xf32>,
        tpu.vector_store %arg12[%parallel_loop3A_563, %parallel_loop3A_564], %parallel_loop3A_562 {strides = array<i32>} : memref<128x128xf32, #tpu.memory_space<vmem>>, vector<16xf32>,
      } {sc.loop_unroll_factor = 4 : i64, sc.parallel_access}
      %mul3A_531 = arith.constant 128 : i32
      %mul3A_532 = arith.muli %add3A_412, %mul3A_531 : i32
      %add3A_533 = arith.addi %mul3A_2, %mul3A_532 : i32
      %dma_start3A_534 = arith.constant 0 : i32
      %dma_start3A_535 = tpu.memref_slice %arg5[%add3A_533, %dma_start3A_534] : memref<65536x128xf32, #tpu.memory_space<hbm>> -> memref<128x128xf32, #tpu.memory_space<hbm>>
      %dma_start3A_536 = arith.constant 0 : i32
      %dma_start3A_537 = tpu.memref_slice %arg5[%add3A_533, %dma_start3A_536] : memref<65536x128xf32, #tpu.memory_space<hbm>> -> memref<128x128xf32, #tpu.memory_space<hbm>>
      tpu.enqueue_dma source(%arg12 : memref<128x128xf32, #tpu.memory_space<vmem>>) target(%dma_start3A_537 : memref<128x128xf32, #tpu.memory_space<hbm>>) target_semaphore(%arg16 : memref<!tpu.dma_semaphore, #tpu.memory_space<semaphore_mem>>)
      %add3A_538 = arith.constant 2 : i32
      %add3A_539 = arith.addi %add3A_412, %add3A_538 : i32
      %lt3A_540 = arith.constant 16 : i32
      %lt3A_541 = arith.cmpi slt, %add3A_539, %lt3A_540 : i32
      %convert_element_type3A_542 = arith.extui %lt3A_541 : i1 to i32
      %cond3A_543 = arith.constant 0 : i32
      %cond3A_544 = arith.cmpi ne, %convert_element_type3A_542, %cond3A_543 : i32
      scf.if %cond3A_544 {
        %add3A_546 = arith.constant 2 : i32
        %add3A_547 = arith.addi %add3A_412, %add3A_546 : i32
        %mul3A_548 = arith.constant 128 : i32
        %mul3A_549 = arith.muli %add3A_547, %mul3A_548 : i32
        %add3A_550 = arith.addi %mul3A_2, %mul3A_549 : i32
        %dma_start3A_551 = arith.constant 0 : i32
        %dma_start3A_552 = tpu.memref_slice %arg2[%add3A_550, %dma_start3A_551] : memref<65536x128xf32, #tpu.memory_space<hbm>> -> memref<128x128xf32, #tpu.memory_space<hbm>>
        %dma_start3A_553 = arith.constant 0 : i32
        %dma_start3A_554 = tpu.memref_slice %arg2[%add3A_550, %dma_start3A_553] : memref<65536x128xf32, #tpu.memory_space<hbm>> -> memref<128x128xf32, #tpu.memory_space<hbm>>
        tpu.enqueue_dma source(%dma_start3A_554 : memref<128x128xf32, #tpu.memory_space<hbm>>) target(%arg10 : memref<128x128xf32, #tpu.memory_space<vmem>>) target_semaphore(%arg14 : memref<!tpu.dma_semaphore, #tpu.memory_space<semaphore_mem>>)
      } else {
      }
      %scan3A_545 = arith.constant 0 : i32
      scf.yield %scan3A_545 : i32
    }
    %scan3A_262 = arith.constant 7 : i32
    %add3A_263 = arith.constant 1792 : i32
    %add3A_264 = arith.addi %mul3A_2, %add3A_263 : i32
    %dma_wait3A_265 = arith.constant 0 : i32
    %dma_wait3A_266 = tpu.memref_slice %arg5[%add3A_264, %dma_wait3A_265] : memref<65536x128xf32, #tpu.memory_space<hbm>> -> memref<128x128xf32, #tpu.memory_space<hbm>>
    %dma_wait3A_267 = arith.constant 0 : i32
    %dma_wait3A_268 = tpu.memref_slice %arg5[%add3A_264, %dma_wait3A_267] : memref<65536x128xf32, #tpu.memory_space<hbm>> -> memref<128x128xf32, #tpu.memory_space<hbm>>
    tpu.wait_dma2 semaphore(%arg15 : memref<!tpu.dma_semaphore, #tpu.memory_space<semaphore_mem>>) src(%arg11 : memref<128x128xf32, #tpu.memory_space<vmem>>) dst(%dma_wait3A_268 : memref<128x128xf32, #tpu.memory_space<hbm>>)
    %add3A_269 = arith.constant 1920 : i32
    %add3A_270 = arith.addi %mul3A_2, %add3A_269 : i32
    %dma_wait3A_271 = arith.constant 0 : i32
    %dma_wait3A_272 = tpu.memref_slice %arg5[%add3A_270, %dma_wait3A_271] : memref<65536x128xf32, #tpu.memory_space<hbm>> -> memref<128x128xf32, #tpu.memory_space<hbm>>
    %dma_wait3A_273 = arith.constant 0 : i32
    %dma_wait3A_274 = tpu.memref_slice %arg5[%add3A_270, %dma_wait3A_273] : memref<65536x128xf32, #tpu.memory_space<hbm>> -> memref<128x128xf32, #tpu.memory_space<hbm>>
    tpu.wait_dma2 semaphore(%arg16 : memref<!tpu.dma_semaphore, #tpu.memory_space<semaphore_mem>>) src(%arg12 : memref<128x128xf32, #tpu.memory_space<vmem>>) dst(%dma_wait3A_274 : memref<128x128xf32, #tpu.memory_space<hbm>>)
    return
  }
}

</mosaic_0001>

<sc_bundles>
// kernel: kernel.3.cloned.1.call-start
scs
__scs_entry_jumppad:
0x0: {  	(pc) =	sbr.rel $0x88, $3  }
0x1: {  	(tag) =	ssettag $0x0;
	lr =	simm.s32 $0x1  }
0x2: {  	[smem:$0x3F9E] =	sst lr;
	_ =	strace $0xD0000000  }
0x3: {  	_ = 	snop  }
0x4: {  	_ = 	snop  }
0x5: {  	_ = 	snop  }
0x6: {  	_ = 	snop  }
0x7: {  	_ = 	snop  }
__scs_overlays_trampoline_lowered:
0x8: {  	[smem:$0x3FAD] =	sst s0  }
0x9: {  	[smem:$0x3FAE] =	sst s1  }
0xa: {  	[smem:$0x3FAF] =	sst s2  }
0xb: {  	[smem:$0x3FB0] =	sst s3  }
0xc: {  	[smem:$0x3FB1] =	sst s4  }
0xd: {  	[smem:$0x3FB2] =	sst s5  }
0xe: {  	[smem:$0x3FB3] =	sst s6  }
0xf: {  	[smem:$0x3FB4] =	sst s7  }
0x10: {  	[smem:$0x3FB5] =	sst s8  }
0x11: {  	[smem:$0x3FB6] =	sst s9;
	s0 =	simm.s32 @!p0 $0x0  }
0x12: {  	s1 =	sld [smem:$0x3F9C];
	s0 =	simm.s32 @p0 $0x1  }
0x13: {  	[smem:$0x3FB7] =	sst s0;
	s0 =	simm.s32 @!p1 $0x0  }
0x14: {  	s2 =	sld [smem:$0x3F9B];
	s0 =	simm.s32 @p1 $0x1  }
0x15: {  	[smem:$0x3FB8] =	sst s0;
	s0 =	simm.s32 @!p2 $0x0  }
0x16: {  	s3 =	sld [smem:$0x3FDB];
	s0 =	simm.s32 @p2 $0x1  }
0x17: {  	s4 =	simm.s32 $0x1BF5;
	[smem:$0x3FBA] =	sst s0  }
0x18: {  	s0 =	sld [smem:$0x3F9D];
	_ =	swait.ge [sflag:s4], $0x0  }
0x19: {  	s7 =	sld [smem:$0x3F9E]  }
0x1a: {  	s8 =	sadd.s32 $0xFFFFE003, lr  }
0x1b: {  	s9 =	sadd.s32 $0xFFFFFEF7, lr;
	s5 =	simm.s32 $0xFFFFFFFF;
	p2 =	slt.u32 s8, $0xFFFFF086  }
0x1c: {  	p1 =	slt.u32 s9, $0xF7A;
	s5 =	simm.s32 @!p2 $0x0  }
0x1d: {  	s5 =	simm.s32 @p1 $0x1;
	p0 =	seq.s32 s7, s2  }
0x1e: {  	s7 =	smul.u32 @!p0 $0xF7A, s2;
	p2 =	seq.s32 @!p0 s5, $0x0  }
0x1f: {  	s9 =	smul.u32 $0xF7A, s1;
	s8 =	simm.s32 @!p0 $0x1BF5;
	p2 =	por !p2, p0  }
0x20: {  	[sflag:s8] =	ssyncset.s32 @!p0 $0xFFFFF086;
	s6 =	sadd.s32 @!p0 s3, s7;
	s7 =	simm.s32 @!p0 $0x108  }
0x21: {  	s3 =	sadd.s32 s3, s9;
	s6 =	sadd.s32 @!p0 $0x88, s6;
	s7 =	simm.s32 @p2 $0x1082  }
0x22: {  	[simem:s7], [sflag:s8] =	dma.local @!p0 [hbm:s6], $0xF7A  }
0x23: {  	s9 =	sor.u32 $0xD0000000, s2;
	s6 =	simm.s32 $0x108;
	_ =	swait.ge @!p0 [sflag:s8], $0x0  }
0x24: {  	s3 =	sadd.s32 $0x88, s3;
	s6 =	simm.s32 @!p1 $0x1082;
	[sflag:s4] =	ssyncset.s32 $0xFFFFF086  }
0x25: {  	[simem:s6], [sflag:s4] =	dma.local [hbm:s3], $0xF7A  }
0x26: {  	[smem:$0x3F9E] =	sst s1;
	(tag) =	ssettag s2;
	_ =	strace s9  }
0x27: {  	s1 =	sld [smem:$0x3FAE]  }
0x28: {  	s2 =	sld [smem:$0x3FAF]  }
0x29: {  	s4 =	sld [smem:$0x3FB1]  }
0x2a: {  	p0 =	seq.s32 s5, $0x0;
	s5 =	sld [smem:$0x3FB2]  }
0x2b: {  	s6 =	sld [smem:$0x3FB3]  }
0x2c: {  	s7 =	sld [smem:$0x3FB4]  }
0x2d: {  	s3 =	simm.s32 $0x108;
	s8 =	sld [smem:$0x3FB5]  }
0x2e: {  	s3 =	simm.s32 @!p0 $0x1082;
	s9 =	sld [smem:$0x3FB6]  }
0x2f: {  	lr =	sadd.s32 s0, s3;
	s0 =	sld [smem:$0x3FAD]  }
0x30: {  	s3 =	sld [smem:$0x3FB0]  }
0x31: {  	[smem:$0x3FB9] =	sst s10  }
0x32: {  	s10 =	sld [smem:$0x3FB7];
	_ =	sdelay $0x3  }
0x33: {  	p0 =	seq.s32 s10, $0x1;
	s10 =	sld [smem:$0x3FB9];
	_ =	sdelay $0x3  }
0x34: {  	[smem:$0x3FB9] =	sst s10  }
0x35: {  	s10 =	sld [smem:$0x3FB8];
	_ =	sdelay $0x3  }
0x36: {  	p1 =	seq.s32 s10, $0x1;
	s10 =	sld [smem:$0x3FB9];
	_ =	sdelay $0x3  }
0x37: {  	[smem:$0x3FB9] =	sst s10  }
0x38: {  	s10 =	sld [smem:$0x3FBA]  }
0x39: {  	_ = 	snop;
	(pc) =	sbr.ind lr, $3  }
0x3a: {  	_ = 	snop  }
0x3b: {  	_ = 	snop  }
0x3c: {  	p2 =	seq.s32 s10, $0x1;
	s10 =	sld [smem:$0x3FB9]  }
0x3d: {  	_ =	shalt  }
0x3e: {  	_ =	shalt  }
0x3f: {  	_ =	shalt  }
0x40: {  	_ =	shalt  }
0x41: {  	_ =	shalt  }
0x42: {  	_ =	shalt  }
0x43: {  	_ =	shalt  }
0x44: {  	_ =	shalt  }
0x45: {  	_ =	shalt  }
0x46: {  	_ =	shalt  }
0x47: {  	_ =	shalt  }
0x48: {  	_ =	shalt  }
0x49: {  	_ =	shalt  }
0x4a: {  	_ =	shalt  }
0x4b: {  	_ =	shalt  }
0x4c: {  	_ =	shalt  }
0x4d: {  	_ =	shalt  }
0x4e: {  	_ =	shalt  }
0x4f: {  	_ =	shalt  }
0x50: {  	_ =	shalt  }
0x51: {  	_ =	shalt  }
0x52: {  	_ =	shalt  }
0x53: {  	_ =	shalt  }
0x54: {  	_ =	shalt  }
0x55: {  	_ =	shalt  }
0x56: {  	_ =	shalt  }
0x57: {  	_ =	shalt  }
0x58: {  	_ =	shalt  }
0x59: {  	_ =	shalt  }
0x5a: {  	_ =	shalt  }
0x5b: {  	_ =	shalt  }
0x5c: {  	_ =	shalt  }
0x5d: {  	_ =	shalt  }
0x5e: {  	_ =	shalt  }
0x5f: {  	_ =	shalt  }
0x60: {  	_ =	shalt  }
0x61: {  	_ =	shalt  }
0x62: {  	_ =	shalt  }
0x63: {  	_ =	shalt  }
0x64: {  	_ =	shalt  }
0x65: {  	_ =	shalt  }
0x66: {  	_ =	shalt  }
0x67: {  	_ =	shalt  }
0x68: {  	_ =	shalt  }
0x69: {  	_ =	shalt  }
0x6a: {  	_ =	shalt  }
0x6b: {  	_ =	shalt  }
0x6c: {  	_ =	shalt  }
0x6d: {  	_ =	shalt  }
0x6e: {  	_ =	shalt  }
0x6f: {  	_ =	shalt  }
0x70: {  	_ =	shalt  }
0x71: {  	_ =	shalt  }
0x72: {  	_ =	shalt  }
0x73: {  	_ =	shalt  }
0x74: {  	_ =	shalt  }
0x75: {  	_ =	shalt  }
0x76: {  	_ =	shalt  }
0x77: {  	_ =	shalt  }
0x78: {  	_ =	shalt  }
0x79: {  	_ =	shalt  }
0x7a: {  	_ =	shalt  }
0x7b: {  	_ =	shalt  }
0x7c: {  	_ =	shalt  }
0x7d: {  	_ =	shalt  }
0x7e: {  	_ =	shalt  }
0x7f: {  	_ =	shalt  }
0x80: {  	_ =	shalt  }
0x81: {  	_ =	shalt  }
0x82: {  	_ =	shalt  }
0x83: {  	_ =	shalt  }
0x84: {  	_ =	shalt  }
0x85: {  	_ =	shalt  }
0x86: {  	_ =	shalt  }
0x87: {  	_ =	shalt  }
.Lfunc_end0:
.L_simem_size_0:
called_computation_lowered:
.L_overlay_start_0:
0x88: {  	s2 =	sld [smem:$0x3FD9]  }
0x89: {  	s3 =	sld [smem:$0x3FFE];
	_ =	sdelay $0x1  }
0x8a: {  	s1 =	srdreg.scid  }
0x8b: {  	s0 =	sand.u32 $0x1, s1  }
0x8c: {  	s18 =	sshll.u32 s0, $0xA;
	s2 =	sadd.s32 s3, s2  }
0x8d: {  	s2 =	sadd.s32 s2, s18  }
0x8e: {  	[smem:$0x3FC5] =	sst s2  }
0x8f: {  	_ = 	snop  }
0x90: {  	s2 =	sld [smem:$0x3FC9]  }
0x91: {  	s19 =	sld [smem:$0x3FC8]  }
0x92: {  	s4 =	sld [smem:$0x3FC7]  }
0x93: {  	s5 =	sld [smem:$0x3FD0];
	(tm) =	ssettm $0x1  }
0x94: {  	s6 =	sld [smem:$0x3FFB];
	_ =	sdelay $0x3  }
0x95: {  	_ =	strace s6  }
0x96: {  	s6 =	sld [smem:$0x3FFC];
	_ =	sdelay $0x3  }
0x97: {  	_ =	strace s6  }
0x98: {  	s6 =	sld [smem:$0x3FFD];
	_ =	sdelay $0x3  }
0x99: {  	_ =	strace s6  }
0x9a: {  	_ =	strace $0x8FFFFFFF  }
0x9b: {  	s20 =	sld [smem:$0x3FDB];
	_ =	sdelay $0x1  }
0x9c: {  	s7 =	simm.s32 $_scs_section_size  }
0x9d: {  	s8 =	simm.s32 $_size__tile_overlayer_lowered;
	s9 =	simm.s32 $_tile_overlayer_lowered  }
0x9e: {  	s23 =	simm.s32 $0x1BFF;
	s22 =	sshll.u32 s9, $0x1;
	s6 =	sadd.s32 s7, s20  }
0x9f: {  	s10 =	simm.s32 $0x0;
	s21 =	sshll.u32 s8, $0x1;
	s8 =	sadd.s32 s22, s6  }
0xa0: {  	[timem:s10], [sflag:s23] =	dma.local [hbm:s8], s21  }
0xa1: {  	_ =	swait.ge [sflag:s23], s21  }
0xa2: {  	s7 =	ssub.s32 $0x0, s21;
	[sflag:s23] =	ssyncset.done $0x0  }
0xa3: {  	[sflag:s23] =	ssyncadd.s32 s7;
	_ =	sdelay $0x1  }
0xa4: {  	s24 =	simm.s32 $0x1B8B  }
0xa5: {  	_ =	swait.ge [sflag:s24], $0x1  }
0xa6: {  	[sflag:s24] =	ssyncset.done $0x0  }
0xa7: {  	s25 =	simm.s32 $0x1B8E;
	[sflag:s24] =	ssyncadd.s32 $0xFFFFFFFF  }
0xa8: {  	s26 =	simm.s32 $execute0_lowered;
	[smem:$0x3FD2] =	sst s25  }
0xa9: {  	s7 =	sshll.u32 s26, $0x1;
	_ =	strace $0x80000046;
	[dreg:$0x1] =	wrdreg $0xFFFFFFFF  }
0xaa: {  	s28 =	simm.s32 $_size_execute0_lowered;
	s6 =	sadd.s32 s6, s7;
	[dreg:$0x0] =	wrdreg $0x0  }
0xab: {  	s7 =	sshll.u32 s28, $0x1;
	[dreg:$0x2] =	wrdreg s6  }
0xac: {  	[dreg:$0x3] =	wrdreg s7  }
0xad: {  	[dreg:$0x4] =	wrdreg $0xC0  }
0xae: {  	_ =	task [dreg:s10], $0x5FFFF  }
0xaf: {  	[dreg:$0x1] =	wrdreg $0xFFFFFFFF  }
0xb0: {  	[dreg:$0x0] =	wrdreg $0x60  }
0xb1: {  	[dreg:$0x2] =	wrdreg s2  }
0xb2: {  	[dreg:$0x3] =	wrdreg s19  }
0xb3: {  	[dreg:$0x4] =	wrdreg s4  }
0xb4: {  	[dreg:$0x5] =	wrdreg s5  }
0xb5: {  	[dreg:$0x6] =	wrdreg $0x9  }
0xb6: {  	_ =	task.clear_ibuf [dreg:s10], $0x7FFFF;
	_ =	strace $0x90000046  }
0xb7: {  	s29 =	simm.s32 $0x9;
	_ =	strace $0x80000048  }
0xb8: {  	_ =	swait.ge [sflag:s29], $0x1  }
0xb9: {  	[sflag:s29] =	ssyncadd.s32 $0xFFFFFFFF  }
0xba: {  	_ =	strace $0x90000048  }
0xbb: {  	_ =	sfence  }
0xbc: {  	s30 =	sld [smem:$0x0];
	_ =	sdelay $0x2  }
0xbd: {  	s31 =	sshll.u32 s1, $0xD;
	s1 =	sshrl.u32 s1, $0x2  }
0xbe: {  	s3 =	sand.u32 $0x4000, s31;
	s1 =	sadd.s32 s1, s30  }
0xbf: {  	s0 =	sor.u32 s3, s0;
	s1 =	sshll.u32 s1, $0x11  }
0xc0: {  	s0 =	sor.u32 s1, s0  }
0xc1: {  	s0 =	sadd.s32 $0x8F2B, s0  }
0xc2: {  	[sflag:s0] =	ssyncadd.remote.s32 $0x1  }
0xc3: {  	_ =	sfence.sel $0xFFFF  }
0xc4: {  	[dreg:$0x0] =	wrdreg $0xFFFFFFFF;
	(pc) =	sbr.abs _section_cstart, $3  }
0xc5: {  	[dreg:$0x1] =	wrdreg $0xFFFFFFFF  }
0xc6: {  	_ =	task.clear_ibuf [dreg:s10], $0x2FFFF;
	_ =	strace $0x9FFFFFFF  }
0xc7: {  	(tm) =	ssettm $0x7FFFFFFF  }
tec
execute0_lowered:
.L_overlay_start_1:
0x0: {  	(tag) =	ssettag $0x1  }
0x1: {  	v0 =	vimm.f32 $1.500000000e+01;
	vm0 =	vcmask $0x300;
	s6 =	rddreg [dreg:$0x0]  }
0x2: {  	vm14 =	vcmask $0x704;
	s0 =	rddreg [dreg:$0x1];
	v0 =	vsel vm0, $0x0, v0  }
0x3: {  	vm15 =	vcmask $0xB08;
	s2 =	rddreg [dreg:$0x2];
	v0 =	vsel vm14, $0x3F800000, v0  }
0x4: {  	vm4 =	vcmask $0xF0C;
	s9 =	rddreg [dreg:$0x3];
	v0 =	vsel vm15, $0x40000000, v0  }
0x5: {  	vm5 =	vcmask $0x1310;
	s1 =	rddreg [dreg:$0x4];
	v0 =	vsel vm4, $0x40400000, v0  }
0x6: {  	s3 =	simm.s32 $0x0;
	s5 =	srdreg.scid;
	vm6 =	vcmask $0x1714;
	s4 =	stileid.u32;
	v0 =	vsel vm5, $0x40800000, v0  }
0x7: {  	vm7 =	vcmask $0x1B18;
	s12 =	simm.s32 $0x900;
	s13 =	simm.s32 $0x4900;
	s14 =	simm.s32 $0x5;
	v0 =	vsel vm6, $0x40A00000, v0  }
0x8: {  	vm8 =	vcmask $0x1F1C;
	s15 =	simm.s32 $0x80;
	s16 =	simm.s32 $0x1;
	s17 =	simm.s32 $0x100;
	v0 =	vsel vm7, $0x40C00000, v0  }
0x9: {  	vm9 =	vcmask $0x2320;
	s18 =	simm.s32 $0x8900;
	s19 =	simm.s32 $0x2;
	s20 =	simm.s32 $0xC900;
	v0 =	vsel vm8, $0x40E00000, v0  }
0xa: {  	vm10 =	vcmask $0x2724;
	s21 =	simm.s32 $0x3;
	s22 =	simm.s32 $0x4;
	s23 =	simm.s32 $0x0;
	v0 =	vsel vm9, $0x41000000, v0  }
0xb: {  	vm11 =	vcmask $0x2B28;
	[smem:$0x7FF] =	sst s3;
	s5 =	sand.u32 $0x1, s5;
	s8 =	sshll.u32 s4, $0x10;
	v0 =	vsel vm10, $0x41100000, v0  }
.Ltmp0:
0xc: {  	vm12 =	vcmask $0x2F2C;
	s7 =	ssub.s32 $0x2, s5;
	s5 =	sshll.u32 s5, $0xF;
	v0 =	vsel vm11, $0x41200000, v0;
	(pc) =	sbr.rel .LBB2_1-.Ltmp0, $4  }
0xd: {  	vm13 =	vcmask $0x3330;
	_ =	strace $0x80000047;
	s10 =	sshrl.u32 s7, $0x1;
	s8 =	sor.u32 s5, s8;
	v0 =	vsel vm12, $0x41300000, v0  }
0xe: {  	vm14 =	vcmask $0x3734;
	s11 =	ssub.s32 s7, s10;
	s5 =	sadd.s32 s6, s8;
	s31 =	sor.u32 $0x800, s8;
	v0 =	vsel vm13, $0x41400000, v0  }
0xf: {  	vm15 =	vcmask $0x3B38;
	s7 =	sadd.s32 s9, s8;
	s6 =	sadd.s32 s6, s31;
	s8 =	sadd.s32 $0x1000, s5;
	v0 =	vsel vm14, $0x41500000, v0  }
0x10: {  	s9 =	sadd.s32 s9, s31;
	s10 =	sadd.s32 $0x1800, s5;
	s11 =	smax.u32 s11, $0x1;
	v0 =	vsel vm15, $0x41600000, v0  }
.LBB2_70:
0x11: {  	s23 =	sadd.s32 $0x1, s23  }
0x12: {  	_ =	swait.ge [sflag:s21], $0x4000;
	p0 =	sne.s32 s23, s11  }
.Ltmp1:
0x13: {  	[sflag:s21] =	ssyncset.done $0x0;
	(pc) =	sbr.rel @!p0 .LBB2_71-.Ltmp1, $4  }
0x14: {  	[sflag:s21] =	ssyncadd.s32 $0xFFFFC000  }
0x15: {  	_ =	swait.ge [sflag:s22], $0x4000  }
0x16: {  	[sflag:s22] =	ssyncset.done $0x0  }
0x17: {  	[sflag:s22] =	ssyncadd.s32 $0xFFFFC000  }
.LBB2_1:
0x18: {  	s24 =	simm.s32 $0x20  }
0x19: {  	s24 =	scvt.s32.f32 s24;
	_ =	sdelay $0x1  }
0x1a: {  	[tilespmem:s12], [sflag:$0x1] =	stream.linear.gather [hbm4b:s5+s3], $0x4000, $0x38;
	v1 =	vadd.f32 s24, v0;
	[tilespmem:$0x10900] =	vst v63  }
0x1b: {  	s26 =	simm.s32 $0x0  }
0x1c: {  	s25 =	simm.s32 $0x10;
	s24 =	scvt.s32.f32 s26;
	v1 =	vadd.f32 $5.000000000e-01, v1  }
0x1d: {  	s25 =	scvt.s32.f32 s25  }
0x1e: {  	[tilespmem:s13], [sflag:$0x2] =	stream.linear.gather [hbm4b:s6+s3], $0x4000, $0x38;
	v2 =	vadd.f32 s24, v0;
	v1 =	vmul.f32 $7.812500000e-03, v1;
	[tilespmem:$0x10900] =	vst v63  }
0x1f: {  	s28 =	simm.s32 $0x30;
	v3 =	vadd.f32 s25, v0  }
0x20: {  	[tilespmem:s3], [sflag:$0x5] =	stream.linear.gather [hbm4b:s2+s3], $0x80, $0x38;
	v2 =	vadd.f32 $5.000000000e-01, v2;
	v1 =	vadd.f32 $-8.000000000e+00, v1;
	[tilespmem:$0x10900] =	vst v63  }
0x21: {  	_ =	swait.ge [sflag:s14], $0x80;
	s24 =	scvt.s32.f32 s28  }
0x22: {  	s30 =	simm.s32 $0x40;
	v3 =	vadd.f32 $5.000000000e-01, v3;
	[sflag:s14] =	ssyncset.done $0x0;
	v2 =	vmul.f32 $7.812500000e-03, v2;
	v1 =	vsub.f32 $0.0e+00, v1  }
0x23: {  	s29 =	simm.s32 $0x60;
	s25 =	scvt.s32.f32 s30;
	[sflag:s14] =	ssyncadd.s32 $0xFFFFFF80;
	v4 =	vadd.f32 s24, v0  }
0x24: {  	v3 =	vmul.f32 $7.812500000e-03, v3;
	[tilespmem:s15], [sflag:$0x5] =	stream.linear.gather [hbm4b:s0+s3], $0x80, $0x38;
	v2 =	vadd.f32 $-8.000000000e+00, v2;
	v1 =	vmul.f32 $1.442695020e+00, v1;
	[tilespmem:$0x10900] =	vst v63  }
0x25: {  	v5 =	vadd.f32 s25, v0;
	s24 =	scvt.s32.f32 s29;
	v4 =	vadd.f32 $5.000000000e-01, v4;
	_ =	swait.ge [sflag:s14], $0x80  }
0x26: {  	s31 =	simm.s32 $0x70;
	v2 =	vsub.f32 $0.0e+00, v2;
	(erf) = vpow2.f32 v1;
	v1 =	vadd.f32 $-8.000000000e+00, v3  }
0x27: {  	s26 =	simm.s32 $0x50;
	v5 =	vadd.f32 $5.000000000e-01, v5;
	v3 =	vadd.f32 s24, v0;
	s24 =	scvt.s32.f32 s31  }
0x28: {  	s26 =	scvt.s32.f32 s26;
	v4 =	vmul.f32 $7.812500000e-03, v4;
	v2 =	vmul.f32 $1.442695020e+00, v2;
	v1 =	vsub.f32 $0.0e+00, v1  }
0x29: {  	v5 =	vmul.f32 $7.812500000e-03, v5;
	v3 =	vadd.f32 $5.000000000e-01, v3;
	v6 =	vadd.f32 s24, v0  }
0x2a: {  	v4 =	vadd.f32 $-8.000000000e+00, v4;
	(erf) = vpow2.f32 v2;
	v2 =	vadd.f32 s26, v0  }
0x2b: {  	v3 =	vmul.f32 $7.812500000e-03, v3;
	v1 =	vmul.f32 $1.442695020e+00, v1;
	v6 =	vadd.f32 $5.000000000e-01, v6  }
0x2c: {  	v4 =	vsub.f32 $0.0e+00, v4;
	v2 =	vadd.f32 $5.000000000e-01, v2  }
0x2d: {  	s28 =	simm.s32 $0xA0;
	v3 =	vadd.f32 $-8.000000000e+00, v3;
	(erf) = vpow2.f32 v1;
	v1 =	vadd.f32 $-8.000000000e+00, v5  }
0x2e: {  	v4 =	vmul.f32 $1.442695020e+00, v4;
	s24 =	scvt.s32.f32 s28;
	s28 =	simm.s32 $0xB0;
	v2 =	vmul.f32 $7.812500000e-03, v2  }
0x2f: {  	s31 =	scvt.s32.f32 s28;
	v5 =	vmul.f32 $7.812500000e-03, v6;
	v3 =	vsub.f32 $0.0e+00, v3;
	v1 =	vsub.f32 $0.0e+00, v1;
	v6 =	vpop (erf)  }
0x30: {  	s29 =	simm.s32 $0x90;
	(erf) = vpow2.f32 v4;
	v2 =	vadd.f32 $-8.000000000e+00, v2;
	v4 =	vadd.f32 $1.000000000e+00, v6  }
0x31: {  	s30 =	simm.s32 $0x80;
	s25 =	scvt.s32.f32 s29;
	v7 =	vadd.f32 s31, v0;
	v5 =	vadd.f32 $-8.000000000e+00, v5;
	v3 =	vmul.f32 $1.442695020e+00, v3  }
0x32: {  	s26 =	scvt.s32.f32 s30;
	v1 =	vmul.f32 $1.442695020e+00, v1;
	v2 =	vsub.f32 $0.0e+00, v2;
	(erf) = vrcp.f32 v4  }
0x33: {  	v5 =	vsub.f32 $0.0e+00, v5;
	v6 =	vadd.f32 s25, v0;
	(erf) = vpow2.f32 v3  }
0x34: {  	v4 =	vpop (erf);
	(erf) = vpow2.f32 v1;
	v1 =	vmul.f32 $1.442695020e+00, v2;
	v2 =	vadd.f32 s26, v0  }
0x35: {  	v5 =	vmul.f32 $1.442695020e+00, v5;
	v3 =	vadd.f32 $1.000000000e+00, v4;
	v4 =	vadd.f32 s24, v0  }
0x36: {  	(erf) = vpow2.f32 v1;
	v1 =	vadd.f32 $5.000000000e-01, v2;
	v2 =	vadd.f32 $5.000000000e-01, v6  }
0x37: {  	v4 =	vadd.f32 $5.000000000e-01, v4;
	(erf) = vpow2.f32 v5  }
0x38: {  	v6 =	vpop (erf);
	v2 =	vmul.f32 $7.812500000e-03, v2;
	(erf) = vrcp.f32 v3  }
0x39: {  	v5 =	vadd.f32 $5.000000000e-01, v7;
	v7 =	vpop (erf);
	v6 =	vadd.f32 $1.000000000e+00, v6;
	v4 =	vmul.f32 $7.812500000e-03, v4  }
0x3a: {  	v1 =	vmul.f32 $7.812500000e-03, v1;
	v7 =	vadd.f32 $1.000000000e+00, v7  }
0x3b: {  	v5 =	vmul.f32 $7.812500000e-03, v5;
	(erf) = vrcp.f32 v6;
	v4 =	vadd.f32 $-8.000000000e+00, v4  }
0x3c: {  	[sflag:s14] =	ssyncset.done $0x0;
	v8 =	vadd.f32 $-8.000000000e+00, v1;
	v1 =	vadd.f32 $-8.000000000e+00, v2;
	v2 =	vpop (erf);
	(erf) = vrcp.f32 v7  }
0x3d: {  	[sflag:s14] =	ssyncadd.s32 $0xFFFFFF80;
	s24 =	simm.s32 $0x120;
	v3 =	vsub.f32 $0.0e+00, v4;
	v4 =	vadd.f32 $-8.000000000e+00, v5;
	v6 =	vpop (erf)  }
0x3e: {  	s25 =	simm.s32 $0x8;
	s26 =	simm.s32 $0xF0;
	[tilespmem:s24+$0x0] =	vst v2;
	v5 =	vsub.f32 $0.0e+00, v8;
	v6 =	vadd.f32 $1.000000000e+00, v6;
	v2 =	vpop (erf)  }
.LBB2_2:
0x3f: {  	s28 =	sadd.s32 $0xFFFFFFE0, s26;
	s29 =	sadd.s32 $0xFFFFFFF0, s26;
	s25 =	sadd.s32 $0x4, s25;
	v1 =	vsub.f32 $0.0e+00, v1;
	v3 =	vmul.f32 $1.442695020e+00, v3;
	v4 =	vsub.f32 $0.0e+00, v4;
	v7 =	vpop (erf)  }
0x40: {  	s30 =	sadd.s32 $0xFFFFFFD0, s26;
	v2 =	vadd.f32 $1.000000000e+00, v2;
	s29 =	scvt.s32.f32 s29;
	p0 =	slt.u32 s25, $0x7C;
	v5 =	vmul.f32 $1.442695020e+00, v5;
	(erf) = vrcp.f32 v6;
	v6 =	vpop (erf)  }
0x41: {  	s30 =	scvt.s32.f32 s30;
	s28 =	scvt.s32.f32 s28;
	v1 =	vmul.f32 $1.442695020e+00, v1;
	(erf) = vpow2.f32 v3;
	v3 =	vadd.f32 $1.000000000e+00, v7;
	v7 =	vpop (erf)  }
0x42: {  	v9 =	vmul.f32 $1.442695020e+00, v4;
	v8 =	vadd.f32 s29, v0;
	s29 =	scvt.s32.f32 s26;
	(erf) = vpow2.f32 v5;
	[tilespmem:s24+$0xFFFFFFE0] =	vst v7  }
0x43: {  	v5 =	vadd.f32 s30, v0;
	v7 =	vadd.f32 s28, v0;
	(erf) = vpow2.f32 v1  }
0x44: {  	v1 =	vadd.f32 $5.000000000e-01, v8;
	v8 =	vadd.f32 s29, v0;
	(erf) = vpow2.f32 v9;
	v4 =	vpop (erf)  }
0x45: {  	v5 =	vadd.f32 $5.000000000e-01, v5;
	v7 =	vadd.f32 $5.000000000e-01, v7;
	(erf) = vrcp.f32 v2;
	[tilespmem:s24+$0xFFFFFFF0] =	vst v4;
	v2 =	vpop (erf)  }
0x46: {  	v6 =	vadd.f32 $1.000000000e+00, v6;
	v1 =	vmul.f32 $7.812500000e-03, v1;
	v4 =	vadd.f32 $5.000000000e-01, v8;
	[tilespmem:s24+$0x10] =	vst v2  }
.Ltmp2:
0x47: {  	v2 =	vmul.f32 $7.812500000e-03, v5;
	v8 =	vmul.f32 $7.812500000e-03, v7;
	(pc) =	sbr.rel @p0 .LBB2_2-.Ltmp2, $4  }
0x48: {  	v7 =	vadd.f32 $-8.000000000e+00, v1;
	v4 =	vmul.f32 $7.812500000e-03, v4;
	(erf) = vrcp.f32 v3  }
0x49: {  	s24 =	sadd.s32 $0x40, s24;
	v9 =	vadd.f32 $-8.000000000e+00, v2;
	v1 =	vadd.f32 $-8.000000000e+00, v8;
	v5 =	vpop (erf);
	(erf) = vrcp.f32 v6  }
0x4a: {  	v3 =	vsub.f32 $0.0e+00, v7;
	v4 =	vadd.f32 $-8.000000000e+00, v4;
	v6 =	vpop (erf);
	[tilespmem:s24+$0x0] =	vst v5  }
0x4b: {  	s26 =	sadd.s32 $0x40, s26;
	v5 =	vsub.f32 $0.0e+00, v9;
	v6 =	vadd.f32 $1.000000000e+00, v6;
	v2 =	vpop (erf)  }
0x4c: {  	v1 =	vsub.f32 $0.0e+00, v1  }
0x4d: {  	v3 =	vmul.f32 $1.442695020e+00, v3;
	v4 =	vsub.f32 $0.0e+00, v4;
	v5 =	vmul.f32 $1.442695020e+00, v5  }
0x4e: {  	(erf) = vrcp.f32 v6;
	v1 =	vmul.f32 $1.442695020e+00, v1  }
0x4f: {  	(erf) = vpow2.f32 v3;
	v3 =	vmul.f32 $1.442695020e+00, v4;
	_ =	sdelay $0x1  }
0x50: {  	(erf) = vpow2.f32 v5  }
0x51: {  	(erf) = vpow2.f32 v1;
	v1 =	vpop (erf)  }
0x52: {  	(erf) = vpow2.f32 v3;
	v3 =	vpop (erf)  }
0x53: {  	v4 =	vpop (erf)  }
0x54: {  	v5 =	vpop (erf)  }
0x55: {  	v2 =	vadd.f32 $1.000000000e+00, v2;
	v6 =	vpop (erf)  }
0x56: {  	v1 =	vadd.f32 $1.000000000e+00, v1;
	v7 =	vpop (erf)  }
0x57: {  	(erf) = vrcp.f32 v2;
	v2 =	vadd.f32 $1.000000000e+00, v3;
	v3 =	vpop (erf)  }
0x58: {  	(erf) = vrcp.f32 v1;
	v1 =	vadd.f32 $1.000000000e+00, v3;
	_ =	sdelay $0x1  }
0x59: {  	v3 =	vpop (erf)  }
0x5a: {  	(erf) = vrcp.f32 v2;
	v2 =	vpop (erf);
	v3 =	vadd.f32 $1.000000000e+00, v3  }
0x5b: {  	(erf) = vrcp.f32 v1;
	v2 =	vadd.f32 $1.000000000e+00, v2;
	v1 =	vpop (erf)  }
0x5c: {  	(erf) = vrcp.f32 v3;
	v1 =	vadd.f32 $1.000000000e+00, v1  }
0x5d: {  	(erf) = vrcp.f32 v2  }
0x5e: {  	[tilespmem:s24+$0xFFFFFFE0] =	vst v4;
	(erf) = vrcp.f32 v1  }
0x5f: {  	[tilespmem:s24+$0xFFFFFFF0] =	vst v5  }
0x60: {  	s25 =	sadd.s32 $0x40, s24;
	[tilespmem:s24+$0x10] =	vst v6  }
0x61: {  	[tilespmem:s25+$0x0] =	vst v7;
	v1 =	vpop (erf)  }
0x62: {  	[tilespmem:s25+$0xFFFFFFE0] =	vst v1;
	v1 =	vpop (erf)  }
0x63: {  	[tilespmem:s25+$0xFFFFFFF0] =	vst v1;
	v1 =	vpop (erf)  }
0x64: {  	s24 =	sadd.s32 $0x40, s25;
	[tilespmem:s25+$0x10] =	vst v1;
	v1 =	vpop (erf)  }
0x65: {  	[tilespmem:s24+$0x0] =	vst v1;
	v1 =	vpop (erf)  }
0x66: {  	[tilespmem:s24+$0xFFFFFFE0] =	vst v1;
	v1 =	vpop (erf)  }
0x67: {  	[tilespmem:s24+$0xFFFFFFF0] =	vst v1;
	v1 =	vpop (erf)  }
0x68: {  	[tilespmem:s24+$0x10] =	vst v1  }
0x69: {  	_ =	swait.ge [sflag:s16], $0x4000  }
0x6a: {  	[sflag:s16] =	ssyncset.done $0x0  }
0x6b: {  	[sflag:s16] =	ssyncadd.s32 $0xFFFFC000  }
0x6c: {  	v2 =	vld [tilespmem:$0x0];
	_ =	sdelay $0x6  }
0x6d: {  	s26 =	simm.s32 $0x900;
	v1 =	vld [tilespmem:$0x80]  }
0x6e: {  	v3 =	vld.idx.msk [tilespmem:v2+s26+$0x180], $0xffff  }
0x6f: {  	v4 =	vld.idx.msk [tilespmem:v2+s26+$0x80], $0xffff  }
0x70: {  	v5 =	vld.idx.msk [tilespmem:v2+s26+$0x100], $0xffff  }
0x71: {  	s29 =	simm.s32 $0xB00;
	v6 =	vld.idx.msk [tilespmem:v2+s26+$0x0], $0xffff  }
0x72: {  	v7 =	vld.idx.msk [tilespmem:v2+s29+$0x180], $0xffff  }
0x73: {  	v8 =	vld.idx.msk [tilespmem:v2+s29+$0x80], $0xffff  }
0x74: {  	v1 =	vmul.f32 $-1.280000000e+02, v1;
	v9 =	vld.idx.msk [tilespmem:v2+s29+$0x100], $0xffff  }
0x75: {  	v10 =	vld.idx.msk [tilespmem:v2+s29+$0x0], $0xffff  }
0x76: {  	v1 =	vadd.f32 $1.024000000e+03, v1;
	v3 =	vmul.f32 $1.280000000e+02, v3;
	v4 =	vmul.f32 $1.280000000e+02, v4  }
0x77: {  	v5 =	vmul.f32 $1.280000000e+02, v5;
	v6 =	vmul.f32 $1.280000000e+02, v6  }
0x78: {  	v7 =	vmul.f32 $1.280000000e+02, v7;
	v8 =	vmul.f32 $1.280000000e+02, v8;
	v3 =	vadd.f32 v3, v1  }
0x79: {  	v9 =	vmul.f32 $1.280000000e+02, v9;
	v4 =	vadd.f32 v4, v1;
	v5 =	vadd.f32 v5, v1  }
0x7a: {  	v10 =	vmul.f32 $1.280000000e+02, v10;
	v6 =	vadd.f32 v6, v1;
	v7 =	vadd.f32 v7, v1  }
0x7b: {  	v8 =	vadd.f32 v8, v1;
	v9 =	vadd.f32 v9, v1;
	v3 =	vmax.f32 v3, $0.0e+00  }
0x7c: {  	v4 =	vmax.f32 v4, $0.0e+00;
	v6 =	vmax.f32 v6, $0.0e+00;
	v3 =	vmin.f32 v3, $2.047000000e+03  }
0x7d: {  	s30 =	simm.s32 $0xD00;
	v5 =	vmax.f32 v5, $0.0e+00;
	v6 =	vmin.f32 v6, $2.047000000e+03;
	v3 =	vtrunc.f32 v3  }
0x7e: {  	v11 =	vld.idx.msk [tilespmem:v2+s30+$0x180], $0xffff;
	v4 =	vmin.f32 v4, $2.047000000e+03;
	v6 =	vtrunc.f32 v6;
	v3 =	vcvt.f32.s32 v3  }
0x7f: {  	v13 =	vld.idx.msk [tilespmem:v2+s30+$0x100], $0xffff;
	v7 =	vmax.f32 v7, $0.0e+00;
	v4 =	vtrunc.f32 v4;
	v6 =	vcvt.f32.s32 v6  }
0x80: {  	v8 =	vmax.f32 v8, $0.0e+00;
	v5 =	vmin.f32 v5, $2.047000000e+03;
	v12 =	vcvt.f32.s32 v4;
	v4 =	vld.idx.msk [tilespmem:v2+s30+$0x80], $0xffff  }
0x81: {  	v9 =	vmax.f32 v9, $0.0e+00;
	v7 =	vmin.f32 v7, $2.047000000e+03;
	v5 =	vtrunc.f32 v5  }
0x82: {  	v8 =	vmin.f32 v8, $2.047000000e+03;
	v14 =	vcvt.f32.s32 v5;
	v5 =	vadd.f32 v10, v1  }
0x83: {  	v15 =	vld.idx.msk [tilespmem:v2+s30+$0x0], $0xffff;
	v9 =	vmin.f32 v9, $2.047000000e+03;
	v7 =	vtrunc.f32 v7;
	v8 =	vtrunc.f32 v8  }
0x84: {  	v7 =	vcvt.f32.s32 v7;
	v5 =	vmax.f32 v5, $0.0e+00;
	v16 =	vld.idx.msk [tilespmem:v3+s17+$0x0], $0xffff;
	v3 =	vmul.f32 $1.280000000e+02, v11  }
0x85: {  	s31 =	simm.s32 $0xF00;
	v5 =	vmin.f32 v5, $2.047000000e+03;
	v4 =	vmul.f32 $1.280000000e+02, v4;
	v17 =	vld.idx.msk [tilespmem:v6+s17+$0x0], $0xffff;
	v6 =	vmul.f32 $1.280000000e+02, v13  }
0x86: {  	v18 =	vld.idx.msk [tilespmem:v2+s31+$0x180], $0xffff;
	v9 =	vtrunc.f32 v9;
	v11 =	vadd.f32 v3, v1;
	v3 =	vtrunc.f32 v5  }
0x87: {  	v19 =	vld.idx.msk [tilespmem:v2+s31+$0x80], $0xffff;
	v4 =	vadd.f32 v4, v1;
	v6 =	vadd.f32 v6, v1;
	v20 =	vcvt.f32.s32 v3  }
0x88: {  	v10 =	vld.idx.msk [tilespmem:v2+s31+$0x100], $0xffff;
	v3 =	vcvt.f32.s32 v8;
	v8 =	vmul.f32 $1.280000000e+02, v15;
	v5 =	vmax.f32 v11, $0.0e+00  }
0x89: {  	v13 =	vmax.f32 v4, $0.0e+00;
	v4 =	vcvt.f32.s32 v9;
	v11 =	vld.idx.msk [tilespmem:v2+s31+$0x0], $0xffff;
	v15 =	vmin.f32 v5, $2.047000000e+03  }
0x8a: {  	v6 =	vmax.f32 v6, $0.0e+00;
	v5 =	vld.idx.msk [tilespmem:v7+s17+$0x0], $0xffff;
	v7 =	vadd.f32 v8, v1;
	v8 =	vtrunc.f32 v15  }
0x8b: {  	s24 =	simm.s32 $0x8A00;
	v13 =	vmin.f32 v13, $2.047000000e+03;
	v21 =	vmin.f32 v6, $2.047000000e+03;
	v6 =	vld.idx.msk [tilespmem:v12+s17+$0x0], $0xffff;
	v9 =	vcvt.f32.s32 v8  }
0x8c: {  	[tilespmem:s24+$0x80] =	vst v16;
	v13 =	vtrunc.f32 v13;
	v15 =	vmul.f32 $1.280000000e+02, v18;
	v8 =	vmax.f32 v7, $0.0e+00;
	v7 =	vld.idx.msk [tilespmem:v14+s17+$0x0], $0xffff  }
0x8d: {  	s28 =	simm.s32 $0x1100;
	s25 =	simm.s32 $0x8A00;
	s26 =	simm.s32 $0xC;
	[tilespmem:s24+$0xFFFFFF00] =	vst v17;
	v12 =	vtrunc.f32 v21;
	v14 =	vmul.f32 $1.280000000e+02, v19;
	v16 =	vmin.f32 v8, $2.047000000e+03;
	v8 =	vld.idx.msk [tilespmem:v20+s17+$0x0], $0xffff  }
.LBB2_4:
0x8e: {  	v17 =	vld.idx.msk [tilespmem:v2+s28+$0x180], $0xffff;
	s26 =	sadd.s32 $0x4, s26;
	v18 =	vmul.f32 $1.280000000e+02, v10;
	v15 =	vadd.f32 v15, v1;
	v10 =	vtrunc.f32 v16;
	s24 =	sadd.s32 $0x200, s24  }
0x8f: {  	v13 =	vcvt.f32.s32 v13;
	v16 =	vld.idx.msk [tilespmem:v2+s28+$0x80], $0xffff;
	p0 =	slt.u32 s26, $0x7C;
	v14 =	vadd.f32 v14, v1;
	v19 =	vcvt.f32.s32 v10;
	[tilespmem:s24+$0x80] =	vst v5  }
0x90: {  	v20 =	vmul.f32 $1.280000000e+02, v11;
	v10 =	vld.idx.msk [tilespmem:v2+s28+$0x100], $0xffff;
	v18 =	vadd.f32 v18, v1;
	v5 =	vmax.f32 v15, $0.0e+00  }
.Ltmp3:
0x91: {  	v12 =	vcvt.f32.s32 v12;
	v14 =	vmax.f32 v14, $0.0e+00;
	v15 =	vmin.f32 v5, $2.047000000e+03;
	v5 =	vld.idx.msk [tilespmem:v9+s17+$0x0], $0xffff;
	[tilespmem:s25+$0xFFFFFF80] =	vst v6;
	(pc) =	sbr.rel @p0 .LBB2_4-.Ltmp3, $4  }
0x92: {  	v20 =	vadd.f32 v20, v1;
	v11 =	vld.idx.msk [tilespmem:v2+s28+$0x0], $0xffff;
	v6 =	vmax.f32 v18, $0.0e+00;
	v9 =	vtrunc.f32 v15;
	[tilespmem:s25+$0x0] =	vst v7;
	s25 =	smov.u32 s24  }
0x93: {  	v7 =	vmin.f32 v14, $2.047000000e+03;
	v18 =	vmin.f32 v6, $2.047000000e+03;
	v9 =	vcvt.f32.s32 v9;
	[tilespmem:s24+$0xFFFFFF00] =	vst v8;
	v6 =	vld.idx.msk [tilespmem:v3+s17+$0x0], $0xffff;
	v3 =	vmovc v13  }
0x94: {  	v15 =	vmul.f32 $1.280000000e+02, v17;
	v8 =	vmax.f32 v20, $0.0e+00;
	v13 =	vtrunc.f32 v7;
	v7 =	vld.idx.msk [tilespmem:v4+s17+$0x0], $0xffff;
	v4 =	vmovc v12  }
0x95: {  	s28 =	sadd.s32 $0x200, s28;
	v14 =	vmul.f32 $1.280000000e+02, v16;
	v16 =	vmin.f32 v8, $2.047000000e+03;
	v12 =	vtrunc.f32 v18;
	v8 =	vld.idx.msk [tilespmem:v19+s17+$0x0], $0xffff  }
0x96: {  	_ = 	snop  }
0x97: {  	v2 =	vadd.f32 v15, v1;
	v10 =	vmul.f32 $1.280000000e+02, v10;
	v11 =	vmul.f32 $1.280000000e+02, v11  }
0x98: {  	v15 =	vtrunc.f32 v16;
	v13 =	vcvt.f32.s32 v13  }
0x99: {  	v12 =	vcvt.f32.s32 v12;
	v2 =	vmax.f32 v2, $0.0e+00;
	v11 =	vadd.f32 v11, v1  }
0x9a: {  	v15 =	vcvt.f32.s32 v15;
	v14 =	vadd.f32 v14, v1;
	v2 =	vmin.f32 v2, $2.047000000e+03  }
0x9b: {  	v1 =	vadd.f32 v10, v1;
	v2 =	vtrunc.f32 v2;
	v10 =	vmax.f32 v11, $0.0e+00  }
0x9c: {  	v3 =	vld.idx.msk [tilespmem:v3+s17+$0x0], $0xffff;
	v2 =	vcvt.f32.s32 v2;
	v11 =	vmax.f32 v14, $0.0e+00;
	v10 =	vmin.f32 v10, $2.047000000e+03  }
0x9d: {  	s24 =	sadd.s32 $0x200, s24;
	v1 =	vmax.f32 v1, $0.0e+00;
	v11 =	vmin.f32 v11, $2.047000000e+03;
	v10 =	vtrunc.f32 v10  }
0x9e: {  	v9 =	vld.idx.msk [tilespmem:v9+s17+$0x0], $0xffff;
	[tilespmem:s24+$0x80] =	vst v5;
	v1 =	vmin.f32 v1, $2.047000000e+03;
	v5 =	vtrunc.f32 v11;
	v10 =	vcvt.f32.s32 v10  }
0x9f: {  	v4 =	vld.idx.msk [tilespmem:v4+s17+$0x0], $0xffff;
	[tilespmem:s25+$0xFFFFFF80] =	vst v6;
	v1 =	vtrunc.f32 v1;
	v5 =	vcvt.f32.s32 v5  }
0xa0: {  	[tilespmem:s25+$0x0] =	vst v7;
	v7 =	vld.idx.msk [tilespmem:v13+s17+$0x0], $0xffff;
	v1 =	vcvt.f32.s32 v1  }
0xa1: {  	[tilespmem:s24+$0xFFFFFF80] =	vst v3;
	v3 =	vld.idx.msk [tilespmem:v12+s17+$0x0], $0xffff  }
0xa2: {  	s30 =	sadd.s32 $0x200, s24;
	[tilespmem:s24+$0xFFFFFF00] =	vst v8;
	v6 =	vld.idx.msk [tilespmem:v15+s17+$0x0], $0xffff  }
0xa3: {  	[tilespmem:s30+$0x80] =	vst v9;
	v2 =	vld.idx.msk [tilespmem:v2+s17+$0x0], $0xffff  }
0xa4: {  	[tilespmem:s24+$0x0] =	vst v4;
	v4 =	vld.idx.msk [tilespmem:v10+s17+$0x0], $0xffff  }
0xa5: {  	[tilespmem:s30+$0xFFFFFF80] =	vst v7;
	v5 =	vld.idx.msk [tilespmem:v5+s17+$0x0], $0xffff  }
0xa6: {  	[tilespmem:s30+$0x0] =	vst v3;
	v1 =	vld.idx.msk [tilespmem:v1+s17+$0x0], $0xffff  }
0xa7: {  	s31 =	sadd.s32 $0x200, s30;
	[tilespmem:s30+$0xFFFFFF00] =	vst v6  }
0xa8: {  	[tilespmem:s31+$0x80] =	vst v2  }
0xa9: {  	[tilespmem:s31+$0xFFFFFF00] =	vst v4  }
0xaa: {  	[tilespmem:s31+$0xFFFFFF80] =	vst v5  }
0xab: {  	[tilespmem:s31+$0x0] =	vst v1  }
0xac: {  	v2 =	vld [tilespmem:$0x10];
	_ =	sdelay $0x6  }
0xad: {  	s26 =	simm.s32 $0x900;
	v1 =	vld [tilespmem:$0x90]  }
0xae: {  	v3 =	vld.idx.msk [tilespmem:v2+s26+$0x180], $0xffff  }
0xaf: {  	v4 =	vld.idx.msk [tilespmem:v2+s26+$0x80], $0xffff  }
0xb0: {  	v5 =	vld.idx.msk [tilespmem:v2+s26+$0x100], $0xffff  }
0xb1: {  	s29 =	simm.s32 $0xB00;
	v6 =	vld.idx.msk [tilespmem:v2+s26+$0x0], $0xffff  }
0xb2: {  	v7 =	vld.idx.msk [tilespmem:v2+s29+$0x180], $0xffff  }
0xb3: {  	v8 =	vld.idx.msk [tilespmem:v2+s29+$0x80], $0xffff  }
0xb4: {  	v1 =	vmul.f32 $-1.280000000e+02, v1;
	v9 =	vld.idx.msk [tilespmem:v2+s29+$0x100], $0xffff  }
0xb5: {  	v10 =	vld.idx.msk [tilespmem:v2+s29+$0x0], $0xffff  }
0xb6: {  	v1 =	vadd.f32 $1.024000000e+03, v1;
	v3 =	vmul.f32 $1.280000000e+02, v3;
	v4 =	vmul.f32 $1.280000000e+02, v4  }
0xb7: {  	v5 =	vmul.f32 $1.280000000e+02, v5;
	v6 =	vmul.f32 $1.280000000e+02, v6  }
0xb8: {  	v7 =	vmul.f32 $1.280000000e+02, v7;
	v8 =	vmul.f32 $1.280000000e+02, v8;
	v3 =	vadd.f32 v3, v1  }
0xb9: {  	v9 =	vmul.f32 $1.280000000e+02, v9;
	v4 =	vadd.f32 v4, v1;
	v5 =	vadd.f32 v5, v1  }
0xba: {  	v10 =	vmul.f32 $1.280000000e+02, v10;
	v6 =	vadd.f32 v6, v1;
	v7 =	vadd.f32 v7, v1  }
0xbb: {  	v8 =	vadd.f32 v8, v1;
	v9 =	vadd.f32 v9, v1;
	v3 =	vmax.f32 v3, $0.0e+00  }
0xbc: {  	v4 =	vmax.f32 v4, $0.0e+00;
	v6 =	vmax.f32 v6, $0.0e+00;
	v3 =	vmin.f32 v3, $2.047000000e+03  }
0xbd: {  	s30 =	simm.s32 $0xD00;
	v5 =	vmax.f32 v5, $0.0e+00;
	v6 =	vmin.f32 v6, $2.047000000e+03;
	v3 =	vtrunc.f32 v3  }
0xbe: {  	v11 =	vld.idx.msk [tilespmem:v2+s30+$0x180], $0xffff;
	v4 =	vmin.f32 v4, $2.047000000e+03;
	v6 =	vtrunc.f32 v6;
	v3 =	vcvt.f32.s32 v3  }
0xbf: {  	v13 =	vld.idx.msk [tilespmem:v2+s30+$0x100], $0xffff;
	v7 =	vmax.f32 v7, $0.0e+00;
	v4 =	vtrunc.f32 v4;
	v6 =	vcvt.f32.s32 v6  }
0xc0: {  	v8 =	vmax.f32 v8, $0.0e+00;
	v5 =	vmin.f32 v5, $2.047000000e+03;
	v12 =	vcvt.f32.s32 v4;
	v4 =	vld.idx.msk [tilespmem:v2+s30+$0x80], $0xffff  }
0xc1: {  	v9 =	vmax.f32 v9, $0.0e+00;
	v7 =	vmin.f32 v7, $2.047000000e+03;
	v5 =	vtrunc.f32 v5  }
0xc2: {  	v8 =	vmin.f32 v8, $2.047000000e+03;
	v14 =	vcvt.f32.s32 v5;
	v5 =	vadd.f32 v10, v1  }
0xc3: {  	v15 =	vld.idx.msk [tilespmem:v2+s30+$0x0], $0xffff;
	v9 =	vmin.f32 v9, $2.047000000e+03;
	v7 =	vtrunc.f32 v7;
	v8 =	vtrunc.f32 v8  }
0xc4: {  	v7 =	vcvt.f32.s32 v7;
	v5 =	vmax.f32 v5, $0.0e+00;
	v16 =	vld.idx.msk [tilespmem:v3+s17+$0x0], $0xffff;
	v3 =	vmul.f32 $1.280000000e+02, v11  }
0xc5: {  	s31 =	simm.s32 $0xF00;
	v5 =	vmin.f32 v5, $2.047000000e+03;
	v4 =	vmul.f32 $1.280000000e+02, v4;
	v17 =	vld.idx.msk [tilespmem:v6+s17+$0x0], $0xffff;
	v6 =	vmul.f32 $1.280000000e+02, v13  }
0xc6: {  	v18 =	vld.idx.msk [tilespmem:v2+s31+$0x180], $0xffff;
	v9 =	vtrunc.f32 v9;
	v11 =	vadd.f32 v3, v1;
	v3 =	vtrunc.f32 v5  }
0xc7: {  	v19 =	vld.idx.msk [tilespmem:v2+s31+$0x80], $0xffff;
	v4 =	vadd.f32 v4, v1;
	v6 =	vadd.f32 v6, v1;
	v20 =	vcvt.f32.s32 v3  }
0xc8: {  	v10 =	vld.idx.msk [tilespmem:v2+s31+$0x100], $0xffff;
	v3 =	vcvt.f32.s32 v8;
	v8 =	vmul.f32 $1.280000000e+02, v15;
	v5 =	vmax.f32 v11, $0.0e+00  }
0xc9: {  	v13 =	vmax.f32 v4, $0.0e+00;
	v4 =	vcvt.f32.s32 v9;
	v11 =	vld.idx.msk [tilespmem:v2+s31+$0x0], $0xffff;
	v15 =	vmin.f32 v5, $2.047000000e+03  }
0xca: {  	v6 =	vmax.f32 v6, $0.0e+00;
	v5 =	vld.idx.msk [tilespmem:v7+s17+$0x0], $0xffff;
	v7 =	vadd.f32 v8, v1;
	v8 =	vtrunc.f32 v15  }
0xcb: {  	s24 =	simm.s32 $0x8A10;
	v13 =	vmin.f32 v13, $2.047000000e+03;
	v21 =	vmin.f32 v6, $2.047000000e+03;
	v6 =	vld.idx.msk [tilespmem:v12+s17+$0x0], $0xffff;
	v9 =	vcvt.f32.s32 v8  }
0xcc: {  	[tilespmem:s24+$0x80] =	vst v16;
	v13 =	vtrunc.f32 v13;
	v15 =	vmul.f32 $1.280000000e+02, v18;
	v8 =	vmax.f32 v7, $0.0e+00;
	v7 =	vld.idx.msk [tilespmem:v14+s17+$0x0], $0xffff  }
0xcd: {  	s28 =	simm.s32 $0x1100;
	s25 =	simm.s32 $0x8A10;
	s26 =	simm.s32 $0xC;
	[tilespmem:s24+$0xFFFFFF00] =	vst v17;
	v12 =	vtrunc.f32 v21;
	v14 =	vmul.f32 $1.280000000e+02, v19;
	v16 =	vmin.f32 v8, $2.047000000e+03;
	v8 =	vld.idx.msk [tilespmem:v20+s17+$0x0], $0xffff  }
.LBB2_6:
0xce: {  	v17 =	vld.idx.msk [tilespmem:v2+s28+$0x180], $0xffff;
	s26 =	sadd.s32 $0x4, s26;
	v18 =	vmul.f32 $1.280000000e+02, v10;
	v15 =	vadd.f32 v15, v1;
	v10 =	vtrunc.f32 v16;
	s24 =	sadd.s32 $0x200, s24  }
0xcf: {  	v13 =	vcvt.f32.s32 v13;
	v16 =	vld.idx.msk [tilespmem:v2+s28+$0x80], $0xffff;
	p0 =	slt.u32 s26, $0x7C;
	v14 =	vadd.f32 v14, v1;
	v19 =	vcvt.f32.s32 v10;
	[tilespmem:s24+$0x80] =	vst v5  }
0xd0: {  	v20 =	vmul.f32 $1.280000000e+02, v11;
	v10 =	vld.idx.msk [tilespmem:v2+s28+$0x100], $0xffff;
	v18 =	vadd.f32 v18, v1;
	v5 =	vmax.f32 v15, $0.0e+00  }
.Ltmp4:
0xd1: {  	v12 =	vcvt.f32.s32 v12;
	v14 =	vmax.f32 v14, $0.0e+00;
	v15 =	vmin.f32 v5, $2.047000000e+03;
	v5 =	vld.idx.msk [tilespmem:v9+s17+$0x0], $0xffff;
	[tilespmem:s25+$0xFFFFFF80] =	vst v6;
	(pc) =	sbr.rel @p0 .LBB2_6-.Ltmp4, $4  }
0xd2: {  	v20 =	vadd.f32 v20, v1;
	v11 =	vld.idx.msk [tilespmem:v2+s28+$0x0], $0xffff;
	v6 =	vmax.f32 v18, $0.0e+00;
	v9 =	vtrunc.f32 v15;
	[tilespmem:s25+$0x0] =	vst v7;
	s25 =	smov.u32 s24  }
0xd3: {  	v7 =	vmin.f32 v14, $2.047000000e+03;
	v18 =	vmin.f32 v6, $2.047000000e+03;
	v9 =	vcvt.f32.s32 v9;
	[tilespmem:s24+$0xFFFFFF00] =	vst v8;
	v6 =	vld.idx.msk [tilespmem:v3+s17+$0x0], $0xffff;
	v3 =	vmovc v13  }
0xd4: {  	v15 =	vmul.f32 $1.280000000e+02, v17;
	v8 =	vmax.f32 v20, $0.0e+00;
	v13 =	vtrunc.f32 v7;
	v7 =	vld.idx.msk [tilespmem:v4+s17+$0x0], $0xffff;
	v4 =	vmovc v12  }
0xd5: {  	s28 =	sadd.s32 $0x200, s28;
	v14 =	vmul.f32 $1.280000000e+02, v16;
	v16 =	vmin.f32 v8, $2.047000000e+03;
	v12 =	vtrunc.f32 v18;
	v8 =	vld.idx.msk [tilespmem:v19+s17+$0x0], $0xffff  }
0xd6: {  	_ = 	snop  }
0xd7: {  	v2 =	vadd.f32 v15, v1;
	v10 =	vmul.f32 $1.280000000e+02, v10;
	v11 =	vmul.f32 $1.280000000e+02, v11  }
0xd8: {  	v15 =	vtrunc.f32 v16;
	v13 =	vcvt.f32.s32 v13  }
0xd9: {  	v12 =	vcvt.f32.s32 v12;
	v2 =	vmax.f32 v2, $0.0e+00;
	v11 =	vadd.f32 v11, v1  }
0xda: {  	v15 =	vcvt.f32.s32 v15;
	v14 =	vadd.f32 v14, v1;
	v2 =	vmin.f32 v2, $2.047000000e+03  }
0xdb: {  	v1 =	vadd.f32 v10, v1;
	v2 =	vtrunc.f32 v2;
	v10 =	vmax.f32 v11, $0.0e+00  }
0xdc: {  	v3 =	vld.idx.msk [tilespmem:v3+s17+$0x0], $0xffff;
	v2 =	vcvt.f32.s32 v2;
	v11 =	vmax.f32 v14, $0.0e+00;
	v10 =	vmin.f32 v10, $2.047000000e+03  }
0xdd: {  	s24 =	sadd.s32 $0x200, s24;
	v1 =	vmax.f32 v1, $0.0e+00;
	v11 =	vmin.f32 v11, $2.047000000e+03;
	v10 =	vtrunc.f32 v10  }
0xde: {  	v9 =	vld.idx.msk [tilespmem:v9+s17+$0x0], $0xffff;
	[tilespmem:s24+$0x80] =	vst v5;
	v1 =	vmin.f32 v1, $2.047000000e+03;
	v5 =	vtrunc.f32 v11;
	v10 =	vcvt.f32.s32 v10  }
0xdf: {  	v4 =	vld.idx.msk [tilespmem:v4+s17+$0x0], $0xffff;
	[tilespmem:s25+$0xFFFFFF80] =	vst v6;
	v1 =	vtrunc.f32 v1;
	v5 =	vcvt.f32.s32 v5  }
0xe0: {  	[tilespmem:s25+$0x0] =	vst v7;
	v7 =	vld.idx.msk [tilespmem:v13+s17+$0x0], $0xffff;
	v1 =	vcvt.f32.s32 v1  }
0xe1: {  	[tilespmem:s24+$0xFFFFFF80] =	vst v3;
	v3 =	vld.idx.msk [tilespmem:v12+s17+$0x0], $0xffff  }
0xe2: {  	s30 =	sadd.s32 $0x200, s24;
	[tilespmem:s24+$0xFFFFFF00] =	vst v8;
	v6 =	vld.idx.msk [tilespmem:v15+s17+$0x0], $0xffff  }
0xe3: {  	[tilespmem:s30+$0x80] =	vst v9;
	v2 =	vld.idx.msk [tilespmem:v2+s17+$0x0], $0xffff  }
0xe4: {  	[tilespmem:s24+$0x0] =	vst v4;
	v4 =	vld.idx.msk [tilespmem:v10+s17+$0x0], $0xffff  }
0xe5: {  	[tilespmem:s30+$0xFFFFFF80] =	vst v7;
	v5 =	vld.idx.msk [tilespmem:v5+s17+$0x0], $0xffff  }
0xe6: {  	[tilespmem:s30+$0x0] =	vst v3;
	v1 =	vld.idx.msk [tilespmem:v1+s17+$0x0], $0xffff  }
0xe7: {  	s31 =	sadd.s32 $0x200, s30;
	[tilespmem:s30+$0xFFFFFF00] =	vst v6  }
0xe8: {  	[tilespmem:s31+$0x80] =	vst v2  }
0xe9: {  	[tilespmem:s31+$0xFFFFFF00] =	vst v4  }
0xea: {  	[tilespmem:s31+$0xFFFFFF80] =	vst v5  }
0xeb: {  	[tilespmem:s31+$0x0] =	vst v1  }
0xec: {  	v2 =	vld [tilespmem:$0x20];
	_ =	sdelay $0x6  }
0xed: {  	s26 =	simm.s32 $0x900;
	v1 =	vld [tilespmem:$0xA0]  }
0xee: {  	v3 =	vld.idx.msk [tilespmem:v2+s26+$0x180], $0xffff  }
0xef: {  	v4 =	vld.idx.msk [tilespmem:v2+s26+$0x80], $0xffff  }
0xf0: {  	v5 =	vld.idx.msk [tilespmem:v2+s26+$0x100], $0xffff  }
0xf1: {  	s29 =	simm.s32 $0xB00;
	v6 =	vld.idx.msk [tilespmem:v2+s26+$0x0], $0xffff  }
0xf2: {  	v7 =	vld.idx.msk [tilespmem:v2+s29+$0x180], $0xffff  }
0xf3: {  	v8 =	vld.idx.msk [tilespmem:v2+s29+$0x80], $0xffff  }
0xf4: {  	v1 =	vmul.f32 $-1.280000000e+02, v1;
	v9 =	vld.idx.msk [tilespmem:v2+s29+$0x100], $0xffff  }
0xf5: {  	v10 =	vld.idx.msk [tilespmem:v2+s29+$0x0], $0xffff  }
0xf6: {  	v1 =	vadd.f32 $1.024000000e+03, v1;
	v3 =	vmul.f32 $1.280000000e+02, v3;
	v4 =	vmul.f32 $1.280000000e+02, v4  }
0xf7: {  	v5 =	vmul.f32 $1.280000000e+02, v5;
	v6 =	vmul.f32 $1.280000000e+02, v6  }
0xf8: {  	v7 =	vmul.f32 $1.280000000e+02, v7;
	v8 =	vmul.f32 $1.280000000e+02, v8;
	v3 =	vadd.f32 v3, v1  }
0xf9: {  	v9 =	vmul.f32 $1.280000000e+02, v9;
	v4 =	vadd.f32 v4, v1;
	v5 =	vadd.f32 v5, v1  }
0xfa: {  	v10 =	vmul.f32 $1.280000000e+02, v10;
	v6 =	vadd.f32 v6, v1;
	v7 =	vadd.f32 v7, v1  }
0xfb: {  	v8 =	vadd.f32 v8, v1;
	v9 =	vadd.f32 v9, v1;
	v3 =	vmax.f32 v3, $0.0e+00  }
0xfc: {  	v4 =	vmax.f32 v4, $0.0e+00;
	v6 =	vmax.f32 v6, $0.0e+00;
	v3 =	vmin.f32 v3, $2.047000000e+03  }
0xfd: {  	s30 =	simm.s32 $0xD00;
	v5 =	vmax.f32 v5, $0.0e+00;
	v6 =	vmin.f32 v6, $2.047000000e+03;
	v3 =	vtrunc.f32 v3  }
0xfe: {  	v11 =	vld.idx.msk [tilespmem:v2+s30+$0x180], $0xffff;
	v4 =	vmin.f32 v4, $2.047000000e+03;
	v6 =	vtrunc.f32 v6;
	v3 =	vcvt.f32.s32 v3  }
0xff: {  	v13 =	vld.idx.msk [tilespmem:v2+s30+$0x100], $0xffff;
	v7 =	vmax.f32 v7, $0.0e+00;
	v4 =	vtrunc.f32 v4;
	v6 =	vcvt.f32.s32 v6  }
0x100: {  	v8 =	vmax.f32 v8, $0.0e+00;
	v5 =	vmin.f32 v5, $2.047000000e+03;
	v12 =	vcvt.f32.s32 v4;
	v4 =	vld.idx.msk [tilespmem:v2+s30+$0x80], $0xffff  }
0x101: {  	v9 =	vmax.f32 v9, $0.0e+00;
	v7 =	vmin.f32 v7, $2.047000000e+03;
	v5 =	vtrunc.f32 v5  }
0x102: {  	v8 =	vmin.f32 v8, $2.047000000e+03;
	v14 =	vcvt.f32.s32 v5;
	v5 =	vadd.f32 v10, v1  }
0x103: {  	v15 =	vld.idx.msk [tilespmem:v2+s30+$0x0], $0xffff;
	v9 =	vmin.f32 v9, $2.047000000e+03;
	v7 =	vtrunc.f32 v7;
	v8 =	vtrunc.f32 v8  }
0x104: {  	v7 =	vcvt.f32.s32 v7;
	v5 =	vmax.f32 v5, $0.0e+00;
	v16 =	vld.idx.msk [tilespmem:v3+s17+$0x0], $0xffff;
	v3 =	vmul.f32 $1.280000000e+02, v11  }
0x105: {  	s31 =	simm.s32 $0xF00;
	v5 =	vmin.f32 v5, $2.047000000e+03;
	v4 =	vmul.f32 $1.280000000e+02, v4;
	v17 =	vld.idx.msk [tilespmem:v6+s17+$0x0], $0xffff;
	v6 =	vmul.f32 $1.280000000e+02, v13  }
0x106: {  	v18 =	vld.idx.msk [tilespmem:v2+s31+$0x180], $0xffff;
	v9 =	vtrunc.f32 v9;
	v11 =	vadd.f32 v3, v1;
	v3 =	vtrunc.f32 v5  }
0x107: {  	v19 =	vld.idx.msk [tilespmem:v2+s31+$0x80], $0xffff;
	v4 =	vadd.f32 v4, v1;
	v6 =	vadd.f32 v6, v1;
	v20 =	vcvt.f32.s32 v3  }
0x108: {  	v10 =	vld.idx.msk [tilespmem:v2+s31+$0x100], $0xffff;
	v3 =	vcvt.f32.s32 v8;
	v8 =	vmul.f32 $1.280000000e+02, v15;
	v5 =	vmax.f32 v11, $0.0e+00  }
0x109: {  	v13 =	vmax.f32 v4, $0.0e+00;
	v4 =	vcvt.f32.s32 v9;
	v11 =	vld.idx.msk [tilespmem:v2+s31+$0x0], $0xffff;
	v15 =	vmin.f32 v5, $2.047000000e+03  }
0x10a: {  	v6 =	vmax.f32 v6, $0.0e+00;
	v5 =	vld.idx.msk [tilespmem:v7+s17+$0x0], $0xffff;
	v7 =	vadd.f32 v8, v1;
	v8 =	vtrunc.f32 v15  }
0x10b: {  	s24 =	simm.s32 $0x8A20;
	v13 =	vmin.f32 v13, $2.047000000e+03;
	v21 =	vmin.f32 v6, $2.047000000e+03;
	v6 =	vld.idx.msk [tilespmem:v12+s17+$0x0], $0xffff;
	v9 =	vcvt.f32.s32 v8  }
0x10c: {  	[tilespmem:s24+$0x80] =	vst v16;
	v13 =	vtrunc.f32 v13;
	v15 =	vmul.f32 $1.280000000e+02, v18;
	v8 =	vmax.f32 v7, $0.0e+00;
	v7 =	vld.idx.msk [tilespmem:v14+s17+$0x0], $0xffff  }
0x10d: {  	s28 =	simm.s32 $0x1100;
	s25 =	simm.s32 $0x8A20;
	s26 =	simm.s32 $0xC;
	[tilespmem:s24+$0xFFFFFF00] =	vst v17;
	v12 =	vtrunc.f32 v21;
	v14 =	vmul.f32 $1.280000000e+02, v19;
	v16 =	vmin.f32 v8, $2.047000000e+03;
	v8 =	vld.idx.msk [tilespmem:v20+s17+$0x0], $0xffff  }
.LBB2_8:
0x10e: {  	v17 =	vld.idx.msk [tilespmem:v2+s28+$0x180], $0xffff;
	s26 =	sadd.s32 $0x4, s26;
	v18 =	vmul.f32 $1.280000000e+02, v10;
	v15 =	vadd.f32 v15, v1;
	v10 =	vtrunc.f32 v16;
	s24 =	sadd.s32 $0x200, s24  }
0x10f: {  	v13 =	vcvt.f32.s32 v13;
	v16 =	vld.idx.msk [tilespmem:v2+s28+$0x80], $0xffff;
	p0 =	slt.u32 s26, $0x7C;
	v14 =	vadd.f32 v14, v1;
	v19 =	vcvt.f32.s32 v10;
	[tilespmem:s24+$0x80] =	vst v5  }
0x110: {  	v20 =	vmul.f32 $1.280000000e+02, v11;
	v10 =	vld.idx.msk [tilespmem:v2+s28+$0x100], $0xffff;
	v18 =	vadd.f32 v18, v1;
	v5 =	vmax.f32 v15, $0.0e+00  }
.Ltmp5:
0x111: {  	v12 =	vcvt.f32.s32 v12;
	v14 =	vmax.f32 v14, $0.0e+00;
	v15 =	vmin.f32 v5, $2.047000000e+03;
	v5 =	vld.idx.msk [tilespmem:v9+s17+$0x0], $0xffff;
	[tilespmem:s25+$0xFFFFFF80] =	vst v6;
	(pc) =	sbr.rel @p0 .LBB2_8-.Ltmp5, $4  }
0x112: {  	v20 =	vadd.f32 v20, v1;
	v11 =	vld.idx.msk [tilespmem:v2+s28+$0x0], $0xffff;
	v6 =	vmax.f32 v18, $0.0e+00;
	v9 =	vtrunc.f32 v15;
	[tilespmem:s25+$0x0] =	vst v7;
	s25 =	smov.u32 s24  }
0x113: {  	v7 =	vmin.f32 v14, $2.047000000e+03;
	v18 =	vmin.f32 v6, $2.047000000e+03;
	v9 =	vcvt.f32.s32 v9;
	[tilespmem:s24+$0xFFFFFF00] =	vst v8;
	v6 =	vld.idx.msk [tilespmem:v3+s17+$0x0], $0xffff;
	v3 =	vmovc v13  }
0x114: {  	v15 =	vmul.f32 $1.280000000e+02, v17;
	v8 =	vmax.f32 v20, $0.0e+00;
	v13 =	vtrunc.f32 v7;
	v7 =	vld.idx.msk [tilespmem:v4+s17+$0x0], $0xffff;
	v4 =	vmovc v12  }
0x115: {  	s28 =	sadd.s32 $0x200, s28;
	v14 =	vmul.f32 $1.280000000e+02, v16;
	v16 =	vmin.f32 v8, $2.047000000e+03;
	v12 =	vtrunc.f32 v18;
	v8 =	vld.idx.msk [tilespmem:v19+s17+$0x0], $0xffff  }
0x116: {  	_ = 	snop  }
0x117: {  	v2 =	vadd.f32 v15, v1;
	v10 =	vmul.f32 $1.280000000e+02, v10;
	v11 =	vmul.f32 $1.280000000e+02, v11  }
0x118: {  	v15 =	vtrunc.f32 v16;
	v13 =	vcvt.f32.s32 v13  }
0x119: {  	v12 =	vcvt.f32.s32 v12;
	v2 =	vmax.f32 v2, $0.0e+00;
	v11 =	vadd.f32 v11, v1  }
0x11a: {  	v15 =	vcvt.f32.s32 v15;
	v14 =	vadd.f32 v14, v1;
	v2 =	vmin.f32 v2, $2.047000000e+03  }
0x11b: {  	v1 =	vadd.f32 v10, v1;
	v2 =	vtrunc.f32 v2;
	v10 =	vmax.f32 v11, $0.0e+00  }
0x11c: {  	v3 =	vld.idx.msk [tilespmem:v3+s17+$0x0], $0xffff;
	v2 =	vcvt.f32.s32 v2;
	v11 =	vmax.f32 v14, $0.0e+00;
	v10 =	vmin.f32 v10, $2.047000000e+03  }
0x11d: {  	s24 =	sadd.s32 $0x200, s24;
	v1 =	vmax.f32 v1, $0.0e+00;
	v11 =	vmin.f32 v11, $2.047000000e+03;
	v10 =	vtrunc.f32 v10  }
0x11e: {  	v9 =	vld.idx.msk [tilespmem:v9+s17+$0x0], $0xffff;
	[tilespmem:s24+$0x80] =	vst v5;
	v1 =	vmin.f32 v1, $2.047000000e+03;
	v5 =	vtrunc.f32 v11;
	v10 =	vcvt.f32.s32 v10  }
0x11f: {  	v4 =	vld.idx.msk [tilespmem:v4+s17+$0x0], $0xffff;
	[tilespmem:s25+$0xFFFFFF80] =	vst v6;
	v1 =	vtrunc.f32 v1;
	v5 =	vcvt.f32.s32 v5  }
0x120: {  	[tilespmem:s25+$0x0] =	vst v7;
	v7 =	vld.idx.msk [tilespmem:v13+s17+$0x0], $0xffff;
	v1 =	vcvt.f32.s32 v1  }
0x121: {  	[tilespmem:s24+$0xFFFFFF80] =	vst v3;
	v3 =	vld.idx.msk [tilespmem:v12+s17+$0x0], $0xffff  }
0x122: {  	s30 =	sadd.s32 $0x200, s24;
	[tilespmem:s24+$0xFFFFFF00] =	vst v8;
	v6 =	vld.idx.msk [tilespmem:v15+s17+$0x0], $0xffff  }
0x123: {  	[tilespmem:s30+$0x80] =	vst v9;
	v2 =	vld.idx.msk [tilespmem:v2+s17+$0x0], $0xffff  }
0x124: {  	[tilespmem:s24+$0x0] =	vst v4;
	v4 =	vld.idx.msk [tilespmem:v10+s17+$0x0], $0xffff  }
0x125: {  	[tilespmem:s30+$0xFFFFFF80] =	vst v7;
	v5 =	vld.idx.msk [tilespmem:v5+s17+$0x0], $0xffff  }
0x126: {  	[tilespmem:s30+$0x0] =	vst v3;
	v1 =	vld.idx.msk [tilespmem:v1+s17+$0x0], $0xffff  }
0x127: {  	s31 =	sadd.s32 $0x200, s30;
	[tilespmem:s30+$0xFFFFFF00] =	vst v6  }
0x128: {  	[tilespmem:s31+$0x80] =	vst v2  }
0x129: {  	[tilespmem:s31+$0xFFFFFF00] =	vst v4  }
0x12a: {  	[tilespmem:s31+$0xFFFFFF80] =	vst v5  }
0x12b: {  	[tilespmem:s31+$0x0] =	vst v1  }
0x12c: {  	v2 =	vld [tilespmem:$0x30];
	_ =	sdelay $0x6  }
0x12d: {  	s26 =	simm.s32 $0x900;
	v1 =	vld [tilespmem:$0xB0]  }
0x12e: {  	v3 =	vld.idx.msk [tilespmem:v2+s26+$0x180], $0xffff  }
0x12f: {  	v4 =	vld.idx.msk [tilespmem:v2+s26+$0x80], $0xffff  }
0x130: {  	v5 =	vld.idx.msk [tilespmem:v2+s26+$0x100], $0xffff  }
0x131: {  	s29 =	simm.s32 $0xB00;
	v6 =	vld.idx.msk [tilespmem:v2+s26+$0x0], $0xffff  }
0x132: {  	v7 =	vld.idx.msk [tilespmem:v2+s29+$0x180], $0xffff  }
0x133: {  	v8 =	vld.idx.msk [tilespmem:v2+s29+$0x80], $0xffff  }
0x134: {  	v1 =	vmul.f32 $-1.280000000e+02, v1;
	v9 =	vld.idx.msk [tilespmem:v2+s29+$0x100], $0xffff  }
0x135: {  	v10 =	vld.idx.msk [tilespmem:v2+s29+$0x0], $0xffff  }
0x136: {  	v1 =	vadd.f32 $1.024000000e+03, v1;
	v3 =	vmul.f32 $1.280000000e+02, v3;
	v4 =	vmul.f32 $1.280000000e+02, v4  }
0x137: {  	v5 =	vmul.f32 $1.280000000e+02, v5;
	v6 =	vmul.f32 $1.280000000e+02, v6  }
0x138: {  	v7 =	vmul.f32 $1.280000000e+02, v7;
	v8 =	vmul.f32 $1.280000000e+02, v8;
	v3 =	vadd.f32 v3, v1  }
0x139: {  	v9 =	vmul.f32 $1.280000000e+02, v9;
	v4 =	vadd.f32 v4, v1;
	v5 =	vadd.f32 v5, v1  }
0x13a: {  	v10 =	vmul.f32 $1.280000000e+02, v10;
	v6 =	vadd.f32 v6, v1;
	v7 =	vadd.f32 v7, v1  }
0x13b: {  	v8 =	vadd.f32 v8, v1;
	v9 =	vadd.f32 v9, v1;
	v3 =	vmax.f32 v3, $0.0e+00  }
0x13c: {  	v4 =	vmax.f32 v4, $0.0e+00;
	v6 =	vmax.f32 v6, $0.0e+00;
	v3 =	vmin.f32 v3, $2.047000000e+03  }
0x13d: {  	s30 =	simm.s32 $0xD00;
	v5 =	vmax.f32 v5, $0.0e+00;
	v6 =	vmin.f32 v6, $2.047000000e+03;
	v3 =	vtrunc.f32 v3  }
0x13e: {  	v11 =	vld.idx.msk [tilespmem:v2+s30+$0x180], $0xffff;
	v4 =	vmin.f32 v4, $2.047000000e+03;
	v6 =	vtrunc.f32 v6;
	v3 =	vcvt.f32.s32 v3  }
0x13f: {  	v13 =	vld.idx.msk [tilespmem:v2+s30+$0x100], $0xffff;
	v7 =	vmax.f32 v7, $0.0e+00;
	v4 =	vtrunc.f32 v4;
	v6 =	vcvt.f32.s32 v6  }
0x140: {  	v8 =	vmax.f32 v8, $0.0e+00;
	v5 =	vmin.f32 v5, $2.047000000e+03;
	v12 =	vcvt.f32.s32 v4;
	v4 =	vld.idx.msk [tilespmem:v2+s30+$0x80], $0xffff  }
0x141: {  	v9 =	vmax.f32 v9, $0.0e+00;
	v7 =	vmin.f32 v7, $2.047000000e+03;
	v5 =	vtrunc.f32 v5  }
0x142: {  	v8 =	vmin.f32 v8, $2.047000000e+03;
	v14 =	vcvt.f32.s32 v5;
	v5 =	vadd.f32 v10, v1  }
0x143: {  	v15 =	vld.idx.msk [tilespmem:v2+s30+$0x0], $0xffff;
	v9 =	vmin.f32 v9, $2.047000000e+03;
	v7 =	vtrunc.f32 v7;
	v8 =	vtrunc.f32 v8  }
0x144: {  	v7 =	vcvt.f32.s32 v7;
	v5 =	vmax.f32 v5, $0.0e+00;
	v16 =	vld.idx.msk [tilespmem:v3+s17+$0x0], $0xffff;
	v3 =	vmul.f32 $1.280000000e+02, v11  }
0x145: {  	s31 =	simm.s32 $0xF00;
	v5 =	vmin.f32 v5, $2.047000000e+03;
	v4 =	vmul.f32 $1.280000000e+02, v4;
	v17 =	vld.idx.msk [tilespmem:v6+s17+$0x0], $0xffff;
	v6 =	vmul.f32 $1.280000000e+02, v13  }
0x146: {  	v18 =	vld.idx.msk [tilespmem:v2+s31+$0x180], $0xffff;
	v9 =	vtrunc.f32 v9;
	v11 =	vadd.f32 v3, v1;
	v3 =	vtrunc.f32 v5  }
0x147: {  	v19 =	vld.idx.msk [tilespmem:v2+s31+$0x80], $0xffff;
	v4 =	vadd.f32 v4, v1;
	v6 =	vadd.f32 v6, v1;
	v20 =	vcvt.f32.s32 v3  }
0x148: {  	v10 =	vld.idx.msk [tilespmem:v2+s31+$0x100], $0xffff;
	v3 =	vcvt.f32.s32 v8;
	v8 =	vmul.f32 $1.280000000e+02, v15;
	v5 =	vmax.f32 v11, $0.0e+00  }
0x149: {  	v13 =	vmax.f32 v4, $0.0e+00;
	v4 =	vcvt.f32.s32 v9;
	v11 =	vld.idx.msk [tilespmem:v2+s31+$0x0], $0xffff;
	v15 =	vmin.f32 v5, $2.047000000e+03  }
0x14a: {  	v6 =	vmax.f32 v6, $0.0e+00;
	v5 =	vld.idx.msk [tilespmem:v7+s17+$0x0], $0xffff;
	v7 =	vadd.f32 v8, v1;
	v8 =	vtrunc.f32 v15  }
0x14b: {  	s24 =	simm.s32 $0x8A30;
	v13 =	vmin.f32 v13, $2.047000000e+03;
	v21 =	vmin.f32 v6, $2.047000000e+03;
	v6 =	vld.idx.msk [tilespmem:v12+s17+$0x0], $0xffff;
	v9 =	vcvt.f32.s32 v8  }
0x14c: {  	[tilespmem:s24+$0x80] =	vst v16;
	v13 =	vtrunc.f32 v13;
	v15 =	vmul.f32 $1.280000000e+02, v18;
	v8 =	vmax.f32 v7, $0.0e+00;
	v7 =	vld.idx.msk [tilespmem:v14+s17+$0x0], $0xffff  }
0x14d: {  	s28 =	simm.s32 $0x1100;
	s25 =	simm.s32 $0x8A30;
	s26 =	simm.s32 $0xC;
	[tilespmem:s24+$0xFFFFFF00] =	vst v17;
	v12 =	vtrunc.f32 v21;
	v14 =	vmul.f32 $1.280000000e+02, v19;
	v16 =	vmin.f32 v8, $2.047000000e+03;
	v8 =	vld.idx.msk [tilespmem:v20+s17+$0x0], $0xffff  }
.LBB2_10:
0x14e: {  	v17 =	vld.idx.msk [tilespmem:v2+s28+$0x180], $0xffff;
	s26 =	sadd.s32 $0x4, s26;
	v18 =	vmul.f32 $1.280000000e+02, v10;
	v15 =	vadd.f32 v15, v1;
	v10 =	vtrunc.f32 v16;
	s24 =	sadd.s32 $0x200, s24  }
0x14f: {  	v13 =	vcvt.f32.s32 v13;
	v16 =	vld.idx.msk [tilespmem:v2+s28+$0x80], $0xffff;
	p0 =	slt.u32 s26, $0x7C;
	v14 =	vadd.f32 v14, v1;
	v19 =	vcvt.f32.s32 v10;
	[tilespmem:s24+$0x80] =	vst v5  }
0x150: {  	v20 =	vmul.f32 $1.280000000e+02, v11;
	v10 =	vld.idx.msk [tilespmem:v2+s28+$0x100], $0xffff;
	v18 =	vadd.f32 v18, v1;
	v5 =	vmax.f32 v15, $0.0e+00  }
.Ltmp6:
0x151: {  	v12 =	vcvt.f32.s32 v12;
	v14 =	vmax.f32 v14, $0.0e+00;
	v15 =	vmin.f32 v5, $2.047000000e+03;
	v5 =	vld.idx.msk [tilespmem:v9+s17+$0x0], $0xffff;
	[tilespmem:s25+$0xFFFFFF80] =	vst v6;
	(pc) =	sbr.rel @p0 .LBB2_10-.Ltmp6, $4  }
0x152: {  	v20 =	vadd.f32 v20, v1;
	v11 =	vld.idx.msk [tilespmem:v2+s28+$0x0], $0xffff;
	v6 =	vmax.f32 v18, $0.0e+00;
	v9 =	vtrunc.f32 v15;
	[tilespmem:s25+$0x0] =	vst v7;
	s25 =	smov.u32 s24  }
0x153: {  	v7 =	vmin.f32 v14, $2.047000000e+03;
	v18 =	vmin.f32 v6, $2.047000000e+03;
	v9 =	vcvt.f32.s32 v9;
	[tilespmem:s24+$0xFFFFFF00] =	vst v8;
	v6 =	vld.idx.msk [tilespmem:v3+s17+$0x0], $0xffff;
	v3 =	vmovc v13  }
0x154: {  	v15 =	vmul.f32 $1.280000000e+02, v17;
	v8 =	vmax.f32 v20, $0.0e+00;
	v13 =	vtrunc.f32 v7;
	v7 =	vld.idx.msk [tilespmem:v4+s17+$0x0], $0xffff;
	v4 =	vmovc v12  }
0x155: {  	s28 =	sadd.s32 $0x200, s28;
	v14 =	vmul.f32 $1.280000000e+02, v16;
	v16 =	vmin.f32 v8, $2.047000000e+03;
	v12 =	vtrunc.f32 v18;
	v8 =	vld.idx.msk [tilespmem:v19+s17+$0x0], $0xffff  }
0x156: {  	_ = 	snop  }
0x157: {  	v2 =	vadd.f32 v15, v1;
	v10 =	vmul.f32 $1.280000000e+02, v10;
	v11 =	vmul.f32 $1.280000000e+02, v11  }
0x158: {  	v15 =	vtrunc.f32 v16;
	v13 =	vcvt.f32.s32 v13  }
0x159: {  	v12 =	vcvt.f32.s32 v12;
	v2 =	vmax.f32 v2, $0.0e+00;
	v11 =	vadd.f32 v11, v1  }
0x15a: {  	v15 =	vcvt.f32.s32 v15;
	v14 =	vadd.f32 v14, v1;
	v2 =	vmin.f32 v2, $2.047000000e+03  }
0x15b: {  	v1 =	vadd.f32 v10, v1;
	v2 =	vtrunc.f32 v2;
	v10 =	vmax.f32 v11, $0.0e+00  }
0x15c: {  	v3 =	vld.idx.msk [tilespmem:v3+s17+$0x0], $0xffff;
	v2 =	vcvt.f32.s32 v2;
	v11 =	vmax.f32 v14, $0.0e+00;
	v10 =	vmin.f32 v10, $2.047000000e+03  }
0x15d: {  	s24 =	sadd.s32 $0x200, s24;
	v1 =	vmax.f32 v1, $0.0e+00;
	v11 =	vmin.f32 v11, $2.047000000e+03;
	v10 =	vtrunc.f32 v10  }
0x15e: {  	v9 =	vld.idx.msk [tilespmem:v9+s17+$0x0], $0xffff;
	[tilespmem:s24+$0x80] =	vst v5;
	v1 =	vmin.f32 v1, $2.047000000e+03;
	v5 =	vtrunc.f32 v11;
	v10 =	vcvt.f32.s32 v10  }
0x15f: {  	v4 =	vld.idx.msk [tilespmem:v4+s17+$0x0], $0xffff;
	[tilespmem:s25+$0xFFFFFF80] =	vst v6;
	v1 =	vtrunc.f32 v1;
	v5 =	vcvt.f32.s32 v5  }
0x160: {  	[tilespmem:s25+$0x0] =	vst v7;
	v7 =	vld.idx.msk [tilespmem:v13+s17+$0x0], $0xffff;
	v1 =	vcvt.f32.s32 v1  }
0x161: {  	[tilespmem:s24+$0xFFFFFF80] =	vst v3;
	v3 =	vld.idx.msk [tilespmem:v12+s17+$0x0], $0xffff  }
0x162: {  	s30 =	sadd.s32 $0x200, s24;
	[tilespmem:s24+$0xFFFFFF00] =	vst v8;
	v6 =	vld.idx.msk [tilespmem:v15+s17+$0x0], $0xffff  }
0x163: {  	[tilespmem:s30+$0x80] =	vst v9;
	v2 =	vld.idx.msk [tilespmem:v2+s17+$0x0], $0xffff  }
0x164: {  	[tilespmem:s24+$0x0] =	vst v4;
	v4 =	vld.idx.msk [tilespmem:v10+s17+$0x0], $0xffff  }
0x165: {  	[tilespmem:s30+$0xFFFFFF80] =	vst v7;
	v5 =	vld.idx.msk [tilespmem:v5+s17+$0x0], $0xffff  }
0x166: {  	[tilespmem:s30+$0x0] =	vst v3;
	v1 =	vld.idx.msk [tilespmem:v1+s17+$0x0], $0xffff  }
0x167: {  	s31 =	sadd.s32 $0x200, s30;
	[tilespmem:s30+$0xFFFFFF00] =	vst v6  }
0x168: {  	[tilespmem:s31+$0x80] =	vst v2  }
0x169: {  	[tilespmem:s31+$0xFFFFFF00] =	vst v4  }
0x16a: {  	[tilespmem:s31+$0xFFFFFF80] =	vst v5  }
0x16b: {  	[tilespmem:s31+$0x0] =	vst v1  }
0x16c: {  	v2 =	vld [tilespmem:$0x40];
	_ =	sdelay $0x6  }
0x16d: {  	s26 =	simm.s32 $0x900;
	v1 =	vld [tilespmem:$0xC0]  }
0x16e: {  	v3 =	vld.idx.msk [tilespmem:v2+s26+$0x180], $0xffff  }
0x16f: {  	v4 =	vld.idx.msk [tilespmem:v2+s26+$0x80], $0xffff  }
0x170: {  	v5 =	vld.idx.msk [tilespmem:v2+s26+$0x100], $0xffff  }
0x171: {  	s29 =	simm.s32 $0xB00;
	v6 =	vld.idx.msk [tilespmem:v2+s26+$0x0], $0xffff  }
0x172: {  	v7 =	vld.idx.msk [tilespmem:v2+s29+$0x180], $0xffff  }
0x173: {  	v8 =	vld.idx.msk [tilespmem:v2+s29+$0x80], $0xffff  }
0x174: {  	v1 =	vmul.f32 $-1.280000000e+02, v1;
	v9 =	vld.idx.msk [tilespmem:v2+s29+$0x100], $0xffff  }
0x175: {  	v10 =	vld.idx.msk [tilespmem:v2+s29+$0x0], $0xffff  }
0x176: {  	v1 =	vadd.f32 $1.024000000e+03, v1;
	v3 =	vmul.f32 $1.280000000e+02, v3;
	v4 =	vmul.f32 $1.280000000e+02, v4  }
0x177: {  	v5 =	vmul.f32 $1.280000000e+02, v5;
	v6 =	vmul.f32 $1.280000000e+02, v6  }
0x178: {  	v7 =	vmul.f32 $1.280000000e+02, v7;
	v8 =	vmul.f32 $1.280000000e+02, v8;
	v3 =	vadd.f32 v3, v1  }
0x179: {  	v9 =	vmul.f32 $1.280000000e+02, v9;
	v4 =	vadd.f32 v4, v1;
	v5 =	vadd.f32 v5, v1  }
0x17a: {  	v10 =	vmul.f32 $1.280000000e+02, v10;
	v6 =	vadd.f32 v6, v1;
	v7 =	vadd.f32 v7, v1  }
0x17b: {  	v8 =	vadd.f32 v8, v1;
	v9 =	vadd.f32 v9, v1;
	v3 =	vmax.f32 v3, $0.0e+00  }
0x17c: {  	v4 =	vmax.f32 v4, $0.0e+00;
	v6 =	vmax.f32 v6, $0.0e+00;
	v3 =	vmin.f32 v3, $2.047000000e+03  }
0x17d: {  	s30 =	simm.s32 $0xD00;
	v5 =	vmax.f32 v5, $0.0e+00;
	v6 =	vmin.f32 v6, $2.047000000e+03;
	v3 =	vtrunc.f32 v3  }
0x17e: {  	v11 =	vld.idx.msk [tilespmem:v2+s30+$0x180], $0xffff;
	v4 =	vmin.f32 v4, $2.047000000e+03;
	v6 =	vtrunc.f32 v6;
	v3 =	vcvt.f32.s32 v3  }
0x17f: {  	v13 =	vld.idx.msk [tilespmem:v2+s30+$0x100], $0xffff;
	v7 =	vmax.f32 v7, $0.0e+00;
	v4 =	vtrunc.f32 v4;
	v6 =	vcvt.f32.s32 v6  }
0x180: {  	v8 =	vmax.f32 v8, $0.0e+00;
	v5 =	vmin.f32 v5, $2.047000000e+03;
	v12 =	vcvt.f32.s32 v4;
	v4 =	vld.idx.msk [tilespmem:v2+s30+$0x80], $0xffff  }
0x181: {  	v9 =	vmax.f32 v9, $0.0e+00;
	v7 =	vmin.f32 v7, $2.047000000e+03;
	v5 =	vtrunc.f32 v5  }
0x182: {  	v8 =	vmin.f32 v8, $2.047000000e+03;
	v14 =	vcvt.f32.s32 v5;
	v5 =	vadd.f32 v10, v1  }
0x183: {  	v15 =	vld.idx.msk [tilespmem:v2+s30+$0x0], $0xffff;
	v9 =	vmin.f32 v9, $2.047000000e+03;
	v7 =	vtrunc.f32 v7;
	v8 =	vtrunc.f32 v8  }
0x184: {  	v7 =	vcvt.f32.s32 v7;
	v5 =	vmax.f32 v5, $0.0e+00;
	v16 =	vld.idx.msk [tilespmem:v3+s17+$0x0], $0xffff;
	v3 =	vmul.f32 $1.280000000e+02, v11  }
0x185: {  	s31 =	simm.s32 $0xF00;
	v5 =	vmin.f32 v5, $2.047000000e+03;
	v4 =	vmul.f32 $1.280000000e+02, v4;
	v17 =	vld.idx.msk [tilespmem:v6+s17+$0x0], $0xffff;
	v6 =	vmul.f32 $1.280000000e+02, v13  }
0x186: {  	v18 =	vld.idx.msk [tilespmem:v2+s31+$0x180], $0xffff;
	v9 =	vtrunc.f32 v9;
	v11 =	vadd.f32 v3, v1;
	v3 =	vtrunc.f32 v5  }
0x187: {  	v19 =	vld.idx.msk [tilespmem:v2+s31+$0x80], $0xffff;
	v4 =	vadd.f32 v4, v1;
	v6 =	vadd.f32 v6, v1;
	v20 =	vcvt.f32.s32 v3  }
0x188: {  	v10 =	vld.idx.msk [tilespmem:v2+s31+$0x100], $0xffff;
	v3 =	vcvt.f32.s32 v8;
	v8 =	vmul.f32 $1.280000000e+02, v15;
	v5 =	vmax.f32 v11, $0.0e+00  }
0x189: {  	v13 =	vmax.f32 v4, $0.0e+00;
	v4 =	vcvt.f32.s32 v9;
	v11 =	vld.idx.msk [tilespmem:v2+s31+$0x0], $0xffff;
	v15 =	vmin.f32 v5, $2.047000000e+03  }
0x18a: {  	v6 =	vmax.f32 v6, $0.0e+00;
	v5 =	vld.idx.msk [tilespmem:v7+s17+$0x0], $0xffff;
	v7 =	vadd.f32 v8, v1;
	v8 =	vtrunc.f32 v15  }
0x18b: {  	s24 =	simm.s32 $0x8A40;
	v13 =	vmin.f32 v13, $2.047000000e+03;
	v21 =	vmin.f32 v6, $2.047000000e+03;
	v6 =	vld.idx.msk [tilespmem:v12+s17+$0x0], $0xffff;
	v9 =	vcvt.f32.s32 v8  }
0x18c: {  	[tilespmem:s24+$0x80] =	vst v16;
	v13 =	vtrunc.f32 v13;
	v15 =	vmul.f32 $1.280000000e+02, v18;
	v8 =	vmax.f32 v7, $0.0e+00;
	v7 =	vld.idx.msk [tilespmem:v14+s17+$0x0], $0xffff  }
0x18d: {  	s28 =	simm.s32 $0x1100;
	s25 =	simm.s32 $0x8A40;
	s26 =	simm.s32 $0xC;
	[tilespmem:s24+$0xFFFFFF00] =	vst v17;
	v12 =	vtrunc.f32 v21;
	v14 =	vmul.f32 $1.280000000e+02, v19;
	v16 =	vmin.f32 v8, $2.047000000e+03;
	v8 =	vld.idx.msk [tilespmem:v20+s17+$0x0], $0xffff  }
.LBB2_12:
0x18e: {  	v17 =	vld.idx.msk [tilespmem:v2+s28+$0x180], $0xffff;
	s26 =	sadd.s32 $0x4, s26;
	v18 =	vmul.f32 $1.280000000e+02, v10;
	v15 =	vadd.f32 v15, v1;
	v10 =	vtrunc.f32 v16;
	s24 =	sadd.s32 $0x200, s24  }
0x18f: {  	v13 =	vcvt.f32.s32 v13;
	v16 =	vld.idx.msk [tilespmem:v2+s28+$0x80], $0xffff;
	p0 =	slt.u32 s26, $0x7C;
	v14 =	vadd.f32 v14, v1;
	v19 =	vcvt.f32.s32 v10;
	[tilespmem:s24+$0x80] =	vst v5  }
0x190: {  	v20 =	vmul.f32 $1.280000000e+02, v11;
	v10 =	vld.idx.msk [tilespmem:v2+s28+$0x100], $0xffff;
	v18 =	vadd.f32 v18, v1;
	v5 =	vmax.f32 v15, $0.0e+00  }
.Ltmp7:
0x191: {  	v12 =	vcvt.f32.s32 v12;
	v14 =	vmax.f32 v14, $0.0e+00;
	v15 =	vmin.f32 v5, $2.047000000e+03;
	v5 =	vld.idx.msk [tilespmem:v9+s17+$0x0], $0xffff;
	[tilespmem:s25+$0xFFFFFF80] =	vst v6;
	(pc) =	sbr.rel @p0 .LBB2_12-.Ltmp7, $4  }
0x192: {  	v20 =	vadd.f32 v20, v1;
	v11 =	vld.idx.msk [tilespmem:v2+s28+$0x0], $0xffff;
	v6 =	vmax.f32 v18, $0.0e+00;
	v9 =	vtrunc.f32 v15;
	[tilespmem:s25+$0x0] =	vst v7;
	s25 =	smov.u32 s24  }
0x193: {  	v7 =	vmin.f32 v14, $2.047000000e+03;
	v18 =	vmin.f32 v6, $2.047000000e+03;
	v9 =	vcvt.f32.s32 v9;
	[tilespmem:s24+$0xFFFFFF00] =	vst v8;
	v6 =	vld.idx.msk [tilespmem:v3+s17+$0x0], $0xffff;
	v3 =	vmovc v13  }
0x194: {  	v15 =	vmul.f32 $1.280000000e+02, v17;
	v8 =	vmax.f32 v20, $0.0e+00;
	v13 =	vtrunc.f32 v7;
	v7 =	vld.idx.msk [tilespmem:v4+s17+$0x0], $0xffff;
	v4 =	vmovc v12  }
0x195: {  	s28 =	sadd.s32 $0x200, s28;
	v14 =	vmul.f32 $1.280000000e+02, v16;
	v16 =	vmin.f32 v8, $2.047000000e+03;
	v12 =	vtrunc.f32 v18;
	v8 =	vld.idx.msk [tilespmem:v19+s17+$0x0], $0xffff  }
0x196: {  	_ = 	snop  }
0x197: {  	v2 =	vadd.f32 v15, v1;
	v10 =	vmul.f32 $1.280000000e+02, v10;
	v11 =	vmul.f32 $1.280000000e+02, v11  }
0x198: {  	v15 =	vtrunc.f32 v16;
	v13 =	vcvt.f32.s32 v13  }
0x199: {  	v12 =	vcvt.f32.s32 v12;
	v2 =	vmax.f32 v2, $0.0e+00;
	v11 =	vadd.f32 v11, v1  }
0x19a: {  	v15 =	vcvt.f32.s32 v15;
	v14 =	vadd.f32 v14, v1;
	v2 =	vmin.f32 v2, $2.047000000e+03  }
0x19b: {  	v1 =	vadd.f32 v10, v1;
	v2 =	vtrunc.f32 v2;
	v10 =	vmax.f32 v11, $0.0e+00  }
0x19c: {  	v3 =	vld.idx.msk [tilespmem:v3+s17+$0x0], $0xffff;
	v2 =	vcvt.f32.s32 v2;
	v11 =	vmax.f32 v14, $0.0e+00;
	v10 =	vmin.f32 v10, $2.047000000e+03  }
0x19d: {  	s24 =	sadd.s32 $0x200, s24;
	v1 =	vmax.f32 v1, $0.0e+00;
	v11 =	vmin.f32 v11, $2.047000000e+03;
	v10 =	vtrunc.f32 v10  }
0x19e: {  	v9 =	vld.idx.msk [tilespmem:v9+s17+$0x0], $0xffff;
	[tilespmem:s24+$0x80] =	vst v5;
	v1 =	vmin.f32 v1, $2.047000000e+03;
	v5 =	vtrunc.f32 v11;
	v10 =	vcvt.f32.s32 v10  }
0x19f: {  	v4 =	vld.idx.msk [tilespmem:v4+s17+$0x0], $0xffff;
	[tilespmem:s25+$0xFFFFFF80] =	vst v6;
	v1 =	vtrunc.f32 v1;
	v5 =	vcvt.f32.s32 v5  }
0x1a0: {  	[tilespmem:s25+$0x0] =	vst v7;
	v7 =	vld.idx.msk [tilespmem:v13+s17+$0x0], $0xffff;
	v1 =	vcvt.f32.s32 v1  }
0x1a1: {  	[tilespmem:s24+$0xFFFFFF80] =	vst v3;
	v3 =	vld.idx.msk [tilespmem:v12+s17+$0x0], $0xffff  }
0x1a2: {  	s30 =	sadd.s32 $0x200, s24;
	[tilespmem:s24+$0xFFFFFF00] =	vst v8;
	v6 =	vld.idx.msk [tilespmem:v15+s17+$0x0], $0xffff  }
0x1a3: {  	[tilespmem:s30+$0x80] =	vst v9;
	v2 =	vld.idx.msk [tilespmem:v2+s17+$0x0], $0xffff  }
0x1a4: {  	[tilespmem:s24+$0x0] =	vst v4;
	v4 =	vld.idx.msk [tilespmem:v10+s17+$0x0], $0xffff  }
0x1a5: {  	[tilespmem:s30+$0xFFFFFF80] =	vst v7;
	v5 =	vld.idx.msk [tilespmem:v5+s17+$0x0], $0xffff  }
0x1a6: {  	[tilespmem:s30+$0x0] =	vst v3;
	v1 =	vld.idx.msk [tilespmem:v1+s17+$0x0], $0xffff  }
0x1a7: {  	s31 =	sadd.s32 $0x200, s30;
	[tilespmem:s30+$0xFFFFFF00] =	vst v6  }
0x1a8: {  	[tilespmem:s31+$0x80] =	vst v2  }
0x1a9: {  	[tilespmem:s31+$0xFFFFFF00] =	vst v4  }
0x1aa: {  	[tilespmem:s31+$0xFFFFFF80] =	vst v5  }
0x1ab: {  	[tilespmem:s31+$0x0] =	vst v1  }
0x1ac: {  	v2 =	vld [tilespmem:$0x50];
	_ =	sdelay $0x6  }
0x1ad: {  	s26 =	simm.s32 $0x900;
	v1 =	vld [tilespmem:$0xD0]  }
0x1ae: {  	v3 =	vld.idx.msk [tilespmem:v2+s26+$0x180], $0xffff  }
0x1af: {  	v4 =	vld.idx.msk [tilespmem:v2+s26+$0x80], $0xffff  }
0x1b0: {  	v5 =	vld.idx.msk [tilespmem:v2+s26+$0x100], $0xffff  }
0x1b1: {  	s29 =	simm.s32 $0xB00;
	v6 =	vld.idx.msk [tilespmem:v2+s26+$0x0], $0xffff  }
0x1b2: {  	v7 =	vld.idx.msk [tilespmem:v2+s29+$0x180], $0xffff  }
0x1b3: {  	v8 =	vld.idx.msk [tilespmem:v2+s29+$0x80], $0xffff  }
0x1b4: {  	v1 =	vmul.f32 $-1.280000000e+02, v1;
	v9 =	vld.idx.msk [tilespmem:v2+s29+$0x100], $0xffff  }
0x1b5: {  	v10 =	vld.idx.msk [tilespmem:v2+s29+$0x0], $0xffff  }
0x1b6: {  	v1 =	vadd.f32 $1.024000000e+03, v1;
	v3 =	vmul.f32 $1.280000000e+02, v3;
	v4 =	vmul.f32 $1.280000000e+02, v4  }
0x1b7: {  	v5 =	vmul.f32 $1.280000000e+02, v5;
	v6 =	vmul.f32 $1.280000000e+02, v6  }
0x1b8: {  	v7 =	vmul.f32 $1.280000000e+02, v7;
	v8 =	vmul.f32 $1.280000000e+02, v8;
	v3 =	vadd.f32 v3, v1  }
0x1b9: {  	v9 =	vmul.f32 $1.280000000e+02, v9;
	v4 =	vadd.f32 v4, v1;
	v5 =	vadd.f32 v5, v1  }
0x1ba: {  	v10 =	vmul.f32 $1.280000000e+02, v10;
	v6 =	vadd.f32 v6, v1;
	v7 =	vadd.f32 v7, v1  }
0x1bb: {  	v8 =	vadd.f32 v8, v1;
	v9 =	vadd.f32 v9, v1;
	v3 =	vmax.f32 v3, $0.0e+00  }
0x1bc: {  	v4 =	vmax.f32 v4, $0.0e+00;
	v6 =	vmax.f32 v6, $0.0e+00;
	v3 =	vmin.f32 v3, $2.047000000e+03  }
0x1bd: {  	s30 =	simm.s32 $0xD00;
	v5 =	vmax.f32 v5, $0.0e+00;
	v6 =	vmin.f32 v6, $2.047000000e+03;
	v3 =	vtrunc.f32 v3  }
0x1be: {  	v11 =	vld.idx.msk [tilespmem:v2+s30+$0x180], $0xffff;
	v4 =	vmin.f32 v4, $2.047000000e+03;
	v6 =	vtrunc.f32 v6;
	v3 =	vcvt.f32.s32 v3  }
0x1bf: {  	v13 =	vld.idx.msk [tilespmem:v2+s30+$0x100], $0xffff;
	v7 =	vmax.f32 v7, $0.0e+00;
	v4 =	vtrunc.f32 v4;
	v6 =	vcvt.f32.s32 v6  }
0x1c0: {  	v8 =	vmax.f32 v8, $0.0e+00;
	v5 =	vmin.f32 v5, $2.047000000e+03;
	v12 =	vcvt.f32.s32 v4;
	v4 =	vld.idx.msk [tilespmem:v2+s30+$0x80], $0xffff  }
0x1c1: {  	v9 =	vmax.f32 v9, $0.0e+00;
	v7 =	vmin.f32 v7, $2.047000000e+03;
	v5 =	vtrunc.f32 v5  }
0x1c2: {  	v8 =	vmin.f32 v8, $2.047000000e+03;
	v14 =	vcvt.f32.s32 v5;
	v5 =	vadd.f32 v10, v1  }
0x1c3: {  	v15 =	vld.idx.msk [tilespmem:v2+s30+$0x0], $0xffff;
	v9 =	vmin.f32 v9, $2.047000000e+03;
	v7 =	vtrunc.f32 v7;
	v8 =	vtrunc.f32 v8  }
0x1c4: {  	v7 =	vcvt.f32.s32 v7;
	v5 =	vmax.f32 v5, $0.0e+00;
	v16 =	vld.idx.msk [tilespmem:v3+s17+$0x0], $0xffff;
	v3 =	vmul.f32 $1.280000000e+02, v11  }
0x1c5: {  	s31 =	simm.s32 $0xF00;
	v5 =	vmin.f32 v5, $2.047000000e+03;
	v4 =	vmul.f32 $1.280000000e+02, v4;
	v17 =	vld.idx.msk [tilespmem:v6+s17+$0x0], $0xffff;
	v6 =	vmul.f32 $1.280000000e+02, v13  }
0x1c6: {  	v18 =	vld.idx.msk [tilespmem:v2+s31+$0x180], $0xffff;
	v9 =	vtrunc.f32 v9;
	v11 =	vadd.f32 v3, v1;
	v3 =	vtrunc.f32 v5  }
0x1c7: {  	v19 =	vld.idx.msk [tilespmem:v2+s31+$0x80], $0xffff;
	v4 =	vadd.f32 v4, v1;
	v6 =	vadd.f32 v6, v1;
	v20 =	vcvt.f32.s32 v3  }
0x1c8: {  	v10 =	vld.idx.msk [tilespmem:v2+s31+$0x100], $0xffff;
	v3 =	vcvt.f32.s32 v8;
	v8 =	vmul.f32 $1.280000000e+02, v15;
	v5 =	vmax.f32 v11, $0.0e+00  }
0x1c9: {  	v13 =	vmax.f32 v4, $0.0e+00;
	v4 =	vcvt.f32.s32 v9;
	v11 =	vld.idx.msk [tilespmem:v2+s31+$0x0], $0xffff;
	v15 =	vmin.f32 v5, $2.047000000e+03  }
0x1ca: {  	v6 =	vmax.f32 v6, $0.0e+00;
	v5 =	vld.idx.msk [tilespmem:v7+s17+$0x0], $0xffff;
	v7 =	vadd.f32 v8, v1;
	v8 =	vtrunc.f32 v15  }
0x1cb: {  	s24 =	simm.s32 $0x8A50;
	v13 =	vmin.f32 v13, $2.047000000e+03;
	v21 =	vmin.f32 v6, $2.047000000e+03;
	v6 =	vld.idx.msk [tilespmem:v12+s17+$0x0], $0xffff;
	v9 =	vcvt.f32.s32 v8  }
0x1cc: {  	[tilespmem:s24+$0x80] =	vst v16;
	v13 =	vtrunc.f32 v13;
	v15 =	vmul.f32 $1.280000000e+02, v18;
	v8 =	vmax.f32 v7, $0.0e+00;
	v7 =	vld.idx.msk [tilespmem:v14+s17+$0x0], $0xffff  }
0x1cd: {  	s28 =	simm.s32 $0x1100;
	s25 =	simm.s32 $0x8A50;
	s26 =	simm.s32 $0xC;
	[tilespmem:s24+$0xFFFFFF00] =	vst v17;
	v12 =	vtrunc.f32 v21;
	v14 =	vmul.f32 $1.280000000e+02, v19;
	v16 =	vmin.f32 v8, $2.047000000e+03;
	v8 =	vld.idx.msk [tilespmem:v20+s17+$0x0], $0xffff  }
.LBB2_14:
0x1ce: {  	v17 =	vld.idx.msk [tilespmem:v2+s28+$0x180], $0xffff;
	s26 =	sadd.s32 $0x4, s26;
	v18 =	vmul.f32 $1.280000000e+02, v10;
	v15 =	vadd.f32 v15, v1;
	v10 =	vtrunc.f32 v16;
	s24 =	sadd.s32 $0x200, s24  }
0x1cf: {  	v13 =	vcvt.f32.s32 v13;
	v16 =	vld.idx.msk [tilespmem:v2+s28+$0x80], $0xffff;
	p0 =	slt.u32 s26, $0x7C;
	v14 =	vadd.f32 v14, v1;
	v19 =	vcvt.f32.s32 v10;
	[tilespmem:s24+$0x80] =	vst v5  }
0x1d0: {  	v20 =	vmul.f32 $1.280000000e+02, v11;
	v10 =	vld.idx.msk [tilespmem:v2+s28+$0x100], $0xffff;
	v18 =	vadd.f32 v18, v1;
	v5 =	vmax.f32 v15, $0.0e+00  }
.Ltmp8:
0x1d1: {  	v12 =	vcvt.f32.s32 v12;
	v14 =	vmax.f32 v14, $0.0e+00;
	v15 =	vmin.f32 v5, $2.047000000e+03;
	v5 =	vld.idx.msk [tilespmem:v9+s17+$0x0], $0xffff;
	[tilespmem:s25+$0xFFFFFF80] =	vst v6;
	(pc) =	sbr.rel @p0 .LBB2_14-.Ltmp8, $4  }
0x1d2: {  	v20 =	vadd.f32 v20, v1;
	v11 =	vld.idx.msk [tilespmem:v2+s28+$0x0], $0xffff;
	v6 =	vmax.f32 v18, $0.0e+00;
	v9 =	vtrunc.f32 v15;
	[tilespmem:s25+$0x0] =	vst v7;
	s25 =	smov.u32 s24  }
0x1d3: {  	v7 =	vmin.f32 v14, $2.047000000e+03;
	v18 =	vmin.f32 v6, $2.047000000e+03;
	v9 =	vcvt.f32.s32 v9;
	[tilespmem:s24+$0xFFFFFF00] =	vst v8;
	v6 =	vld.idx.msk [tilespmem:v3+s17+$0x0], $0xffff;
	v3 =	vmovc v13  }
0x1d4: {  	v15 =	vmul.f32 $1.280000000e+02, v17;
	v8 =	vmax.f32 v20, $0.0e+00;
	v13 =	vtrunc.f32 v7;
	v7 =	vld.idx.msk [tilespmem:v4+s17+$0x0], $0xffff;
	v4 =	vmovc v12  }
0x1d5: {  	s28 =	sadd.s32 $0x200, s28;
	v14 =	vmul.f32 $1.280000000e+02, v16;
	v16 =	vmin.f32 v8, $2.047000000e+03;
	v12 =	vtrunc.f32 v18;
	v8 =	vld.idx.msk [tilespmem:v19+s17+$0x0], $0xffff  }
0x1d6: {  	_ = 	snop  }
0x1d7: {  	v2 =	vadd.f32 v15, v1;
	v10 =	vmul.f32 $1.280000000e+02, v10;
	v11 =	vmul.f32 $1.280000000e+02, v11  }
0x1d8: {  	v15 =	vtrunc.f32 v16;
	v13 =	vcvt.f32.s32 v13  }
0x1d9: {  	v12 =	vcvt.f32.s32 v12;
	v2 =	vmax.f32 v2, $0.0e+00;
	v11 =	vadd.f32 v11, v1  }
0x1da: {  	v15 =	vcvt.f32.s32 v15;
	v14 =	vadd.f32 v14, v1;
	v2 =	vmin.f32 v2, $2.047000000e+03  }
0x1db: {  	v1 =	vadd.f32 v10, v1;
	v2 =	vtrunc.f32 v2;
	v10 =	vmax.f32 v11, $0.0e+00  }
0x1dc: {  	v3 =	vld.idx.msk [tilespmem:v3+s17+$0x0], $0xffff;
	v2 =	vcvt.f32.s32 v2;
	v11 =	vmax.f32 v14, $0.0e+00;
	v10 =	vmin.f32 v10, $2.047000000e+03  }
0x1dd: {  	s24 =	sadd.s32 $0x200, s24;
	v1 =	vmax.f32 v1, $0.0e+00;
	v11 =	vmin.f32 v11, $2.047000000e+03;
	v10 =	vtrunc.f32 v10  }
0x1de: {  	v9 =	vld.idx.msk [tilespmem:v9+s17+$0x0], $0xffff;
	[tilespmem:s24+$0x80] =	vst v5;
	v1 =	vmin.f32 v1, $2.047000000e+03;
	v5 =	vtrunc.f32 v11;
	v10 =	vcvt.f32.s32 v10  }
0x1df: {  	v4 =	vld.idx.msk [tilespmem:v4+s17+$0x0], $0xffff;
	[tilespmem:s25+$0xFFFFFF80] =	vst v6;
	v1 =	vtrunc.f32 v1;
	v5 =	vcvt.f32.s32 v5  }
0x1e0: {  	[tilespmem:s25+$0x0] =	vst v7;
	v7 =	vld.idx.msk [tilespmem:v13+s17+$0x0], $0xffff;
	v1 =	vcvt.f32.s32 v1  }
0x1e1: {  	[tilespmem:s24+$0xFFFFFF80] =	vst v3;
	v3 =	vld.idx.msk [tilespmem:v12+s17+$0x0], $0xffff  }
0x1e2: {  	s30 =	sadd.s32 $0x200, s24;
	[tilespmem:s24+$0xFFFFFF00] =	vst v8;
	v6 =	vld.idx.msk [tilespmem:v15+s17+$0x0], $0xffff  }
0x1e3: {  	[tilespmem:s30+$0x80] =	vst v9;
	v2 =	vld.idx.msk [tilespmem:v2+s17+$0x0], $0xffff  }
0x1e4: {  	[tilespmem:s24+$0x0] =	vst v4;
	v4 =	vld.idx.msk [tilespmem:v10+s17+$0x0], $0xffff  }
0x1e5: {  	[tilespmem:s30+$0xFFFFFF80] =	vst v7;
	v5 =	vld.idx.msk [tilespmem:v5+s17+$0x0], $0xffff  }
0x1e6: {  	[tilespmem:s30+$0x0] =	vst v3;
	v1 =	vld.idx.msk [tilespmem:v1+s17+$0x0], $0xffff  }
0x1e7: {  	s31 =	sadd.s32 $0x200, s30;
	[tilespmem:s30+$0xFFFFFF00] =	vst v6  }
0x1e8: {  	[tilespmem:s31+$0x80] =	vst v2  }
0x1e9: {  	[tilespmem:s31+$0xFFFFFF00] =	vst v4  }
0x1ea: {  	[tilespmem:s31+$0xFFFFFF80] =	vst v5  }
0x1eb: {  	[tilespmem:s31+$0x0] =	vst v1  }
0x1ec: {  	v2 =	vld [tilespmem:$0x60];
	_ =	sdelay $0x6  }
0x1ed: {  	s26 =	simm.s32 $0x900;
	v1 =	vld [tilespmem:$0xE0]  }
0x1ee: {  	v3 =	vld.idx.msk [tilespmem:v2+s26+$0x180], $0xffff  }
0x1ef: {  	v4 =	vld.idx.msk [tilespmem:v2+s26+$0x80], $0xffff  }
0x1f0: {  	v5 =	vld.idx.msk [tilespmem:v2+s26+$0x100], $0xffff  }
0x1f1: {  	s29 =	simm.s32 $0xB00;
	v6 =	vld.idx.msk [tilespmem:v2+s26+$0x0], $0xffff  }
0x1f2: {  	v7 =	vld.idx.msk [tilespmem:v2+s29+$0x180], $0xffff  }
0x1f3: {  	v8 =	vld.idx.msk [tilespmem:v2+s29+$0x80], $0xffff  }
0x1f4: {  	v1 =	vmul.f32 $-1.280000000e+02, v1;
	v9 =	vld.idx.msk [tilespmem:v2+s29+$0x100], $0xffff  }
0x1f5: {  	v10 =	vld.idx.msk [tilespmem:v2+s29+$0x0], $0xffff  }
0x1f6: {  	v1 =	vadd.f32 $1.024000000e+03, v1;
	v3 =	vmul.f32 $1.280000000e+02, v3;
	v4 =	vmul.f32 $1.280000000e+02, v4  }
0x1f7: {  	v5 =	vmul.f32 $1.280000000e+02, v5;
	v6 =	vmul.f32 $1.280000000e+02, v6  }
0x1f8: {  	v7 =	vmul.f32 $1.280000000e+02, v7;
	v8 =	vmul.f32 $1.280000000e+02, v8;
	v3 =	vadd.f32 v3, v1  }
0x1f9: {  	v9 =	vmul.f32 $1.280000000e+02, v9;
	v4 =	vadd.f32 v4, v1;
	v5 =	vadd.f32 v5, v1  }
0x1fa: {  	v10 =	vmul.f32 $1.280000000e+02, v10;
	v6 =	vadd.f32 v6, v1;
	v7 =	vadd.f32 v7, v1  }
0x1fb: {  	v8 =	vadd.f32 v8, v1;
	v9 =	vadd.f32 v9, v1;
	v3 =	vmax.f32 v3, $0.0e+00  }
0x1fc: {  	v4 =	vmax.f32 v4, $0.0e+00;
	v6 =	vmax.f32 v6, $0.0e+00;
	v3 =	vmin.f32 v3, $2.047000000e+03  }
0x1fd: {  	s30 =	simm.s32 $0xD00;
	v5 =	vmax.f32 v5, $0.0e+00;
	v6 =	vmin.f32 v6, $2.047000000e+03;
	v3 =	vtrunc.f32 v3  }
0x1fe: {  	v11 =	vld.idx.msk [tilespmem:v2+s30+$0x180], $0xffff;
	v4 =	vmin.f32 v4, $2.047000000e+03;
	v6 =	vtrunc.f32 v6;
	v3 =	vcvt.f32.s32 v3  }
0x1ff: {  	v13 =	vld.idx.msk [tilespmem:v2+s30+$0x100], $0xffff;
	v7 =	vmax.f32 v7, $0.0e+00;
	v4 =	vtrunc.f32 v4;
	v6 =	vcvt.f32.s32 v6  }
0x200: {  	v8 =	vmax.f32 v8, $0.0e+00;
	v5 =	vmin.f32 v5, $2.047000000e+03;
	v12 =	vcvt.f32.s32 v4;
	v4 =	vld.idx.msk [tilespmem:v2+s30+$0x80], $0xffff  }
0x201: {  	v9 =	vmax.f32 v9, $0.0e+00;
	v7 =	vmin.f32 v7, $2.047000000e+03;
	v5 =	vtrunc.f32 v5  }
0x202: {  	v8 =	vmin.f32 v8, $2.047000000e+03;
	v14 =	vcvt.f32.s32 v5;
	v5 =	vadd.f32 v10, v1  }
0x203: {  	v15 =	vld.idx.msk [tilespmem:v2+s30+$0x0], $0xffff;
	v9 =	vmin.f32 v9, $2.047000000e+03;
	v7 =	vtrunc.f32 v7;
	v8 =	vtrunc.f32 v8  }
0x204: {  	v7 =	vcvt.f32.s32 v7;
	v5 =	vmax.f32 v5, $0.0e+00;
	v16 =	vld.idx.msk [tilespmem:v3+s17+$0x0], $0xffff;
	v3 =	vmul.f32 $1.280000000e+02, v11  }
0x205: {  	s31 =	simm.s32 $0xF00;
	v5 =	vmin.f32 v5, $2.047000000e+03;
	v4 =	vmul.f32 $1.280000000e+02, v4;
	v17 =	vld.idx.msk [tilespmem:v6+s17+$0x0], $0xffff;
	v6 =	vmul.f32 $1.280000000e+02, v13  }
0x206: {  	v18 =	vld.idx.msk [tilespmem:v2+s31+$0x180], $0xffff;
	v9 =	vtrunc.f32 v9;
	v11 =	vadd.f32 v3, v1;
	v3 =	vtrunc.f32 v5  }
0x207: {  	v19 =	vld.idx.msk [tilespmem:v2+s31+$0x80], $0xffff;
	v4 =	vadd.f32 v4, v1;
	v6 =	vadd.f32 v6, v1;
	v20 =	vcvt.f32.s32 v3  }
0x208: {  	v10 =	vld.idx.msk [tilespmem:v2+s31+$0x100], $0xffff;
	v3 =	vcvt.f32.s32 v8;
	v8 =	vmul.f32 $1.280000000e+02, v15;
	v5 =	vmax.f32 v11, $0.0e+00  }
0x209: {  	v13 =	vmax.f32 v4, $0.0e+00;
	v4 =	vcvt.f32.s32 v9;
	v11 =	vld.idx.msk [tilespmem:v2+s31+$0x0], $0xffff;
	v15 =	vmin.f32 v5, $2.047000000e+03  }
0x20a: {  	v6 =	vmax.f32 v6, $0.0e+00;
	v5 =	vld.idx.msk [tilespmem:v7+s17+$0x0], $0xffff;
	v7 =	vadd.f32 v8, v1;
	v8 =	vtrunc.f32 v15  }
0x20b: {  	s24 =	simm.s32 $0x8A60;
	v13 =	vmin.f32 v13, $2.047000000e+03;
	v21 =	vmin.f32 v6, $2.047000000e+03;
	v6 =	vld.idx.msk [tilespmem:v12+s17+$0x0], $0xffff;
	v9 =	vcvt.f32.s32 v8  }
0x20c: {  	[tilespmem:s24+$0x80] =	vst v16;
	v13 =	vtrunc.f32 v13;
	v15 =	vmul.f32 $1.280000000e+02, v18;
	v8 =	vmax.f32 v7, $0.0e+00;
	v7 =	vld.idx.msk [tilespmem:v14+s17+$0x0], $0xffff  }
0x20d: {  	s28 =	simm.s32 $0x1100;
	s25 =	simm.s32 $0x8A60;
	s26 =	simm.s32 $0xC;
	[tilespmem:s24+$0xFFFFFF00] =	vst v17;
	v12 =	vtrunc.f32 v21;
	v14 =	vmul.f32 $1.280000000e+02, v19;
	v16 =	vmin.f32 v8, $2.047000000e+03;
	v8 =	vld.idx.msk [tilespmem:v20+s17+$0x0], $0xffff  }
.LBB2_16:
0x20e: {  	v17 =	vld.idx.msk [tilespmem:v2+s28+$0x180], $0xffff;
	s26 =	sadd.s32 $0x4, s26;
	v18 =	vmul.f32 $1.280000000e+02, v10;
	v15 =	vadd.f32 v15, v1;
	v10 =	vtrunc.f32 v16;
	s24 =	sadd.s32 $0x200, s24  }
0x20f: {  	v13 =	vcvt.f32.s32 v13;
	v16 =	vld.idx.msk [tilespmem:v2+s28+$0x80], $0xffff;
	p0 =	slt.u32 s26, $0x7C;
	v14 =	vadd.f32 v14, v1;
	v19 =	vcvt.f32.s32 v10;
	[tilespmem:s24+$0x80] =	vst v5  }
0x210: {  	v20 =	vmul.f32 $1.280000000e+02, v11;
	v10 =	vld.idx.msk [tilespmem:v2+s28+$0x100], $0xffff;
	v18 =	vadd.f32 v18, v1;
	v5 =	vmax.f32 v15, $0.0e+00  }
.Ltmp9:
0x211: {  	v12 =	vcvt.f32.s32 v12;
	v14 =	vmax.f32 v14, $0.0e+00;
	v15 =	vmin.f32 v5, $2.047000000e+03;
	v5 =	vld.idx.msk [tilespmem:v9+s17+$0x0], $0xffff;
	[tilespmem:s25+$0xFFFFFF80] =	vst v6;
	(pc) =	sbr.rel @p0 .LBB2_16-.Ltmp9, $4  }
0x212: {  	v20 =	vadd.f32 v20, v1;
	v11 =	vld.idx.msk [tilespmem:v2+s28+$0x0], $0xffff;
	v6 =	vmax.f32 v18, $0.0e+00;
	v9 =	vtrunc.f32 v15;
	[tilespmem:s25+$0x0] =	vst v7;
	s25 =	smov.u32 s24  }
0x213: {  	v7 =	vmin.f32 v14, $2.047000000e+03;
	v18 =	vmin.f32 v6, $2.047000000e+03;
	v9 =	vcvt.f32.s32 v9;
	[tilespmem:s24+$0xFFFFFF00] =	vst v8;
	v6 =	vld.idx.msk [tilespmem:v3+s17+$0x0], $0xffff;
	v3 =	vmovc v13  }
0x214: {  	v15 =	vmul.f32 $1.280000000e+02, v17;
	v8 =	vmax.f32 v20, $0.0e+00;
	v13 =	vtrunc.f32 v7;
	v7 =	vld.idx.msk [tilespmem:v4+s17+$0x0], $0xffff;
	v4 =	vmovc v12  }
0x215: {  	s28 =	sadd.s32 $0x200, s28;
	v14 =	vmul.f32 $1.280000000e+02, v16;
	v16 =	vmin.f32 v8, $2.047000000e+03;
	v12 =	vtrunc.f32 v18;
	v8 =	vld.idx.msk [tilespmem:v19+s17+$0x0], $0xffff  }
0x216: {  	_ = 	snop  }
0x217: {  	v2 =	vadd.f32 v15, v1;
	v10 =	vmul.f32 $1.280000000e+02, v10;
	v11 =	vmul.f32 $1.280000000e+02, v11  }
0x218: {  	v15 =	vtrunc.f32 v16;
	v13 =	vcvt.f32.s32 v13  }
0x219: {  	v12 =	vcvt.f32.s32 v12;
	v2 =	vmax.f32 v2, $0.0e+00;
	v11 =	vadd.f32 v11, v1  }
0x21a: {  	v15 =	vcvt.f32.s32 v15;
	v14 =	vadd.f32 v14, v1;
	v2 =	vmin.f32 v2, $2.047000000e+03  }
0x21b: {  	v1 =	vadd.f32 v10, v1;
	v2 =	vtrunc.f32 v2;
	v10 =	vmax.f32 v11, $0.0e+00  }
0x21c: {  	v3 =	vld.idx.msk [tilespmem:v3+s17+$0x0], $0xffff;
	v2 =	vcvt.f32.s32 v2;
	v11 =	vmax.f32 v14, $0.0e+00;
	v10 =	vmin.f32 v10, $2.047000000e+03  }
0x21d: {  	s24 =	sadd.s32 $0x200, s24;
	v1 =	vmax.f32 v1, $0.0e+00;
	v11 =	vmin.f32 v11, $2.047000000e+03;
	v10 =	vtrunc.f32 v10  }
0x21e: {  	v9 =	vld.idx.msk [tilespmem:v9+s17+$0x0], $0xffff;
	[tilespmem:s24+$0x80] =	vst v5;
	v1 =	vmin.f32 v1, $2.047000000e+03;
	v5 =	vtrunc.f32 v11;
	v10 =	vcvt.f32.s32 v10  }
0x21f: {  	v4 =	vld.idx.msk [tilespmem:v4+s17+$0x0], $0xffff;
	[tilespmem:s25+$0xFFFFFF80] =	vst v6;
	v1 =	vtrunc.f32 v1;
	v5 =	vcvt.f32.s32 v5  }
0x220: {  	[tilespmem:s25+$0x0] =	vst v7;
	v7 =	vld.idx.msk [tilespmem:v13+s17+$0x0], $0xffff;
	v1 =	vcvt.f32.s32 v1  }
0x221: {  	[tilespmem:s24+$0xFFFFFF80] =	vst v3;
	v3 =	vld.idx.msk [tilespmem:v12+s17+$0x0], $0xffff  }
0x222: {  	s30 =	sadd.s32 $0x200, s24;
	[tilespmem:s24+$0xFFFFFF00] =	vst v8;
	v6 =	vld.idx.msk [tilespmem:v15+s17+$0x0], $0xffff  }
0x223: {  	[tilespmem:s30+$0x80] =	vst v9;
	v2 =	vld.idx.msk [tilespmem:v2+s17+$0x0], $0xffff  }
0x224: {  	[tilespmem:s24+$0x0] =	vst v4;
	v4 =	vld.idx.msk [tilespmem:v10+s17+$0x0], $0xffff  }
0x225: {  	[tilespmem:s30+$0xFFFFFF80] =	vst v7;
	v5 =	vld.idx.msk [tilespmem:v5+s17+$0x0], $0xffff  }
0x226: {  	[tilespmem:s30+$0x0] =	vst v3;
	v1 =	vld.idx.msk [tilespmem:v1+s17+$0x0], $0xffff  }
0x227: {  	s31 =	sadd.s32 $0x200, s30;
	[tilespmem:s30+$0xFFFFFF00] =	vst v6  }
0x228: {  	[tilespmem:s31+$0x80] =	vst v2  }
0x229: {  	[tilespmem:s31+$0xFFFFFF00] =	vst v4  }
0x22a: {  	[tilespmem:s31+$0xFFFFFF80] =	vst v5  }
0x22b: {  	[tilespmem:s31+$0x0] =	vst v1  }
0x22c: {  	v2 =	vld [tilespmem:$0x70];
	_ =	sdelay $0x6  }
0x22d: {  	s26 =	simm.s32 $0x900;
	v1 =	vld [tilespmem:$0xF0]  }
0x22e: {  	v3 =	vld.idx.msk [tilespmem:v2+s26+$0x180], $0xffff  }
0x22f: {  	v4 =	vld.idx.msk [tilespmem:v2+s26+$0x80], $0xffff  }
0x230: {  	v5 =	vld.idx.msk [tilespmem:v2+s26+$0x100], $0xffff  }
0x231: {  	s29 =	simm.s32 $0xB00;
	v6 =	vld.idx.msk [tilespmem:v2+s26+$0x0], $0xffff  }
0x232: {  	v7 =	vld.idx.msk [tilespmem:v2+s29+$0x180], $0xffff  }
0x233: {  	v8 =	vld.idx.msk [tilespmem:v2+s29+$0x80], $0xffff  }
0x234: {  	v1 =	vmul.f32 $-1.280000000e+02, v1;
	v9 =	vld.idx.msk [tilespmem:v2+s29+$0x100], $0xffff  }
0x235: {  	v10 =	vld.idx.msk [tilespmem:v2+s29+$0x0], $0xffff  }
0x236: {  	v1 =	vadd.f32 $1.024000000e+03, v1;
	v3 =	vmul.f32 $1.280000000e+02, v3;
	v4 =	vmul.f32 $1.280000000e+02, v4  }
0x237: {  	v5 =	vmul.f32 $1.280000000e+02, v5;
	v6 =	vmul.f32 $1.280000000e+02, v6  }
0x238: {  	v7 =	vmul.f32 $1.280000000e+02, v7;
	v8 =	vmul.f32 $1.280000000e+02, v8;
	v3 =	vadd.f32 v3, v1  }
0x239: {  	v9 =	vmul.f32 $1.280000000e+02, v9;
	v4 =	vadd.f32 v4, v1;
	v5 =	vadd.f32 v5, v1  }
0x23a: {  	v10 =	vmul.f32 $1.280000000e+02, v10;
	v6 =	vadd.f32 v6, v1;
	v7 =	vadd.f32 v7, v1  }
0x23b: {  	v8 =	vadd.f32 v8, v1;
	v9 =	vadd.f32 v9, v1;
	v3 =	vmax.f32 v3, $0.0e+00  }
0x23c: {  	v4 =	vmax.f32 v4, $0.0e+00;
	v6 =	vmax.f32 v6, $0.0e+00;
	v3 =	vmin.f32 v3, $2.047000000e+03  }
0x23d: {  	s30 =	simm.s32 $0xD00;
	v5 =	vmax.f32 v5, $0.0e+00;
	v6 =	vmin.f32 v6, $2.047000000e+03;
	v3 =	vtrunc.f32 v3  }
0x23e: {  	v11 =	vld.idx.msk [tilespmem:v2+s30+$0x180], $0xffff;
	v4 =	vmin.f32 v4, $2.047000000e+03;
	v6 =	vtrunc.f32 v6;
	v3 =	vcvt.f32.s32 v3  }
0x23f: {  	v13 =	vld.idx.msk [tilespmem:v2+s30+$0x100], $0xffff;
	v7 =	vmax.f32 v7, $0.0e+00;
	v4 =	vtrunc.f32 v4;
	v6 =	vcvt.f32.s32 v6  }
0x240: {  	v8 =	vmax.f32 v8, $0.0e+00;
	v5 =	vmin.f32 v5, $2.047000000e+03;
	v12 =	vcvt.f32.s32 v4;
	v4 =	vld.idx.msk [tilespmem:v2+s30+$0x80], $0xffff  }
0x241: {  	v9 =	vmax.f32 v9, $0.0e+00;
	v7 =	vmin.f32 v7, $2.047000000e+03;
	v5 =	vtrunc.f32 v5  }
0x242: {  	v8 =	vmin.f32 v8, $2.047000000e+03;
	v14 =	vcvt.f32.s32 v5;
	v5 =	vadd.f32 v10, v1  }
0x243: {  	v15 =	vld.idx.msk [tilespmem:v2+s30+$0x0], $0xffff;
	v9 =	vmin.f32 v9, $2.047000000e+03;
	v7 =	vtrunc.f32 v7;
	v8 =	vtrunc.f32 v8  }
0x244: {  	v7 =	vcvt.f32.s32 v7;
	v5 =	vmax.f32 v5, $0.0e+00;
	v16 =	vld.idx.msk [tilespmem:v3+s17+$0x0], $0xffff;
	v3 =	vmul.f32 $1.280000000e+02, v11  }
0x245: {  	s31 =	simm.s32 $0xF00;
	v5 =	vmin.f32 v5, $2.047000000e+03;
	v4 =	vmul.f32 $1.280000000e+02, v4;
	v17 =	vld.idx.msk [tilespmem:v6+s17+$0x0], $0xffff;
	v6 =	vmul.f32 $1.280000000e+02, v13  }
0x246: {  	v18 =	vld.idx.msk [tilespmem:v2+s31+$0x180], $0xffff;
	v9 =	vtrunc.f32 v9;
	v11 =	vadd.f32 v3, v1;
	v3 =	vtrunc.f32 v5  }
0x247: {  	v19 =	vld.idx.msk [tilespmem:v2+s31+$0x80], $0xffff;
	v4 =	vadd.f32 v4, v1;
	v6 =	vadd.f32 v6, v1;
	v20 =	vcvt.f32.s32 v3  }
0x248: {  	v10 =	vld.idx.msk [tilespmem:v2+s31+$0x100], $0xffff;
	v3 =	vcvt.f32.s32 v8;
	v8 =	vmul.f32 $1.280000000e+02, v15;
	v5 =	vmax.f32 v11, $0.0e+00  }
0x249: {  	v13 =	vmax.f32 v4, $0.0e+00;
	v4 =	vcvt.f32.s32 v9;
	v11 =	vld.idx.msk [tilespmem:v2+s31+$0x0], $0xffff;
	v15 =	vmin.f32 v5, $2.047000000e+03  }
0x24a: {  	v6 =	vmax.f32 v6, $0.0e+00;
	v5 =	vld.idx.msk [tilespmem:v7+s17+$0x0], $0xffff;
	v7 =	vadd.f32 v8, v1;
	v8 =	vtrunc.f32 v15  }
0x24b: {  	s24 =	simm.s32 $0x8A70;
	v13 =	vmin.f32 v13, $2.047000000e+03;
	v21 =	vmin.f32 v6, $2.047000000e+03;
	v6 =	vld.idx.msk [tilespmem:v12+s17+$0x0], $0xffff;
	v9 =	vcvt.f32.s32 v8  }
0x24c: {  	[tilespmem:s24+$0x80] =	vst v16;
	v13 =	vtrunc.f32 v13;
	v15 =	vmul.f32 $1.280000000e+02, v18;
	v8 =	vmax.f32 v7, $0.0e+00;
	v7 =	vld.idx.msk [tilespmem:v14+s17+$0x0], $0xffff  }
0x24d: {  	s28 =	simm.s32 $0x1100;
	s25 =	simm.s32 $0x8A70;
	s26 =	simm.s32 $0xC;
	[tilespmem:s24+$0xFFFFFF00] =	vst v17;
	v12 =	vtrunc.f32 v21;
	v14 =	vmul.f32 $1.280000000e+02, v19;
	v16 =	vmin.f32 v8, $2.047000000e+03;
	v8 =	vld.idx.msk [tilespmem:v20+s17+$0x0], $0xffff  }
.LBB2_18:
0x24e: {  	v17 =	vld.idx.msk [tilespmem:v2+s28+$0x180], $0xffff;
	s26 =	sadd.s32 $0x4, s26;
	v18 =	vmul.f32 $1.280000000e+02, v10;
	v15 =	vadd.f32 v15, v1;
	v10 =	vtrunc.f32 v16;
	s24 =	sadd.s32 $0x200, s24  }
0x24f: {  	v13 =	vcvt.f32.s32 v13;
	v16 =	vld.idx.msk [tilespmem:v2+s28+$0x80], $0xffff;
	p0 =	slt.u32 s26, $0x7C;
	v14 =	vadd.f32 v14, v1;
	v19 =	vcvt.f32.s32 v10;
	[tilespmem:s24+$0x80] =	vst v5  }
0x250: {  	v20 =	vmul.f32 $1.280000000e+02, v11;
	v10 =	vld.idx.msk [tilespmem:v2+s28+$0x100], $0xffff;
	v18 =	vadd.f32 v18, v1;
	v5 =	vmax.f32 v15, $0.0e+00  }
.Ltmp10:
0x251: {  	v12 =	vcvt.f32.s32 v12;
	v14 =	vmax.f32 v14, $0.0e+00;
	v15 =	vmin.f32 v5, $2.047000000e+03;
	v5 =	vld.idx.msk [tilespmem:v9+s17+$0x0], $0xffff;
	[tilespmem:s25+$0xFFFFFF80] =	vst v6;
	(pc) =	sbr.rel @p0 .LBB2_18-.Ltmp10, $4  }
0x252: {  	v20 =	vadd.f32 v20, v1;
	v11 =	vld.idx.msk [tilespmem:v2+s28+$0x0], $0xffff;
	v6 =	vmax.f32 v18, $0.0e+00;
	v9 =	vtrunc.f32 v15;
	[tilespmem:s25+$0x0] =	vst v7;
	s25 =	smov.u32 s24  }
0x253: {  	v7 =	vmin.f32 v14, $2.047000000e+03;
	v18 =	vmin.f32 v6, $2.047000000e+03;
	v9 =	vcvt.f32.s32 v9;
	[tilespmem:s24+$0xFFFFFF00] =	vst v8;
	v6 =	vld.idx.msk [tilespmem:v3+s17+$0x0], $0xffff;
	v3 =	vmovc v13  }
0x254: {  	v15 =	vmul.f32 $1.280000000e+02, v17;
	v8 =	vmax.f32 v20, $0.0e+00;
	v13 =	vtrunc.f32 v7;
	v7 =	vld.idx.msk [tilespmem:v4+s17+$0x0], $0xffff;
	v4 =	vmovc v12  }
0x255: {  	s28 =	sadd.s32 $0x200, s28;
	v14 =	vmul.f32 $1.280000000e+02, v16;
	v16 =	vmin.f32 v8, $2.047000000e+03;
	v12 =	vtrunc.f32 v18;
	v8 =	vld.idx.msk [tilespmem:v19+s17+$0x0], $0xffff  }
0x256: {  	_ = 	snop  }
0x257: {  	v2 =	vadd.f32 v15, v1;
	v10 =	vmul.f32 $1.280000000e+02, v10;
	v11 =	vmul.f32 $1.280000000e+02, v11  }
0x258: {  	v15 =	vtrunc.f32 v16;
	v13 =	vcvt.f32.s32 v13  }
0x259: {  	v12 =	vcvt.f32.s32 v12;
	v2 =	vmax.f32 v2, $0.0e+00;
	v11 =	vadd.f32 v11, v1  }
0x25a: {  	v15 =	vcvt.f32.s32 v15;
	v14 =	vadd.f32 v14, v1;
	v2 =	vmin.f32 v2, $2.047000000e+03  }
0x25b: {  	v1 =	vadd.f32 v10, v1;
	v2 =	vtrunc.f32 v2;
	v10 =	vmax.f32 v11, $0.0e+00  }
0x25c: {  	v3 =	vld.idx.msk [tilespmem:v3+s17+$0x0], $0xffff;
	v2 =	vcvt.f32.s32 v2;
	v11 =	vmax.f32 v14, $0.0e+00;
	v10 =	vmin.f32 v10, $2.047000000e+03  }
0x25d: {  	s24 =	sadd.s32 $0x200, s24;
	v1 =	vmax.f32 v1, $0.0e+00;
	v11 =	vmin.f32 v11, $2.047000000e+03;
	v10 =	vtrunc.f32 v10  }
0x25e: {  	v9 =	vld.idx.msk [tilespmem:v9+s17+$0x0], $0xffff;
	[tilespmem:s24+$0x80] =	vst v5;
	v1 =	vmin.f32 v1, $2.047000000e+03;
	v5 =	vtrunc.f32 v11;
	v10 =	vcvt.f32.s32 v10  }
0x25f: {  	v4 =	vld.idx.msk [tilespmem:v4+s17+$0x0], $0xffff;
	[tilespmem:s25+$0xFFFFFF80] =	vst v6;
	v1 =	vtrunc.f32 v1;
	v5 =	vcvt.f32.s32 v5  }
0x260: {  	[tilespmem:s25+$0x0] =	vst v7;
	v7 =	vld.idx.msk [tilespmem:v13+s17+$0x0], $0xffff;
	v1 =	vcvt.f32.s32 v1  }
0x261: {  	[tilespmem:s24+$0xFFFFFF80] =	vst v3;
	v3 =	vld.idx.msk [tilespmem:v12+s17+$0x0], $0xffff  }
0x262: {  	s30 =	sadd.s32 $0x200, s24;
	[tilespmem:s24+$0xFFFFFF00] =	vst v8;
	v6 =	vld.idx.msk [tilespmem:v15+s17+$0x0], $0xffff  }
0x263: {  	[tilespmem:s30+$0x80] =	vst v9;
	v2 =	vld.idx.msk [tilespmem:v2+s17+$0x0], $0xffff  }
0x264: {  	[tilespmem:s24+$0x0] =	vst v4;
	v4 =	vld.idx.msk [tilespmem:v10+s17+$0x0], $0xffff  }
0x265: {  	[tilespmem:s30+$0xFFFFFF80] =	vst v7;
	v5 =	vld.idx.msk [tilespmem:v5+s17+$0x0], $0xffff  }
0x266: {  	[tilespmem:s30+$0x0] =	vst v3;
	v1 =	vld.idx.msk [tilespmem:v1+s17+$0x0], $0xffff  }
0x267: {  	s31 =	sadd.s32 $0x200, s30;
	[tilespmem:s30+$0xFFFFFF00] =	vst v6  }
0x268: {  	[tilespmem:s31+$0x80] =	vst v2  }
0x269: {  	[tilespmem:s31+$0xFFFFFF00] =	vst v4  }
0x26a: {  	[tilespmem:s31+$0xFFFFFF80] =	vst v5  }
0x26b: {  	[tilespmem:s31+$0x0] =	vst v1  }
0x26c: {  	[hbm4b:s7+s3] =	stream.linear.scatter [tilespmem:s18], [sflag:$0x3], $0x4000, $0x38;
	[tilespmem:$0x10900] =	vst v63  }
0x26d: {  	_ = 	snop  }
0x26e: {  	[tilespmem:s12], [sflag:$0x1] =	stream.linear.gather [hbm4b:s8+s3], $0x4000, $0x38;
	[tilespmem:$0x10900] =	vst v63  }
0x26f: {  	_ =	swait.ge [sflag:s19], $0x4000  }
0x270: {  	[sflag:s19] =	ssyncset.done $0x0  }
0x271: {  	[sflag:s19] =	ssyncadd.s32 $0xFFFFC000  }
0x272: {  	v2 =	vld [tilespmem:$0x0];
	_ =	sdelay $0x6  }
0x273: {  	s26 =	simm.s32 $0x4900;
	v1 =	vld [tilespmem:$0x80]  }
0x274: {  	v3 =	vld.idx.msk [tilespmem:v2+s26+$0x180], $0xffff  }
0x275: {  	v4 =	vld.idx.msk [tilespmem:v2+s26+$0x80], $0xffff  }
0x276: {  	v5 =	vld.idx.msk [tilespmem:v2+s26+$0x100], $0xffff  }
0x277: {  	s29 =	simm.s32 $0x4B00;
	v6 =	vld.idx.msk [tilespmem:v2+s26+$0x0], $0xffff  }
0x278: {  	v7 =	vld.idx.msk [tilespmem:v2+s29+$0x180], $0xffff  }
0x279: {  	v8 =	vld.idx.msk [tilespmem:v2+s29+$0x80], $0xffff  }
0x27a: {  	v1 =	vmul.f32 $-1.280000000e+02, v1;
	v9 =	vld.idx.msk [tilespmem:v2+s29+$0x100], $0xffff  }
0x27b: {  	v10 =	vld.idx.msk [tilespmem:v2+s29+$0x0], $0xffff  }
0x27c: {  	v1 =	vadd.f32 $1.024000000e+03, v1;
	v3 =	vmul.f32 $1.280000000e+02, v3;
	v4 =	vmul.f32 $1.280000000e+02, v4  }
0x27d: {  	v5 =	vmul.f32 $1.280000000e+02, v5;
	v6 =	vmul.f32 $1.280000000e+02, v6  }
0x27e: {  	v7 =	vmul.f32 $1.280000000e+02, v7;
	v8 =	vmul.f32 $1.280000000e+02, v8;
	v3 =	vadd.f32 v3, v1  }
0x27f: {  	v9 =	vmul.f32 $1.280000000e+02, v9;
	v4 =	vadd.f32 v4, v1;
	v5 =	vadd.f32 v5, v1  }
0x280: {  	v10 =	vmul.f32 $1.280000000e+02, v10;
	v6 =	vadd.f32 v6, v1;
	v7 =	vadd.f32 v7, v1  }
0x281: {  	v8 =	vadd.f32 v8, v1;
	v9 =	vadd.f32 v9, v1;
	v3 =	vmax.f32 v3, $0.0e+00  }
0x282: {  	v4 =	vmax.f32 v4, $0.0e+00;
	v6 =	vmax.f32 v6, $0.0e+00;
	v3 =	vmin.f32 v3, $2.047000000e+03  }
0x283: {  	s30 =	simm.s32 $0x4D00;
	v5 =	vmax.f32 v5, $0.0e+00;
	v6 =	vmin.f32 v6, $2.047000000e+03;
	v3 =	vtrunc.f32 v3  }
0x284: {  	v11 =	vld.idx.msk [tilespmem:v2+s30+$0x180], $0xffff;
	v4 =	vmin.f32 v4, $2.047000000e+03;
	v6 =	vtrunc.f32 v6;
	v3 =	vcvt.f32.s32 v3  }
0x285: {  	v13 =	vld.idx.msk [tilespmem:v2+s30+$0x100], $0xffff;
	v7 =	vmax.f32 v7, $0.0e+00;
	v4 =	vtrunc.f32 v4;
	v6 =	vcvt.f32.s32 v6  }
0x286: {  	v8 =	vmax.f32 v8, $0.0e+00;
	v5 =	vmin.f32 v5, $2.047000000e+03;
	v12 =	vcvt.f32.s32 v4;
	v4 =	vld.idx.msk [tilespmem:v2+s30+$0x80], $0xffff  }
0x287: {  	v9 =	vmax.f32 v9, $0.0e+00;
	v7 =	vmin.f32 v7, $2.047000000e+03;
	v5 =	vtrunc.f32 v5  }
0x288: {  	v8 =	vmin.f32 v8, $2.047000000e+03;
	v14 =	vcvt.f32.s32 v5;
	v5 =	vadd.f32 v10, v1  }
0x289: {  	v15 =	vld.idx.msk [tilespmem:v2+s30+$0x0], $0xffff;
	v9 =	vmin.f32 v9, $2.047000000e+03;
	v7 =	vtrunc.f32 v7;
	v8 =	vtrunc.f32 v8  }
0x28a: {  	v7 =	vcvt.f32.s32 v7;
	v5 =	vmax.f32 v5, $0.0e+00;
	v16 =	vld.idx.msk [tilespmem:v3+s17+$0x0], $0xffff;
	v3 =	vmul.f32 $1.280000000e+02, v11  }
0x28b: {  	s31 =	simm.s32 $0x4F00;
	v5 =	vmin.f32 v5, $2.047000000e+03;
	v4 =	vmul.f32 $1.280000000e+02, v4;
	v17 =	vld.idx.msk [tilespmem:v6+s17+$0x0], $0xffff;
	v6 =	vmul.f32 $1.280000000e+02, v13  }
0x28c: {  	v18 =	vld.idx.msk [tilespmem:v2+s31+$0x180], $0xffff;
	v9 =	vtrunc.f32 v9;
	v11 =	vadd.f32 v3, v1;
	v3 =	vtrunc.f32 v5  }
0x28d: {  	v19 =	vld.idx.msk [tilespmem:v2+s31+$0x80], $0xffff;
	v4 =	vadd.f32 v4, v1;
	v6 =	vadd.f32 v6, v1;
	v20 =	vcvt.f32.s32 v3  }
0x28e: {  	v10 =	vld.idx.msk [tilespmem:v2+s31+$0x100], $0xffff;
	v3 =	vcvt.f32.s32 v8;
	v8 =	vmul.f32 $1.280000000e+02, v15;
	v5 =	vmax.f32 v11, $0.0e+00  }
0x28f: {  	v13 =	vmax.f32 v4, $0.0e+00;
	v4 =	vcvt.f32.s32 v9;
	v11 =	vld.idx.msk [tilespmem:v2+s31+$0x0], $0xffff;
	v15 =	vmin.f32 v5, $2.047000000e+03  }
0x290: {  	v6 =	vmax.f32 v6, $0.0e+00;
	v5 =	vld.idx.msk [tilespmem:v7+s17+$0x0], $0xffff;
	v7 =	vadd.f32 v8, v1;
	v8 =	vtrunc.f32 v15  }
0x291: {  	s24 =	simm.s32 $0xCA00;
	v13 =	vmin.f32 v13, $2.047000000e+03;
	v21 =	vmin.f32 v6, $2.047000000e+03;
	v6 =	vld.idx.msk [tilespmem:v12+s17+$0x0], $0xffff;
	v9 =	vcvt.f32.s32 v8  }
0x292: {  	[tilespmem:s24+$0x80] =	vst v16;
	v13 =	vtrunc.f32 v13;
	v15 =	vmul.f32 $1.280000000e+02, v18;
	v8 =	vmax.f32 v7, $0.0e+00;
	v7 =	vld.idx.msk [tilespmem:v14+s17+$0x0], $0xffff  }
0x293: {  	s28 =	simm.s32 $0x5100;
	s25 =	simm.s32 $0xCA00;
	s26 =	simm.s32 $0xC;
	[tilespmem:s24+$0xFFFFFF00] =	vst v17;
	v12 =	vtrunc.f32 v21;
	v14 =	vmul.f32 $1.280000000e+02, v19;
	v16 =	vmin.f32 v8, $2.047000000e+03;
	v8 =	vld.idx.msk [tilespmem:v20+s17+$0x0], $0xffff  }
.LBB2_20:
0x294: {  	v17 =	vld.idx.msk [tilespmem:v2+s28+$0x180], $0xffff;
	s26 =	sadd.s32 $0x4, s26;
	v18 =	vmul.f32 $1.280000000e+02, v10;
	v15 =	vadd.f32 v15, v1;
	v10 =	vtrunc.f32 v16;
	s24 =	sadd.s32 $0x200, s24  }
0x295: {  	v13 =	vcvt.f32.s32 v13;
	v16 =	vld.idx.msk [tilespmem:v2+s28+$0x80], $0xffff;
	p0 =	slt.u32 s26, $0x7C;
	v14 =	vadd.f32 v14, v1;
	v19 =	vcvt.f32.s32 v10;
	[tilespmem:s24+$0x80] =	vst v5  }
0x296: {  	v20 =	vmul.f32 $1.280000000e+02, v11;
	v10 =	vld.idx.msk [tilespmem:v2+s28+$0x100], $0xffff;
	v18 =	vadd.f32 v18, v1;
	v5 =	vmax.f32 v15, $0.0e+00  }
.Ltmp11:
0x297: {  	v12 =	vcvt.f32.s32 v12;
	v14 =	vmax.f32 v14, $0.0e+00;
	v15 =	vmin.f32 v5, $2.047000000e+03;
	v5 =	vld.idx.msk [tilespmem:v9+s17+$0x0], $0xffff;
	[tilespmem:s25+$0xFFFFFF80] =	vst v6;
	(pc) =	sbr.rel @p0 .LBB2_20-.Ltmp11, $4  }
0x298: {  	v20 =	vadd.f32 v20, v1;
	v11 =	vld.idx.msk [tilespmem:v2+s28+$0x0], $0xffff;
	v6 =	vmax.f32 v18, $0.0e+00;
	v9 =	vtrunc.f32 v15;
	[tilespmem:s25+$0x0] =	vst v7;
	s25 =	smov.u32 s24  }
0x299: {  	v7 =	vmin.f32 v14, $2.047000000e+03;
	v18 =	vmin.f32 v6, $2.047000000e+03;
	v9 =	vcvt.f32.s32 v9;
	[tilespmem:s24+$0xFFFFFF00] =	vst v8;
	v6 =	vld.idx.msk [tilespmem:v3+s17+$0x0], $0xffff;
	v3 =	vmovc v13  }
0x29a: {  	v15 =	vmul.f32 $1.280000000e+02, v17;
	v8 =	vmax.f32 v20, $0.0e+00;
	v13 =	vtrunc.f32 v7;
	v7 =	vld.idx.msk [tilespmem:v4+s17+$0x0], $0xffff;
	v4 =	vmovc v12  }
0x29b: {  	s28 =	sadd.s32 $0x200, s28;
	v14 =	vmul.f32 $1.280000000e+02, v16;
	v16 =	vmin.f32 v8, $2.047000000e+03;
	v12 =	vtrunc.f32 v18;
	v8 =	vld.idx.msk [tilespmem:v19+s17+$0x0], $0xffff  }
0x29c: {  	_ = 	snop  }
0x29d: {  	v2 =	vadd.f32 v15, v1;
	v10 =	vmul.f32 $1.280000000e+02, v10;
	v11 =	vmul.f32 $1.280000000e+02, v11  }
0x29e: {  	v15 =	vtrunc.f32 v16;
	v13 =	vcvt.f32.s32 v13  }
0x29f: {  	v12 =	vcvt.f32.s32 v12;
	v2 =	vmax.f32 v2, $0.0e+00;
	v11 =	vadd.f32 v11, v1  }
0x2a0: {  	v15 =	vcvt.f32.s32 v15;
	v14 =	vadd.f32 v14, v1;
	v2 =	vmin.f32 v2, $2.047000000e+03  }
0x2a1: {  	v1 =	vadd.f32 v10, v1;
	v2 =	vtrunc.f32 v2;
	v10 =	vmax.f32 v11, $0.0e+00  }
0x2a2: {  	v3 =	vld.idx.msk [tilespmem:v3+s17+$0x0], $0xffff;
	v2 =	vcvt.f32.s32 v2;
	v11 =	vmax.f32 v14, $0.0e+00;
	v10 =	vmin.f32 v10, $2.047000000e+03  }
0x2a3: {  	s24 =	sadd.s32 $0x200, s24;
	v1 =	vmax.f32 v1, $0.0e+00;
	v11 =	vmin.f32 v11, $2.047000000e+03;
	v10 =	vtrunc.f32 v10  }
0x2a4: {  	v9 =	vld.idx.msk [tilespmem:v9+s17+$0x0], $0xffff;
	[tilespmem:s24+$0x80] =	vst v5;
	v1 =	vmin.f32 v1, $2.047000000e+03;
	v5 =	vtrunc.f32 v11;
	v10 =	vcvt.f32.s32 v10  }
0x2a5: {  	v4 =	vld.idx.msk [tilespmem:v4+s17+$0x0], $0xffff;
	[tilespmem:s25+$0xFFFFFF80] =	vst v6;
	v1 =	vtrunc.f32 v1;
	v5 =	vcvt.f32.s32 v5  }
0x2a6: {  	[tilespmem:s25+$0x0] =	vst v7;
	v7 =	vld.idx.msk [tilespmem:v13+s17+$0x0], $0xffff;
	v1 =	vcvt.f32.s32 v1  }
0x2a7: {  	[tilespmem:s24+$0xFFFFFF80] =	vst v3;
	v3 =	vld.idx.msk [tilespmem:v12+s17+$0x0], $0xffff  }
0x2a8: {  	s30 =	sadd.s32 $0x200, s24;
	[tilespmem:s24+$0xFFFFFF00] =	vst v8;
	v6 =	vld.idx.msk [tilespmem:v15+s17+$0x0], $0xffff  }
0x2a9: {  	[tilespmem:s30+$0x80] =	vst v9;
	v2 =	vld.idx.msk [tilespmem:v2+s17+$0x0], $0xffff  }
0x2aa: {  	[tilespmem:s24+$0x0] =	vst v4;
	v4 =	vld.idx.msk [tilespmem:v10+s17+$0x0], $0xffff  }
0x2ab: {  	[tilespmem:s30+$0xFFFFFF80] =	vst v7;
	v5 =	vld.idx.msk [tilespmem:v5+s17+$0x0], $0xffff  }
0x2ac: {  	[tilespmem:s30+$0x0] =	vst v3;
	v1 =	vld.idx.msk [tilespmem:v1+s17+$0x0], $0xffff  }
0x2ad: {  	s31 =	sadd.s32 $0x200, s30;
	[tilespmem:s30+$0xFFFFFF00] =	vst v6  }
0x2ae: {  	[tilespmem:s31+$0x80] =	vst v2  }
0x2af: {  	[tilespmem:s31+$0xFFFFFF00] =	vst v4  }
0x2b0: {  	[tilespmem:s31+$0xFFFFFF80] =	vst v5  }
0x2b1: {  	[tilespmem:s31+$0x0] =	vst v1  }
0x2b2: {  	v2 =	vld [tilespmem:$0x10];
	_ =	sdelay $0x6  }
0x2b3: {  	s26 =	simm.s32 $0x4900;
	v1 =	vld [tilespmem:$0x90]  }
0x2b4: {  	v3 =	vld.idx.msk [tilespmem:v2+s26+$0x180], $0xffff  }
0x2b5: {  	v4 =	vld.idx.msk [tilespmem:v2+s26+$0x80], $0xffff  }
0x2b6: {  	v5 =	vld.idx.msk [tilespmem:v2+s26+$0x100], $0xffff  }
0x2b7: {  	s29 =	simm.s32 $0x4B00;
	v6 =	vld.idx.msk [tilespmem:v2+s26+$0x0], $0xffff  }
0x2b8: {  	v7 =	vld.idx.msk [tilespmem:v2+s29+$0x180], $0xffff  }
0x2b9: {  	v8 =	vld.idx.msk [tilespmem:v2+s29+$0x80], $0xffff  }
0x2ba: {  	v1 =	vmul.f32 $-1.280000000e+02, v1;
	v9 =	vld.idx.msk [tilespmem:v2+s29+$0x100], $0xffff  }
0x2bb: {  	v10 =	vld.idx.msk [tilespmem:v2+s29+$0x0], $0xffff  }
0x2bc: {  	v1 =	vadd.f32 $1.024000000e+03, v1;
	v3 =	vmul.f32 $1.280000000e+02, v3;
	v4 =	vmul.f32 $1.280000000e+02, v4  }
0x2bd: {  	v5 =	vmul.f32 $1.280000000e+02, v5;
	v6 =	vmul.f32 $1.280000000e+02, v6  }
0x2be: {  	v7 =	vmul.f32 $1.280000000e+02, v7;
	v8 =	vmul.f32 $1.280000000e+02, v8;
	v3 =	vadd.f32 v3, v1  }
0x2bf: {  	v9 =	vmul.f32 $1.280000000e+02, v9;
	v4 =	vadd.f32 v4, v1;
	v5 =	vadd.f32 v5, v1  }
0x2c0: {  	v10 =	vmul.f32 $1.280000000e+02, v10;
	v6 =	vadd.f32 v6, v1;
	v7 =	vadd.f32 v7, v1  }
0x2c1: {  	v8 =	vadd.f32 v8, v1;
	v9 =	vadd.f32 v9, v1;
	v3 =	vmax.f32 v3, $0.0e+00  }
0x2c2: {  	v4 =	vmax.f32 v4, $0.0e+00;
	v6 =	vmax.f32 v6, $0.0e+00;
	v3 =	vmin.f32 v3, $2.047000000e+03  }
0x2c3: {  	s30 =	simm.s32 $0x4D00;
	v5 =	vmax.f32 v5, $0.0e+00;
	v6 =	vmin.f32 v6, $2.047000000e+03;
	v3 =	vtrunc.f32 v3  }
0x2c4: {  	v11 =	vld.idx.msk [tilespmem:v2+s30+$0x180], $0xffff;
	v4 =	vmin.f32 v4, $2.047000000e+03;
	v6 =	vtrunc.f32 v6;
	v3 =	vcvt.f32.s32 v3  }
0x2c5: {  	v13 =	vld.idx.msk [tilespmem:v2+s30+$0x100], $0xffff;
	v7 =	vmax.f32 v7, $0.0e+00;
	v4 =	vtrunc.f32 v4;
	v6 =	vcvt.f32.s32 v6  }
0x2c6: {  	v8 =	vmax.f32 v8, $0.0e+00;
	v5 =	vmin.f32 v5, $2.047000000e+03;
	v12 =	vcvt.f32.s32 v4;
	v4 =	vld.idx.msk [tilespmem:v2+s30+$0x80], $0xffff  }
0x2c7: {  	v9 =	vmax.f32 v9, $0.0e+00;
	v7 =	vmin.f32 v7, $2.047000000e+03;
	v5 =	vtrunc.f32 v5  }
0x2c8: {  	v8 =	vmin.f32 v8, $2.047000000e+03;
	v14 =	vcvt.f32.s32 v5;
	v5 =	vadd.f32 v10, v1  }
0x2c9: {  	v15 =	vld.idx.msk [tilespmem:v2+s30+$0x0], $0xffff;
	v9 =	vmin.f32 v9, $2.047000000e+03;
	v7 =	vtrunc.f32 v7;
	v8 =	vtrunc.f32 v8  }
0x2ca: {  	v7 =	vcvt.f32.s32 v7;
	v5 =	vmax.f32 v5, $0.0e+00;
	v16 =	vld.idx.msk [tilespmem:v3+s17+$0x0], $0xffff;
	v3 =	vmul.f32 $1.280000000e+02, v11  }
0x2cb: {  	s31 =	simm.s32 $0x4F00;
	v5 =	vmin.f32 v5, $2.047000000e+03;
	v4 =	vmul.f32 $1.280000000e+02, v4;
	v17 =	vld.idx.msk [tilespmem:v6+s17+$0x0], $0xffff;
	v6 =	vmul.f32 $1.280000000e+02, v13  }
0x2cc: {  	v18 =	vld.idx.msk [tilespmem:v2+s31+$0x180], $0xffff;
	v9 =	vtrunc.f32 v9;
	v11 =	vadd.f32 v3, v1;
	v3 =	vtrunc.f32 v5  }
0x2cd: {  	v19 =	vld.idx.msk [tilespmem:v2+s31+$0x80], $0xffff;
	v4 =	vadd.f32 v4, v1;
	v6 =	vadd.f32 v6, v1;
	v20 =	vcvt.f32.s32 v3  }
0x2ce: {  	v10 =	vld.idx.msk [tilespmem:v2+s31+$0x100], $0xffff;
	v3 =	vcvt.f32.s32 v8;
	v8 =	vmul.f32 $1.280000000e+02, v15;
	v5 =	vmax.f32 v11, $0.0e+00  }
0x2cf: {  	v13 =	vmax.f32 v4, $0.0e+00;
	v4 =	vcvt.f32.s32 v9;
	v11 =	vld.idx.msk [tilespmem:v2+s31+$0x0], $0xffff;
	v15 =	vmin.f32 v5, $2.047000000e+03  }
0x2d0: {  	v6 =	vmax.f32 v6, $0.0e+00;
	v5 =	vld.idx.msk [tilespmem:v7+s17+$0x0], $0xffff;
	v7 =	vadd.f32 v8, v1;
	v8 =	vtrunc.f32 v15  }
0x2d1: {  	s24 =	simm.s32 $0xCA10;
	v13 =	vmin.f32 v13, $2.047000000e+03;
	v21 =	vmin.f32 v6, $2.047000000e+03;
	v6 =	vld.idx.msk [tilespmem:v12+s17+$0x0], $0xffff;
	v9 =	vcvt.f32.s32 v8  }
0x2d2: {  	[tilespmem:s24+$0x80] =	vst v16;
	v13 =	vtrunc.f32 v13;
	v15 =	vmul.f32 $1.280000000e+02, v18;
	v8 =	vmax.f32 v7, $0.0e+00;
	v7 =	vld.idx.msk [tilespmem:v14+s17+$0x0], $0xffff  }
0x2d3: {  	s28 =	simm.s32 $0x5100;
	s25 =	simm.s32 $0xCA10;
	s26 =	simm.s32 $0xC;
	[tilespmem:s24+$0xFFFFFF00] =	vst v17;
	v12 =	vtrunc.f32 v21;
	v14 =	vmul.f32 $1.280000000e+02, v19;
	v16 =	vmin.f32 v8, $2.047000000e+03;
	v8 =	vld.idx.msk [tilespmem:v20+s17+$0x0], $0xffff  }
.LBB2_22:
0x2d4: {  	v17 =	vld.idx.msk [tilespmem:v2+s28+$0x180], $0xffff;
	s26 =	sadd.s32 $0x4, s26;
	v18 =	vmul.f32 $1.280000000e+02, v10;
	v15 =	vadd.f32 v15, v1;
	v10 =	vtrunc.f32 v16;
	s24 =	sadd.s32 $0x200, s24  }
0x2d5: {  	v13 =	vcvt.f32.s32 v13;
	v16 =	vld.idx.msk [tilespmem:v2+s28+$0x80], $0xffff;
	p0 =	slt.u32 s26, $0x7C;
	v14 =	vadd.f32 v14, v1;
	v19 =	vcvt.f32.s32 v10;
	[tilespmem:s24+$0x80] =	vst v5  }
0x2d6: {  	v20 =	vmul.f32 $1.280000000e+02, v11;
	v10 =	vld.idx.msk [tilespmem:v2+s28+$0x100], $0xffff;
	v18 =	vadd.f32 v18, v1;
	v5 =	vmax.f32 v15, $0.0e+00  }
.Ltmp12:
0x2d7: {  	v12 =	vcvt.f32.s32 v12;
	v14 =	vmax.f32 v14, $0.0e+00;
	v15 =	vmin.f32 v5, $2.047000000e+03;
	v5 =	vld.idx.msk [tilespmem:v9+s17+$0x0], $0xffff;
	[tilespmem:s25+$0xFFFFFF80] =	vst v6;
	(pc) =	sbr.rel @p0 .LBB2_22-.Ltmp12, $4  }
0x2d8: {  	v20 =	vadd.f32 v20, v1;
	v11 =	vld.idx.msk [tilespmem:v2+s28+$0x0], $0xffff;
	v6 =	vmax.f32 v18, $0.0e+00;
	v9 =	vtrunc.f32 v15;
	[tilespmem:s25+$0x0] =	vst v7;
	s25 =	smov.u32 s24  }
0x2d9: {  	v7 =	vmin.f32 v14, $2.047000000e+03;
	v18 =	vmin.f32 v6, $2.047000000e+03;
	v9 =	vcvt.f32.s32 v9;
	[tilespmem:s24+$0xFFFFFF00] =	vst v8;
	v6 =	vld.idx.msk [tilespmem:v3+s17+$0x0], $0xffff;
	v3 =	vmovc v13  }
0x2da: {  	v15 =	vmul.f32 $1.280000000e+02, v17;
	v8 =	vmax.f32 v20, $0.0e+00;
	v13 =	vtrunc.f32 v7;
	v7 =	vld.idx.msk [tilespmem:v4+s17+$0x0], $0xffff;
	v4 =	vmovc v12  }
0x2db: {  	s28 =	sadd.s32 $0x200, s28;
	v14 =	vmul.f32 $1.280000000e+02, v16;
	v16 =	vmin.f32 v8, $2.047000000e+03;
	v12 =	vtrunc.f32 v18;
	v8 =	vld.idx.msk [tilespmem:v19+s17+$0x0], $0xffff  }
0x2dc: {  	_ = 	snop  }
0x2dd: {  	v2 =	vadd.f32 v15, v1;
	v10 =	vmul.f32 $1.280000000e+02, v10;
	v11 =	vmul.f32 $1.280000000e+02, v11  }
0x2de: {  	v15 =	vtrunc.f32 v16;
	v13 =	vcvt.f32.s32 v13  }
0x2df: {  	v12 =	vcvt.f32.s32 v12;
	v2 =	vmax.f32 v2, $0.0e+00;
	v11 =	vadd.f32 v11, v1  }
0x2e0: {  	v15 =	vcvt.f32.s32 v15;
	v14 =	vadd.f32 v14, v1;
	v2 =	vmin.f32 v2, $2.047000000e+03  }
0x2e1: {  	v1 =	vadd.f32 v10, v1;
	v2 =	vtrunc.f32 v2;
	v10 =	vmax.f32 v11, $0.0e+00  }
0x2e2: {  	v3 =	vld.idx.msk [tilespmem:v3+s17+$0x0], $0xffff;
	v2 =	vcvt.f32.s32 v2;
	v11 =	vmax.f32 v14, $0.0e+00;
	v10 =	vmin.f32 v10, $2.047000000e+03  }
0x2e3: {  	s24 =	sadd.s32 $0x200, s24;
	v1 =	vmax.f32 v1, $0.0e+00;
	v11 =	vmin.f32 v11, $2.047000000e+03;
	v10 =	vtrunc.f32 v10  }
0x2e4: {  	v9 =	vld.idx.msk [tilespmem:v9+s17+$0x0], $0xffff;
	[tilespmem:s24+$0x80] =	vst v5;
	v1 =	vmin.f32 v1, $2.047000000e+03;
	v5 =	vtrunc.f32 v11;
	v10 =	vcvt.f32.s32 v10  }
0x2e5: {  	v4 =	vld.idx.msk [tilespmem:v4+s17+$0x0], $0xffff;
	[tilespmem:s25+$0xFFFFFF80] =	vst v6;
	v1 =	vtrunc.f32 v1;
	v5 =	vcvt.f32.s32 v5  }
0x2e6: {  	[tilespmem:s25+$0x0] =	vst v7;
	v7 =	vld.idx.msk [tilespmem:v13+s17+$0x0], $0xffff;
	v1 =	vcvt.f32.s32 v1  }
0x2e7: {  	[tilespmem:s24+$0xFFFFFF80] =	vst v3;
	v3 =	vld.idx.msk [tilespmem:v12+s17+$0x0], $0xffff  }
0x2e8: {  	s30 =	sadd.s32 $0x200, s24;
	[tilespmem:s24+$0xFFFFFF00] =	vst v8;
	v6 =	vld.idx.msk [tilespmem:v15+s17+$0x0], $0xffff  }
0x2e9: {  	[tilespmem:s30+$0x80] =	vst v9;
	v2 =	vld.idx.msk [tilespmem:v2+s17+$0x0], $0xffff  }
0x2ea: {  	[tilespmem:s24+$0x0] =	vst v4;
	v4 =	vld.idx.msk [tilespmem:v10+s17+$0x0], $0xffff  }
0x2eb: {  	[tilespmem:s30+$0xFFFFFF80] =	vst v7;
	v5 =	vld.idx.msk [tilespmem:v5+s17+$0x0], $0xffff  }
0x2ec: {  	[tilespmem:s30+$0x0] =	vst v3;
	v1 =	vld.idx.msk [tilespmem:v1+s17+$0x0], $0xffff  }
0x2ed: {  	s31 =	sadd.s32 $0x200, s30;
	[tilespmem:s30+$0xFFFFFF00] =	vst v6  }
0x2ee: {  	[tilespmem:s31+$0x80] =	vst v2  }
0x2ef: {  	[tilespmem:s31+$0xFFFFFF00] =	vst v4  }
0x2f0: {  	[tilespmem:s31+$0xFFFFFF80] =	vst v5  }
0x2f1: {  	[tilespmem:s31+$0x0] =	vst v1  }
0x2f2: {  	v2 =	vld [tilespmem:$0x20];
	_ =	sdelay $0x6  }
0x2f3: {  	s26 =	simm.s32 $0x4900;
	v1 =	vld [tilespmem:$0xA0]  }
0x2f4: {  	v3 =	vld.idx.msk [tilespmem:v2+s26+$0x180], $0xffff  }
0x2f5: {  	v4 =	vld.idx.msk [tilespmem:v2+s26+$0x80], $0xffff  }
0x2f6: {  	v5 =	vld.idx.msk [tilespmem:v2+s26+$0x100], $0xffff  }
0x2f7: {  	s29 =	simm.s32 $0x4B00;
	v6 =	vld.idx.msk [tilespmem:v2+s26+$0x0], $0xffff  }
0x2f8: {  	v7 =	vld.idx.msk [tilespmem:v2+s29+$0x180], $0xffff  }
0x2f9: {  	v8 =	vld.idx.msk [tilespmem:v2+s29+$0x80], $0xffff  }
0x2fa: {  	v1 =	vmul.f32 $-1.280000000e+02, v1;
	v9 =	vld.idx.msk [tilespmem:v2+s29+$0x100], $0xffff  }
0x2fb: {  	v10 =	vld.idx.msk [tilespmem:v2+s29+$0x0], $0xffff  }
0x2fc: {  	v1 =	vadd.f32 $1.024000000e+03, v1;
	v3 =	vmul.f32 $1.280000000e+02, v3;
	v4 =	vmul.f32 $1.280000000e+02, v4  }
0x2fd: {  	v5 =	vmul.f32 $1.280000000e+02, v5;
	v6 =	vmul.f32 $1.280000000e+02, v6  }
0x2fe: {  	v7 =	vmul.f32 $1.280000000e+02, v7;
	v8 =	vmul.f32 $1.280000000e+02, v8;
	v3 =	vadd.f32 v3, v1  }
0x2ff: {  	v9 =	vmul.f32 $1.280000000e+02, v9;
	v4 =	vadd.f32 v4, v1;
	v5 =	vadd.f32 v5, v1  }
0x300: {  	v10 =	vmul.f32 $1.280000000e+02, v10;
	v6 =	vadd.f32 v6, v1;
	v7 =	vadd.f32 v7, v1  }
0x301: {  	v8 =	vadd.f32 v8, v1;
	v9 =	vadd.f32 v9, v1;
	v3 =	vmax.f32 v3, $0.0e+00  }
0x302: {  	v4 =	vmax.f32 v4, $0.0e+00;
	v6 =	vmax.f32 v6, $0.0e+00;
	v3 =	vmin.f32 v3, $2.047000000e+03  }
0x303: {  	s30 =	simm.s32 $0x4D00;
	v5 =	vmax.f32 v5, $0.0e+00;
	v6 =	vmin.f32 v6, $2.047000000e+03;
	v3 =	vtrunc.f32 v3  }
0x304: {  	v11 =	vld.idx.msk [tilespmem:v2+s30+$0x180], $0xffff;
	v4 =	vmin.f32 v4, $2.047000000e+03;
	v6 =	vtrunc.f32 v6;
	v3 =	vcvt.f32.s32 v3  }
0x305: {  	v13 =	vld.idx.msk [tilespmem:v2+s30+$0x100], $0xffff;
	v7 =	vmax.f32 v7, $0.0e+00;
	v4 =	vtrunc.f32 v4;
	v6 =	vcvt.f32.s32 v6  }
0x306: {  	v8 =	vmax.f32 v8, $0.0e+00;
	v5 =	vmin.f32 v5, $2.047000000e+03;
	v12 =	vcvt.f32.s32 v4;
	v4 =	vld.idx.msk [tilespmem:v2+s30+$0x80], $0xffff  }
0x307: {  	v9 =	vmax.f32 v9, $0.0e+00;
	v7 =	vmin.f32 v7, $2.047000000e+03;
	v5 =	vtrunc.f32 v5  }
0x308: {  	v8 =	vmin.f32 v8, $2.047000000e+03;
	v14 =	vcvt.f32.s32 v5;
	v5 =	vadd.f32 v10, v1  }
0x309: {  	v15 =	vld.idx.msk [tilespmem:v2+s30+$0x0], $0xffff;
	v9 =	vmin.f32 v9, $2.047000000e+03;
	v7 =	vtrunc.f32 v7;
	v8 =	vtrunc.f32 v8  }
0x30a: {  	v7 =	vcvt.f32.s32 v7;
	v5 =	vmax.f32 v5, $0.0e+00;
	v16 =	vld.idx.msk [tilespmem:v3+s17+$0x0], $0xffff;
	v3 =	vmul.f32 $1.280000000e+02, v11  }
0x30b: {  	s31 =	simm.s32 $0x4F00;
	v5 =	vmin.f32 v5, $2.047000000e+03;
	v4 =	vmul.f32 $1.280000000e+02, v4;
	v17 =	vld.idx.msk [tilespmem:v6+s17+$0x0], $0xffff;
	v6 =	vmul.f32 $1.280000000e+02, v13  }
0x30c: {  	v18 =	vld.idx.msk [tilespmem:v2+s31+$0x180], $0xffff;
	v9 =	vtrunc.f32 v9;
	v11 =	vadd.f32 v3, v1;
	v3 =	vtrunc.f32 v5  }
0x30d: {  	v19 =	vld.idx.msk [tilespmem:v2+s31+$0x80], $0xffff;
	v4 =	vadd.f32 v4, v1;
	v6 =	vadd.f32 v6, v1;
	v20 =	vcvt.f32.s32 v3  }
0x30e: {  	v10 =	vld.idx.msk [tilespmem:v2+s31+$0x100], $0xffff;
	v3 =	vcvt.f32.s32 v8;
	v8 =	vmul.f32 $1.280000000e+02, v15;
	v5 =	vmax.f32 v11, $0.0e+00  }
0x30f: {  	v13 =	vmax.f32 v4, $0.0e+00;
	v4 =	vcvt.f32.s32 v9;
	v11 =	vld.idx.msk [tilespmem:v2+s31+$0x0], $0xffff;
	v15 =	vmin.f32 v5, $2.047000000e+03  }
0x310: {  	v6 =	vmax.f32 v6, $0.0e+00;
	v5 =	vld.idx.msk [tilespmem:v7+s17+$0x0], $0xffff;
	v7 =	vadd.f32 v8, v1;
	v8 =	vtrunc.f32 v15  }
0x311: {  	s24 =	simm.s32 $0xCA20;
	v13 =	vmin.f32 v13, $2.047000000e+03;
	v21 =	vmin.f32 v6, $2.047000000e+03;
	v6 =	vld.idx.msk [tilespmem:v12+s17+$0x0], $0xffff;
	v9 =	vcvt.f32.s32 v8  }
0x312: {  	[tilespmem:s24+$0x80] =	vst v16;
	v13 =	vtrunc.f32 v13;
	v15 =	vmul.f32 $1.280000000e+02, v18;
	v8 =	vmax.f32 v7, $0.0e+00;
	v7 =	vld.idx.msk [tilespmem:v14+s17+$0x0], $0xffff  }
0x313: {  	s28 =	simm.s32 $0x5100;
	s25 =	simm.s32 $0xCA20;
	s26 =	simm.s32 $0xC;
	[tilespmem:s24+$0xFFFFFF00] =	vst v17;
	v12 =	vtrunc.f32 v21;
	v14 =	vmul.f32 $1.280000000e+02, v19;
	v16 =	vmin.f32 v8, $2.047000000e+03;
	v8 =	vld.idx.msk [tilespmem:v20+s17+$0x0], $0xffff  }
.LBB2_24:
0x314: {  	v17 =	vld.idx.msk [tilespmem:v2+s28+$0x180], $0xffff;
	s26 =	sadd.s32 $0x4, s26;
	v18 =	vmul.f32 $1.280000000e+02, v10;
	v15 =	vadd.f32 v15, v1;
	v10 =	vtrunc.f32 v16;
	s24 =	sadd.s32 $0x200, s24  }
0x315: {  	v13 =	vcvt.f32.s32 v13;
	v16 =	vld.idx.msk [tilespmem:v2+s28+$0x80], $0xffff;
	p0 =	slt.u32 s26, $0x7C;
	v14 =	vadd.f32 v14, v1;
	v19 =	vcvt.f32.s32 v10;
	[tilespmem:s24+$0x80] =	vst v5  }
0x316: {  	v20 =	vmul.f32 $1.280000000e+02, v11;
	v10 =	vld.idx.msk [tilespmem:v2+s28+$0x100], $0xffff;
	v18 =	vadd.f32 v18, v1;
	v5 =	vmax.f32 v15, $0.0e+00  }
.Ltmp13:
0x317: {  	v12 =	vcvt.f32.s32 v12;
	v14 =	vmax.f32 v14, $0.0e+00;
	v15 =	vmin.f32 v5, $2.047000000e+03;
	v5 =	vld.idx.msk [tilespmem:v9+s17+$0x0], $0xffff;
	[tilespmem:s25+$0xFFFFFF80] =	vst v6;
	(pc) =	sbr.rel @p0 .LBB2_24-.Ltmp13, $4  }
0x318: {  	v20 =	vadd.f32 v20, v1;
	v11 =	vld.idx.msk [tilespmem:v2+s28+$0x0], $0xffff;
	v6 =	vmax.f32 v18, $0.0e+00;
	v9 =	vtrunc.f32 v15;
	[tilespmem:s25+$0x0] =	vst v7;
	s25 =	smov.u32 s24  }
0x319: {  	v7 =	vmin.f32 v14, $2.047000000e+03;
	v18 =	vmin.f32 v6, $2.047000000e+03;
	v9 =	vcvt.f32.s32 v9;
	[tilespmem:s24+$0xFFFFFF00] =	vst v8;
	v6 =	vld.idx.msk [tilespmem:v3+s17+$0x0], $0xffff;
	v3 =	vmovc v13  }
0x31a: {  	v15 =	vmul.f32 $1.280000000e+02, v17;
	v8 =	vmax.f32 v20, $0.0e+00;
	v13 =	vtrunc.f32 v7;
	v7 =	vld.idx.msk [tilespmem:v4+s17+$0x0], $0xffff;
	v4 =	vmovc v12  }
0x31b: {  	s28 =	sadd.s32 $0x200, s28;
	v14 =	vmul.f32 $1.280000000e+02, v16;
	v16 =	vmin.f32 v8, $2.047000000e+03;
	v12 =	vtrunc.f32 v18;
	v8 =	vld.idx.msk [tilespmem:v19+s17+$0x0], $0xffff  }
0x31c: {  	_ = 	snop  }
0x31d: {  	v2 =	vadd.f32 v15, v1;
	v10 =	vmul.f32 $1.280000000e+02, v10;
	v11 =	vmul.f32 $1.280000000e+02, v11  }
0x31e: {  	v15 =	vtrunc.f32 v16;
	v13 =	vcvt.f32.s32 v13  }
0x31f: {  	v12 =	vcvt.f32.s32 v12;
	v2 =	vmax.f32 v2, $0.0e+00;
	v11 =	vadd.f32 v11, v1  }
0x320: {  	v15 =	vcvt.f32.s32 v15;
	v14 =	vadd.f32 v14, v1;
	v2 =	vmin.f32 v2, $2.047000000e+03  }
0x321: {  	v1 =	vadd.f32 v10, v1;
	v2 =	vtrunc.f32 v2;
	v10 =	vmax.f32 v11, $0.0e+00  }
0x322: {  	v3 =	vld.idx.msk [tilespmem:v3+s17+$0x0], $0xffff;
	v2 =	vcvt.f32.s32 v2;
	v11 =	vmax.f32 v14, $0.0e+00;
	v10 =	vmin.f32 v10, $2.047000000e+03  }
0x323: {  	s24 =	sadd.s32 $0x200, s24;
	v1 =	vmax.f32 v1, $0.0e+00;
	v11 =	vmin.f32 v11, $2.047000000e+03;
	v10 =	vtrunc.f32 v10  }
0x324: {  	v9 =	vld.idx.msk [tilespmem:v9+s17+$0x0], $0xffff;
	[tilespmem:s24+$0x80] =	vst v5;
	v1 =	vmin.f32 v1, $2.047000000e+03;
	v5 =	vtrunc.f32 v11;
	v10 =	vcvt.f32.s32 v10  }
0x325: {  	v4 =	vld.idx.msk [tilespmem:v4+s17+$0x0], $0xffff;
	[tilespmem:s25+$0xFFFFFF80] =	vst v6;
	v1 =	vtrunc.f32 v1;
	v5 =	vcvt.f32.s32 v5  }
0x326: {  	[tilespmem:s25+$0x0] =	vst v7;
	v7 =	vld.idx.msk [tilespmem:v13+s17+$0x0], $0xffff;
	v1 =	vcvt.f32.s32 v1  }
0x327: {  	[tilespmem:s24+$0xFFFFFF80] =	vst v3;
	v3 =	vld.idx.msk [tilespmem:v12+s17+$0x0], $0xffff  }
0x328: {  	s30 =	sadd.s32 $0x200, s24;
	[tilespmem:s24+$0xFFFFFF00] =	vst v8;
	v6 =	vld.idx.msk [tilespmem:v15+s17+$0x0], $0xffff  }
0x329: {  	[tilespmem:s30+$0x80] =	vst v9;
	v2 =	vld.idx.msk [tilespmem:v2+s17+$0x0], $0xffff  }
0x32a: {  	[tilespmem:s24+$0x0] =	vst v4;
	v4 =	vld.idx.msk [tilespmem:v10+s17+$0x0], $0xffff  }
0x32b: {  	[tilespmem:s30+$0xFFFFFF80] =	vst v7;
	v5 =	vld.idx.msk [tilespmem:v5+s17+$0x0], $0xffff  }
0x32c: {  	[tilespmem:s30+$0x0] =	vst v3;
	v1 =	vld.idx.msk [tilespmem:v1+s17+$0x0], $0xffff  }
0x32d: {  	s31 =	sadd.s32 $0x200, s30;
	[tilespmem:s30+$0xFFFFFF00] =	vst v6  }
0x32e: {  	[tilespmem:s31+$0x80] =	vst v2  }
0x32f: {  	[tilespmem:s31+$0xFFFFFF00] =	vst v4  }
0x330: {  	[tilespmem:s31+$0xFFFFFF80] =	vst v5  }
0x331: {  	[tilespmem:s31+$0x0] =	vst v1  }
0x332: {  	v2 =	vld [tilespmem:$0x30];
	_ =	sdelay $0x6  }
0x333: {  	s26 =	simm.s32 $0x4900;
	v1 =	vld [tilespmem:$0xB0]  }
0x334: {  	v3 =	vld.idx.msk [tilespmem:v2+s26+$0x180], $0xffff  }
0x335: {  	v4 =	vld.idx.msk [tilespmem:v2+s26+$0x80], $0xffff  }
0x336: {  	v5 =	vld.idx.msk [tilespmem:v2+s26+$0x100], $0xffff  }
0x337: {  	s29 =	simm.s32 $0x4B00;
	v6 =	vld.idx.msk [tilespmem:v2+s26+$0x0], $0xffff  }
0x338: {  	v7 =	vld.idx.msk [tilespmem:v2+s29+$0x180], $0xffff  }
0x339: {  	v8 =	vld.idx.msk [tilespmem:v2+s29+$0x80], $0xffff  }
0x33a: {  	v1 =	vmul.f32 $-1.280000000e+02, v1;
	v9 =	vld.idx.msk [tilespmem:v2+s29+$0x100], $0xffff  }
0x33b: {  	v10 =	vld.idx.msk [tilespmem:v2+s29+$0x0], $0xffff  }
0x33c: {  	v1 =	vadd.f32 $1.024000000e+03, v1;
	v3 =	vmul.f32 $1.280000000e+02, v3;
	v4 =	vmul.f32 $1.280000000e+02, v4  }
0x33d: {  	v5 =	vmul.f32 $1.280000000e+02, v5;
	v6 =	vmul.f32 $1.280000000e+02, v6  }
0x33e: {  	v7 =	vmul.f32 $1.280000000e+02, v7;
	v8 =	vmul.f32 $1.280000000e+02, v8;
	v3 =	vadd.f32 v3, v1  }
0x33f: {  	v9 =	vmul.f32 $1.280000000e+02, v9;
	v4 =	vadd.f32 v4, v1;
	v5 =	vadd.f32 v5, v1  }
0x340: {  	v10 =	vmul.f32 $1.280000000e+02, v10;
	v6 =	vadd.f32 v6, v1;
	v7 =	vadd.f32 v7, v1  }
0x341: {  	v8 =	vadd.f32 v8, v1;
	v9 =	vadd.f32 v9, v1;
	v3 =	vmax.f32 v3, $0.0e+00  }
0x342: {  	v4 =	vmax.f32 v4, $0.0e+00;
	v6 =	vmax.f32 v6, $0.0e+00;
	v3 =	vmin.f32 v3, $2.047000000e+03  }
0x343: {  	s30 =	simm.s32 $0x4D00;
	v5 =	vmax.f32 v5, $0.0e+00;
	v6 =	vmin.f32 v6, $2.047000000e+03;
	v3 =	vtrunc.f32 v3  }
0x344: {  	v11 =	vld.idx.msk [tilespmem:v2+s30+$0x180], $0xffff;
	v4 =	vmin.f32 v4, $2.047000000e+03;
	v6 =	vtrunc.f32 v6;
	v3 =	vcvt.f32.s32 v3  }
0x345: {  	v13 =	vld.idx.msk [tilespmem:v2+s30+$0x100], $0xffff;
	v7 =	vmax.f32 v7, $0.0e+00;
	v4 =	vtrunc.f32 v4;
	v6 =	vcvt.f32.s32 v6  }
0x346: {  	v8 =	vmax.f32 v8, $0.0e+00;
	v5 =	vmin.f32 v5, $2.047000000e+03;
	v12 =	vcvt.f32.s32 v4;
	v4 =	vld.idx.msk [tilespmem:v2+s30+$0x80], $0xffff  }
0x347: {  	v9 =	vmax.f32 v9, $0.0e+00;
	v7 =	vmin.f32 v7, $2.047000000e+03;
	v5 =	vtrunc.f32 v5  }
0x348: {  	v8 =	vmin.f32 v8, $2.047000000e+03;
	v14 =	vcvt.f32.s32 v5;
	v5 =	vadd.f32 v10, v1  }
0x349: {  	v15 =	vld.idx.msk [tilespmem:v2+s30+$0x0], $0xffff;
	v9 =	vmin.f32 v9, $2.047000000e+03;
	v7 =	vtrunc.f32 v7;
	v8 =	vtrunc.f32 v8  }
0x34a: {  	v7 =	vcvt.f32.s32 v7;
	v5 =	vmax.f32 v5, $0.0e+00;
	v16 =	vld.idx.msk [tilespmem:v3+s17+$0x0], $0xffff;
	v3 =	vmul.f32 $1.280000000e+02, v11  }
0x34b: {  	s31 =	simm.s32 $0x4F00;
	v5 =	vmin.f32 v5, $2.047000000e+03;
	v4 =	vmul.f32 $1.280000000e+02, v4;
	v17 =	vld.idx.msk [tilespmem:v6+s17+$0x0], $0xffff;
	v6 =	vmul.f32 $1.280000000e+02, v13  }
0x34c: {  	v18 =	vld.idx.msk [tilespmem:v2+s31+$0x180], $0xffff;
	v9 =	vtrunc.f32 v9;
	v11 =	vadd.f32 v3, v1;
	v3 =	vtrunc.f32 v5  }
0x34d: {  	v19 =	vld.idx.msk [tilespmem:v2+s31+$0x80], $0xffff;
	v4 =	vadd.f32 v4, v1;
	v6 =	vadd.f32 v6, v1;
	v20 =	vcvt.f32.s32 v3  }
0x34e: {  	v10 =	vld.idx.msk [tilespmem:v2+s31+$0x100], $0xffff;
	v3 =	vcvt.f32.s32 v8;
	v8 =	vmul.f32 $1.280000000e+02, v15;
	v5 =	vmax.f32 v11, $0.0e+00  }
0x34f: {  	v13 =	vmax.f32 v4, $0.0e+00;
	v4 =	vcvt.f32.s32 v9;
	v11 =	vld.idx.msk [tilespmem:v2+s31+$0x0], $0xffff;
	v15 =	vmin.f32 v5, $2.047000000e+03  }
0x350: {  	v6 =	vmax.f32 v6, $0.0e+00;
	v5 =	vld.idx.msk [tilespmem:v7+s17+$0x0], $0xffff;
	v7 =	vadd.f32 v8, v1;
	v8 =	vtrunc.f32 v15  }
0x351: {  	s24 =	simm.s32 $0xCA30;
	v13 =	vmin.f32 v13, $2.047000000e+03;
	v21 =	vmin.f32 v6, $2.047000000e+03;
	v6 =	vld.idx.msk [tilespmem:v12+s17+$0x0], $0xffff;
	v9 =	vcvt.f32.s32 v8  }
0x352: {  	[tilespmem:s24+$0x80] =	vst v16;
	v13 =	vtrunc.f32 v13;
	v15 =	vmul.f32 $1.280000000e+02, v18;
	v8 =	vmax.f32 v7, $0.0e+00;
	v7 =	vld.idx.msk [tilespmem:v14+s17+$0x0], $0xffff  }
0x353: {  	s28 =	simm.s32 $0x5100;
	s25 =	simm.s32 $0xCA30;
	s26 =	simm.s32 $0xC;
	[tilespmem:s24+$0xFFFFFF00] =	vst v17;
	v12 =	vtrunc.f32 v21;
	v14 =	vmul.f32 $1.280000000e+02, v19;
	v16 =	vmin.f32 v8, $2.047000000e+03;
	v8 =	vld.idx.msk [tilespmem:v20+s17+$0x0], $0xffff  }
.LBB2_26:
0x354: {  	v17 =	vld.idx.msk [tilespmem:v2+s28+$0x180], $0xffff;
	s26 =	sadd.s32 $0x4, s26;
	v18 =	vmul.f32 $1.280000000e+02, v10;
	v15 =	vadd.f32 v15, v1;
	v10 =	vtrunc.f32 v16;
	s24 =	sadd.s32 $0x200, s24  }
0x355: {  	v13 =	vcvt.f32.s32 v13;
	v16 =	vld.idx.msk [tilespmem:v2+s28+$0x80], $0xffff;
	p0 =	slt.u32 s26, $0x7C;
	v14 =	vadd.f32 v14, v1;
	v19 =	vcvt.f32.s32 v10;
	[tilespmem:s24+$0x80] =	vst v5  }
0x356: {  	v20 =	vmul.f32 $1.280000000e+02, v11;
	v10 =	vld.idx.msk [tilespmem:v2+s28+$0x100], $0xffff;
	v18 =	vadd.f32 v18, v1;
	v5 =	vmax.f32 v15, $0.0e+00  }
.Ltmp14:
0x357: {  	v12 =	vcvt.f32.s32 v12;
	v14 =	vmax.f32 v14, $0.0e+00;
	v15 =	vmin.f32 v5, $2.047000000e+03;
	v5 =	vld.idx.msk [tilespmem:v9+s17+$0x0], $0xffff;
	[tilespmem:s25+$0xFFFFFF80] =	vst v6;
	(pc) =	sbr.rel @p0 .LBB2_26-.Ltmp14, $4  }
0x358: {  	v20 =	vadd.f32 v20, v1;
	v11 =	vld.idx.msk [tilespmem:v2+s28+$0x0], $0xffff;
	v6 =	vmax.f32 v18, $0.0e+00;
	v9 =	vtrunc.f32 v15;
	[tilespmem:s25+$0x0] =	vst v7;
	s25 =	smov.u32 s24  }
0x359: {  	v7 =	vmin.f32 v14, $2.047000000e+03;
	v18 =	vmin.f32 v6, $2.047000000e+03;
	v9 =	vcvt.f32.s32 v9;
	[tilespmem:s24+$0xFFFFFF00] =	vst v8;
	v6 =	vld.idx.msk [tilespmem:v3+s17+$0x0], $0xffff;
	v3 =	vmovc v13  }
0x35a: {  	v15 =	vmul.f32 $1.280000000e+02, v17;
	v8 =	vmax.f32 v20, $0.0e+00;
	v13 =	vtrunc.f32 v7;
	v7 =	vld.idx.msk [tilespmem:v4+s17+$0x0], $0xffff;
	v4 =	vmovc v12  }
0x35b: {  	s28 =	sadd.s32 $0x200, s28;
	v14 =	vmul.f32 $1.280000000e+02, v16;
	v16 =	vmin.f32 v8, $2.047000000e+03;
	v12 =	vtrunc.f32 v18;
	v8 =	vld.idx.msk [tilespmem:v19+s17+$0x0], $0xffff  }
0x35c: {  	_ = 	snop  }
0x35d: {  	v2 =	vadd.f32 v15, v1;
	v10 =	vmul.f32 $1.280000000e+02, v10;
	v11 =	vmul.f32 $1.280000000e+02, v11  }
0x35e: {  	v15 =	vtrunc.f32 v16;
	v13 =	vcvt.f32.s32 v13  }
0x35f: {  	v12 =	vcvt.f32.s32 v12;
	v2 =	vmax.f32 v2, $0.0e+00;
	v11 =	vadd.f32 v11, v1  }
0x360: {  	v15 =	vcvt.f32.s32 v15;
	v14 =	vadd.f32 v14, v1;
	v2 =	vmin.f32 v2, $2.047000000e+03  }
0x361: {  	v1 =	vadd.f32 v10, v1;
	v2 =	vtrunc.f32 v2;
	v10 =	vmax.f32 v11, $0.0e+00  }
0x362: {  	v3 =	vld.idx.msk [tilespmem:v3+s17+$0x0], $0xffff;
	v2 =	vcvt.f32.s32 v2;
	v11 =	vmax.f32 v14, $0.0e+00;
	v10 =	vmin.f32 v10, $2.047000000e+03  }
0x363: {  	s24 =	sadd.s32 $0x200, s24;
	v1 =	vmax.f32 v1, $0.0e+00;
	v11 =	vmin.f32 v11, $2.047000000e+03;
	v10 =	vtrunc.f32 v10  }
0x364: {  	v9 =	vld.idx.msk [tilespmem:v9+s17+$0x0], $0xffff;
	[tilespmem:s24+$0x80] =	vst v5;
	v1 =	vmin.f32 v1, $2.047000000e+03;
	v5 =	vtrunc.f32 v11;
	v10 =	vcvt.f32.s32 v10  }
0x365: {  	v4 =	vld.idx.msk [tilespmem:v4+s17+$0x0], $0xffff;
	[tilespmem:s25+$0xFFFFFF80] =	vst v6;
	v1 =	vtrunc.f32 v1;
	v5 =	vcvt.f32.s32 v5  }
0x366: {  	[tilespmem:s25+$0x0] =	vst v7;
	v7 =	vld.idx.msk [tilespmem:v13+s17+$0x0], $0xffff;
	v1 =	vcvt.f32.s32 v1  }
0x367: {  	[tilespmem:s24+$0xFFFFFF80] =	vst v3;
	v3 =	vld.idx.msk [tilespmem:v12+s17+$0x0], $0xffff  }
0x368: {  	s30 =	sadd.s32 $0x200, s24;
	[tilespmem:s24+$0xFFFFFF00] =	vst v8;
	v6 =	vld.idx.msk [tilespmem:v15+s17+$0x0], $0xffff  }
0x369: {  	[tilespmem:s30+$0x80] =	vst v9;
	v2 =	vld.idx.msk [tilespmem:v2+s17+$0x0], $0xffff  }
0x36a: {  	[tilespmem:s24+$0x0] =	vst v4;
	v4 =	vld.idx.msk [tilespmem:v10+s17+$0x0], $0xffff  }
0x36b: {  	[tilespmem:s30+$0xFFFFFF80] =	vst v7;
	v5 =	vld.idx.msk [tilespmem:v5+s17+$0x0], $0xffff  }
0x36c: {  	[tilespmem:s30+$0x0] =	vst v3;
	v1 =	vld.idx.msk [tilespmem:v1+s17+$0x0], $0xffff  }
0x36d: {  	s31 =	sadd.s32 $0x200, s30;
	[tilespmem:s30+$0xFFFFFF00] =	vst v6  }
0x36e: {  	[tilespmem:s31+$0x80] =	vst v2  }
0x36f: {  	[tilespmem:s31+$0xFFFFFF00] =	vst v4  }
0x370: {  	[tilespmem:s31+$0xFFFFFF80] =	vst v5  }
0x371: {  	[tilespmem:s31+$0x0] =	vst v1  }
0x372: {  	v2 =	vld [tilespmem:$0x40];
	_ =	sdelay $0x6  }
0x373: {  	s26 =	simm.s32 $0x4900;
	v1 =	vld [tilespmem:$0xC0]  }
0x374: {  	v3 =	vld.idx.msk [tilespmem:v2+s26+$0x180], $0xffff  }
0x375: {  	v4 =	vld.idx.msk [tilespmem:v2+s26+$0x80], $0xffff  }
0x376: {  	v5 =	vld.idx.msk [tilespmem:v2+s26+$0x100], $0xffff  }
0x377: {  	s29 =	simm.s32 $0x4B00;
	v6 =	vld.idx.msk [tilespmem:v2+s26+$0x0], $0xffff  }
0x378: {  	v7 =	vld.idx.msk [tilespmem:v2+s29+$0x180], $0xffff  }
0x379: {  	v8 =	vld.idx.msk [tilespmem:v2+s29+$0x80], $0xffff  }
0x37a: {  	v1 =	vmul.f32 $-1.280000000e+02, v1;
	v9 =	vld.idx.msk [tilespmem:v2+s29+$0x100], $0xffff  }
0x37b: {  	v10 =	vld.idx.msk [tilespmem:v2+s29+$0x0], $0xffff  }
0x37c: {  	v1 =	vadd.f32 $1.024000000e+03, v1;
	v3 =	vmul.f32 $1.280000000e+02, v3;
	v4 =	vmul.f32 $1.280000000e+02, v4  }
0x37d: {  	v5 =	vmul.f32 $1.280000000e+02, v5;
	v6 =	vmul.f32 $1.280000000e+02, v6  }
0x37e: {  	v7 =	vmul.f32 $1.280000000e+02, v7;
	v8 =	vmul.f32 $1.280000000e+02, v8;
	v3 =	vadd.f32 v3, v1  }
0x37f: {  	v9 =	vmul.f32 $1.280000000e+02, v9;
	v4 =	vadd.f32 v4, v1;
	v5 =	vadd.f32 v5, v1  }
0x380: {  	v10 =	vmul.f32 $1.280000000e+02, v10;
	v6 =	vadd.f32 v6, v1;
	v7 =	vadd.f32 v7, v1  }
0x381: {  	v8 =	vadd.f32 v8, v1;
	v9 =	vadd.f32 v9, v1;
	v3 =	vmax.f32 v3, $0.0e+00  }
0x382: {  	v4 =	vmax.f32 v4, $0.0e+00;
	v6 =	vmax.f32 v6, $0.0e+00;
	v3 =	vmin.f32 v3, $2.047000000e+03  }
0x383: {  	s30 =	simm.s32 $0x4D00;
	v5 =	vmax.f32 v5, $0.0e+00;
	v6 =	vmin.f32 v6, $2.047000000e+03;
	v3 =	vtrunc.f32 v3  }
0x384: {  	v11 =	vld.idx.msk [tilespmem:v2+s30+$0x180], $0xffff;
	v4 =	vmin.f32 v4, $2.047000000e+03;
	v6 =	vtrunc.f32 v6;
	v3 =	vcvt.f32.s32 v3  }
0x385: {  	v13 =	vld.idx.msk [tilespmem:v2+s30+$0x100], $0xffff;
	v7 =	vmax.f32 v7, $0.0e+00;
	v4 =	vtrunc.f32 v4;
	v6 =	vcvt.f32.s32 v6  }
0x386: {  	v8 =	vmax.f32 v8, $0.0e+00;
	v5 =	vmin.f32 v5, $2.047000000e+03;
	v12 =	vcvt.f32.s32 v4;
	v4 =	vld.idx.msk [tilespmem:v2+s30+$0x80], $0xffff  }
0x387: {  	v9 =	vmax.f32 v9, $0.0e+00;
	v7 =	vmin.f32 v7, $2.047000000e+03;
	v5 =	vtrunc.f32 v5  }
0x388: {  	v8 =	vmin.f32 v8, $2.047000000e+03;
	v14 =	vcvt.f32.s32 v5;
	v5 =	vadd.f32 v10, v1  }
0x389: {  	v15 =	vld.idx.msk [tilespmem:v2+s30+$0x0], $0xffff;
	v9 =	vmin.f32 v9, $2.047000000e+03;
	v7 =	vtrunc.f32 v7;
	v8 =	vtrunc.f32 v8  }
0x38a: {  	v7 =	vcvt.f32.s32 v7;
	v5 =	vmax.f32 v5, $0.0e+00;
	v16 =	vld.idx.msk [tilespmem:v3+s17+$0x0], $0xffff;
	v3 =	vmul.f32 $1.280000000e+02, v11  }
0x38b: {  	s31 =	simm.s32 $0x4F00;
	v5 =	vmin.f32 v5, $2.047000000e+03;
	v4 =	vmul.f32 $1.280000000e+02, v4;
	v17 =	vld.idx.msk [tilespmem:v6+s17+$0x0], $0xffff;
	v6 =	vmul.f32 $1.280000000e+02, v13  }
0x38c: {  	v18 =	vld.idx.msk [tilespmem:v2+s31+$0x180], $0xffff;
	v9 =	vtrunc.f32 v9;
	v11 =	vadd.f32 v3, v1;
	v3 =	vtrunc.f32 v5  }
0x38d: {  	v19 =	vld.idx.msk [tilespmem:v2+s31+$0x80], $0xffff;
	v4 =	vadd.f32 v4, v1;
	v6 =	vadd.f32 v6, v1;
	v20 =	vcvt.f32.s32 v3  }
0x38e: {  	v10 =	vld.idx.msk [tilespmem:v2+s31+$0x100], $0xffff;
	v3 =	vcvt.f32.s32 v8;
	v8 =	vmul.f32 $1.280000000e+02, v15;
	v5 =	vmax.f32 v11, $0.0e+00  }
0x38f: {  	v13 =	vmax.f32 v4, $0.0e+00;
	v4 =	vcvt.f32.s32 v9;
	v11 =	vld.idx.msk [tilespmem:v2+s31+$0x0], $0xffff;
	v15 =	vmin.f32 v5, $2.047000000e+03  }
0x390: {  	v6 =	vmax.f32 v6, $0.0e+00;
	v5 =	vld.idx.msk [tilespmem:v7+s17+$0x0], $0xffff;
	v7 =	vadd.f32 v8, v1;
	v8 =	vtrunc.f32 v15  }
0x391: {  	s24 =	simm.s32 $0xCA40;
	v13 =	vmin.f32 v13, $2.047000000e+03;
	v21 =	vmin.f32 v6, $2.047000000e+03;
	v6 =	vld.idx.msk [tilespmem:v12+s17+$0x0], $0xffff;
	v9 =	vcvt.f32.s32 v8  }
0x392: {  	[tilespmem:s24+$0x80] =	vst v16;
	v13 =	vtrunc.f32 v13;
	v15 =	vmul.f32 $1.280000000e+02, v18;
	v8 =	vmax.f32 v7, $0.0e+00;
	v7 =	vld.idx.msk [tilespmem:v14+s17+$0x0], $0xffff  }
0x393: {  	s28 =	simm.s32 $0x5100;
	s25 =	simm.s32 $0xCA40;
	s26 =	simm.s32 $0xC;
	[tilespmem:s24+$0xFFFFFF00] =	vst v17;
	v12 =	vtrunc.f32 v21;
	v14 =	vmul.f32 $1.280000000e+02, v19;
	v16 =	vmin.f32 v8, $2.047000000e+03;
	v8 =	vld.idx.msk [tilespmem:v20+s17+$0x0], $0xffff  }
.LBB2_28:
0x394: {  	v17 =	vld.idx.msk [tilespmem:v2+s28+$0x180], $0xffff;
	s26 =	sadd.s32 $0x4, s26;
	v18 =	vmul.f32 $1.280000000e+02, v10;
	v15 =	vadd.f32 v15, v1;
	v10 =	vtrunc.f32 v16;
	s24 =	sadd.s32 $0x200, s24  }
0x395: {  	v13 =	vcvt.f32.s32 v13;
	v16 =	vld.idx.msk [tilespmem:v2+s28+$0x80], $0xffff;
	p0 =	slt.u32 s26, $0x7C;
	v14 =	vadd.f32 v14, v1;
	v19 =	vcvt.f32.s32 v10;
	[tilespmem:s24+$0x80] =	vst v5  }
0x396: {  	v20 =	vmul.f32 $1.280000000e+02, v11;
	v10 =	vld.idx.msk [tilespmem:v2+s28+$0x100], $0xffff;
	v18 =	vadd.f32 v18, v1;
	v5 =	vmax.f32 v15, $0.0e+00  }
.Ltmp15:
0x397: {  	v12 =	vcvt.f32.s32 v12;
	v14 =	vmax.f32 v14, $0.0e+00;
	v15 =	vmin.f32 v5, $2.047000000e+03;
	v5 =	vld.idx.msk [tilespmem:v9+s17+$0x0], $0xffff;
	[tilespmem:s25+$0xFFFFFF80] =	vst v6;
	(pc) =	sbr.rel @p0 .LBB2_28-.Ltmp15, $4  }
0x398: {  	v20 =	vadd.f32 v20, v1;
	v11 =	vld.idx.msk [tilespmem:v2+s28+$0x0], $0xffff;
	v6 =	vmax.f32 v18, $0.0e+00;
	v9 =	vtrunc.f32 v15;
	[tilespmem:s25+$0x0] =	vst v7;
	s25 =	smov.u32 s24  }
0x399: {  	v7 =	vmin.f32 v14, $2.047000000e+03;
	v18 =	vmin.f32 v6, $2.047000000e+03;
	v9 =	vcvt.f32.s32 v9;
	[tilespmem:s24+$0xFFFFFF00] =	vst v8;
	v6 =	vld.idx.msk [tilespmem:v3+s17+$0x0], $0xffff;
	v3 =	vmovc v13  }
0x39a: {  	v15 =	vmul.f32 $1.280000000e+02, v17;
	v8 =	vmax.f32 v20, $0.0e+00;
	v13 =	vtrunc.f32 v7;
	v7 =	vld.idx.msk [tilespmem:v4+s17+$0x0], $0xffff;
	v4 =	vmovc v12  }
0x39b: {  	s28 =	sadd.s32 $0x200, s28;
	v14 =	vmul.f32 $1.280000000e+02, v16;
	v16 =	vmin.f32 v8, $2.047000000e+03;
	v12 =	vtrunc.f32 v18;
	v8 =	vld.idx.msk [tilespmem:v19+s17+$0x0], $0xffff  }
0x39c: {  	_ = 	snop  }
0x39d: {  	v2 =	vadd.f32 v15, v1;
	v10 =	vmul.f32 $1.280000000e+02, v10;
	v11 =	vmul.f32 $1.280000000e+02, v11  }
0x39e: {  	v15 =	vtrunc.f32 v16;
	v13 =	vcvt.f32.s32 v13  }
0x39f: {  	v12 =	vcvt.f32.s32 v12;
	v2 =	vmax.f32 v2, $0.0e+00;
	v11 =	vadd.f32 v11, v1  }
0x3a0: {  	v15 =	vcvt.f32.s32 v15;
	v14 =	vadd.f32 v14, v1;
	v2 =	vmin.f32 v2, $2.047000000e+03  }
0x3a1: {  	v1 =	vadd.f32 v10, v1;
	v2 =	vtrunc.f32 v2;
	v10 =	vmax.f32 v11, $0.0e+00  }
0x3a2: {  	v3 =	vld.idx.msk [tilespmem:v3+s17+$0x0], $0xffff;
	v2 =	vcvt.f32.s32 v2;
	v11 =	vmax.f32 v14, $0.0e+00;
	v10 =	vmin.f32 v10, $2.047000000e+03  }
0x3a3: {  	s24 =	sadd.s32 $0x200, s24;
	v1 =	vmax.f32 v1, $0.0e+00;
	v11 =	vmin.f32 v11, $2.047000000e+03;
	v10 =	vtrunc.f32 v10  }
0x3a4: {  	v9 =	vld.idx.msk [tilespmem:v9+s17+$0x0], $0xffff;
	[tilespmem:s24+$0x80] =	vst v5;
	v1 =	vmin.f32 v1, $2.047000000e+03;
	v5 =	vtrunc.f32 v11;
	v10 =	vcvt.f32.s32 v10  }
0x3a5: {  	v4 =	vld.idx.msk [tilespmem:v4+s17+$0x0], $0xffff;
	[tilespmem:s25+$0xFFFFFF80] =	vst v6;
	v1 =	vtrunc.f32 v1;
	v5 =	vcvt.f32.s32 v5  }
0x3a6: {  	[tilespmem:s25+$0x0] =	vst v7;
	v7 =	vld.idx.msk [tilespmem:v13+s17+$0x0], $0xffff;
	v1 =	vcvt.f32.s32 v1  }
0x3a7: {  	[tilespmem:s24+$0xFFFFFF80] =	vst v3;
	v3 =	vld.idx.msk [tilespmem:v12+s17+$0x0], $0xffff  }
0x3a8: {  	s30 =	sadd.s32 $0x200, s24;
	[tilespmem:s24+$0xFFFFFF00] =	vst v8;
	v6 =	vld.idx.msk [tilespmem:v15+s17+$0x0], $0xffff  }
0x3a9: {  	[tilespmem:s30+$0x80] =	vst v9;
	v2 =	vld.idx.msk [tilespmem:v2+s17+$0x0], $0xffff  }
0x3aa: {  	[tilespmem:s24+$0x0] =	vst v4;
	v4 =	vld.idx.msk [tilespmem:v10+s17+$0x0], $0xffff  }
0x3ab: {  	[tilespmem:s30+$0xFFFFFF80] =	vst v7;
	v5 =	vld.idx.msk [tilespmem:v5+s17+$0x0], $0xffff  }
0x3ac: {  	[tilespmem:s30+$0x0] =	vst v3;
	v1 =	vld.idx.msk [tilespmem:v1+s17+$0x0], $0xffff  }
0x3ad: {  	s31 =	sadd.s32 $0x200, s30;
	[tilespmem:s30+$0xFFFFFF00] =	vst v6  }
0x3ae: {  	[tilespmem:s31+$0x80] =	vst v2  }
0x3af: {  	[tilespmem:s31+$0xFFFFFF00] =	vst v4  }
0x3b0: {  	[tilespmem:s31+$0xFFFFFF80] =	vst v5  }
0x3b1: {  	[tilespmem:s31+$0x0] =	vst v1  }
0x3b2: {  	v2 =	vld [tilespmem:$0x50];
	_ =	sdelay $0x6  }
0x3b3: {  	s26 =	simm.s32 $0x4900;
	v1 =	vld [tilespmem:$0xD0]  }
0x3b4: {  	v3 =	vld.idx.msk [tilespmem:v2+s26+$0x180], $0xffff  }
0x3b5: {  	v4 =	vld.idx.msk [tilespmem:v2+s26+$0x80], $0xffff  }
0x3b6: {  	v5 =	vld.idx.msk [tilespmem:v2+s26+$0x100], $0xffff  }
0x3b7: {  	s29 =	simm.s32 $0x4B00;
	v6 =	vld.idx.msk [tilespmem:v2+s26+$0x0], $0xffff  }
0x3b8: {  	v7 =	vld.idx.msk [tilespmem:v2+s29+$0x180], $0xffff  }
0x3b9: {  	v8 =	vld.idx.msk [tilespmem:v2+s29+$0x80], $0xffff  }
0x3ba: {  	v1 =	vmul.f32 $-1.280000000e+02, v1;
	v9 =	vld.idx.msk [tilespmem:v2+s29+$0x100], $0xffff  }
0x3bb: {  	v10 =	vld.idx.msk [tilespmem:v2+s29+$0x0], $0xffff  }
0x3bc: {  	v1 =	vadd.f32 $1.024000000e+03, v1;
	v3 =	vmul.f32 $1.280000000e+02, v3;
	v4 =	vmul.f32 $1.280000000e+02, v4  }
0x3bd: {  	v5 =	vmul.f32 $1.280000000e+02, v5;
	v6 =	vmul.f32 $1.280000000e+02, v6  }
0x3be: {  	v7 =	vmul.f32 $1.280000000e+02, v7;
	v8 =	vmul.f32 $1.280000000e+02, v8;
	v3 =	vadd.f32 v3, v1  }
0x3bf: {  	v9 =	vmul.f32 $1.280000000e+02, v9;
	v4 =	vadd.f32 v4, v1;
	v5 =	vadd.f32 v5, v1  }
0x3c0: {  	v10 =	vmul.f32 $1.280000000e+02, v10;
	v6 =	vadd.f32 v6, v1;
	v7 =	vadd.f32 v7, v1  }
0x3c1: {  	v8 =	vadd.f32 v8, v1;
	v9 =	vadd.f32 v9, v1;
	v3 =	vmax.f32 v3, $0.0e+00  }
0x3c2: {  	v4 =	vmax.f32 v4, $0.0e+00;
	v6 =	vmax.f32 v6, $0.0e+00;
	v3 =	vmin.f32 v3, $2.047000000e+03  }
0x3c3: {  	s30 =	simm.s32 $0x4D00;
	v5 =	vmax.f32 v5, $0.0e+00;
	v6 =	vmin.f32 v6, $2.047000000e+03;
	v3 =	vtrunc.f32 v3  }
0x3c4: {  	v11 =	vld.idx.msk [tilespmem:v2+s30+$0x180], $0xffff;
	v4 =	vmin.f32 v4, $2.047000000e+03;
	v6 =	vtrunc.f32 v6;
	v3 =	vcvt.f32.s32 v3  }
0x3c5: {  	v13 =	vld.idx.msk [tilespmem:v2+s30+$0x100], $0xffff;
	v7 =	vmax.f32 v7, $0.0e+00;
	v4 =	vtrunc.f32 v4;
	v6 =	vcvt.f32.s32 v6  }
0x3c6: {  	v8 =	vmax.f32 v8, $0.0e+00;
	v5 =	vmin.f32 v5, $2.047000000e+03;
	v12 =	vcvt.f32.s32 v4;
	v4 =	vld.idx.msk [tilespmem:v2+s30+$0x80], $0xffff  }
0x3c7: {  	v9 =	vmax.f32 v9, $0.0e+00;
	v7 =	vmin.f32 v7, $2.047000000e+03;
	v5 =	vtrunc.f32 v5  }
0x3c8: {  	v8 =	vmin.f32 v8, $2.047000000e+03;
	v14 =	vcvt.f32.s32 v5;
	v5 =	vadd.f32 v10, v1  }
0x3c9: {  	v15 =	vld.idx.msk [tilespmem:v2+s30+$0x0], $0xffff;
	v9 =	vmin.f32 v9, $2.047000000e+03;
	v7 =	vtrunc.f32 v7;
	v8 =	vtrunc.f32 v8  }
0x3ca: {  	v7 =	vcvt.f32.s32 v7;
	v5 =	vmax.f32 v5, $0.0e+00;
	v16 =	vld.idx.msk [tilespmem:v3+s17+$0x0], $0xffff;
	v3 =	vmul.f32 $1.280000000e+02, v11  }
0x3cb: {  	s31 =	simm.s32 $0x4F00;
	v5 =	vmin.f32 v5, $2.047000000e+03;
	v4 =	vmul.f32 $1.280000000e+02, v4;
	v17 =	vld.idx.msk [tilespmem:v6+s17+$0x0], $0xffff;
	v6 =	vmul.f32 $1.280000000e+02, v13  }
0x3cc: {  	v18 =	vld.idx.msk [tilespmem:v2+s31+$0x180], $0xffff;
	v9 =	vtrunc.f32 v9;
	v11 =	vadd.f32 v3, v1;
	v3 =	vtrunc.f32 v5  }
0x3cd: {  	v19 =	vld.idx.msk [tilespmem:v2+s31+$0x80], $0xffff;
	v4 =	vadd.f32 v4, v1;
	v6 =	vadd.f32 v6, v1;
	v20 =	vcvt.f32.s32 v3  }
0x3ce: {  	v10 =	vld.idx.msk [tilespmem:v2+s31+$0x100], $0xffff;
	v3 =	vcvt.f32.s32 v8;
	v8 =	vmul.f32 $1.280000000e+02, v15;
	v5 =	vmax.f32 v11, $0.0e+00  }
0x3cf: {  	v13 =	vmax.f32 v4, $0.0e+00;
	v4 =	vcvt.f32.s32 v9;
	v11 =	vld.idx.msk [tilespmem:v2+s31+$0x0], $0xffff;
	v15 =	vmin.f32 v5, $2.047000000e+03  }
0x3d0: {  	v6 =	vmax.f32 v6, $0.0e+00;
	v5 =	vld.idx.msk [tilespmem:v7+s17+$0x0], $0xffff;
	v7 =	vadd.f32 v8, v1;
	v8 =	vtrunc.f32 v15  }
0x3d1: {  	s24 =	simm.s32 $0xCA50;
	v13 =	vmin.f32 v13, $2.047000000e+03;
	v21 =	vmin.f32 v6, $2.047000000e+03;
	v6 =	vld.idx.msk [tilespmem:v12+s17+$0x0], $0xffff;
	v9 =	vcvt.f32.s32 v8  }
0x3d2: {  	[tilespmem:s24+$0x80] =	vst v16;
	v13 =	vtrunc.f32 v13;
	v15 =	vmul.f32 $1.280000000e+02, v18;
	v8 =	vmax.f32 v7, $0.0e+00;
	v7 =	vld.idx.msk [tilespmem:v14+s17+$0x0], $0xffff  }
0x3d3: {  	s28 =	simm.s32 $0x5100;
	s25 =	simm.s32 $0xCA50;
	s26 =	simm.s32 $0xC;
	[tilespmem:s24+$0xFFFFFF00] =	vst v17;
	v12 =	vtrunc.f32 v21;
	v14 =	vmul.f32 $1.280000000e+02, v19;
	v16 =	vmin.f32 v8, $2.047000000e+03;
	v8 =	vld.idx.msk [tilespmem:v20+s17+$0x0], $0xffff  }
.LBB2_30:
0x3d4: {  	v17 =	vld.idx.msk [tilespmem:v2+s28+$0x180], $0xffff;
	s26 =	sadd.s32 $0x4, s26;
	v18 =	vmul.f32 $1.280000000e+02, v10;
	v15 =	vadd.f32 v15, v1;
	v10 =	vtrunc.f32 v16;
	s24 =	sadd.s32 $0x200, s24  }
0x3d5: {  	v13 =	vcvt.f32.s32 v13;
	v16 =	vld.idx.msk [tilespmem:v2+s28+$0x80], $0xffff;
	p0 =	slt.u32 s26, $0x7C;
	v14 =	vadd.f32 v14, v1;
	v19 =	vcvt.f32.s32 v10;
	[tilespmem:s24+$0x80] =	vst v5  }
0x3d6: {  	v20 =	vmul.f32 $1.280000000e+02, v11;
	v10 =	vld.idx.msk [tilespmem:v2+s28+$0x100], $0xffff;
	v18 =	vadd.f32 v18, v1;
	v5 =	vmax.f32 v15, $0.0e+00  }
.Ltmp16:
0x3d7: {  	v12 =	vcvt.f32.s32 v12;
	v14 =	vmax.f32 v14, $0.0e+00;
	v15 =	vmin.f32 v5, $2.047000000e+03;
	v5 =	vld.idx.msk [tilespmem:v9+s17+$0x0], $0xffff;
	[tilespmem:s25+$0xFFFFFF80] =	vst v6;
	(pc) =	sbr.rel @p0 .LBB2_30-.Ltmp16, $4  }
0x3d8: {  	v20 =	vadd.f32 v20, v1;
	v11 =	vld.idx.msk [tilespmem:v2+s28+$0x0], $0xffff;
	v6 =	vmax.f32 v18, $0.0e+00;
	v9 =	vtrunc.f32 v15;
	[tilespmem:s25+$0x0] =	vst v7;
	s25 =	smov.u32 s24  }
0x3d9: {  	v7 =	vmin.f32 v14, $2.047000000e+03;
	v18 =	vmin.f32 v6, $2.047000000e+03;
	v9 =	vcvt.f32.s32 v9;
	[tilespmem:s24+$0xFFFFFF00] =	vst v8;
	v6 =	vld.idx.msk [tilespmem:v3+s17+$0x0], $0xffff;
	v3 =	vmovc v13  }
0x3da: {  	v15 =	vmul.f32 $1.280000000e+02, v17;
	v8 =	vmax.f32 v20, $0.0e+00;
	v13 =	vtrunc.f32 v7;
	v7 =	vld.idx.msk [tilespmem:v4+s17+$0x0], $0xffff;
	v4 =	vmovc v12  }
0x3db: {  	s28 =	sadd.s32 $0x200, s28;
	v14 =	vmul.f32 $1.280000000e+02, v16;
	v16 =	vmin.f32 v8, $2.047000000e+03;
	v12 =	vtrunc.f32 v18;
	v8 =	vld.idx.msk [tilespmem:v19+s17+$0x0], $0xffff  }
0x3dc: {  	_ = 	snop  }
0x3dd: {  	v2 =	vadd.f32 v15, v1;
	v10 =	vmul.f32 $1.280000000e+02, v10;
	v11 =	vmul.f32 $1.280000000e+02, v11  }
0x3de: {  	v15 =	vtrunc.f32 v16;
	v13 =	vcvt.f32.s32 v13  }
0x3df: {  	v12 =	vcvt.f32.s32 v12;
	v2 =	vmax.f32 v2, $0.0e+00;
	v11 =	vadd.f32 v11, v1  }
0x3e0: {  	v15 =	vcvt.f32.s32 v15;
	v14 =	vadd.f32 v14, v1;
	v2 =	vmin.f32 v2, $2.047000000e+03  }
0x3e1: {  	v1 =	vadd.f32 v10, v1;
	v2 =	vtrunc.f32 v2;
	v10 =	vmax.f32 v11, $0.0e+00  }
0x3e2: {  	v3 =	vld.idx.msk [tilespmem:v3+s17+$0x0], $0xffff;
	v2 =	vcvt.f32.s32 v2;
	v11 =	vmax.f32 v14, $0.0e+00;
	v10 =	vmin.f32 v10, $2.047000000e+03  }
0x3e3: {  	s24 =	sadd.s32 $0x200, s24;
	v1 =	vmax.f32 v1, $0.0e+00;
	v11 =	vmin.f32 v11, $2.047000000e+03;
	v10 =	vtrunc.f32 v10  }
0x3e4: {  	v9 =	vld.idx.msk [tilespmem:v9+s17+$0x0], $0xffff;
	[tilespmem:s24+$0x80] =	vst v5;
	v1 =	vmin.f32 v1, $2.047000000e+03;
	v5 =	vtrunc.f32 v11;
	v10 =	vcvt.f32.s32 v10  }
0x3e5: {  	v4 =	vld.idx.msk [tilespmem:v4+s17+$0x0], $0xffff;
	[tilespmem:s25+$0xFFFFFF80] =	vst v6;
	v1 =	vtrunc.f32 v1;
	v5 =	vcvt.f32.s32 v5  }
0x3e6: {  	[tilespmem:s25+$0x0] =	vst v7;
	v7 =	vld.idx.msk [tilespmem:v13+s17+$0x0], $0xffff;
	v1 =	vcvt.f32.s32 v1  }
0x3e7: {  	[tilespmem:s24+$0xFFFFFF80] =	vst v3;
	v3 =	vld.idx.msk [tilespmem:v12+s17+$0x0], $0xffff  }
0x3e8: {  	s30 =	sadd.s32 $0x200, s24;
	[tilespmem:s24+$0xFFFFFF00] =	vst v8;
	v6 =	vld.idx.msk [tilespmem:v15+s17+$0x0], $0xffff  }
0x3e9: {  	[tilespmem:s30+$0x80] =	vst v9;
	v2 =	vld.idx.msk [tilespmem:v2+s17+$0x0], $0xffff  }
0x3ea: {  	[tilespmem:s24+$0x0] =	vst v4;
	v4 =	vld.idx.msk [tilespmem:v10+s17+$0x0], $0xffff  }
0x3eb: {  	[tilespmem:s30+$0xFFFFFF80] =	vst v7;
	v5 =	vld.idx.msk [tilespmem:v5+s17+$0x0], $0xffff  }
0x3ec: {  	[tilespmem:s30+$0x0] =	vst v3;
	v1 =	vld.idx.msk [tilespmem:v1+s17+$0x0], $0xffff  }
0x3ed: {  	s31 =	sadd.s32 $0x200, s30;
	[tilespmem:s30+$0xFFFFFF00] =	vst v6  }
0x3ee: {  	[tilespmem:s31+$0x80] =	vst v2  }
0x3ef: {  	[tilespmem:s31+$0xFFFFFF00] =	vst v4  }
0x3f0: {  	[tilespmem:s31+$0xFFFFFF80] =	vst v5  }
0x3f1: {  	[tilespmem:s31+$0x0] =	vst v1  }
0x3f2: {  	v2 =	vld [tilespmem:$0x60];
	_ =	sdelay $0x6  }
0x3f3: {  	s26 =	simm.s32 $0x4900;
	v1 =	vld [tilespmem:$0xE0]  }
0x3f4: {  	v3 =	vld.idx.msk [tilespmem:v2+s26+$0x180], $0xffff  }
0x3f5: {  	v4 =	vld.idx.msk [tilespmem:v2+s26+$0x80], $0xffff  }
0x3f6: {  	v5 =	vld.idx.msk [tilespmem:v2+s26+$0x100], $0xffff  }
0x3f7: {  	s29 =	simm.s32 $0x4B00;
	v6 =	vld.idx.msk [tilespmem:v2+s26+$0x0], $0xffff  }
0x3f8: {  	v7 =	vld.idx.msk [tilespmem:v2+s29+$0x180], $0xffff  }
0x3f9: {  	v8 =	vld.idx.msk [tilespmem:v2+s29+$0x80], $0xffff  }
0x3fa: {  	v1 =	vmul.f32 $-1.280000000e+02, v1;
	v9 =	vld.idx.msk [tilespmem:v2+s29+$0x100], $0xffff  }
0x3fb: {  	v10 =	vld.idx.msk [tilespmem:v2+s29+$0x0], $0xffff  }
0x3fc: {  	v1 =	vadd.f32 $1.024000000e+03, v1;
	v3 =	vmul.f32 $1.280000000e+02, v3;
	v4 =	vmul.f32 $1.280000000e+02, v4  }
0x3fd: {  	v5 =	vmul.f32 $1.280000000e+02, v5;
	v6 =	vmul.f32 $1.280000000e+02, v6  }
0x3fe: {  	v7 =	vmul.f32 $1.280000000e+02, v7;
	v8 =	vmul.f32 $1.280000000e+02, v8;
	v3 =	vadd.f32 v3, v1  }
0x3ff: {  	v9 =	vmul.f32 $1.280000000e+02, v9;
	v4 =	vadd.f32 v4, v1;
	v5 =	vadd.f32 v5, v1  }
0x400: {  	v10 =	vmul.f32 $1.280000000e+02, v10;
	v6 =	vadd.f32 v6, v1;
	v7 =	vadd.f32 v7, v1  }
0x401: {  	v8 =	vadd.f32 v8, v1;
	v9 =	vadd.f32 v9, v1;
	v3 =	vmax.f32 v3, $0.0e+00  }
0x402: {  	v4 =	vmax.f32 v4, $0.0e+00;
	v6 =	vmax.f32 v6, $0.0e+00;
	v3 =	vmin.f32 v3, $2.047000000e+03  }
0x403: {  	s30 =	simm.s32 $0x4D00;
	v5 =	vmax.f32 v5, $0.0e+00;
	v6 =	vmin.f32 v6, $2.047000000e+03;
	v3 =	vtrunc.f32 v3  }
0x404: {  	v11 =	vld.idx.msk [tilespmem:v2+s30+$0x180], $0xffff;
	v4 =	vmin.f32 v4, $2.047000000e+03;
	v6 =	vtrunc.f32 v6;
	v3 =	vcvt.f32.s32 v3  }
0x405: {  	v13 =	vld.idx.msk [tilespmem:v2+s30+$0x100], $0xffff;
	v7 =	vmax.f32 v7, $0.0e+00;
	v4 =	vtrunc.f32 v4;
	v6 =	vcvt.f32.s32 v6  }
0x406: {  	v8 =	vmax.f32 v8, $0.0e+00;
	v5 =	vmin.f32 v5, $2.047000000e+03;
	v12 =	vcvt.f32.s32 v4;
	v4 =	vld.idx.msk [tilespmem:v2+s30+$0x80], $0xffff  }
0x407: {  	v9 =	vmax.f32 v9, $0.0e+00;
	v7 =	vmin.f32 v7, $2.047000000e+03;
	v5 =	vtrunc.f32 v5  }
0x408: {  	v8 =	vmin.f32 v8, $2.047000000e+03;
	v14 =	vcvt.f32.s32 v5;
	v5 =	vadd.f32 v10, v1  }
0x409: {  	v15 =	vld.idx.msk [tilespmem:v2+s30+$0x0], $0xffff;
	v9 =	vmin.f32 v9, $2.047000000e+03;
	v7 =	vtrunc.f32 v7;
	v8 =	vtrunc.f32 v8  }
0x40a: {  	v7 =	vcvt.f32.s32 v7;
	v5 =	vmax.f32 v5, $0.0e+00;
	v16 =	vld.idx.msk [tilespmem:v3+s17+$0x0], $0xffff;
	v3 =	vmul.f32 $1.280000000e+02, v11  }
0x40b: {  	s31 =	simm.s32 $0x4F00;
	v5 =	vmin.f32 v5, $2.047000000e+03;
	v4 =	vmul.f32 $1.280000000e+02, v4;
	v17 =	vld.idx.msk [tilespmem:v6+s17+$0x0], $0xffff;
	v6 =	vmul.f32 $1.280000000e+02, v13  }
0x40c: {  	v18 =	vld.idx.msk [tilespmem:v2+s31+$0x180], $0xffff;
	v9 =	vtrunc.f32 v9;
	v11 =	vadd.f32 v3, v1;
	v3 =	vtrunc.f32 v5  }
0x40d: {  	v19 =	vld.idx.msk [tilespmem:v2+s31+$0x80], $0xffff;
	v4 =	vadd.f32 v4, v1;
	v6 =	vadd.f32 v6, v1;
	v20 =	vcvt.f32.s32 v3  }
0x40e: {  	v10 =	vld.idx.msk [tilespmem:v2+s31+$0x100], $0xffff;
	v3 =	vcvt.f32.s32 v8;
	v8 =	vmul.f32 $1.280000000e+02, v15;
	v5 =	vmax.f32 v11, $0.0e+00  }
0x40f: {  	v13 =	vmax.f32 v4, $0.0e+00;
	v4 =	vcvt.f32.s32 v9;
	v11 =	vld.idx.msk [tilespmem:v2+s31+$0x0], $0xffff;
	v15 =	vmin.f32 v5, $2.047000000e+03  }
0x410: {  	v6 =	vmax.f32 v6, $0.0e+00;
	v5 =	vld.idx.msk [tilespmem:v7+s17+$0x0], $0xffff;
	v7 =	vadd.f32 v8, v1;
	v8 =	vtrunc.f32 v15  }
0x411: {  	s24 =	simm.s32 $0xCA60;
	v13 =	vmin.f32 v13, $2.047000000e+03;
	v21 =	vmin.f32 v6, $2.047000000e+03;
	v6 =	vld.idx.msk [tilespmem:v12+s17+$0x0], $0xffff;
	v9 =	vcvt.f32.s32 v8  }
0x412: {  	[tilespmem:s24+$0x80] =	vst v16;
	v13 =	vtrunc.f32 v13;
	v15 =	vmul.f32 $1.280000000e+02, v18;
	v8 =	vmax.f32 v7, $0.0e+00;
	v7 =	vld.idx.msk [tilespmem:v14+s17+$0x0], $0xffff  }
0x413: {  	s28 =	simm.s32 $0x5100;
	s25 =	simm.s32 $0xCA60;
	s26 =	simm.s32 $0xC;
	[tilespmem:s24+$0xFFFFFF00] =	vst v17;
	v12 =	vtrunc.f32 v21;
	v14 =	vmul.f32 $1.280000000e+02, v19;
	v16 =	vmin.f32 v8, $2.047000000e+03;
	v8 =	vld.idx.msk [tilespmem:v20+s17+$0x0], $0xffff  }
.LBB2_32:
0x414: {  	v17 =	vld.idx.msk [tilespmem:v2+s28+$0x180], $0xffff;
	s26 =	sadd.s32 $0x4, s26;
	v18 =	vmul.f32 $1.280000000e+02, v10;
	v15 =	vadd.f32 v15, v1;
	v10 =	vtrunc.f32 v16;
	s24 =	sadd.s32 $0x200, s24  }
0x415: {  	v13 =	vcvt.f32.s32 v13;
	v16 =	vld.idx.msk [tilespmem:v2+s28+$0x80], $0xffff;
	p0 =	slt.u32 s26, $0x7C;
	v14 =	vadd.f32 v14, v1;
	v19 =	vcvt.f32.s32 v10;
	[tilespmem:s24+$0x80] =	vst v5  }
0x416: {  	v20 =	vmul.f32 $1.280000000e+02, v11;
	v10 =	vld.idx.msk [tilespmem:v2+s28+$0x100], $0xffff;
	v18 =	vadd.f32 v18, v1;
	v5 =	vmax.f32 v15, $0.0e+00  }
.Ltmp17:
0x417: {  	v12 =	vcvt.f32.s32 v12;
	v14 =	vmax.f32 v14, $0.0e+00;
	v15 =	vmin.f32 v5, $2.047000000e+03;
	v5 =	vld.idx.msk [tilespmem:v9+s17+$0x0], $0xffff;
	[tilespmem:s25+$0xFFFFFF80] =	vst v6;
	(pc) =	sbr.rel @p0 .LBB2_32-.Ltmp17, $4  }
0x418: {  	v20 =	vadd.f32 v20, v1;
	v11 =	vld.idx.msk [tilespmem:v2+s28+$0x0], $0xffff;
	v6 =	vmax.f32 v18, $0.0e+00;
	v9 =	vtrunc.f32 v15;
	[tilespmem:s25+$0x0] =	vst v7;
	s25 =	smov.u32 s24  }
0x419: {  	v7 =	vmin.f32 v14, $2.047000000e+03;
	v18 =	vmin.f32 v6, $2.047000000e+03;
	v9 =	vcvt.f32.s32 v9;
	[tilespmem:s24+$0xFFFFFF00] =	vst v8;
	v6 =	vld.idx.msk [tilespmem:v3+s17+$0x0], $0xffff;
	v3 =	vmovc v13  }
0x41a: {  	v15 =	vmul.f32 $1.280000000e+02, v17;
	v8 =	vmax.f32 v20, $0.0e+00;
	v13 =	vtrunc.f32 v7;
	v7 =	vld.idx.msk [tilespmem:v4+s17+$0x0], $0xffff;
	v4 =	vmovc v12  }
0x41b: {  	s28 =	sadd.s32 $0x200, s28;
	v14 =	vmul.f32 $1.280000000e+02, v16;
	v16 =	vmin.f32 v8, $2.047000000e+03;
	v12 =	vtrunc.f32 v18;
	v8 =	vld.idx.msk [tilespmem:v19+s17+$0x0], $0xffff  }
0x41c: {  	_ = 	snop  }
0x41d: {  	v2 =	vadd.f32 v15, v1;
	v10 =	vmul.f32 $1.280000000e+02, v10;
	v11 =	vmul.f32 $1.280000000e+02, v11  }
0x41e: {  	v15 =	vtrunc.f32 v16;
	v13 =	vcvt.f32.s32 v13  }
0x41f: {  	v12 =	vcvt.f32.s32 v12;
	v2 =	vmax.f32 v2, $0.0e+00;
	v11 =	vadd.f32 v11, v1  }
0x420: {  	v15 =	vcvt.f32.s32 v15;
	v14 =	vadd.f32 v14, v1;
	v2 =	vmin.f32 v2, $2.047000000e+03  }
0x421: {  	v1 =	vadd.f32 v10, v1;
	v2 =	vtrunc.f32 v2;
	v10 =	vmax.f32 v11, $0.0e+00  }
0x422: {  	v3 =	vld.idx.msk [tilespmem:v3+s17+$0x0], $0xffff;
	v2 =	vcvt.f32.s32 v2;
	v11 =	vmax.f32 v14, $0.0e+00;
	v10 =	vmin.f32 v10, $2.047000000e+03  }
0x423: {  	s24 =	sadd.s32 $0x200, s24;
	v1 =	vmax.f32 v1, $0.0e+00;
	v11 =	vmin.f32 v11, $2.047000000e+03;
	v10 =	vtrunc.f32 v10  }
0x424: {  	v9 =	vld.idx.msk [tilespmem:v9+s17+$0x0], $0xffff;
	[tilespmem:s24+$0x80] =	vst v5;
	v1 =	vmin.f32 v1, $2.047000000e+03;
	v5 =	vtrunc.f32 v11;
	v10 =	vcvt.f32.s32 v10  }
0x425: {  	v4 =	vld.idx.msk [tilespmem:v4+s17+$0x0], $0xffff;
	[tilespmem:s25+$0xFFFFFF80] =	vst v6;
	v1 =	vtrunc.f32 v1;
	v5 =	vcvt.f32.s32 v5  }
0x426: {  	[tilespmem:s25+$0x0] =	vst v7;
	v7 =	vld.idx.msk [tilespmem:v13+s17+$0x0], $0xffff;
	v1 =	vcvt.f32.s32 v1  }
0x427: {  	[tilespmem:s24+$0xFFFFFF80] =	vst v3;
	v3 =	vld.idx.msk [tilespmem:v12+s17+$0x0], $0xffff  }
0x428: {  	s30 =	sadd.s32 $0x200, s24;
	[tilespmem:s24+$0xFFFFFF00] =	vst v8;
	v6 =	vld.idx.msk [tilespmem:v15+s17+$0x0], $0xffff  }
0x429: {  	[tilespmem:s30+$0x80] =	vst v9;
	v2 =	vld.idx.msk [tilespmem:v2+s17+$0x0], $0xffff  }
0x42a: {  	[tilespmem:s24+$0x0] =	vst v4;
	v4 =	vld.idx.msk [tilespmem:v10+s17+$0x0], $0xffff  }
0x42b: {  	[tilespmem:s30+$0xFFFFFF80] =	vst v7;
	v5 =	vld.idx.msk [tilespmem:v5+s17+$0x0], $0xffff  }
0x42c: {  	[tilespmem:s30+$0x0] =	vst v3;
	v1 =	vld.idx.msk [tilespmem:v1+s17+$0x0], $0xffff  }
0x42d: {  	s31 =	sadd.s32 $0x200, s30;
	[tilespmem:s30+$0xFFFFFF00] =	vst v6  }
0x42e: {  	[tilespmem:s31+$0x80] =	vst v2  }
0x42f: {  	[tilespmem:s31+$0xFFFFFF00] =	vst v4  }
0x430: {  	[tilespmem:s31+$0xFFFFFF80] =	vst v5  }
0x431: {  	[tilespmem:s31+$0x0] =	vst v1  }
0x432: {  	v2 =	vld [tilespmem:$0x70];
	_ =	sdelay $0x6  }
0x433: {  	s26 =	simm.s32 $0x4900;
	v1 =	vld [tilespmem:$0xF0]  }
0x434: {  	v3 =	vld.idx.msk [tilespmem:v2+s26+$0x180], $0xffff  }
0x435: {  	v4 =	vld.idx.msk [tilespmem:v2+s26+$0x80], $0xffff  }
0x436: {  	v5 =	vld.idx.msk [tilespmem:v2+s26+$0x100], $0xffff  }
0x437: {  	s29 =	simm.s32 $0x4B00;
	v6 =	vld.idx.msk [tilespmem:v2+s26+$0x0], $0xffff  }
0x438: {  	v7 =	vld.idx.msk [tilespmem:v2+s29+$0x180], $0xffff  }
0x439: {  	v8 =	vld.idx.msk [tilespmem:v2+s29+$0x80], $0xffff  }
0x43a: {  	v1 =	vmul.f32 $-1.280000000e+02, v1;
	v9 =	vld.idx.msk [tilespmem:v2+s29+$0x100], $0xffff  }
0x43b: {  	v10 =	vld.idx.msk [tilespmem:v2+s29+$0x0], $0xffff  }
0x43c: {  	v1 =	vadd.f32 $1.024000000e+03, v1;
	v3 =	vmul.f32 $1.280000000e+02, v3;
	v4 =	vmul.f32 $1.280000000e+02, v4  }
0x43d: {  	v5 =	vmul.f32 $1.280000000e+02, v5;
	v6 =	vmul.f32 $1.280000000e+02, v6  }
0x43e: {  	v7 =	vmul.f32 $1.280000000e+02, v7;
	v8 =	vmul.f32 $1.280000000e+02, v8;
	v3 =	vadd.f32 v3, v1  }
0x43f: {  	v9 =	vmul.f32 $1.280000000e+02, v9;
	v4 =	vadd.f32 v4, v1;
	v5 =	vadd.f32 v5, v1  }
0x440: {  	v10 =	vmul.f32 $1.280000000e+02, v10;
	v6 =	vadd.f32 v6, v1;
	v7 =	vadd.f32 v7, v1  }
0x441: {  	v8 =	vadd.f32 v8, v1;
	v9 =	vadd.f32 v9, v1;
	v3 =	vmax.f32 v3, $0.0e+00  }
0x442: {  	v4 =	vmax.f32 v4, $0.0e+00;
	v6 =	vmax.f32 v6, $0.0e+00;
	v3 =	vmin.f32 v3, $2.047000000e+03  }
0x443: {  	s30 =	simm.s32 $0x4D00;
	v5 =	vmax.f32 v5, $0.0e+00;
	v6 =	vmin.f32 v6, $2.047000000e+03;
	v3 =	vtrunc.f32 v3  }
0x444: {  	v11 =	vld.idx.msk [tilespmem:v2+s30+$0x180], $0xffff;
	v4 =	vmin.f32 v4, $2.047000000e+03;
	v6 =	vtrunc.f32 v6;
	v3 =	vcvt.f32.s32 v3  }
0x445: {  	v13 =	vld.idx.msk [tilespmem:v2+s30+$0x100], $0xffff;
	v7 =	vmax.f32 v7, $0.0e+00;
	v4 =	vtrunc.f32 v4;
	v6 =	vcvt.f32.s32 v6  }
0x446: {  	v8 =	vmax.f32 v8, $0.0e+00;
	v5 =	vmin.f32 v5, $2.047000000e+03;
	v12 =	vcvt.f32.s32 v4;
	v4 =	vld.idx.msk [tilespmem:v2+s30+$0x80], $0xffff  }
0x447: {  	v9 =	vmax.f32 v9, $0.0e+00;
	v7 =	vmin.f32 v7, $2.047000000e+03;
	v5 =	vtrunc.f32 v5  }
0x448: {  	v8 =	vmin.f32 v8, $2.047000000e+03;
	v14 =	vcvt.f32.s32 v5;
	v5 =	vadd.f32 v10, v1  }
0x449: {  	v15 =	vld.idx.msk [tilespmem:v2+s30+$0x0], $0xffff;
	v9 =	vmin.f32 v9, $2.047000000e+03;
	v7 =	vtrunc.f32 v7;
	v8 =	vtrunc.f32 v8  }
0x44a: {  	v7 =	vcvt.f32.s32 v7;
	v5 =	vmax.f32 v5, $0.0e+00;
	v16 =	vld.idx.msk [tilespmem:v3+s17+$0x0], $0xffff;
	v3 =	vmul.f32 $1.280000000e+02, v11  }
0x44b: {  	s31 =	simm.s32 $0x4F00;
	v5 =	vmin.f32 v5, $2.047000000e+03;
	v4 =	vmul.f32 $1.280000000e+02, v4;
	v17 =	vld.idx.msk [tilespmem:v6+s17+$0x0], $0xffff;
	v6 =	vmul.f32 $1.280000000e+02, v13  }
0x44c: {  	v18 =	vld.idx.msk [tilespmem:v2+s31+$0x180], $0xffff;
	v9 =	vtrunc.f32 v9;
	v11 =	vadd.f32 v3, v1;
	v3 =	vtrunc.f32 v5  }
0x44d: {  	v19 =	vld.idx.msk [tilespmem:v2+s31+$0x80], $0xffff;
	v4 =	vadd.f32 v4, v1;
	v6 =	vadd.f32 v6, v1;
	v20 =	vcvt.f32.s32 v3  }
0x44e: {  	v10 =	vld.idx.msk [tilespmem:v2+s31+$0x100], $0xffff;
	v3 =	vcvt.f32.s32 v8;
	v8 =	vmul.f32 $1.280000000e+02, v15;
	v5 =	vmax.f32 v11, $0.0e+00  }
0x44f: {  	v13 =	vmax.f32 v4, $0.0e+00;
	v4 =	vcvt.f32.s32 v9;
	v11 =	vld.idx.msk [tilespmem:v2+s31+$0x0], $0xffff;
	v15 =	vmin.f32 v5, $2.047000000e+03  }
0x450: {  	v6 =	vmax.f32 v6, $0.0e+00;
	v5 =	vld.idx.msk [tilespmem:v7+s17+$0x0], $0xffff;
	v7 =	vadd.f32 v8, v1;
	v8 =	vtrunc.f32 v15  }
0x451: {  	s24 =	simm.s32 $0xCA70;
	v13 =	vmin.f32 v13, $2.047000000e+03;
	v21 =	vmin.f32 v6, $2.047000000e+03;
	v6 =	vld.idx.msk [tilespmem:v12+s17+$0x0], $0xffff;
	v9 =	vcvt.f32.s32 v8  }
0x452: {  	[tilespmem:s24+$0x80] =	vst v16;
	v13 =	vtrunc.f32 v13;
	v15 =	vmul.f32 $1.280000000e+02, v18;
	v8 =	vmax.f32 v7, $0.0e+00;
	v7 =	vld.idx.msk [tilespmem:v14+s17+$0x0], $0xffff  }
0x453: {  	s28 =	simm.s32 $0x5100;
	s25 =	simm.s32 $0xCA70;
	s26 =	simm.s32 $0xC;
	[tilespmem:s24+$0xFFFFFF00] =	vst v17;
	v12 =	vtrunc.f32 v21;
	v14 =	vmul.f32 $1.280000000e+02, v19;
	v16 =	vmin.f32 v8, $2.047000000e+03;
	v8 =	vld.idx.msk [tilespmem:v20+s17+$0x0], $0xffff  }
.LBB2_34:
0x454: {  	v17 =	vld.idx.msk [tilespmem:v2+s28+$0x180], $0xffff;
	s26 =	sadd.s32 $0x4, s26;
	v18 =	vmul.f32 $1.280000000e+02, v10;
	v15 =	vadd.f32 v15, v1;
	v10 =	vtrunc.f32 v16;
	s24 =	sadd.s32 $0x200, s24  }
0x455: {  	v13 =	vcvt.f32.s32 v13;
	v16 =	vld.idx.msk [tilespmem:v2+s28+$0x80], $0xffff;
	p0 =	slt.u32 s26, $0x7C;
	v14 =	vadd.f32 v14, v1;
	v19 =	vcvt.f32.s32 v10;
	[tilespmem:s24+$0x80] =	vst v5  }
0x456: {  	v20 =	vmul.f32 $1.280000000e+02, v11;
	v10 =	vld.idx.msk [tilespmem:v2+s28+$0x100], $0xffff;
	v18 =	vadd.f32 v18, v1;
	v5 =	vmax.f32 v15, $0.0e+00  }
.Ltmp18:
0x457: {  	v12 =	vcvt.f32.s32 v12;
	v14 =	vmax.f32 v14, $0.0e+00;
	v15 =	vmin.f32 v5, $2.047000000e+03;
	v5 =	vld.idx.msk [tilespmem:v9+s17+$0x0], $0xffff;
	[tilespmem:s25+$0xFFFFFF80] =	vst v6;
	(pc) =	sbr.rel @p0 .LBB2_34-.Ltmp18, $4  }
0x458: {  	v20 =	vadd.f32 v20, v1;
	v11 =	vld.idx.msk [tilespmem:v2+s28+$0x0], $0xffff;
	v6 =	vmax.f32 v18, $0.0e+00;
	v9 =	vtrunc.f32 v15;
	[tilespmem:s25+$0x0] =	vst v7;
	s25 =	smov.u32 s24  }
0x459: {  	v7 =	vmin.f32 v14, $2.047000000e+03;
	v18 =	vmin.f32 v6, $2.047000000e+03;
	v9 =	vcvt.f32.s32 v9;
	[tilespmem:s24+$0xFFFFFF00] =	vst v8;
	v6 =	vld.idx.msk [tilespmem:v3+s17+$0x0], $0xffff;
	v3 =	vmovc v13  }
0x45a: {  	v15 =	vmul.f32 $1.280000000e+02, v17;
	v8 =	vmax.f32 v20, $0.0e+00;
	v13 =	vtrunc.f32 v7;
	v7 =	vld.idx.msk [tilespmem:v4+s17+$0x0], $0xffff;
	v4 =	vmovc v12  }
0x45b: {  	s28 =	sadd.s32 $0x200, s28;
	v14 =	vmul.f32 $1.280000000e+02, v16;
	v16 =	vmin.f32 v8, $2.047000000e+03;
	v12 =	vtrunc.f32 v18;
	v8 =	vld.idx.msk [tilespmem:v19+s17+$0x0], $0xffff  }
0x45c: {  	v2 =	vadd.f32 v15, v1;
	v10 =	vmul.f32 $1.280000000e+02, v10;
	v57 =	vtrunc.f32 v16  }
0x45d: {  	v13 =	vcvt.f32.s32 v13;
	v11 =	vmul.f32 $1.280000000e+02, v11  }
0x45e: {  	v12 =	vcvt.f32.s32 v12;
	v14 =	vadd.f32 v14, v1;
	v2 =	vmax.f32 v2, $0.0e+00  }
0x45f: {  	v15 =	vcvt.f32.s32 v57;
	v2 =	vmin.f32 v2, $2.047000000e+03;
	v11 =	vadd.f32 v11, v1  }
0x460: {  	v1 =	vadd.f32 v10, v1;
	v59 =	vmax.f32 v14, $0.0e+00;
	v2 =	vtrunc.f32 v2  }
0x461: {  	v3 =	vld.idx.msk [tilespmem:v3+s17+$0x0], $0xffff;
	v2 =	vcvt.f32.s32 v2;
	v58 =	vmax.f32 v11, $0.0e+00;
	v11 =	vmin.f32 v59, $2.047000000e+03  }
0x462: {  	s24 =	sadd.s32 $0x200, s24;
	v1 =	vmax.f32 v1, $0.0e+00;
	v10 =	vmin.f32 v58, $2.047000000e+03;
	v60 =	vtrunc.f32 v11  }
0x463: {  	v9 =	vld.idx.msk [tilespmem:v9+s17+$0x0], $0xffff;
	[tilespmem:s24+$0x80] =	vst v5;
	v1 =	vmin.f32 v1, $2.047000000e+03;
	v10 =	vtrunc.f32 v10;
	v5 =	vcvt.f32.s32 v60  }
0x464: {  	v4 =	vld.idx.msk [tilespmem:v4+s17+$0x0], $0xffff;
	[tilespmem:s25+$0xFFFFFF80] =	vst v6;
	v1 =	vtrunc.f32 v1;
	v10 =	vcvt.f32.s32 v10  }
0x465: {  	[tilespmem:s25+$0x0] =	vst v7;
	v62 =	vld.idx.msk [tilespmem:v13+s17+$0x0], $0xffff;
	v1 =	vcvt.f32.s32 v1  }
0x466: {  	[tilespmem:s24+$0xFFFFFF80] =	vst v3;
	v3 =	vld.idx.msk [tilespmem:v12+s17+$0x0], $0xffff  }
0x467: {  	s30 =	sadd.s32 $0x200, s24;
	[tilespmem:s24+$0xFFFFFF00] =	vst v8;
	v61 =	vld.idx.msk [tilespmem:v15+s17+$0x0], $0xffff  }
0x468: {  	[tilespmem:s30+$0x80] =	vst v9;
	v2 =	vld.idx.msk [tilespmem:v2+s17+$0x0], $0xffff  }
0x469: {  	[tilespmem:s24+$0x0] =	vst v4;
	v5 =	vld.idx.msk [tilespmem:v5+s17+$0x0], $0xffff  }
0x46a: {  	[tilespmem:s30+$0xFFFFFF80] =	vst v62;
	v63 =	vld.idx.msk [tilespmem:v10+s17+$0x0], $0xffff  }
0x46b: {  	[tilespmem:s30+$0x0] =	vst v3;
	v1 =	vld.idx.msk [tilespmem:v1+s17+$0x0], $0xffff  }
0x46c: {  	s31 =	sadd.s32 $0x200, s30;
	[tilespmem:s30+$0xFFFFFF00] =	vst v61  }
0x46d: {  	[tilespmem:s31+$0x80] =	vst v2  }
0x46e: {  	[tilespmem:s31+$0xFFFFFF80] =	vst v5  }
0x46f: {  	[tilespmem:s31+$0xFFFFFF00] =	vst v63  }
0x470: {  	[tilespmem:s31+$0x0] =	vst v1  }
0x471: {  	[hbm4b:s9+s3] =	stream.linear.scatter [tilespmem:s20], [sflag:$0x4], $0x4000, $0x38;
	[tilespmem:$0x10900] =	vst v63  }
0x472: {  	s24 =	simm.s32 $0x1  }
0x473: {  	[tilespmem:s13], [sflag:$0x2] =	stream.linear.gather [hbm4b:s10+s3], $0x4000, $0x38;
	[tilespmem:$0x10900] =	vst v63  }
.LBB2_36:
0x474: {  	_ =	swait.ge [sflag:s16], $0x4000  }
0x475: {  	[sflag:s16] =	ssyncset.done $0x0  }
0x476: {  	[sflag:s16] =	ssyncadd.s32 $0xFFFFC000  }
0x477: {  	_ =	swait.ge [sflag:s21], $0x4000  }
0x478: {  	[sflag:s21] =	ssyncset.done $0x0  }
0x479: {  	[sflag:s21] =	ssyncadd.s32 $0xFFFFC000  }
0x47a: {  	v2 =	vld [tilespmem:$0x0];
	_ =	sdelay $0x6  }
0x47b: {  	s25 =	simm.s32 $0x900;
	v1 =	vld [tilespmem:$0x80]  }
0x47c: {  	v3 =	vld.idx.msk [tilespmem:v2+s25+$0x180], $0xffff  }
0x47d: {  	v4 =	vld.idx.msk [tilespmem:v2+s25+$0x80], $0xffff  }
0x47e: {  	v5 =	vld.idx.msk [tilespmem:v2+s25+$0x100], $0xffff  }
0x47f: {  	s26 =	simm.s32 $0xB00;
	v6 =	vld.idx.msk [tilespmem:v2+s25+$0x0], $0xffff  }
0x480: {  	v7 =	vld.idx.msk [tilespmem:v2+s26+$0x180], $0xffff  }
0x481: {  	v8 =	vld.idx.msk [tilespmem:v2+s26+$0x80], $0xffff  }
0x482: {  	v1 =	vmul.f32 $-1.280000000e+02, v1;
	v9 =	vld.idx.msk [tilespmem:v2+s26+$0x100], $0xffff  }
0x483: {  	v10 =	vld.idx.msk [tilespmem:v2+s26+$0x0], $0xffff  }
0x484: {  	v1 =	vadd.f32 $1.024000000e+03, v1;
	v3 =	vmul.f32 $1.280000000e+02, v3;
	v4 =	vmul.f32 $1.280000000e+02, v4  }
0x485: {  	v5 =	vmul.f32 $1.280000000e+02, v5;
	v6 =	vmul.f32 $1.280000000e+02, v6  }
0x486: {  	v7 =	vmul.f32 $1.280000000e+02, v7;
	v8 =	vmul.f32 $1.280000000e+02, v8;
	v3 =	vadd.f32 v3, v1  }
0x487: {  	v9 =	vmul.f32 $1.280000000e+02, v9;
	v4 =	vadd.f32 v4, v1;
	v5 =	vadd.f32 v5, v1  }
0x488: {  	v10 =	vmul.f32 $1.280000000e+02, v10;
	v6 =	vadd.f32 v6, v1;
	v7 =	vadd.f32 v7, v1  }
0x489: {  	v8 =	vadd.f32 v8, v1;
	v9 =	vadd.f32 v9, v1;
	v3 =	vmax.f32 v3, $0.0e+00  }
0x48a: {  	v4 =	vmax.f32 v4, $0.0e+00;
	v6 =	vmax.f32 v6, $0.0e+00;
	v3 =	vmin.f32 v3, $2.047000000e+03  }
0x48b: {  	s30 =	simm.s32 $0xD00;
	v5 =	vmax.f32 v5, $0.0e+00;
	v6 =	vmin.f32 v6, $2.047000000e+03;
	v3 =	vtrunc.f32 v3  }
0x48c: {  	v11 =	vld.idx.msk [tilespmem:v2+s30+$0x180], $0xffff;
	v4 =	vmin.f32 v4, $2.047000000e+03;
	v6 =	vtrunc.f32 v6;
	v3 =	vcvt.f32.s32 v3  }
0x48d: {  	v13 =	vld.idx.msk [tilespmem:v2+s30+$0x100], $0xffff;
	v7 =	vmax.f32 v7, $0.0e+00;
	v4 =	vtrunc.f32 v4;
	v6 =	vcvt.f32.s32 v6  }
0x48e: {  	v8 =	vmax.f32 v8, $0.0e+00;
	v5 =	vmin.f32 v5, $2.047000000e+03;
	v12 =	vcvt.f32.s32 v4;
	v4 =	vld.idx.msk [tilespmem:v2+s30+$0x80], $0xffff  }
0x48f: {  	v9 =	vmax.f32 v9, $0.0e+00;
	v7 =	vmin.f32 v7, $2.047000000e+03;
	v5 =	vtrunc.f32 v5  }
0x490: {  	v8 =	vmin.f32 v8, $2.047000000e+03;
	v14 =	vcvt.f32.s32 v5;
	v5 =	vadd.f32 v10, v1  }
0x491: {  	v15 =	vld.idx.msk [tilespmem:v2+s30+$0x0], $0xffff;
	v9 =	vmin.f32 v9, $2.047000000e+03;
	v7 =	vtrunc.f32 v7;
	v8 =	vtrunc.f32 v8  }
0x492: {  	v7 =	vcvt.f32.s32 v7;
	v5 =	vmax.f32 v5, $0.0e+00;
	v16 =	vld.idx.msk [tilespmem:v3+s17+$0x0], $0xffff;
	v3 =	vmul.f32 $1.280000000e+02, v11  }
0x493: {  	s31 =	simm.s32 $0xF00;
	v5 =	vmin.f32 v5, $2.047000000e+03;
	v4 =	vmul.f32 $1.280000000e+02, v4;
	v17 =	vld.idx.msk [tilespmem:v6+s17+$0x0], $0xffff;
	v6 =	vmul.f32 $1.280000000e+02, v13  }
0x494: {  	v18 =	vld.idx.msk [tilespmem:v2+s31+$0x180], $0xffff;
	v9 =	vtrunc.f32 v9;
	v11 =	vadd.f32 v3, v1;
	v3 =	vtrunc.f32 v5  }
0x495: {  	v19 =	vld.idx.msk [tilespmem:v2+s31+$0x80], $0xffff;
	v4 =	vadd.f32 v4, v1;
	v6 =	vadd.f32 v6, v1;
	v20 =	vcvt.f32.s32 v3  }
0x496: {  	v10 =	vld.idx.msk [tilespmem:v2+s31+$0x100], $0xffff;
	v3 =	vcvt.f32.s32 v8;
	v8 =	vmul.f32 $1.280000000e+02, v15;
	v5 =	vmax.f32 v11, $0.0e+00  }
0x497: {  	v13 =	vmax.f32 v4, $0.0e+00;
	v4 =	vcvt.f32.s32 v9;
	v11 =	vld.idx.msk [tilespmem:v2+s31+$0x0], $0xffff;
	v15 =	vmin.f32 v5, $2.047000000e+03  }
0x498: {  	v6 =	vmax.f32 v6, $0.0e+00;
	v5 =	vld.idx.msk [tilespmem:v7+s17+$0x0], $0xffff;
	v7 =	vadd.f32 v8, v1;
	v8 =	vtrunc.f32 v15  }
0x499: {  	s25 =	simm.s32 $0x8A00;
	v13 =	vmin.f32 v13, $2.047000000e+03;
	v21 =	vmin.f32 v6, $2.047000000e+03;
	v6 =	vld.idx.msk [tilespmem:v12+s17+$0x0], $0xffff;
	v9 =	vcvt.f32.s32 v8  }
0x49a: {  	[tilespmem:s25+$0x80] =	vst v16;
	v13 =	vtrunc.f32 v13;
	v15 =	vmul.f32 $1.280000000e+02, v18;
	v8 =	vmax.f32 v7, $0.0e+00;
	v7 =	vld.idx.msk [tilespmem:v14+s17+$0x0], $0xffff  }
0x49b: {  	s28 =	simm.s32 $0xC;
	s29 =	simm.s32 $0x1100;
	s26 =	simm.s32 $0x8A00;
	[tilespmem:s25+$0xFFFFFF00] =	vst v17;
	v12 =	vtrunc.f32 v21;
	v14 =	vmul.f32 $1.280000000e+02, v19;
	v16 =	vmin.f32 v8, $2.047000000e+03;
	v8 =	vld.idx.msk [tilespmem:v20+s17+$0x0], $0xffff  }
.LBB2_37:
0x49c: {  	v17 =	vld.idx.msk [tilespmem:v2+s29+$0x180], $0xffff;
	s28 =	sadd.s32 $0x4, s28;
	v18 =	vmul.f32 $1.280000000e+02, v10;
	v15 =	vadd.f32 v15, v1;
	v10 =	vtrunc.f32 v16;
	s25 =	sadd.s32 $0x200, s25  }
0x49d: {  	v13 =	vcvt.f32.s32 v13;
	v16 =	vld.idx.msk [tilespmem:v2+s29+$0x80], $0xffff;
	p0 =	slt.u32 s28, $0x7C;
	v14 =	vadd.f32 v14, v1;
	v19 =	vcvt.f32.s32 v10;
	[tilespmem:s25+$0x80] =	vst v5  }
0x49e: {  	v20 =	vmul.f32 $1.280000000e+02, v11;
	v10 =	vld.idx.msk [tilespmem:v2+s29+$0x100], $0xffff;
	v18 =	vadd.f32 v18, v1;
	v5 =	vmax.f32 v15, $0.0e+00  }
.Ltmp19:
0x49f: {  	v12 =	vcvt.f32.s32 v12;
	v14 =	vmax.f32 v14, $0.0e+00;
	v15 =	vmin.f32 v5, $2.047000000e+03;
	v5 =	vld.idx.msk [tilespmem:v9+s17+$0x0], $0xffff;
	[tilespmem:s26+$0xFFFFFF80] =	vst v6;
	(pc) =	sbr.rel @p0 .LBB2_37-.Ltmp19, $4  }
0x4a0: {  	v20 =	vadd.f32 v20, v1;
	v11 =	vld.idx.msk [tilespmem:v2+s29+$0x0], $0xffff;
	v6 =	vmax.f32 v18, $0.0e+00;
	v9 =	vtrunc.f32 v15;
	[tilespmem:s26+$0x0] =	vst v7;
	s26 =	smov.u32 s25  }
0x4a1: {  	v7 =	vmin.f32 v14, $2.047000000e+03;
	v18 =	vmin.f32 v6, $2.047000000e+03;
	v9 =	vcvt.f32.s32 v9;
	[tilespmem:s25+$0xFFFFFF00] =	vst v8;
	v6 =	vld.idx.msk [tilespmem:v3+s17+$0x0], $0xffff;
	v3 =	vmovc v13  }
0x4a2: {  	v15 =	vmul.f32 $1.280000000e+02, v17;
	v8 =	vmax.f32 v20, $0.0e+00;
	v13 =	vtrunc.f32 v7;
	v7 =	vld.idx.msk [tilespmem:v4+s17+$0x0], $0xffff;
	v4 =	vmovc v12  }
0x4a3: {  	s29 =	sadd.s32 $0x200, s29;
	v14 =	vmul.f32 $1.280000000e+02, v16;
	v16 =	vmin.f32 v8, $2.047000000e+03;
	v12 =	vtrunc.f32 v18;
	v8 =	vld.idx.msk [tilespmem:v19+s17+$0x0], $0xffff  }
0x4a4: {  	_ = 	snop  }
0x4a5: {  	v2 =	vadd.f32 v15, v1;
	v10 =	vmul.f32 $1.280000000e+02, v10;
	v11 =	vmul.f32 $1.280000000e+02, v11  }
0x4a6: {  	v15 =	vtrunc.f32 v16;
	v13 =	vcvt.f32.s32 v13  }
0x4a7: {  	v12 =	vcvt.f32.s32 v12;
	v2 =	vmax.f32 v2, $0.0e+00;
	v11 =	vadd.f32 v11, v1  }
0x4a8: {  	v15 =	vcvt.f32.s32 v15;
	v14 =	vadd.f32 v14, v1;
	v2 =	vmin.f32 v2, $2.047000000e+03  }
0x4a9: {  	v1 =	vadd.f32 v10, v1;
	v2 =	vtrunc.f32 v2;
	v10 =	vmax.f32 v11, $0.0e+00  }
0x4aa: {  	v3 =	vld.idx.msk [tilespmem:v3+s17+$0x0], $0xffff;
	v2 =	vcvt.f32.s32 v2;
	v11 =	vmax.f32 v14, $0.0e+00;
	v10 =	vmin.f32 v10, $2.047000000e+03  }
0x4ab: {  	s25 =	sadd.s32 $0x200, s25;
	v1 =	vmax.f32 v1, $0.0e+00;
	v11 =	vmin.f32 v11, $2.047000000e+03;
	v10 =	vtrunc.f32 v10  }
0x4ac: {  	v9 =	vld.idx.msk [tilespmem:v9+s17+$0x0], $0xffff;
	[tilespmem:s25+$0x80] =	vst v5;
	v1 =	vmin.f32 v1, $2.047000000e+03;
	v5 =	vtrunc.f32 v11;
	v10 =	vcvt.f32.s32 v10  }
0x4ad: {  	v4 =	vld.idx.msk [tilespmem:v4+s17+$0x0], $0xffff;
	[tilespmem:s26+$0xFFFFFF80] =	vst v6;
	v1 =	vtrunc.f32 v1;
	v5 =	vcvt.f32.s32 v5  }
0x4ae: {  	[tilespmem:s26+$0x0] =	vst v7;
	v7 =	vld.idx.msk [tilespmem:v13+s17+$0x0], $0xffff;
	v1 =	vcvt.f32.s32 v1  }
0x4af: {  	[tilespmem:s25+$0xFFFFFF80] =	vst v3;
	v3 =	vld.idx.msk [tilespmem:v12+s17+$0x0], $0xffff  }
0x4b0: {  	s31 =	sadd.s32 $0x200, s25;
	[tilespmem:s25+$0xFFFFFF00] =	vst v8;
	v6 =	vld.idx.msk [tilespmem:v15+s17+$0x0], $0xffff  }
0x4b1: {  	[tilespmem:s31+$0x80] =	vst v9;
	v2 =	vld.idx.msk [tilespmem:v2+s17+$0x0], $0xffff  }
0x4b2: {  	[tilespmem:s25+$0x0] =	vst v4;
	v4 =	vld.idx.msk [tilespmem:v10+s17+$0x0], $0xffff  }
0x4b3: {  	[tilespmem:s31+$0xFFFFFF80] =	vst v7;
	v5 =	vld.idx.msk [tilespmem:v5+s17+$0x0], $0xffff  }
0x4b4: {  	[tilespmem:s31+$0x0] =	vst v3;
	v1 =	vld.idx.msk [tilespmem:v1+s17+$0x0], $0xffff  }
0x4b5: {  	s30 =	sadd.s32 $0x200, s31;
	[tilespmem:s31+$0xFFFFFF00] =	vst v6  }
0x4b6: {  	[tilespmem:s30+$0x80] =	vst v2  }
0x4b7: {  	[tilespmem:s30+$0xFFFFFF00] =	vst v4  }
0x4b8: {  	[tilespmem:s30+$0xFFFFFF80] =	vst v5  }
0x4b9: {  	[tilespmem:s30+$0x0] =	vst v1  }
0x4ba: {  	v2 =	vld [tilespmem:$0x10];
	_ =	sdelay $0x6  }
0x4bb: {  	s31 =	simm.s32 $0x900;
	v1 =	vld [tilespmem:$0x90]  }
0x4bc: {  	v3 =	vld.idx.msk [tilespmem:v2+s31+$0x180], $0xffff  }
0x4bd: {  	v4 =	vld.idx.msk [tilespmem:v2+s31+$0x80], $0xffff  }
0x4be: {  	v5 =	vld.idx.msk [tilespmem:v2+s31+$0x100], $0xffff  }
0x4bf: {  	s26 =	simm.s32 $0xB00;
	v6 =	vld.idx.msk [tilespmem:v2+s31+$0x0], $0xffff  }
0x4c0: {  	v7 =	vld.idx.msk [tilespmem:v2+s26+$0x180], $0xffff  }
0x4c1: {  	v8 =	vld.idx.msk [tilespmem:v2+s26+$0x80], $0xffff  }
0x4c2: {  	v1 =	vmul.f32 $-1.280000000e+02, v1;
	v9 =	vld.idx.msk [tilespmem:v2+s26+$0x100], $0xffff  }
0x4c3: {  	v10 =	vld.idx.msk [tilespmem:v2+s26+$0x0], $0xffff  }
0x4c4: {  	v1 =	vadd.f32 $1.024000000e+03, v1;
	v3 =	vmul.f32 $1.280000000e+02, v3;
	v4 =	vmul.f32 $1.280000000e+02, v4  }
0x4c5: {  	v5 =	vmul.f32 $1.280000000e+02, v5;
	v6 =	vmul.f32 $1.280000000e+02, v6  }
0x4c6: {  	v7 =	vmul.f32 $1.280000000e+02, v7;
	v8 =	vmul.f32 $1.280000000e+02, v8;
	v3 =	vadd.f32 v3, v1  }
0x4c7: {  	v9 =	vmul.f32 $1.280000000e+02, v9;
	v4 =	vadd.f32 v4, v1;
	v5 =	vadd.f32 v5, v1  }
0x4c8: {  	v10 =	vmul.f32 $1.280000000e+02, v10;
	v6 =	vadd.f32 v6, v1;
	v7 =	vadd.f32 v7, v1  }
0x4c9: {  	v8 =	vadd.f32 v8, v1;
	v9 =	vadd.f32 v9, v1;
	v3 =	vmax.f32 v3, $0.0e+00  }
0x4ca: {  	v4 =	vmax.f32 v4, $0.0e+00;
	v6 =	vmax.f32 v6, $0.0e+00;
	v3 =	vmin.f32 v3, $2.047000000e+03  }
0x4cb: {  	s30 =	simm.s32 $0xD00;
	v5 =	vmax.f32 v5, $0.0e+00;
	v6 =	vmin.f32 v6, $2.047000000e+03;
	v3 =	vtrunc.f32 v3  }
0x4cc: {  	v11 =	vld.idx.msk [tilespmem:v2+s30+$0x180], $0xffff;
	v4 =	vmin.f32 v4, $2.047000000e+03;
	v6 =	vtrunc.f32 v6;
	v3 =	vcvt.f32.s32 v3  }
0x4cd: {  	v13 =	vld.idx.msk [tilespmem:v2+s30+$0x100], $0xffff;
	v7 =	vmax.f32 v7, $0.0e+00;
	v4 =	vtrunc.f32 v4;
	v6 =	vcvt.f32.s32 v6  }
0x4ce: {  	v8 =	vmax.f32 v8, $0.0e+00;
	v5 =	vmin.f32 v5, $2.047000000e+03;
	v12 =	vcvt.f32.s32 v4;
	v4 =	vld.idx.msk [tilespmem:v2+s30+$0x80], $0xffff  }
0x4cf: {  	v9 =	vmax.f32 v9, $0.0e+00;
	v7 =	vmin.f32 v7, $2.047000000e+03;
	v5 =	vtrunc.f32 v5  }
0x4d0: {  	v8 =	vmin.f32 v8, $2.047000000e+03;
	v14 =	vcvt.f32.s32 v5;
	v5 =	vadd.f32 v10, v1  }
0x4d1: {  	v15 =	vld.idx.msk [tilespmem:v2+s30+$0x0], $0xffff;
	v9 =	vmin.f32 v9, $2.047000000e+03;
	v7 =	vtrunc.f32 v7;
	v8 =	vtrunc.f32 v8  }
0x4d2: {  	v7 =	vcvt.f32.s32 v7;
	v5 =	vmax.f32 v5, $0.0e+00;
	v16 =	vld.idx.msk [tilespmem:v3+s17+$0x0], $0xffff;
	v3 =	vmul.f32 $1.280000000e+02, v11  }
0x4d3: {  	s31 =	simm.s32 $0xF00;
	v5 =	vmin.f32 v5, $2.047000000e+03;
	v4 =	vmul.f32 $1.280000000e+02, v4;
	v17 =	vld.idx.msk [tilespmem:v6+s17+$0x0], $0xffff;
	v6 =	vmul.f32 $1.280000000e+02, v13  }
0x4d4: {  	v18 =	vld.idx.msk [tilespmem:v2+s31+$0x180], $0xffff;
	v9 =	vtrunc.f32 v9;
	v11 =	vadd.f32 v3, v1;
	v3 =	vtrunc.f32 v5  }
0x4d5: {  	v19 =	vld.idx.msk [tilespmem:v2+s31+$0x80], $0xffff;
	v4 =	vadd.f32 v4, v1;
	v6 =	vadd.f32 v6, v1;
	v20 =	vcvt.f32.s32 v3  }
0x4d6: {  	v10 =	vld.idx.msk [tilespmem:v2+s31+$0x100], $0xffff;
	v3 =	vcvt.f32.s32 v8;
	v8 =	vmul.f32 $1.280000000e+02, v15;
	v5 =	vmax.f32 v11, $0.0e+00  }
0x4d7: {  	v13 =	vmax.f32 v4, $0.0e+00;
	v4 =	vcvt.f32.s32 v9;
	v11 =	vld.idx.msk [tilespmem:v2+s31+$0x0], $0xffff;
	v15 =	vmin.f32 v5, $2.047000000e+03  }
0x4d8: {  	v6 =	vmax.f32 v6, $0.0e+00;
	v5 =	vld.idx.msk [tilespmem:v7+s17+$0x0], $0xffff;
	v7 =	vadd.f32 v8, v1;
	v8 =	vtrunc.f32 v15  }
0x4d9: {  	s25 =	simm.s32 $0x8A10;
	v13 =	vmin.f32 v13, $2.047000000e+03;
	v21 =	vmin.f32 v6, $2.047000000e+03;
	v6 =	vld.idx.msk [tilespmem:v12+s17+$0x0], $0xffff;
	v9 =	vcvt.f32.s32 v8  }
0x4da: {  	[tilespmem:s25+$0x80] =	vst v16;
	v13 =	vtrunc.f32 v13;
	v15 =	vmul.f32 $1.280000000e+02, v18;
	v8 =	vmax.f32 v7, $0.0e+00;
	v7 =	vld.idx.msk [tilespmem:v14+s17+$0x0], $0xffff  }
0x4db: {  	s28 =	simm.s32 $0xC;
	s29 =	simm.s32 $0x1100;
	s26 =	simm.s32 $0x8A10;
	[tilespmem:s25+$0xFFFFFF00] =	vst v17;
	v12 =	vtrunc.f32 v21;
	v14 =	vmul.f32 $1.280000000e+02, v19;
	v16 =	vmin.f32 v8, $2.047000000e+03;
	v8 =	vld.idx.msk [tilespmem:v20+s17+$0x0], $0xffff  }
.LBB2_39:
0x4dc: {  	v17 =	vld.idx.msk [tilespmem:v2+s29+$0x180], $0xffff;
	s28 =	sadd.s32 $0x4, s28;
	v18 =	vmul.f32 $1.280000000e+02, v10;
	v15 =	vadd.f32 v15, v1;
	v10 =	vtrunc.f32 v16;
	s25 =	sadd.s32 $0x200, s25  }
0x4dd: {  	v13 =	vcvt.f32.s32 v13;
	v16 =	vld.idx.msk [tilespmem:v2+s29+$0x80], $0xffff;
	p0 =	slt.u32 s28, $0x7C;
	v14 =	vadd.f32 v14, v1;
	v19 =	vcvt.f32.s32 v10;
	[tilespmem:s25+$0x80] =	vst v5  }
0x4de: {  	v20 =	vmul.f32 $1.280000000e+02, v11;
	v10 =	vld.idx.msk [tilespmem:v2+s29+$0x100], $0xffff;
	v18 =	vadd.f32 v18, v1;
	v5 =	vmax.f32 v15, $0.0e+00  }
.Ltmp20:
0x4df: {  	v12 =	vcvt.f32.s32 v12;
	v14 =	vmax.f32 v14, $0.0e+00;
	v15 =	vmin.f32 v5, $2.047000000e+03;
	v5 =	vld.idx.msk [tilespmem:v9+s17+$0x0], $0xffff;
	[tilespmem:s26+$0xFFFFFF80] =	vst v6;
	(pc) =	sbr.rel @p0 .LBB2_39-.Ltmp20, $4  }
0x4e0: {  	v20 =	vadd.f32 v20, v1;
	v11 =	vld.idx.msk [tilespmem:v2+s29+$0x0], $0xffff;
	v6 =	vmax.f32 v18, $0.0e+00;
	v9 =	vtrunc.f32 v15;
	[tilespmem:s26+$0x0] =	vst v7;
	s26 =	smov.u32 s25  }
0x4e1: {  	v7 =	vmin.f32 v14, $2.047000000e+03;
	v18 =	vmin.f32 v6, $2.047000000e+03;
	v9 =	vcvt.f32.s32 v9;
	[tilespmem:s25+$0xFFFFFF00] =	vst v8;
	v6 =	vld.idx.msk [tilespmem:v3+s17+$0x0], $0xffff;
	v3 =	vmovc v13  }
0x4e2: {  	v15 =	vmul.f32 $1.280000000e+02, v17;
	v8 =	vmax.f32 v20, $0.0e+00;
	v13 =	vtrunc.f32 v7;
	v7 =	vld.idx.msk [tilespmem:v4+s17+$0x0], $0xffff;
	v4 =	vmovc v12  }
0x4e3: {  	s29 =	sadd.s32 $0x200, s29;
	v14 =	vmul.f32 $1.280000000e+02, v16;
	v16 =	vmin.f32 v8, $2.047000000e+03;
	v12 =	vtrunc.f32 v18;
	v8 =	vld.idx.msk [tilespmem:v19+s17+$0x0], $0xffff  }
0x4e4: {  	_ = 	snop  }
0x4e5: {  	v2 =	vadd.f32 v15, v1;
	v10 =	vmul.f32 $1.280000000e+02, v10;
	v11 =	vmul.f32 $1.280000000e+02, v11  }
0x4e6: {  	v15 =	vtrunc.f32 v16;
	v13 =	vcvt.f32.s32 v13  }
0x4e7: {  	v12 =	vcvt.f32.s32 v12;
	v2 =	vmax.f32 v2, $0.0e+00;
	v11 =	vadd.f32 v11, v1  }
0x4e8: {  	v15 =	vcvt.f32.s32 v15;
	v14 =	vadd.f32 v14, v1;
	v2 =	vmin.f32 v2, $2.047000000e+03  }
0x4e9: {  	v1 =	vadd.f32 v10, v1;
	v2 =	vtrunc.f32 v2;
	v10 =	vmax.f32 v11, $0.0e+00  }
0x4ea: {  	v3 =	vld.idx.msk [tilespmem:v3+s17+$0x0], $0xffff;
	v2 =	vcvt.f32.s32 v2;
	v11 =	vmax.f32 v14, $0.0e+00;
	v10 =	vmin.f32 v10, $2.047000000e+03  }
0x4eb: {  	s25 =	sadd.s32 $0x200, s25;
	v1 =	vmax.f32 v1, $0.0e+00;
	v11 =	vmin.f32 v11, $2.047000000e+03;
	v10 =	vtrunc.f32 v10  }
0x4ec: {  	v9 =	vld.idx.msk [tilespmem:v9+s17+$0x0], $0xffff;
	[tilespmem:s25+$0x80] =	vst v5;
	v1 =	vmin.f32 v1, $2.047000000e+03;
	v5 =	vtrunc.f32 v11;
	v10 =	vcvt.f32.s32 v10  }
0x4ed: {  	v4 =	vld.idx.msk [tilespmem:v4+s17+$0x0], $0xffff;
	[tilespmem:s26+$0xFFFFFF80] =	vst v6;
	v1 =	vtrunc.f32 v1;
	v5 =	vcvt.f32.s32 v5  }
0x4ee: {  	[tilespmem:s26+$0x0] =	vst v7;
	v7 =	vld.idx.msk [tilespmem:v13+s17+$0x0], $0xffff;
	v1 =	vcvt.f32.s32 v1  }
0x4ef: {  	[tilespmem:s25+$0xFFFFFF80] =	vst v3;
	v3 =	vld.idx.msk [tilespmem:v12+s17+$0x0], $0xffff  }
0x4f0: {  	s31 =	sadd.s32 $0x200, s25;
	[tilespmem:s25+$0xFFFFFF00] =	vst v8;
	v6 =	vld.idx.msk [tilespmem:v15+s17+$0x0], $0xffff  }
0x4f1: {  	[tilespmem:s31+$0x80] =	vst v9;
	v2 =	vld.idx.msk [tilespmem:v2+s17+$0x0], $0xffff  }
0x4f2: {  	[tilespmem:s25+$0x0] =	vst v4;
	v4 =	vld.idx.msk [tilespmem:v10+s17+$0x0], $0xffff  }
0x4f3: {  	[tilespmem:s31+$0xFFFFFF80] =	vst v7;
	v5 =	vld.idx.msk [tilespmem:v5+s17+$0x0], $0xffff  }
0x4f4: {  	[tilespmem:s31+$0x0] =	vst v3;
	v1 =	vld.idx.msk [tilespmem:v1+s17+$0x0], $0xffff  }
0x4f5: {  	s30 =	sadd.s32 $0x200, s31;
	[tilespmem:s31+$0xFFFFFF00] =	vst v6  }
0x4f6: {  	[tilespmem:s30+$0x80] =	vst v2  }
0x4f7: {  	[tilespmem:s30+$0xFFFFFF00] =	vst v4  }
0x4f8: {  	[tilespmem:s30+$0xFFFFFF80] =	vst v5  }
0x4f9: {  	[tilespmem:s30+$0x0] =	vst v1  }
0x4fa: {  	v2 =	vld [tilespmem:$0x20];
	_ =	sdelay $0x6  }
0x4fb: {  	s31 =	simm.s32 $0x900;
	v1 =	vld [tilespmem:$0xA0]  }
0x4fc: {  	v3 =	vld.idx.msk [tilespmem:v2+s31+$0x180], $0xffff  }
0x4fd: {  	v4 =	vld.idx.msk [tilespmem:v2+s31+$0x80], $0xffff  }
0x4fe: {  	v5 =	vld.idx.msk [tilespmem:v2+s31+$0x100], $0xffff  }
0x4ff: {  	s26 =	simm.s32 $0xB00;
	v6 =	vld.idx.msk [tilespmem:v2+s31+$0x0], $0xffff  }
0x500: {  	v7 =	vld.idx.msk [tilespmem:v2+s26+$0x180], $0xffff  }
0x501: {  	v8 =	vld.idx.msk [tilespmem:v2+s26+$0x80], $0xffff  }
0x502: {  	v1 =	vmul.f32 $-1.280000000e+02, v1;
	v9 =	vld.idx.msk [tilespmem:v2+s26+$0x100], $0xffff  }
0x503: {  	v10 =	vld.idx.msk [tilespmem:v2+s26+$0x0], $0xffff  }
0x504: {  	v1 =	vadd.f32 $1.024000000e+03, v1;
	v3 =	vmul.f32 $1.280000000e+02, v3;
	v4 =	vmul.f32 $1.280000000e+02, v4  }
0x505: {  	v5 =	vmul.f32 $1.280000000e+02, v5;
	v6 =	vmul.f32 $1.280000000e+02, v6  }
0x506: {  	v7 =	vmul.f32 $1.280000000e+02, v7;
	v8 =	vmul.f32 $1.280000000e+02, v8;
	v3 =	vadd.f32 v3, v1  }
0x507: {  	v9 =	vmul.f32 $1.280000000e+02, v9;
	v4 =	vadd.f32 v4, v1;
	v5 =	vadd.f32 v5, v1  }
0x508: {  	v10 =	vmul.f32 $1.280000000e+02, v10;
	v6 =	vadd.f32 v6, v1;
	v7 =	vadd.f32 v7, v1  }
0x509: {  	v8 =	vadd.f32 v8, v1;
	v9 =	vadd.f32 v9, v1;
	v3 =	vmax.f32 v3, $0.0e+00  }
0x50a: {  	v4 =	vmax.f32 v4, $0.0e+00;
	v6 =	vmax.f32 v6, $0.0e+00;
	v3 =	vmin.f32 v3, $2.047000000e+03  }
0x50b: {  	s30 =	simm.s32 $0xD00;
	v5 =	vmax.f32 v5, $0.0e+00;
	v6 =	vmin.f32 v6, $2.047000000e+03;
	v3 =	vtrunc.f32 v3  }
0x50c: {  	v11 =	vld.idx.msk [tilespmem:v2+s30+$0x180], $0xffff;
	v4 =	vmin.f32 v4, $2.047000000e+03;
	v6 =	vtrunc.f32 v6;
	v3 =	vcvt.f32.s32 v3  }
0x50d: {  	v13 =	vld.idx.msk [tilespmem:v2+s30+$0x100], $0xffff;
	v7 =	vmax.f32 v7, $0.0e+00;
	v4 =	vtrunc.f32 v4;
	v6 =	vcvt.f32.s32 v6  }
0x50e: {  	v8 =	vmax.f32 v8, $0.0e+00;
	v5 =	vmin.f32 v5, $2.047000000e+03;
	v12 =	vcvt.f32.s32 v4;
	v4 =	vld.idx.msk [tilespmem:v2+s30+$0x80], $0xffff  }
0x50f: {  	v9 =	vmax.f32 v9, $0.0e+00;
	v7 =	vmin.f32 v7, $2.047000000e+03;
	v5 =	vtrunc.f32 v5  }
0x510: {  	v8 =	vmin.f32 v8, $2.047000000e+03;
	v14 =	vcvt.f32.s32 v5;
	v5 =	vadd.f32 v10, v1  }
0x511: {  	v15 =	vld.idx.msk [tilespmem:v2+s30+$0x0], $0xffff;
	v9 =	vmin.f32 v9, $2.047000000e+03;
	v7 =	vtrunc.f32 v7;
	v8 =	vtrunc.f32 v8  }
0x512: {  	v7 =	vcvt.f32.s32 v7;
	v5 =	vmax.f32 v5, $0.0e+00;
	v16 =	vld.idx.msk [tilespmem:v3+s17+$0x0], $0xffff;
	v3 =	vmul.f32 $1.280000000e+02, v11  }
0x513: {  	s31 =	simm.s32 $0xF00;
	v5 =	vmin.f32 v5, $2.047000000e+03;
	v4 =	vmul.f32 $1.280000000e+02, v4;
	v17 =	vld.idx.msk [tilespmem:v6+s17+$0x0], $0xffff;
	v6 =	vmul.f32 $1.280000000e+02, v13  }
0x514: {  	v18 =	vld.idx.msk [tilespmem:v2+s31+$0x180], $0xffff;
	v9 =	vtrunc.f32 v9;
	v11 =	vadd.f32 v3, v1;
	v3 =	vtrunc.f32 v5  }
0x515: {  	v19 =	vld.idx.msk [tilespmem:v2+s31+$0x80], $0xffff;
	v4 =	vadd.f32 v4, v1;
	v6 =	vadd.f32 v6, v1;
	v20 =	vcvt.f32.s32 v3  }
0x516: {  	v10 =	vld.idx.msk [tilespmem:v2+s31+$0x100], $0xffff;
	v3 =	vcvt.f32.s32 v8;
	v8 =	vmul.f32 $1.280000000e+02, v15;
	v5 =	vmax.f32 v11, $0.0e+00  }
0x517: {  	v13 =	vmax.f32 v4, $0.0e+00;
	v4 =	vcvt.f32.s32 v9;
	v11 =	vld.idx.msk [tilespmem:v2+s31+$0x0], $0xffff;
	v15 =	vmin.f32 v5, $2.047000000e+03  }
0x518: {  	v6 =	vmax.f32 v6, $0.0e+00;
	v5 =	vld.idx.msk [tilespmem:v7+s17+$0x0], $0xffff;
	v7 =	vadd.f32 v8, v1;
	v8 =	vtrunc.f32 v15  }
0x519: {  	s25 =	simm.s32 $0x8A20;
	v13 =	vmin.f32 v13, $2.047000000e+03;
	v21 =	vmin.f32 v6, $2.047000000e+03;
	v6 =	vld.idx.msk [tilespmem:v12+s17+$0x0], $0xffff;
	v9 =	vcvt.f32.s32 v8  }
0x51a: {  	[tilespmem:s25+$0x80] =	vst v16;
	v13 =	vtrunc.f32 v13;
	v15 =	vmul.f32 $1.280000000e+02, v18;
	v8 =	vmax.f32 v7, $0.0e+00;
	v7 =	vld.idx.msk [tilespmem:v14+s17+$0x0], $0xffff  }
0x51b: {  	s28 =	simm.s32 $0xC;
	s29 =	simm.s32 $0x1100;
	s26 =	simm.s32 $0x8A20;
	[tilespmem:s25+$0xFFFFFF00] =	vst v17;
	v12 =	vtrunc.f32 v21;
	v14 =	vmul.f32 $1.280000000e+02, v19;
	v16 =	vmin.f32 v8, $2.047000000e+03;
	v8 =	vld.idx.msk [tilespmem:v20+s17+$0x0], $0xffff  }
.LBB2_41:
0x51c: {  	v17 =	vld.idx.msk [tilespmem:v2+s29+$0x180], $0xffff;
	s28 =	sadd.s32 $0x4, s28;
	v18 =	vmul.f32 $1.280000000e+02, v10;
	v15 =	vadd.f32 v15, v1;
	v10 =	vtrunc.f32 v16;
	s25 =	sadd.s32 $0x200, s25  }
0x51d: {  	v13 =	vcvt.f32.s32 v13;
	v16 =	vld.idx.msk [tilespmem:v2+s29+$0x80], $0xffff;
	p0 =	slt.u32 s28, $0x7C;
	v14 =	vadd.f32 v14, v1;
	v19 =	vcvt.f32.s32 v10;
	[tilespmem:s25+$0x80] =	vst v5  }
0x51e: {  	v20 =	vmul.f32 $1.280000000e+02, v11;
	v10 =	vld.idx.msk [tilespmem:v2+s29+$0x100], $0xffff;
	v18 =	vadd.f32 v18, v1;
	v5 =	vmax.f32 v15, $0.0e+00  }
.Ltmp21:
0x51f: {  	v12 =	vcvt.f32.s32 v12;
	v14 =	vmax.f32 v14, $0.0e+00;
	v15 =	vmin.f32 v5, $2.047000000e+03;
	v5 =	vld.idx.msk [tilespmem:v9+s17+$0x0], $0xffff;
	[tilespmem:s26+$0xFFFFFF80] =	vst v6;
	(pc) =	sbr.rel @p0 .LBB2_41-.Ltmp21, $4  }
0x520: {  	v20 =	vadd.f32 v20, v1;
	v11 =	vld.idx.msk [tilespmem:v2+s29+$0x0], $0xffff;
	v6 =	vmax.f32 v18, $0.0e+00;
	v9 =	vtrunc.f32 v15;
	[tilespmem:s26+$0x0] =	vst v7;
	s26 =	smov.u32 s25  }
0x521: {  	v7 =	vmin.f32 v14, $2.047000000e+03;
	v18 =	vmin.f32 v6, $2.047000000e+03;
	v9 =	vcvt.f32.s32 v9;
	[tilespmem:s25+$0xFFFFFF00] =	vst v8;
	v6 =	vld.idx.msk [tilespmem:v3+s17+$0x0], $0xffff;
	v3 =	vmovc v13  }
0x522: {  	v15 =	vmul.f32 $1.280000000e+02, v17;
	v8 =	vmax.f32 v20, $0.0e+00;
	v13 =	vtrunc.f32 v7;
	v7 =	vld.idx.msk [tilespmem:v4+s17+$0x0], $0xffff;
	v4 =	vmovc v12  }
0x523: {  	s29 =	sadd.s32 $0x200, s29;
	v14 =	vmul.f32 $1.280000000e+02, v16;
	v16 =	vmin.f32 v8, $2.047000000e+03;
	v12 =	vtrunc.f32 v18;
	v8 =	vld.idx.msk [tilespmem:v19+s17+$0x0], $0xffff  }
0x524: {  	_ = 	snop  }
0x525: {  	v2 =	vadd.f32 v15, v1;
	v10 =	vmul.f32 $1.280000000e+02, v10;
	v11 =	vmul.f32 $1.280000000e+02, v11  }
0x526: {  	v15 =	vtrunc.f32 v16;
	v13 =	vcvt.f32.s32 v13  }
0x527: {  	v12 =	vcvt.f32.s32 v12;
	v2 =	vmax.f32 v2, $0.0e+00;
	v11 =	vadd.f32 v11, v1  }
0x528: {  	v15 =	vcvt.f32.s32 v15;
	v14 =	vadd.f32 v14, v1;
	v2 =	vmin.f32 v2, $2.047000000e+03  }
0x529: {  	v1 =	vadd.f32 v10, v1;
	v2 =	vtrunc.f32 v2;
	v10 =	vmax.f32 v11, $0.0e+00  }
0x52a: {  	v3 =	vld.idx.msk [tilespmem:v3+s17+$0x0], $0xffff;
	v2 =	vcvt.f32.s32 v2;
	v11 =	vmax.f32 v14, $0.0e+00;
	v10 =	vmin.f32 v10, $2.047000000e+03  }
0x52b: {  	s25 =	sadd.s32 $0x200, s25;
	v1 =	vmax.f32 v1, $0.0e+00;
	v11 =	vmin.f32 v11, $2.047000000e+03;
	v10 =	vtrunc.f32 v10  }
0x52c: {  	v9 =	vld.idx.msk [tilespmem:v9+s17+$0x0], $0xffff;
	[tilespmem:s25+$0x80] =	vst v5;
	v1 =	vmin.f32 v1, $2.047000000e+03;
	v5 =	vtrunc.f32 v11;
	v10 =	vcvt.f32.s32 v10  }
0x52d: {  	v4 =	vld.idx.msk [tilespmem:v4+s17+$0x0], $0xffff;
	[tilespmem:s26+$0xFFFFFF80] =	vst v6;
	v1 =	vtrunc.f32 v1;
	v5 =	vcvt.f32.s32 v5  }
0x52e: {  	[tilespmem:s26+$0x0] =	vst v7;
	v7 =	vld.idx.msk [tilespmem:v13+s17+$0x0], $0xffff;
	v1 =	vcvt.f32.s32 v1  }
0x52f: {  	[tilespmem:s25+$0xFFFFFF80] =	vst v3;
	v3 =	vld.idx.msk [tilespmem:v12+s17+$0x0], $0xffff  }
0x530: {  	s31 =	sadd.s32 $0x200, s25;
	[tilespmem:s25+$0xFFFFFF00] =	vst v8;
	v6 =	vld.idx.msk [tilespmem:v15+s17+$0x0], $0xffff  }
0x531: {  	[tilespmem:s31+$0x80] =	vst v9;
	v2 =	vld.idx.msk [tilespmem:v2+s17+$0x0], $0xffff  }
0x532: {  	[tilespmem:s25+$0x0] =	vst v4;
	v4 =	vld.idx.msk [tilespmem:v10+s17+$0x0], $0xffff  }
0x533: {  	[tilespmem:s31+$0xFFFFFF80] =	vst v7;
	v5 =	vld.idx.msk [tilespmem:v5+s17+$0x0], $0xffff  }
0x534: {  	[tilespmem:s31+$0x0] =	vst v3;
	v1 =	vld.idx.msk [tilespmem:v1+s17+$0x0], $0xffff  }
0x535: {  	s30 =	sadd.s32 $0x200, s31;
	[tilespmem:s31+$0xFFFFFF00] =	vst v6  }
0x536: {  	[tilespmem:s30+$0x80] =	vst v2  }
0x537: {  	[tilespmem:s30+$0xFFFFFF00] =	vst v4  }
0x538: {  	[tilespmem:s30+$0xFFFFFF80] =	vst v5  }
0x539: {  	[tilespmem:s30+$0x0] =	vst v1  }
0x53a: {  	v2 =	vld [tilespmem:$0x30];
	_ =	sdelay $0x6  }
0x53b: {  	s31 =	simm.s32 $0x900;
	v1 =	vld [tilespmem:$0xB0]  }
0x53c: {  	v3 =	vld.idx.msk [tilespmem:v2+s31+$0x180], $0xffff  }
0x53d: {  	v4 =	vld.idx.msk [tilespmem:v2+s31+$0x80], $0xffff  }
0x53e: {  	v5 =	vld.idx.msk [tilespmem:v2+s31+$0x100], $0xffff  }
0x53f: {  	s26 =	simm.s32 $0xB00;
	v6 =	vld.idx.msk [tilespmem:v2+s31+$0x0], $0xffff  }
0x540: {  	v7 =	vld.idx.msk [tilespmem:v2+s26+$0x180], $0xffff  }
0x541: {  	v8 =	vld.idx.msk [tilespmem:v2+s26+$0x80], $0xffff  }
0x542: {  	v1 =	vmul.f32 $-1.280000000e+02, v1;
	v9 =	vld.idx.msk [tilespmem:v2+s26+$0x100], $0xffff  }
0x543: {  	v10 =	vld.idx.msk [tilespmem:v2+s26+$0x0], $0xffff  }
0x544: {  	v1 =	vadd.f32 $1.024000000e+03, v1;
	v3 =	vmul.f32 $1.280000000e+02, v3;
	v4 =	vmul.f32 $1.280000000e+02, v4  }
0x545: {  	v5 =	vmul.f32 $1.280000000e+02, v5;
	v6 =	vmul.f32 $1.280000000e+02, v6  }
0x546: {  	v7 =	vmul.f32 $1.280000000e+02, v7;
	v8 =	vmul.f32 $1.280000000e+02, v8;
	v3 =	vadd.f32 v3, v1  }
0x547: {  	v9 =	vmul.f32 $1.280000000e+02, v9;
	v4 =	vadd.f32 v4, v1;
	v5 =	vadd.f32 v5, v1  }
0x548: {  	v10 =	vmul.f32 $1.280000000e+02, v10;
	v6 =	vadd.f32 v6, v1;
	v7 =	vadd.f32 v7, v1  }
0x549: {  	v8 =	vadd.f32 v8, v1;
	v9 =	vadd.f32 v9, v1;
	v3 =	vmax.f32 v3, $0.0e+00  }
0x54a: {  	v4 =	vmax.f32 v4, $0.0e+00;
	v6 =	vmax.f32 v6, $0.0e+00;
	v3 =	vmin.f32 v3, $2.047000000e+03  }
0x54b: {  	s30 =	simm.s32 $0xD00;
	v5 =	vmax.f32 v5, $0.0e+00;
	v6 =	vmin.f32 v6, $2.047000000e+03;
	v3 =	vtrunc.f32 v3  }
0x54c: {  	v11 =	vld.idx.msk [tilespmem:v2+s30+$0x180], $0xffff;
	v4 =	vmin.f32 v4, $2.047000000e+03;
	v6 =	vtrunc.f32 v6;
	v3 =	vcvt.f32.s32 v3  }
0x54d: {  	v13 =	vld.idx.msk [tilespmem:v2+s30+$0x100], $0xffff;
	v7 =	vmax.f32 v7, $0.0e+00;
	v4 =	vtrunc.f32 v4;
	v6 =	vcvt.f32.s32 v6  }
0x54e: {  	v8 =	vmax.f32 v8, $0.0e+00;
	v5 =	vmin.f32 v5, $2.047000000e+03;
	v12 =	vcvt.f32.s32 v4;
	v4 =	vld.idx.msk [tilespmem:v2+s30+$0x80], $0xffff  }
0x54f: {  	v9 =	vmax.f32 v9, $0.0e+00;
	v7 =	vmin.f32 v7, $2.047000000e+03;
	v5 =	vtrunc.f32 v5  }
0x550: {  	v8 =	vmin.f32 v8, $2.047000000e+03;
	v14 =	vcvt.f32.s32 v5;
	v5 =	vadd.f32 v10, v1  }
0x551: {  	v15 =	vld.idx.msk [tilespmem:v2+s30+$0x0], $0xffff;
	v9 =	vmin.f32 v9, $2.047000000e+03;
	v7 =	vtrunc.f32 v7;
	v8 =	vtrunc.f32 v8  }
0x552: {  	v7 =	vcvt.f32.s32 v7;
	v5 =	vmax.f32 v5, $0.0e+00;
	v16 =	vld.idx.msk [tilespmem:v3+s17+$0x0], $0xffff;
	v3 =	vmul.f32 $1.280000000e+02, v11  }
0x553: {  	s31 =	simm.s32 $0xF00;
	v5 =	vmin.f32 v5, $2.047000000e+03;
	v4 =	vmul.f32 $1.280000000e+02, v4;
	v17 =	vld.idx.msk [tilespmem:v6+s17+$0x0], $0xffff;
	v6 =	vmul.f32 $1.280000000e+02, v13  }
0x554: {  	v18 =	vld.idx.msk [tilespmem:v2+s31+$0x180], $0xffff;
	v9 =	vtrunc.f32 v9;
	v11 =	vadd.f32 v3, v1;
	v3 =	vtrunc.f32 v5  }
0x555: {  	v19 =	vld.idx.msk [tilespmem:v2+s31+$0x80], $0xffff;
	v4 =	vadd.f32 v4, v1;
	v6 =	vadd.f32 v6, v1;
	v20 =	vcvt.f32.s32 v3  }
0x556: {  	v10 =	vld.idx.msk [tilespmem:v2+s31+$0x100], $0xffff;
	v3 =	vcvt.f32.s32 v8;
	v8 =	vmul.f32 $1.280000000e+02, v15;
	v5 =	vmax.f32 v11, $0.0e+00  }
0x557: {  	v13 =	vmax.f32 v4, $0.0e+00;
	v4 =	vcvt.f32.s32 v9;
	v11 =	vld.idx.msk [tilespmem:v2+s31+$0x0], $0xffff;
	v15 =	vmin.f32 v5, $2.047000000e+03  }
0x558: {  	v6 =	vmax.f32 v6, $0.0e+00;
	v5 =	vld.idx.msk [tilespmem:v7+s17+$0x0], $0xffff;
	v7 =	vadd.f32 v8, v1;
	v8 =	vtrunc.f32 v15  }
0x559: {  	s25 =	simm.s32 $0x8A30;
	v13 =	vmin.f32 v13, $2.047000000e+03;
	v21 =	vmin.f32 v6, $2.047000000e+03;
	v6 =	vld.idx.msk [tilespmem:v12+s17+$0x0], $0xffff;
	v9 =	vcvt.f32.s32 v8  }
0x55a: {  	[tilespmem:s25+$0x80] =	vst v16;
	v13 =	vtrunc.f32 v13;
	v15 =	vmul.f32 $1.280000000e+02, v18;
	v8 =	vmax.f32 v7, $0.0e+00;
	v7 =	vld.idx.msk [tilespmem:v14+s17+$0x0], $0xffff  }
0x55b: {  	s28 =	simm.s32 $0xC;
	s29 =	simm.s32 $0x1100;
	s26 =	simm.s32 $0x8A30;
	[tilespmem:s25+$0xFFFFFF00] =	vst v17;
	v12 =	vtrunc.f32 v21;
	v14 =	vmul.f32 $1.280000000e+02, v19;
	v16 =	vmin.f32 v8, $2.047000000e+03;
	v8 =	vld.idx.msk [tilespmem:v20+s17+$0x0], $0xffff  }
.LBB2_43:
0x55c: {  	v17 =	vld.idx.msk [tilespmem:v2+s29+$0x180], $0xffff;
	s28 =	sadd.s32 $0x4, s28;
	v18 =	vmul.f32 $1.280000000e+02, v10;
	v15 =	vadd.f32 v15, v1;
	v10 =	vtrunc.f32 v16;
	s25 =	sadd.s32 $0x200, s25  }
0x55d: {  	v13 =	vcvt.f32.s32 v13;
	v16 =	vld.idx.msk [tilespmem:v2+s29+$0x80], $0xffff;
	p0 =	slt.u32 s28, $0x7C;
	v14 =	vadd.f32 v14, v1;
	v19 =	vcvt.f32.s32 v10;
	[tilespmem:s25+$0x80] =	vst v5  }
0x55e: {  	v20 =	vmul.f32 $1.280000000e+02, v11;
	v10 =	vld.idx.msk [tilespmem:v2+s29+$0x100], $0xffff;
	v18 =	vadd.f32 v18, v1;
	v5 =	vmax.f32 v15, $0.0e+00  }
.Ltmp22:
0x55f: {  	v12 =	vcvt.f32.s32 v12;
	v14 =	vmax.f32 v14, $0.0e+00;
	v15 =	vmin.f32 v5, $2.047000000e+03;
	v5 =	vld.idx.msk [tilespmem:v9+s17+$0x0], $0xffff;
	[tilespmem:s26+$0xFFFFFF80] =	vst v6;
	(pc) =	sbr.rel @p0 .LBB2_43-.Ltmp22, $4  }
0x560: {  	v20 =	vadd.f32 v20, v1;
	v11 =	vld.idx.msk [tilespmem:v2+s29+$0x0], $0xffff;
	v6 =	vmax.f32 v18, $0.0e+00;
	v9 =	vtrunc.f32 v15;
	[tilespmem:s26+$0x0] =	vst v7;
	s26 =	smov.u32 s25  }
0x561: {  	v7 =	vmin.f32 v14, $2.047000000e+03;
	v18 =	vmin.f32 v6, $2.047000000e+03;
	v9 =	vcvt.f32.s32 v9;
	[tilespmem:s25+$0xFFFFFF00] =	vst v8;
	v6 =	vld.idx.msk [tilespmem:v3+s17+$0x0], $0xffff;
	v3 =	vmovc v13  }
0x562: {  	v15 =	vmul.f32 $1.280000000e+02, v17;
	v8 =	vmax.f32 v20, $0.0e+00;
	v13 =	vtrunc.f32 v7;
	v7 =	vld.idx.msk [tilespmem:v4+s17+$0x0], $0xffff;
	v4 =	vmovc v12  }
0x563: {  	s29 =	sadd.s32 $0x200, s29;
	v14 =	vmul.f32 $1.280000000e+02, v16;
	v16 =	vmin.f32 v8, $2.047000000e+03;
	v12 =	vtrunc.f32 v18;
	v8 =	vld.idx.msk [tilespmem:v19+s17+$0x0], $0xffff  }
0x564: {  	_ = 	snop  }
0x565: {  	v2 =	vadd.f32 v15, v1;
	v10 =	vmul.f32 $1.280000000e+02, v10;
	v11 =	vmul.f32 $1.280000000e+02, v11  }
0x566: {  	v15 =	vtrunc.f32 v16;
	v13 =	vcvt.f32.s32 v13  }
0x567: {  	v12 =	vcvt.f32.s32 v12;
	v2 =	vmax.f32 v2, $0.0e+00;
	v11 =	vadd.f32 v11, v1  }
0x568: {  	v15 =	vcvt.f32.s32 v15;
	v14 =	vadd.f32 v14, v1;
	v2 =	vmin.f32 v2, $2.047000000e+03  }
0x569: {  	v1 =	vadd.f32 v10, v1;
	v2 =	vtrunc.f32 v2;
	v10 =	vmax.f32 v11, $0.0e+00  }
0x56a: {  	v3 =	vld.idx.msk [tilespmem:v3+s17+$0x0], $0xffff;
	v2 =	vcvt.f32.s32 v2;
	v11 =	vmax.f32 v14, $0.0e+00;
	v10 =	vmin.f32 v10, $2.047000000e+03  }
0x56b: {  	s25 =	sadd.s32 $0x200, s25;
	v1 =	vmax.f32 v1, $0.0e+00;
	v11 =	vmin.f32 v11, $2.047000000e+03;
	v10 =	vtrunc.f32 v10  }
0x56c: {  	v9 =	vld.idx.msk [tilespmem:v9+s17+$0x0], $0xffff;
	[tilespmem:s25+$0x80] =	vst v5;
	v1 =	vmin.f32 v1, $2.047000000e+03;
	v5 =	vtrunc.f32 v11;
	v10 =	vcvt.f32.s32 v10  }
0x56d: {  	v4 =	vld.idx.msk [tilespmem:v4+s17+$0x0], $0xffff;
	[tilespmem:s26+$0xFFFFFF80] =	vst v6;
	v1 =	vtrunc.f32 v1;
	v5 =	vcvt.f32.s32 v5  }
0x56e: {  	[tilespmem:s26+$0x0] =	vst v7;
	v7 =	vld.idx.msk [tilespmem:v13+s17+$0x0], $0xffff;
	v1 =	vcvt.f32.s32 v1  }
0x56f: {  	[tilespmem:s25+$0xFFFFFF80] =	vst v3;
	v3 =	vld.idx.msk [tilespmem:v12+s17+$0x0], $0xffff  }
0x570: {  	s31 =	sadd.s32 $0x200, s25;
	[tilespmem:s25+$0xFFFFFF00] =	vst v8;
	v6 =	vld.idx.msk [tilespmem:v15+s17+$0x0], $0xffff  }
0x571: {  	[tilespmem:s31+$0x80] =	vst v9;
	v2 =	vld.idx.msk [tilespmem:v2+s17+$0x0], $0xffff  }
0x572: {  	[tilespmem:s25+$0x0] =	vst v4;
	v4 =	vld.idx.msk [tilespmem:v10+s17+$0x0], $0xffff  }
0x573: {  	[tilespmem:s31+$0xFFFFFF80] =	vst v7;
	v5 =	vld.idx.msk [tilespmem:v5+s17+$0x0], $0xffff  }
0x574: {  	[tilespmem:s31+$0x0] =	vst v3;
	v1 =	vld.idx.msk [tilespmem:v1+s17+$0x0], $0xffff  }
0x575: {  	s30 =	sadd.s32 $0x200, s31;
	[tilespmem:s31+$0xFFFFFF00] =	vst v6  }
0x576: {  	[tilespmem:s30+$0x80] =	vst v2  }
0x577: {  	[tilespmem:s30+$0xFFFFFF00] =	vst v4  }
0x578: {  	[tilespmem:s30+$0xFFFFFF80] =	vst v5  }
0x579: {  	[tilespmem:s30+$0x0] =	vst v1  }
0x57a: {  	v2 =	vld [tilespmem:$0x40];
	_ =	sdelay $0x6  }
0x57b: {  	s31 =	simm.s32 $0x900;
	v1 =	vld [tilespmem:$0xC0]  }
0x57c: {  	v3 =	vld.idx.msk [tilespmem:v2+s31+$0x180], $0xffff  }
0x57d: {  	v4 =	vld.idx.msk [tilespmem:v2+s31+$0x80], $0xffff  }
0x57e: {  	v5 =	vld.idx.msk [tilespmem:v2+s31+$0x100], $0xffff  }
0x57f: {  	s26 =	simm.s32 $0xB00;
	v6 =	vld.idx.msk [tilespmem:v2+s31+$0x0], $0xffff  }
0x580: {  	v7 =	vld.idx.msk [tilespmem:v2+s26+$0x180], $0xffff  }
0x581: {  	v8 =	vld.idx.msk [tilespmem:v2+s26+$0x80], $0xffff  }
0x582: {  	v1 =	vmul.f32 $-1.280000000e+02, v1;
	v9 =	vld.idx.msk [tilespmem:v2+s26+$0x100], $0xffff  }
0x583: {  	v10 =	vld.idx.msk [tilespmem:v2+s26+$0x0], $0xffff  }
0x584: {  	v1 =	vadd.f32 $1.024000000e+03, v1;
	v3 =	vmul.f32 $1.280000000e+02, v3;
	v4 =	vmul.f32 $1.280000000e+02, v4  }
0x585: {  	v5 =	vmul.f32 $1.280000000e+02, v5;
	v6 =	vmul.f32 $1.280000000e+02, v6  }
0x586: {  	v7 =	vmul.f32 $1.280000000e+02, v7;
	v8 =	vmul.f32 $1.280000000e+02, v8;
	v3 =	vadd.f32 v3, v1  }
0x587: {  	v9 =	vmul.f32 $1.280000000e+02, v9;
	v4 =	vadd.f32 v4, v1;
	v5 =	vadd.f32 v5, v1  }
0x588: {  	v10 =	vmul.f32 $1.280000000e+02, v10;
	v6 =	vadd.f32 v6, v1;
	v7 =	vadd.f32 v7, v1  }
0x589: {  	v8 =	vadd.f32 v8, v1;
	v9 =	vadd.f32 v9, v1;
	v3 =	vmax.f32 v3, $0.0e+00  }
0x58a: {  	v4 =	vmax.f32 v4, $0.0e+00;
	v6 =	vmax.f32 v6, $0.0e+00;
	v3 =	vmin.f32 v3, $2.047000000e+03  }
0x58b: {  	s30 =	simm.s32 $0xD00;
	v5 =	vmax.f32 v5, $0.0e+00;
	v6 =	vmin.f32 v6, $2.047000000e+03;
	v3 =	vtrunc.f32 v3  }
0x58c: {  	v11 =	vld.idx.msk [tilespmem:v2+s30+$0x180], $0xffff;
	v4 =	vmin.f32 v4, $2.047000000e+03;
	v6 =	vtrunc.f32 v6;
	v3 =	vcvt.f32.s32 v3  }
0x58d: {  	v13 =	vld.idx.msk [tilespmem:v2+s30+$0x100], $0xffff;
	v7 =	vmax.f32 v7, $0.0e+00;
	v4 =	vtrunc.f32 v4;
	v6 =	vcvt.f32.s32 v6  }
0x58e: {  	v8 =	vmax.f32 v8, $0.0e+00;
	v5 =	vmin.f32 v5, $2.047000000e+03;
	v12 =	vcvt.f32.s32 v4;
	v4 =	vld.idx.msk [tilespmem:v2+s30+$0x80], $0xffff  }
0x58f: {  	v9 =	vmax.f32 v9, $0.0e+00;
	v7 =	vmin.f32 v7, $2.047000000e+03;
	v5 =	vtrunc.f32 v5  }
0x590: {  	v8 =	vmin.f32 v8, $2.047000000e+03;
	v14 =	vcvt.f32.s32 v5;
	v5 =	vadd.f32 v10, v1  }
0x591: {  	v15 =	vld.idx.msk [tilespmem:v2+s30+$0x0], $0xffff;
	v9 =	vmin.f32 v9, $2.047000000e+03;
	v7 =	vtrunc.f32 v7;
	v8 =	vtrunc.f32 v8  }
0x592: {  	v7 =	vcvt.f32.s32 v7;
	v5 =	vmax.f32 v5, $0.0e+00;
	v16 =	vld.idx.msk [tilespmem:v3+s17+$0x0], $0xffff;
	v3 =	vmul.f32 $1.280000000e+02, v11  }
0x593: {  	s31 =	simm.s32 $0xF00;
	v5 =	vmin.f32 v5, $2.047000000e+03;
	v4 =	vmul.f32 $1.280000000e+02, v4;
	v17 =	vld.idx.msk [tilespmem:v6+s17+$0x0], $0xffff;
	v6 =	vmul.f32 $1.280000000e+02, v13  }
0x594: {  	v18 =	vld.idx.msk [tilespmem:v2+s31+$0x180], $0xffff;
	v9 =	vtrunc.f32 v9;
	v11 =	vadd.f32 v3, v1;
	v3 =	vtrunc.f32 v5  }
0x595: {  	v19 =	vld.idx.msk [tilespmem:v2+s31+$0x80], $0xffff;
	v4 =	vadd.f32 v4, v1;
	v6 =	vadd.f32 v6, v1;
	v20 =	vcvt.f32.s32 v3  }
0x596: {  	v10 =	vld.idx.msk [tilespmem:v2+s31+$0x100], $0xffff;
	v3 =	vcvt.f32.s32 v8;
	v8 =	vmul.f32 $1.280000000e+02, v15;
	v5 =	vmax.f32 v11, $0.0e+00  }
0x597: {  	v13 =	vmax.f32 v4, $0.0e+00;
	v4 =	vcvt.f32.s32 v9;
	v11 =	vld.idx.msk [tilespmem:v2+s31+$0x0], $0xffff;
	v15 =	vmin.f32 v5, $2.047000000e+03  }
0x598: {  	v6 =	vmax.f32 v6, $0.0e+00;
	v5 =	vld.idx.msk [tilespmem:v7+s17+$0x0], $0xffff;
	v7 =	vadd.f32 v8, v1;
	v8 =	vtrunc.f32 v15  }
0x599: {  	s25 =	simm.s32 $0x8A40;
	v13 =	vmin.f32 v13, $2.047000000e+03;
	v21 =	vmin.f32 v6, $2.047000000e+03;
	v6 =	vld.idx.msk [tilespmem:v12+s17+$0x0], $0xffff;
	v9 =	vcvt.f32.s32 v8  }
0x59a: {  	[tilespmem:s25+$0x80] =	vst v16;
	v13 =	vtrunc.f32 v13;
	v15 =	vmul.f32 $1.280000000e+02, v18;
	v8 =	vmax.f32 v7, $0.0e+00;
	v7 =	vld.idx.msk [tilespmem:v14+s17+$0x0], $0xffff  }
0x59b: {  	s28 =	simm.s32 $0xC;
	s29 =	simm.s32 $0x1100;
	s26 =	simm.s32 $0x8A40;
	[tilespmem:s25+$0xFFFFFF00] =	vst v17;
	v12 =	vtrunc.f32 v21;
	v14 =	vmul.f32 $1.280000000e+02, v19;
	v16 =	vmin.f32 v8, $2.047000000e+03;
	v8 =	vld.idx.msk [tilespmem:v20+s17+$0x0], $0xffff  }
.LBB2_45:
0x59c: {  	v17 =	vld.idx.msk [tilespmem:v2+s29+$0x180], $0xffff;
	s28 =	sadd.s32 $0x4, s28;
	v18 =	vmul.f32 $1.280000000e+02, v10;
	v15 =	vadd.f32 v15, v1;
	v10 =	vtrunc.f32 v16;
	s25 =	sadd.s32 $0x200, s25  }
0x59d: {  	v13 =	vcvt.f32.s32 v13;
	v16 =	vld.idx.msk [tilespmem:v2+s29+$0x80], $0xffff;
	p0 =	slt.u32 s28, $0x7C;
	v14 =	vadd.f32 v14, v1;
	v19 =	vcvt.f32.s32 v10;
	[tilespmem:s25+$0x80] =	vst v5  }
0x59e: {  	v20 =	vmul.f32 $1.280000000e+02, v11;
	v10 =	vld.idx.msk [tilespmem:v2+s29+$0x100], $0xffff;
	v18 =	vadd.f32 v18, v1;
	v5 =	vmax.f32 v15, $0.0e+00  }
.Ltmp23:
0x59f: {  	v12 =	vcvt.f32.s32 v12;
	v14 =	vmax.f32 v14, $0.0e+00;
	v15 =	vmin.f32 v5, $2.047000000e+03;
	v5 =	vld.idx.msk [tilespmem:v9+s17+$0x0], $0xffff;
	[tilespmem:s26+$0xFFFFFF80] =	vst v6;
	(pc) =	sbr.rel @p0 .LBB2_45-.Ltmp23, $4  }
0x5a0: {  	v20 =	vadd.f32 v20, v1;
	v11 =	vld.idx.msk [tilespmem:v2+s29+$0x0], $0xffff;
	v6 =	vmax.f32 v18, $0.0e+00;
	v9 =	vtrunc.f32 v15;
	[tilespmem:s26+$0x0] =	vst v7;
	s26 =	smov.u32 s25  }
0x5a1: {  	v7 =	vmin.f32 v14, $2.047000000e+03;
	v18 =	vmin.f32 v6, $2.047000000e+03;
	v9 =	vcvt.f32.s32 v9;
	[tilespmem:s25+$0xFFFFFF00] =	vst v8;
	v6 =	vld.idx.msk [tilespmem:v3+s17+$0x0], $0xffff;
	v3 =	vmovc v13  }
0x5a2: {  	v15 =	vmul.f32 $1.280000000e+02, v17;
	v8 =	vmax.f32 v20, $0.0e+00;
	v13 =	vtrunc.f32 v7;
	v7 =	vld.idx.msk [tilespmem:v4+s17+$0x0], $0xffff;
	v4 =	vmovc v12  }
0x5a3: {  	s29 =	sadd.s32 $0x200, s29;
	v14 =	vmul.f32 $1.280000000e+02, v16;
	v16 =	vmin.f32 v8, $2.047000000e+03;
	v12 =	vtrunc.f32 v18;
	v8 =	vld.idx.msk [tilespmem:v19+s17+$0x0], $0xffff  }
0x5a4: {  	_ = 	snop  }
0x5a5: {  	v2 =	vadd.f32 v15, v1;
	v10 =	vmul.f32 $1.280000000e+02, v10;
	v11 =	vmul.f32 $1.280000000e+02, v11  }
0x5a6: {  	v15 =	vtrunc.f32 v16;
	v13 =	vcvt.f32.s32 v13  }
0x5a7: {  	v12 =	vcvt.f32.s32 v12;
	v2 =	vmax.f32 v2, $0.0e+00;
	v11 =	vadd.f32 v11, v1  }
0x5a8: {  	v15 =	vcvt.f32.s32 v15;
	v14 =	vadd.f32 v14, v1;
	v2 =	vmin.f32 v2, $2.047000000e+03  }
0x5a9: {  	v1 =	vadd.f32 v10, v1;
	v2 =	vtrunc.f32 v2;
	v10 =	vmax.f32 v11, $0.0e+00  }
0x5aa: {  	v3 =	vld.idx.msk [tilespmem:v3+s17+$0x0], $0xffff;
	v2 =	vcvt.f32.s32 v2;
	v11 =	vmax.f32 v14, $0.0e+00;
	v10 =	vmin.f32 v10, $2.047000000e+03  }
0x5ab: {  	s25 =	sadd.s32 $0x200, s25;
	v1 =	vmax.f32 v1, $0.0e+00;
	v11 =	vmin.f32 v11, $2.047000000e+03;
	v10 =	vtrunc.f32 v10  }
0x5ac: {  	v9 =	vld.idx.msk [tilespmem:v9+s17+$0x0], $0xffff;
	[tilespmem:s25+$0x80] =	vst v5;
	v1 =	vmin.f32 v1, $2.047000000e+03;
	v5 =	vtrunc.f32 v11;
	v10 =	vcvt.f32.s32 v10  }
0x5ad: {  	v4 =	vld.idx.msk [tilespmem:v4+s17+$0x0], $0xffff;
	[tilespmem:s26+$0xFFFFFF80] =	vst v6;
	v1 =	vtrunc.f32 v1;
	v5 =	vcvt.f32.s32 v5  }
0x5ae: {  	[tilespmem:s26+$0x0] =	vst v7;
	v7 =	vld.idx.msk [tilespmem:v13+s17+$0x0], $0xffff;
	v1 =	vcvt.f32.s32 v1  }
0x5af: {  	[tilespmem:s25+$0xFFFFFF80] =	vst v3;
	v3 =	vld.idx.msk [tilespmem:v12+s17+$0x0], $0xffff  }
0x5b0: {  	s31 =	sadd.s32 $0x200, s25;
	[tilespmem:s25+$0xFFFFFF00] =	vst v8;
	v6 =	vld.idx.msk [tilespmem:v15+s17+$0x0], $0xffff  }
0x5b1: {  	[tilespmem:s31+$0x80] =	vst v9;
	v2 =	vld.idx.msk [tilespmem:v2+s17+$0x0], $0xffff  }
0x5b2: {  	[tilespmem:s25+$0x0] =	vst v4;
	v4 =	vld.idx.msk [tilespmem:v10+s17+$0x0], $0xffff  }
0x5b3: {  	[tilespmem:s31+$0xFFFFFF80] =	vst v7;
	v5 =	vld.idx.msk [tilespmem:v5+s17+$0x0], $0xffff  }
0x5b4: {  	[tilespmem:s31+$0x0] =	vst v3;
	v1 =	vld.idx.msk [tilespmem:v1+s17+$0x0], $0xffff  }
0x5b5: {  	s30 =	sadd.s32 $0x200, s31;
	[tilespmem:s31+$0xFFFFFF00] =	vst v6  }
0x5b6: {  	[tilespmem:s30+$0x80] =	vst v2  }
0x5b7: {  	[tilespmem:s30+$0xFFFFFF00] =	vst v4  }
0x5b8: {  	[tilespmem:s30+$0xFFFFFF80] =	vst v5  }
0x5b9: {  	[tilespmem:s30+$0x0] =	vst v1  }
0x5ba: {  	v2 =	vld [tilespmem:$0x50];
	_ =	sdelay $0x6  }
0x5bb: {  	s31 =	simm.s32 $0x900;
	v1 =	vld [tilespmem:$0xD0]  }
0x5bc: {  	v3 =	vld.idx.msk [tilespmem:v2+s31+$0x180], $0xffff  }
0x5bd: {  	v4 =	vld.idx.msk [tilespmem:v2+s31+$0x80], $0xffff  }
0x5be: {  	v5 =	vld.idx.msk [tilespmem:v2+s31+$0x100], $0xffff  }
0x5bf: {  	s26 =	simm.s32 $0xB00;
	v6 =	vld.idx.msk [tilespmem:v2+s31+$0x0], $0xffff  }
0x5c0: {  	v7 =	vld.idx.msk [tilespmem:v2+s26+$0x180], $0xffff  }
0x5c1: {  	v8 =	vld.idx.msk [tilespmem:v2+s26+$0x80], $0xffff  }
0x5c2: {  	v1 =	vmul.f32 $-1.280000000e+02, v1;
	v9 =	vld.idx.msk [tilespmem:v2+s26+$0x100], $0xffff  }
0x5c3: {  	v10 =	vld.idx.msk [tilespmem:v2+s26+$0x0], $0xffff  }
0x5c4: {  	v1 =	vadd.f32 $1.024000000e+03, v1;
	v3 =	vmul.f32 $1.280000000e+02, v3;
	v4 =	vmul.f32 $1.280000000e+02, v4  }
0x5c5: {  	v5 =	vmul.f32 $1.280000000e+02, v5;
	v6 =	vmul.f32 $1.280000000e+02, v6  }
0x5c6: {  	v7 =	vmul.f32 $1.280000000e+02, v7;
	v8 =	vmul.f32 $1.280000000e+02, v8;
	v3 =	vadd.f32 v3, v1  }
0x5c7: {  	v9 =	vmul.f32 $1.280000000e+02, v9;
	v4 =	vadd.f32 v4, v1;
	v5 =	vadd.f32 v5, v1  }
0x5c8: {  	v10 =	vmul.f32 $1.280000000e+02, v10;
	v6 =	vadd.f32 v6, v1;
	v7 =	vadd.f32 v7, v1  }
0x5c9: {  	v8 =	vadd.f32 v8, v1;
	v9 =	vadd.f32 v9, v1;
	v3 =	vmax.f32 v3, $0.0e+00  }
0x5ca: {  	v4 =	vmax.f32 v4, $0.0e+00;
	v6 =	vmax.f32 v6, $0.0e+00;
	v3 =	vmin.f32 v3, $2.047000000e+03  }
0x5cb: {  	s30 =	simm.s32 $0xD00;
	v5 =	vmax.f32 v5, $0.0e+00;
	v6 =	vmin.f32 v6, $2.047000000e+03;
	v3 =	vtrunc.f32 v3  }
0x5cc: {  	v11 =	vld.idx.msk [tilespmem:v2+s30+$0x180], $0xffff;
	v4 =	vmin.f32 v4, $2.047000000e+03;
	v6 =	vtrunc.f32 v6;
	v3 =	vcvt.f32.s32 v3  }
0x5cd: {  	v13 =	vld.idx.msk [tilespmem:v2+s30+$0x100], $0xffff;
	v7 =	vmax.f32 v7, $0.0e+00;
	v4 =	vtrunc.f32 v4;
	v6 =	vcvt.f32.s32 v6  }
0x5ce: {  	v8 =	vmax.f32 v8, $0.0e+00;
	v5 =	vmin.f32 v5, $2.047000000e+03;
	v12 =	vcvt.f32.s32 v4;
	v4 =	vld.idx.msk [tilespmem:v2+s30+$0x80], $0xffff  }
0x5cf: {  	v9 =	vmax.f32 v9, $0.0e+00;
	v7 =	vmin.f32 v7, $2.047000000e+03;
	v5 =	vtrunc.f32 v5  }
0x5d0: {  	v8 =	vmin.f32 v8, $2.047000000e+03;
	v14 =	vcvt.f32.s32 v5;
	v5 =	vadd.f32 v10, v1  }
0x5d1: {  	v15 =	vld.idx.msk [tilespmem:v2+s30+$0x0], $0xffff;
	v9 =	vmin.f32 v9, $2.047000000e+03;
	v7 =	vtrunc.f32 v7;
	v8 =	vtrunc.f32 v8  }
0x5d2: {  	v7 =	vcvt.f32.s32 v7;
	v5 =	vmax.f32 v5, $0.0e+00;
	v16 =	vld.idx.msk [tilespmem:v3+s17+$0x0], $0xffff;
	v3 =	vmul.f32 $1.280000000e+02, v11  }
0x5d3: {  	s31 =	simm.s32 $0xF00;
	v5 =	vmin.f32 v5, $2.047000000e+03;
	v4 =	vmul.f32 $1.280000000e+02, v4;
	v17 =	vld.idx.msk [tilespmem:v6+s17+$0x0], $0xffff;
	v6 =	vmul.f32 $1.280000000e+02, v13  }
0x5d4: {  	v18 =	vld.idx.msk [tilespmem:v2+s31+$0x180], $0xffff;
	v9 =	vtrunc.f32 v9;
	v11 =	vadd.f32 v3, v1;
	v3 =	vtrunc.f32 v5  }
0x5d5: {  	v19 =	vld.idx.msk [tilespmem:v2+s31+$0x80], $0xffff;
	v4 =	vadd.f32 v4, v1;
	v6 =	vadd.f32 v6, v1;
	v20 =	vcvt.f32.s32 v3  }
0x5d6: {  	v10 =	vld.idx.msk [tilespmem:v2+s31+$0x100], $0xffff;
	v3 =	vcvt.f32.s32 v8;
	v8 =	vmul.f32 $1.280000000e+02, v15;
	v5 =	vmax.f32 v11, $0.0e+00  }
0x5d7: {  	v13 =	vmax.f32 v4, $0.0e+00;
	v4 =	vcvt.f32.s32 v9;
	v11 =	vld.idx.msk [tilespmem:v2+s31+$0x0], $0xffff;
	v15 =	vmin.f32 v5, $2.047000000e+03  }
0x5d8: {  	v6 =	vmax.f32 v6, $0.0e+00;
	v5 =	vld.idx.msk [tilespmem:v7+s17+$0x0], $0xffff;
	v7 =	vadd.f32 v8, v1;
	v8 =	vtrunc.f32 v15  }
0x5d9: {  	s25 =	simm.s32 $0x8A50;
	v13 =	vmin.f32 v13, $2.047000000e+03;
	v21 =	vmin.f32 v6, $2.047000000e+03;
	v6 =	vld.idx.msk [tilespmem:v12+s17+$0x0], $0xffff;
	v9 =	vcvt.f32.s32 v8  }
0x5da: {  	[tilespmem:s25+$0x80] =	vst v16;
	v13 =	vtrunc.f32 v13;
	v15 =	vmul.f32 $1.280000000e+02, v18;
	v8 =	vmax.f32 v7, $0.0e+00;
	v7 =	vld.idx.msk [tilespmem:v14+s17+$0x0], $0xffff  }
0x5db: {  	s28 =	simm.s32 $0xC;
	s29 =	simm.s32 $0x1100;
	s26 =	simm.s32 $0x8A50;
	[tilespmem:s25+$0xFFFFFF00] =	vst v17;
	v12 =	vtrunc.f32 v21;
	v14 =	vmul.f32 $1.280000000e+02, v19;
	v16 =	vmin.f32 v8, $2.047000000e+03;
	v8 =	vld.idx.msk [tilespmem:v20+s17+$0x0], $0xffff  }
.LBB2_47:
0x5dc: {  	v17 =	vld.idx.msk [tilespmem:v2+s29+$0x180], $0xffff;
	s28 =	sadd.s32 $0x4, s28;
	v18 =	vmul.f32 $1.280000000e+02, v10;
	v15 =	vadd.f32 v15, v1;
	v10 =	vtrunc.f32 v16;
	s25 =	sadd.s32 $0x200, s25  }
0x5dd: {  	v13 =	vcvt.f32.s32 v13;
	v16 =	vld.idx.msk [tilespmem:v2+s29+$0x80], $0xffff;
	p0 =	slt.u32 s28, $0x7C;
	v14 =	vadd.f32 v14, v1;
	v19 =	vcvt.f32.s32 v10;
	[tilespmem:s25+$0x80] =	vst v5  }
0x5de: {  	v20 =	vmul.f32 $1.280000000e+02, v11;
	v10 =	vld.idx.msk [tilespmem:v2+s29+$0x100], $0xffff;
	v18 =	vadd.f32 v18, v1;
	v5 =	vmax.f32 v15, $0.0e+00  }
.Ltmp24:
0x5df: {  	v12 =	vcvt.f32.s32 v12;
	v14 =	vmax.f32 v14, $0.0e+00;
	v15 =	vmin.f32 v5, $2.047000000e+03;
	v5 =	vld.idx.msk [tilespmem:v9+s17+$0x0], $0xffff;
	[tilespmem:s26+$0xFFFFFF80] =	vst v6;
	(pc) =	sbr.rel @p0 .LBB2_47-.Ltmp24, $4  }
0x5e0: {  	v20 =	vadd.f32 v20, v1;
	v11 =	vld.idx.msk [tilespmem:v2+s29+$0x0], $0xffff;
	v6 =	vmax.f32 v18, $0.0e+00;
	v9 =	vtrunc.f32 v15;
	[tilespmem:s26+$0x0] =	vst v7;
	s26 =	smov.u32 s25  }
0x5e1: {  	v7 =	vmin.f32 v14, $2.047000000e+03;
	v18 =	vmin.f32 v6, $2.047000000e+03;
	v9 =	vcvt.f32.s32 v9;
	[tilespmem:s25+$0xFFFFFF00] =	vst v8;
	v6 =	vld.idx.msk [tilespmem:v3+s17+$0x0], $0xffff;
	v3 =	vmovc v13  }
0x5e2: {  	v15 =	vmul.f32 $1.280000000e+02, v17;
	v8 =	vmax.f32 v20, $0.0e+00;
	v13 =	vtrunc.f32 v7;
	v7 =	vld.idx.msk [tilespmem:v4+s17+$0x0], $0xffff;
	v4 =	vmovc v12  }
0x5e3: {  	s29 =	sadd.s32 $0x200, s29;
	v14 =	vmul.f32 $1.280000000e+02, v16;
	v16 =	vmin.f32 v8, $2.047000000e+03;
	v12 =	vtrunc.f32 v18;
	v8 =	vld.idx.msk [tilespmem:v19+s17+$0x0], $0xffff  }
0x5e4: {  	_ = 	snop  }
0x5e5: {  	v2 =	vadd.f32 v15, v1;
	v10 =	vmul.f32 $1.280000000e+02, v10;
	v11 =	vmul.f32 $1.280000000e+02, v11  }
0x5e6: {  	v15 =	vtrunc.f32 v16;
	v13 =	vcvt.f32.s32 v13  }
0x5e7: {  	v12 =	vcvt.f32.s32 v12;
	v2 =	vmax.f32 v2, $0.0e+00;
	v11 =	vadd.f32 v11, v1  }
0x5e8: {  	v15 =	vcvt.f32.s32 v15;
	v14 =	vadd.f32 v14, v1;
	v2 =	vmin.f32 v2, $2.047000000e+03  }
0x5e9: {  	v1 =	vadd.f32 v10, v1;
	v2 =	vtrunc.f32 v2;
	v10 =	vmax.f32 v11, $0.0e+00  }
0x5ea: {  	v3 =	vld.idx.msk [tilespmem:v3+s17+$0x0], $0xffff;
	v2 =	vcvt.f32.s32 v2;
	v11 =	vmax.f32 v14, $0.0e+00;
	v10 =	vmin.f32 v10, $2.047000000e+03  }
0x5eb: {  	s25 =	sadd.s32 $0x200, s25;
	v1 =	vmax.f32 v1, $0.0e+00;
	v11 =	vmin.f32 v11, $2.047000000e+03;
	v10 =	vtrunc.f32 v10  }
0x5ec: {  	v9 =	vld.idx.msk [tilespmem:v9+s17+$0x0], $0xffff;
	[tilespmem:s25+$0x80] =	vst v5;
	v1 =	vmin.f32 v1, $2.047000000e+03;
	v5 =	vtrunc.f32 v11;
	v10 =	vcvt.f32.s32 v10  }
0x5ed: {  	v4 =	vld.idx.msk [tilespmem:v4+s17+$0x0], $0xffff;
	[tilespmem:s26+$0xFFFFFF80] =	vst v6;
	v1 =	vtrunc.f32 v1;
	v5 =	vcvt.f32.s32 v5  }
0x5ee: {  	[tilespmem:s26+$0x0] =	vst v7;
	v7 =	vld.idx.msk [tilespmem:v13+s17+$0x0], $0xffff;
	v1 =	vcvt.f32.s32 v1  }
0x5ef: {  	[tilespmem:s25+$0xFFFFFF80] =	vst v3;
	v3 =	vld.idx.msk [tilespmem:v12+s17+$0x0], $0xffff  }
0x5f0: {  	s31 =	sadd.s32 $0x200, s25;
	[tilespmem:s25+$0xFFFFFF00] =	vst v8;
	v6 =	vld.idx.msk [tilespmem:v15+s17+$0x0], $0xffff  }
0x5f1: {  	[tilespmem:s31+$0x80] =	vst v9;
	v2 =	vld.idx.msk [tilespmem:v2+s17+$0x0], $0xffff  }
0x5f2: {  	[tilespmem:s25+$0x0] =	vst v4;
	v4 =	vld.idx.msk [tilespmem:v10+s17+$0x0], $0xffff  }
0x5f3: {  	[tilespmem:s31+$0xFFFFFF80] =	vst v7;
	v5 =	vld.idx.msk [tilespmem:v5+s17+$0x0], $0xffff  }
0x5f4: {  	[tilespmem:s31+$0x0] =	vst v3;
	v1 =	vld.idx.msk [tilespmem:v1+s17+$0x0], $0xffff  }
0x5f5: {  	s30 =	sadd.s32 $0x200, s31;
	[tilespmem:s31+$0xFFFFFF00] =	vst v6  }
0x5f6: {  	[tilespmem:s30+$0x80] =	vst v2  }
0x5f7: {  	[tilespmem:s30+$0xFFFFFF00] =	vst v4  }
0x5f8: {  	[tilespmem:s30+$0xFFFFFF80] =	vst v5  }
0x5f9: {  	[tilespmem:s30+$0x0] =	vst v1  }
0x5fa: {  	v2 =	vld [tilespmem:$0x60];
	_ =	sdelay $0x6  }
0x5fb: {  	s31 =	simm.s32 $0x900;
	v1 =	vld [tilespmem:$0xE0]  }
0x5fc: {  	v3 =	vld.idx.msk [tilespmem:v2+s31+$0x180], $0xffff  }
0x5fd: {  	v4 =	vld.idx.msk [tilespmem:v2+s31+$0x80], $0xffff  }
0x5fe: {  	v5 =	vld.idx.msk [tilespmem:v2+s31+$0x100], $0xffff  }
0x5ff: {  	s26 =	simm.s32 $0xB00;
	v6 =	vld.idx.msk [tilespmem:v2+s31+$0x0], $0xffff  }
0x600: {  	v7 =	vld.idx.msk [tilespmem:v2+s26+$0x180], $0xffff  }
0x601: {  	v8 =	vld.idx.msk [tilespmem:v2+s26+$0x80], $0xffff  }
0x602: {  	v1 =	vmul.f32 $-1.280000000e+02, v1;
	v9 =	vld.idx.msk [tilespmem:v2+s26+$0x100], $0xffff  }
0x603: {  	v10 =	vld.idx.msk [tilespmem:v2+s26+$0x0], $0xffff  }
0x604: {  	v1 =	vadd.f32 $1.024000000e+03, v1;
	v3 =	vmul.f32 $1.280000000e+02, v3;
	v4 =	vmul.f32 $1.280000000e+02, v4  }
0x605: {  	v5 =	vmul.f32 $1.280000000e+02, v5;
	v6 =	vmul.f32 $1.280000000e+02, v6  }
0x606: {  	v7 =	vmul.f32 $1.280000000e+02, v7;
	v8 =	vmul.f32 $1.280000000e+02, v8;
	v3 =	vadd.f32 v3, v1  }
0x607: {  	v9 =	vmul.f32 $1.280000000e+02, v9;
	v4 =	vadd.f32 v4, v1;
	v5 =	vadd.f32 v5, v1  }
0x608: {  	v10 =	vmul.f32 $1.280000000e+02, v10;
	v6 =	vadd.f32 v6, v1;
	v7 =	vadd.f32 v7, v1  }
0x609: {  	v8 =	vadd.f32 v8, v1;
	v9 =	vadd.f32 v9, v1;
	v3 =	vmax.f32 v3, $0.0e+00  }
0x60a: {  	v4 =	vmax.f32 v4, $0.0e+00;
	v6 =	vmax.f32 v6, $0.0e+00;
	v3 =	vmin.f32 v3, $2.047000000e+03  }
0x60b: {  	s30 =	simm.s32 $0xD00;
	v5 =	vmax.f32 v5, $0.0e+00;
	v6 =	vmin.f32 v6, $2.047000000e+03;
	v3 =	vtrunc.f32 v3  }
0x60c: {  	v11 =	vld.idx.msk [tilespmem:v2+s30+$0x180], $0xffff;
	v4 =	vmin.f32 v4, $2.047000000e+03;
	v6 =	vtrunc.f32 v6;
	v3 =	vcvt.f32.s32 v3  }
0x60d: {  	v13 =	vld.idx.msk [tilespmem:v2+s30+$0x100], $0xffff;
	v7 =	vmax.f32 v7, $0.0e+00;
	v4 =	vtrunc.f32 v4;
	v6 =	vcvt.f32.s32 v6  }
0x60e: {  	v8 =	vmax.f32 v8, $0.0e+00;
	v5 =	vmin.f32 v5, $2.047000000e+03;
	v12 =	vcvt.f32.s32 v4;
	v4 =	vld.idx.msk [tilespmem:v2+s30+$0x80], $0xffff  }
0x60f: {  	v9 =	vmax.f32 v9, $0.0e+00;
	v7 =	vmin.f32 v7, $2.047000000e+03;
	v5 =	vtrunc.f32 v5  }
0x610: {  	v8 =	vmin.f32 v8, $2.047000000e+03;
	v14 =	vcvt.f32.s32 v5;
	v5 =	vadd.f32 v10, v1  }
0x611: {  	v15 =	vld.idx.msk [tilespmem:v2+s30+$0x0], $0xffff;
	v9 =	vmin.f32 v9, $2.047000000e+03;
	v7 =	vtrunc.f32 v7;
	v8 =	vtrunc.f32 v8  }
0x612: {  	v7 =	vcvt.f32.s32 v7;
	v5 =	vmax.f32 v5, $0.0e+00;
	v16 =	vld.idx.msk [tilespmem:v3+s17+$0x0], $0xffff;
	v3 =	vmul.f32 $1.280000000e+02, v11  }
0x613: {  	s31 =	simm.s32 $0xF00;
	v5 =	vmin.f32 v5, $2.047000000e+03;
	v4 =	vmul.f32 $1.280000000e+02, v4;
	v17 =	vld.idx.msk [tilespmem:v6+s17+$0x0], $0xffff;
	v6 =	vmul.f32 $1.280000000e+02, v13  }
0x614: {  	v18 =	vld.idx.msk [tilespmem:v2+s31+$0x180], $0xffff;
	v9 =	vtrunc.f32 v9;
	v11 =	vadd.f32 v3, v1;
	v3 =	vtrunc.f32 v5  }
0x615: {  	v19 =	vld.idx.msk [tilespmem:v2+s31+$0x80], $0xffff;
	v4 =	vadd.f32 v4, v1;
	v6 =	vadd.f32 v6, v1;
	v20 =	vcvt.f32.s32 v3  }
0x616: {  	v10 =	vld.idx.msk [tilespmem:v2+s31+$0x100], $0xffff;
	v3 =	vcvt.f32.s32 v8;
	v8 =	vmul.f32 $1.280000000e+02, v15;
	v5 =	vmax.f32 v11, $0.0e+00  }
0x617: {  	v13 =	vmax.f32 v4, $0.0e+00;
	v4 =	vcvt.f32.s32 v9;
	v11 =	vld.idx.msk [tilespmem:v2+s31+$0x0], $0xffff;
	v15 =	vmin.f32 v5, $2.047000000e+03  }
0x618: {  	v6 =	vmax.f32 v6, $0.0e+00;
	v5 =	vld.idx.msk [tilespmem:v7+s17+$0x0], $0xffff;
	v7 =	vadd.f32 v8, v1;
	v8 =	vtrunc.f32 v15  }
0x619: {  	s25 =	simm.s32 $0x8A60;
	v13 =	vmin.f32 v13, $2.047000000e+03;
	v21 =	vmin.f32 v6, $2.047000000e+03;
	v6 =	vld.idx.msk [tilespmem:v12+s17+$0x0], $0xffff;
	v9 =	vcvt.f32.s32 v8  }
0x61a: {  	[tilespmem:s25+$0x80] =	vst v16;
	v13 =	vtrunc.f32 v13;
	v15 =	vmul.f32 $1.280000000e+02, v18;
	v8 =	vmax.f32 v7, $0.0e+00;
	v7 =	vld.idx.msk [tilespmem:v14+s17+$0x0], $0xffff  }
0x61b: {  	s28 =	simm.s32 $0xC;
	s29 =	simm.s32 $0x1100;
	s26 =	simm.s32 $0x8A60;
	[tilespmem:s25+$0xFFFFFF00] =	vst v17;
	v12 =	vtrunc.f32 v21;
	v14 =	vmul.f32 $1.280000000e+02, v19;
	v16 =	vmin.f32 v8, $2.047000000e+03;
	v8 =	vld.idx.msk [tilespmem:v20+s17+$0x0], $0xffff  }
.LBB2_49:
0x61c: {  	v17 =	vld.idx.msk [tilespmem:v2+s29+$0x180], $0xffff;
	s28 =	sadd.s32 $0x4, s28;
	v18 =	vmul.f32 $1.280000000e+02, v10;
	v15 =	vadd.f32 v15, v1;
	v10 =	vtrunc.f32 v16;
	s25 =	sadd.s32 $0x200, s25  }
0x61d: {  	v13 =	vcvt.f32.s32 v13;
	v16 =	vld.idx.msk [tilespmem:v2+s29+$0x80], $0xffff;
	p0 =	slt.u32 s28, $0x7C;
	v14 =	vadd.f32 v14, v1;
	v19 =	vcvt.f32.s32 v10;
	[tilespmem:s25+$0x80] =	vst v5  }
0x61e: {  	v20 =	vmul.f32 $1.280000000e+02, v11;
	v10 =	vld.idx.msk [tilespmem:v2+s29+$0x100], $0xffff;
	v18 =	vadd.f32 v18, v1;
	v5 =	vmax.f32 v15, $0.0e+00  }
.Ltmp25:
0x61f: {  	v12 =	vcvt.f32.s32 v12;
	v14 =	vmax.f32 v14, $0.0e+00;
	v15 =	vmin.f32 v5, $2.047000000e+03;
	v5 =	vld.idx.msk [tilespmem:v9+s17+$0x0], $0xffff;
	[tilespmem:s26+$0xFFFFFF80] =	vst v6;
	(pc) =	sbr.rel @p0 .LBB2_49-.Ltmp25, $4  }
0x620: {  	v20 =	vadd.f32 v20, v1;
	v11 =	vld.idx.msk [tilespmem:v2+s29+$0x0], $0xffff;
	v6 =	vmax.f32 v18, $0.0e+00;
	v9 =	vtrunc.f32 v15;
	[tilespmem:s26+$0x0] =	vst v7;
	s26 =	smov.u32 s25  }
0x621: {  	v7 =	vmin.f32 v14, $2.047000000e+03;
	v18 =	vmin.f32 v6, $2.047000000e+03;
	v9 =	vcvt.f32.s32 v9;
	[tilespmem:s25+$0xFFFFFF00] =	vst v8;
	v6 =	vld.idx.msk [tilespmem:v3+s17+$0x0], $0xffff;
	v3 =	vmovc v13  }
0x622: {  	v15 =	vmul.f32 $1.280000000e+02, v17;
	v8 =	vmax.f32 v20, $0.0e+00;
	v13 =	vtrunc.f32 v7;
	v7 =	vld.idx.msk [tilespmem:v4+s17+$0x0], $0xffff;
	v4 =	vmovc v12  }
0x623: {  	s29 =	sadd.s32 $0x200, s29;
	v14 =	vmul.f32 $1.280000000e+02, v16;
	v16 =	vmin.f32 v8, $2.047000000e+03;
	v12 =	vtrunc.f32 v18;
	v8 =	vld.idx.msk [tilespmem:v19+s17+$0x0], $0xffff  }
0x624: {  	_ = 	snop  }
0x625: {  	v2 =	vadd.f32 v15, v1;
	v10 =	vmul.f32 $1.280000000e+02, v10;
	v11 =	vmul.f32 $1.280000000e+02, v11  }
0x626: {  	v15 =	vtrunc.f32 v16;
	v13 =	vcvt.f32.s32 v13  }
0x627: {  	v12 =	vcvt.f32.s32 v12;
	v2 =	vmax.f32 v2, $0.0e+00;
	v11 =	vadd.f32 v11, v1  }
0x628: {  	v15 =	vcvt.f32.s32 v15;
	v14 =	vadd.f32 v14, v1;
	v2 =	vmin.f32 v2, $2.047000000e+03  }
0x629: {  	v1 =	vadd.f32 v10, v1;
	v2 =	vtrunc.f32 v2;
	v10 =	vmax.f32 v11, $0.0e+00  }
0x62a: {  	v3 =	vld.idx.msk [tilespmem:v3+s17+$0x0], $0xffff;
	v2 =	vcvt.f32.s32 v2;
	v11 =	vmax.f32 v14, $0.0e+00;
	v10 =	vmin.f32 v10, $2.047000000e+03  }
0x62b: {  	s25 =	sadd.s32 $0x200, s25;
	v1 =	vmax.f32 v1, $0.0e+00;
	v11 =	vmin.f32 v11, $2.047000000e+03;
	v10 =	vtrunc.f32 v10  }
0x62c: {  	v9 =	vld.idx.msk [tilespmem:v9+s17+$0x0], $0xffff;
	[tilespmem:s25+$0x80] =	vst v5;
	v1 =	vmin.f32 v1, $2.047000000e+03;
	v5 =	vtrunc.f32 v11;
	v10 =	vcvt.f32.s32 v10  }
0x62d: {  	v4 =	vld.idx.msk [tilespmem:v4+s17+$0x0], $0xffff;
	[tilespmem:s26+$0xFFFFFF80] =	vst v6;
	v1 =	vtrunc.f32 v1;
	v5 =	vcvt.f32.s32 v5  }
0x62e: {  	[tilespmem:s26+$0x0] =	vst v7;
	v7 =	vld.idx.msk [tilespmem:v13+s17+$0x0], $0xffff;
	v1 =	vcvt.f32.s32 v1  }
0x62f: {  	[tilespmem:s25+$0xFFFFFF80] =	vst v3;
	v3 =	vld.idx.msk [tilespmem:v12+s17+$0x0], $0xffff  }
0x630: {  	s31 =	sadd.s32 $0x200, s25;
	[tilespmem:s25+$0xFFFFFF00] =	vst v8;
	v6 =	vld.idx.msk [tilespmem:v15+s17+$0x0], $0xffff  }
0x631: {  	[tilespmem:s31+$0x80] =	vst v9;
	v2 =	vld.idx.msk [tilespmem:v2+s17+$0x0], $0xffff  }
0x632: {  	[tilespmem:s25+$0x0] =	vst v4;
	v4 =	vld.idx.msk [tilespmem:v10+s17+$0x0], $0xffff  }
0x633: {  	[tilespmem:s31+$0xFFFFFF80] =	vst v7;
	v5 =	vld.idx.msk [tilespmem:v5+s17+$0x0], $0xffff  }
0x634: {  	[tilespmem:s31+$0x0] =	vst v3;
	v1 =	vld.idx.msk [tilespmem:v1+s17+$0x0], $0xffff  }
0x635: {  	s30 =	sadd.s32 $0x200, s31;
	[tilespmem:s31+$0xFFFFFF00] =	vst v6  }
0x636: {  	[tilespmem:s30+$0x80] =	vst v2  }
0x637: {  	[tilespmem:s30+$0xFFFFFF00] =	vst v4  }
0x638: {  	[tilespmem:s30+$0xFFFFFF80] =	vst v5  }
0x639: {  	[tilespmem:s30+$0x0] =	vst v1  }
0x63a: {  	v2 =	vld [tilespmem:$0x70];
	_ =	sdelay $0x6  }
0x63b: {  	s31 =	simm.s32 $0x900;
	v1 =	vld [tilespmem:$0xF0]  }
0x63c: {  	v3 =	vld.idx.msk [tilespmem:v2+s31+$0x180], $0xffff  }
0x63d: {  	v4 =	vld.idx.msk [tilespmem:v2+s31+$0x80], $0xffff  }
0x63e: {  	v5 =	vld.idx.msk [tilespmem:v2+s31+$0x100], $0xffff  }
0x63f: {  	s26 =	simm.s32 $0xB00;
	v6 =	vld.idx.msk [tilespmem:v2+s31+$0x0], $0xffff  }
0x640: {  	v7 =	vld.idx.msk [tilespmem:v2+s26+$0x180], $0xffff  }
0x641: {  	v8 =	vld.idx.msk [tilespmem:v2+s26+$0x80], $0xffff  }
0x642: {  	v1 =	vmul.f32 $-1.280000000e+02, v1;
	v9 =	vld.idx.msk [tilespmem:v2+s26+$0x100], $0xffff  }
0x643: {  	v10 =	vld.idx.msk [tilespmem:v2+s26+$0x0], $0xffff  }
0x644: {  	v1 =	vadd.f32 $1.024000000e+03, v1;
	v3 =	vmul.f32 $1.280000000e+02, v3;
	v4 =	vmul.f32 $1.280000000e+02, v4  }
0x645: {  	v5 =	vmul.f32 $1.280000000e+02, v5;
	v6 =	vmul.f32 $1.280000000e+02, v6  }
0x646: {  	v7 =	vmul.f32 $1.280000000e+02, v7;
	v8 =	vmul.f32 $1.280000000e+02, v8;
	v3 =	vadd.f32 v3, v1  }
0x647: {  	v9 =	vmul.f32 $1.280000000e+02, v9;
	v4 =	vadd.f32 v4, v1;
	v5 =	vadd.f32 v5, v1  }
0x648: {  	v10 =	vmul.f32 $1.280000000e+02, v10;
	v6 =	vadd.f32 v6, v1;
	v7 =	vadd.f32 v7, v1  }
0x649: {  	v8 =	vadd.f32 v8, v1;
	v9 =	vadd.f32 v9, v1;
	v3 =	vmax.f32 v3, $0.0e+00  }
0x64a: {  	v4 =	vmax.f32 v4, $0.0e+00;
	v6 =	vmax.f32 v6, $0.0e+00;
	v3 =	vmin.f32 v3, $2.047000000e+03  }
0x64b: {  	s30 =	simm.s32 $0xD00;
	v5 =	vmax.f32 v5, $0.0e+00;
	v6 =	vmin.f32 v6, $2.047000000e+03;
	v3 =	vtrunc.f32 v3  }
0x64c: {  	v11 =	vld.idx.msk [tilespmem:v2+s30+$0x180], $0xffff;
	v4 =	vmin.f32 v4, $2.047000000e+03;
	v6 =	vtrunc.f32 v6;
	v3 =	vcvt.f32.s32 v3  }
0x64d: {  	v13 =	vld.idx.msk [tilespmem:v2+s30+$0x100], $0xffff;
	v7 =	vmax.f32 v7, $0.0e+00;
	v4 =	vtrunc.f32 v4;
	v6 =	vcvt.f32.s32 v6  }
0x64e: {  	v8 =	vmax.f32 v8, $0.0e+00;
	v5 =	vmin.f32 v5, $2.047000000e+03;
	v12 =	vcvt.f32.s32 v4;
	v4 =	vld.idx.msk [tilespmem:v2+s30+$0x80], $0xffff  }
0x64f: {  	v9 =	vmax.f32 v9, $0.0e+00;
	v7 =	vmin.f32 v7, $2.047000000e+03;
	v5 =	vtrunc.f32 v5  }
0x650: {  	v8 =	vmin.f32 v8, $2.047000000e+03;
	v14 =	vcvt.f32.s32 v5;
	v5 =	vadd.f32 v10, v1  }
0x651: {  	v15 =	vld.idx.msk [tilespmem:v2+s30+$0x0], $0xffff;
	v9 =	vmin.f32 v9, $2.047000000e+03;
	v7 =	vtrunc.f32 v7;
	v8 =	vtrunc.f32 v8  }
0x652: {  	v7 =	vcvt.f32.s32 v7;
	v5 =	vmax.f32 v5, $0.0e+00;
	v16 =	vld.idx.msk [tilespmem:v3+s17+$0x0], $0xffff;
	v3 =	vmul.f32 $1.280000000e+02, v11  }
0x653: {  	s31 =	simm.s32 $0xF00;
	v5 =	vmin.f32 v5, $2.047000000e+03;
	v4 =	vmul.f32 $1.280000000e+02, v4;
	v17 =	vld.idx.msk [tilespmem:v6+s17+$0x0], $0xffff;
	v6 =	vmul.f32 $1.280000000e+02, v13  }
0x654: {  	v18 =	vld.idx.msk [tilespmem:v2+s31+$0x180], $0xffff;
	v9 =	vtrunc.f32 v9;
	v11 =	vadd.f32 v3, v1;
	v3 =	vtrunc.f32 v5  }
0x655: {  	v19 =	vld.idx.msk [tilespmem:v2+s31+$0x80], $0xffff;
	v4 =	vadd.f32 v4, v1;
	v6 =	vadd.f32 v6, v1;
	v20 =	vcvt.f32.s32 v3  }
0x656: {  	v10 =	vld.idx.msk [tilespmem:v2+s31+$0x100], $0xffff;
	v3 =	vcvt.f32.s32 v8;
	v8 =	vmul.f32 $1.280000000e+02, v15;
	v5 =	vmax.f32 v11, $0.0e+00  }
0x657: {  	v13 =	vmax.f32 v4, $0.0e+00;
	v4 =	vcvt.f32.s32 v9;
	v11 =	vld.idx.msk [tilespmem:v2+s31+$0x0], $0xffff;
	v15 =	vmin.f32 v5, $2.047000000e+03  }
0x658: {  	v6 =	vmax.f32 v6, $0.0e+00;
	v5 =	vld.idx.msk [tilespmem:v7+s17+$0x0], $0xffff;
	v7 =	vadd.f32 v8, v1;
	v8 =	vtrunc.f32 v15  }
0x659: {  	s25 =	simm.s32 $0x8A70;
	v13 =	vmin.f32 v13, $2.047000000e+03;
	v21 =	vmin.f32 v6, $2.047000000e+03;
	v6 =	vld.idx.msk [tilespmem:v12+s17+$0x0], $0xffff;
	v9 =	vcvt.f32.s32 v8  }
0x65a: {  	[tilespmem:s25+$0x80] =	vst v16;
	v13 =	vtrunc.f32 v13;
	v15 =	vmul.f32 $1.280000000e+02, v18;
	v8 =	vmax.f32 v7, $0.0e+00;
	v7 =	vld.idx.msk [tilespmem:v14+s17+$0x0], $0xffff  }
0x65b: {  	s28 =	simm.s32 $0xC;
	s29 =	simm.s32 $0x1100;
	s26 =	simm.s32 $0x8A70;
	[tilespmem:s25+$0xFFFFFF00] =	vst v17;
	v12 =	vtrunc.f32 v21;
	v14 =	vmul.f32 $1.280000000e+02, v19;
	v16 =	vmin.f32 v8, $2.047000000e+03;
	v8 =	vld.idx.msk [tilespmem:v20+s17+$0x0], $0xffff  }
.LBB2_51:
0x65c: {  	v17 =	vld.idx.msk [tilespmem:v2+s29+$0x180], $0xffff;
	s28 =	sadd.s32 $0x4, s28;
	v18 =	vmul.f32 $1.280000000e+02, v10;
	v15 =	vadd.f32 v15, v1;
	v10 =	vtrunc.f32 v16;
	s25 =	sadd.s32 $0x200, s25  }
0x65d: {  	v13 =	vcvt.f32.s32 v13;
	v16 =	vld.idx.msk [tilespmem:v2+s29+$0x80], $0xffff;
	p0 =	slt.u32 s28, $0x7C;
	v14 =	vadd.f32 v14, v1;
	v19 =	vcvt.f32.s32 v10;
	[tilespmem:s25+$0x80] =	vst v5  }
0x65e: {  	v20 =	vmul.f32 $1.280000000e+02, v11;
	v10 =	vld.idx.msk [tilespmem:v2+s29+$0x100], $0xffff;
	v18 =	vadd.f32 v18, v1;
	v5 =	vmax.f32 v15, $0.0e+00  }
.Ltmp26:
0x65f: {  	v12 =	vcvt.f32.s32 v12;
	v14 =	vmax.f32 v14, $0.0e+00;
	v15 =	vmin.f32 v5, $2.047000000e+03;
	v5 =	vld.idx.msk [tilespmem:v9+s17+$0x0], $0xffff;
	[tilespmem:s26+$0xFFFFFF80] =	vst v6;
	(pc) =	sbr.rel @p0 .LBB2_51-.Ltmp26, $4  }
0x660: {  	v20 =	vadd.f32 v20, v1;
	v11 =	vld.idx.msk [tilespmem:v2+s29+$0x0], $0xffff;
	v6 =	vmax.f32 v18, $0.0e+00;
	v9 =	vtrunc.f32 v15;
	[tilespmem:s26+$0x0] =	vst v7;
	s26 =	smov.u32 s25  }
0x661: {  	v7 =	vmin.f32 v14, $2.047000000e+03;
	v18 =	vmin.f32 v6, $2.047000000e+03;
	v9 =	vcvt.f32.s32 v9;
	[tilespmem:s25+$0xFFFFFF00] =	vst v8;
	v6 =	vld.idx.msk [tilespmem:v3+s17+$0x0], $0xffff;
	v3 =	vmovc v13  }
0x662: {  	v15 =	vmul.f32 $1.280000000e+02, v17;
	v8 =	vmax.f32 v20, $0.0e+00;
	v13 =	vtrunc.f32 v7;
	v7 =	vld.idx.msk [tilespmem:v4+s17+$0x0], $0xffff;
	v4 =	vmovc v12  }
0x663: {  	s29 =	sadd.s32 $0x200, s29;
	v14 =	vmul.f32 $1.280000000e+02, v16;
	v16 =	vmin.f32 v8, $2.047000000e+03;
	v12 =	vtrunc.f32 v18;
	v8 =	vld.idx.msk [tilespmem:v19+s17+$0x0], $0xffff  }
0x664: {  	_ = 	snop  }
0x665: {  	v2 =	vadd.f32 v15, v1;
	v10 =	vmul.f32 $1.280000000e+02, v10;
	v11 =	vmul.f32 $1.280000000e+02, v11  }
0x666: {  	v15 =	vtrunc.f32 v16;
	v13 =	vcvt.f32.s32 v13  }
0x667: {  	v12 =	vcvt.f32.s32 v12;
	v2 =	vmax.f32 v2, $0.0e+00;
	v11 =	vadd.f32 v11, v1  }
0x668: {  	v15 =	vcvt.f32.s32 v15;
	v14 =	vadd.f32 v14, v1;
	v2 =	vmin.f32 v2, $2.047000000e+03  }
0x669: {  	v1 =	vadd.f32 v10, v1;
	v2 =	vtrunc.f32 v2;
	v10 =	vmax.f32 v11, $0.0e+00  }
0x66a: {  	v3 =	vld.idx.msk [tilespmem:v3+s17+$0x0], $0xffff;
	v2 =	vcvt.f32.s32 v2;
	v11 =	vmax.f32 v14, $0.0e+00;
	v10 =	vmin.f32 v10, $2.047000000e+03  }
0x66b: {  	s25 =	sadd.s32 $0x200, s25;
	v1 =	vmax.f32 v1, $0.0e+00;
	v11 =	vmin.f32 v11, $2.047000000e+03;
	v10 =	vtrunc.f32 v10  }
0x66c: {  	v9 =	vld.idx.msk [tilespmem:v9+s17+$0x0], $0xffff;
	[tilespmem:s25+$0x80] =	vst v5;
	v1 =	vmin.f32 v1, $2.047000000e+03;
	v5 =	vtrunc.f32 v11;
	v10 =	vcvt.f32.s32 v10  }
0x66d: {  	v4 =	vld.idx.msk [tilespmem:v4+s17+$0x0], $0xffff;
	[tilespmem:s26+$0xFFFFFF80] =	vst v6;
	v1 =	vtrunc.f32 v1;
	v5 =	vcvt.f32.s32 v5  }
0x66e: {  	[tilespmem:s26+$0x0] =	vst v7;
	v7 =	vld.idx.msk [tilespmem:v13+s17+$0x0], $0xffff;
	v1 =	vcvt.f32.s32 v1  }
0x66f: {  	[tilespmem:s25+$0xFFFFFF80] =	vst v3;
	v3 =	vld.idx.msk [tilespmem:v12+s17+$0x0], $0xffff  }
0x670: {  	s31 =	sadd.s32 $0x200, s25;
	[tilespmem:s25+$0xFFFFFF00] =	vst v8;
	v6 =	vld.idx.msk [tilespmem:v15+s17+$0x0], $0xffff  }
0x671: {  	[tilespmem:s31+$0x80] =	vst v9;
	v2 =	vld.idx.msk [tilespmem:v2+s17+$0x0], $0xffff  }
0x672: {  	[tilespmem:s25+$0x0] =	vst v4;
	v4 =	vld.idx.msk [tilespmem:v10+s17+$0x0], $0xffff  }
0x673: {  	[tilespmem:s31+$0xFFFFFF80] =	vst v7;
	v5 =	vld.idx.msk [tilespmem:v5+s17+$0x0], $0xffff  }
0x674: {  	[tilespmem:s31+$0x0] =	vst v3;
	v1 =	vld.idx.msk [tilespmem:v1+s17+$0x0], $0xffff  }
0x675: {  	s28 =	sadd.s32 $0x200, s31;
	[tilespmem:s31+$0xFFFFFF00] =	vst v6  }
0x676: {  	[tilespmem:s28+$0x80] =	vst v2  }
0x677: {  	[tilespmem:s28+$0xFFFFFF00] =	vst v4  }
0x678: {  	s25 =	sshll.u32 s24, $0xC;
	[tilespmem:s28+$0xFFFFFF80] =	vst v5  }
0x679: {  	p0 =	seq.s32 s24, $0x7;
	s31 =	sadd.s32 s25, s7;
	[tilespmem:s28+$0x0] =	vst v1  }
0x67a: {  	[hbm4b:s31+s3] =	stream.linear.scatter [tilespmem:s18], [sflag:$0x3], $0x4000, $0x38;
	[tilespmem:$0x10900] =	vst v63  }
0x67b: {  	s29 =	simm.s32 @!p0 $0x900;
	s26 =	sadd.s32 @!p0 s25, s8;
	s28 =	simm.s32 @!p0 $0x0  }
0x67c: {  	[tilespmem:s29], [sflag:$0x1] =	stream.linear.gather @!p0 [hbm4b:s26+s28], $0x4000, $0x38;
	[tilespmem:$0x10900] =	vst v63  }
0x67d: {  	_ =	swait.ge [sflag:s19], $0x4000  }
0x67e: {  	[sflag:s19] =	ssyncset.done $0x0  }
0x67f: {  	[sflag:s19] =	ssyncadd.s32 $0xFFFFC000  }
0x680: {  	_ =	swait.ge [sflag:s22], $0x4000  }
0x681: {  	[sflag:s22] =	ssyncset.done $0x0  }
0x682: {  	[sflag:s22] =	ssyncadd.s32 $0xFFFFC000  }
0x683: {  	v2 =	vld [tilespmem:$0x0];
	_ =	sdelay $0x6  }
0x684: {  	s31 =	simm.s32 $0x4900;
	v1 =	vld [tilespmem:$0x80]  }
0x685: {  	v3 =	vld.idx.msk [tilespmem:v2+s31+$0x180], $0xffff  }
0x686: {  	v4 =	vld.idx.msk [tilespmem:v2+s31+$0x80], $0xffff  }
0x687: {  	v5 =	vld.idx.msk [tilespmem:v2+s31+$0x100], $0xffff  }
0x688: {  	v6 =	vld.idx.msk [tilespmem:v2+s31+$0x0], $0xffff;
	s31 =	simm.s32 $0x4B00  }
0x689: {  	v7 =	vld.idx.msk [tilespmem:v2+s31+$0x180], $0xffff  }
0x68a: {  	v8 =	vld.idx.msk [tilespmem:v2+s31+$0x80], $0xffff  }
0x68b: {  	v1 =	vmul.f32 $-1.280000000e+02, v1;
	v9 =	vld.idx.msk [tilespmem:v2+s31+$0x100], $0xffff  }
0x68c: {  	v10 =	vld.idx.msk [tilespmem:v2+s31+$0x0], $0xffff  }
0x68d: {  	v1 =	vadd.f32 $1.024000000e+03, v1;
	v3 =	vmul.f32 $1.280000000e+02, v3;
	v4 =	vmul.f32 $1.280000000e+02, v4  }
0x68e: {  	v5 =	vmul.f32 $1.280000000e+02, v5;
	v6 =	vmul.f32 $1.280000000e+02, v6  }
0x68f: {  	v7 =	vmul.f32 $1.280000000e+02, v7;
	v8 =	vmul.f32 $1.280000000e+02, v8;
	v3 =	vadd.f32 v3, v1  }
0x690: {  	v9 =	vmul.f32 $1.280000000e+02, v9;
	v4 =	vadd.f32 v4, v1;
	v5 =	vadd.f32 v5, v1  }
0x691: {  	v10 =	vmul.f32 $1.280000000e+02, v10;
	v6 =	vadd.f32 v6, v1;
	v7 =	vadd.f32 v7, v1  }
0x692: {  	v8 =	vadd.f32 v8, v1;
	v9 =	vadd.f32 v9, v1;
	v3 =	vmax.f32 v3, $0.0e+00  }
0x693: {  	v4 =	vmax.f32 v4, $0.0e+00;
	v6 =	vmax.f32 v6, $0.0e+00;
	v3 =	vmin.f32 v3, $2.047000000e+03  }
0x694: {  	s31 =	simm.s32 $0x4D00;
	v5 =	vmax.f32 v5, $0.0e+00;
	v6 =	vmin.f32 v6, $2.047000000e+03;
	v3 =	vtrunc.f32 v3  }
0x695: {  	v11 =	vld.idx.msk [tilespmem:v2+s31+$0x180], $0xffff;
	v4 =	vmin.f32 v4, $2.047000000e+03;
	v6 =	vtrunc.f32 v6;
	v3 =	vcvt.f32.s32 v3  }
0x696: {  	v13 =	vld.idx.msk [tilespmem:v2+s31+$0x100], $0xffff;
	v5 =	vmin.f32 v5, $2.047000000e+03;
	v4 =	vtrunc.f32 v4;
	v6 =	vcvt.f32.s32 v6  }
0x697: {  	v7 =	vmax.f32 v7, $0.0e+00;
	v8 =	vmax.f32 v8, $0.0e+00;
	v12 =	vcvt.f32.s32 v4;
	v4 =	vld.idx.msk [tilespmem:v2+s31+$0x80], $0xffff  }
0x698: {  	v9 =	vmax.f32 v9, $0.0e+00;
	v5 =	vtrunc.f32 v5;
	v7 =	vmin.f32 v7, $2.047000000e+03  }
0x699: {  	v8 =	vmin.f32 v8, $2.047000000e+03;
	v14 =	vcvt.f32.s32 v5;
	v5 =	vadd.f32 v10, v1  }
0x69a: {  	v15 =	vld.idx.msk [tilespmem:v2+s31+$0x0], $0xffff;
	v9 =	vmin.f32 v9, $2.047000000e+03;
	v7 =	vtrunc.f32 v7;
	v8 =	vtrunc.f32 v8  }
0x69b: {  	v7 =	vcvt.f32.s32 v7;
	v5 =	vmax.f32 v5, $0.0e+00;
	v16 =	vld.idx.msk [tilespmem:v3+s17+$0x0], $0xffff;
	v3 =	vmul.f32 $1.280000000e+02, v11  }
0x69c: {  	s31 =	simm.s32 $0x4F00;
	v5 =	vmin.f32 v5, $2.047000000e+03;
	v4 =	vmul.f32 $1.280000000e+02, v4;
	v17 =	vld.idx.msk [tilespmem:v6+s17+$0x0], $0xffff;
	v6 =	vmul.f32 $1.280000000e+02, v13  }
0x69d: {  	v9 =	vtrunc.f32 v9;
	v18 =	vld.idx.msk [tilespmem:v2+s31+$0x180], $0xffff;
	v11 =	vadd.f32 v3, v1;
	v3 =	vtrunc.f32 v5  }
0x69e: {  	v19 =	vld.idx.msk [tilespmem:v2+s31+$0x80], $0xffff;
	v4 =	vadd.f32 v4, v1;
	v6 =	vadd.f32 v6, v1;
	v20 =	vcvt.f32.s32 v3  }
0x69f: {  	v10 =	vld.idx.msk [tilespmem:v2+s31+$0x100], $0xffff;
	v3 =	vcvt.f32.s32 v8;
	v8 =	vmul.f32 $1.280000000e+02, v15;
	v5 =	vmax.f32 v11, $0.0e+00  }
0x6a0: {  	v13 =	vmax.f32 v4, $0.0e+00;
	v4 =	vcvt.f32.s32 v9;
	v11 =	vld.idx.msk [tilespmem:v2+s31+$0x0], $0xffff;
	v15 =	vmin.f32 v5, $2.047000000e+03  }
0x6a1: {  	v6 =	vmax.f32 v6, $0.0e+00;
	v5 =	vld.idx.msk [tilespmem:v7+s17+$0x0], $0xffff;
	v7 =	vadd.f32 v8, v1;
	v8 =	vtrunc.f32 v15  }
0x6a2: {  	s26 =	simm.s32 $0xCA00;
	v13 =	vmin.f32 v13, $2.047000000e+03;
	v21 =	vmin.f32 v6, $2.047000000e+03;
	v6 =	vld.idx.msk [tilespmem:v12+s17+$0x0], $0xffff;
	v9 =	vcvt.f32.s32 v8  }
0x6a3: {  	[tilespmem:s26+$0x80] =	vst v16;
	v13 =	vtrunc.f32 v13;
	v15 =	vmul.f32 $1.280000000e+02, v18;
	v8 =	vmax.f32 v7, $0.0e+00;
	v7 =	vld.idx.msk [tilespmem:v14+s17+$0x0], $0xffff  }
0x6a4: {  	s30 =	simm.s32 $0x5100;
	s29 =	simm.s32 $0xC;
	s28 =	simm.s32 $0xCA00;
	[tilespmem:s26+$0xFFFFFF00] =	vst v17;
	v12 =	vtrunc.f32 v21;
	v14 =	vmul.f32 $1.280000000e+02, v19;
	v16 =	vmin.f32 v8, $2.047000000e+03;
	v8 =	vld.idx.msk [tilespmem:v20+s17+$0x0], $0xffff  }
.LBB2_53:
0x6a5: {  	v17 =	vld.idx.msk [tilespmem:v2+s30+$0x180], $0xffff;
	s29 =	sadd.s32 $0x4, s29;
	v18 =	vmul.f32 $1.280000000e+02, v10;
	v15 =	vadd.f32 v15, v1;
	v10 =	vtrunc.f32 v16;
	s26 =	sadd.s32 $0x200, s26  }
0x6a6: {  	v13 =	vcvt.f32.s32 v13;
	v16 =	vld.idx.msk [tilespmem:v2+s30+$0x80], $0xffff;
	p1 =	slt.u32 s29, $0x7C;
	v14 =	vadd.f32 v14, v1;
	v19 =	vcvt.f32.s32 v10;
	[tilespmem:s26+$0x80] =	vst v5  }
0x6a7: {  	v20 =	vmul.f32 $1.280000000e+02, v11;
	v10 =	vld.idx.msk [tilespmem:v2+s30+$0x100], $0xffff;
	v18 =	vadd.f32 v18, v1;
	v5 =	vmax.f32 v15, $0.0e+00  }
.Ltmp27:
0x6a8: {  	v12 =	vcvt.f32.s32 v12;
	v14 =	vmax.f32 v14, $0.0e+00;
	v15 =	vmin.f32 v5, $2.047000000e+03;
	v5 =	vld.idx.msk [tilespmem:v9+s17+$0x0], $0xffff;
	[tilespmem:s28+$0xFFFFFF80] =	vst v6;
	(pc) =	sbr.rel @p1 .LBB2_53-.Ltmp27, $4  }
0x6a9: {  	v20 =	vadd.f32 v20, v1;
	v11 =	vld.idx.msk [tilespmem:v2+s30+$0x0], $0xffff;
	v6 =	vmax.f32 v18, $0.0e+00;
	v9 =	vtrunc.f32 v15;
	[tilespmem:s28+$0x0] =	vst v7;
	s28 =	smov.u32 s26  }
0x6aa: {  	v7 =	vmin.f32 v14, $2.047000000e+03;
	v18 =	vmin.f32 v6, $2.047000000e+03;
	v9 =	vcvt.f32.s32 v9;
	[tilespmem:s26+$0xFFFFFF00] =	vst v8;
	v6 =	vld.idx.msk [tilespmem:v3+s17+$0x0], $0xffff;
	v3 =	vmovc v13  }
0x6ab: {  	v15 =	vmul.f32 $1.280000000e+02, v17;
	v8 =	vmax.f32 v20, $0.0e+00;
	v13 =	vtrunc.f32 v7;
	v7 =	vld.idx.msk [tilespmem:v4+s17+$0x0], $0xffff;
	v4 =	vmovc v12  }
0x6ac: {  	s30 =	sadd.s32 $0x200, s30;
	v14 =	vmul.f32 $1.280000000e+02, v16;
	v16 =	vmin.f32 v8, $2.047000000e+03;
	v12 =	vtrunc.f32 v18;
	v8 =	vld.idx.msk [tilespmem:v19+s17+$0x0], $0xffff  }
0x6ad: {  	_ = 	snop  }
0x6ae: {  	v2 =	vadd.f32 v15, v1;
	v10 =	vmul.f32 $1.280000000e+02, v10;
	v11 =	vmul.f32 $1.280000000e+02, v11  }
0x6af: {  	v15 =	vtrunc.f32 v16;
	v13 =	vcvt.f32.s32 v13  }
0x6b0: {  	v12 =	vcvt.f32.s32 v12;
	v2 =	vmax.f32 v2, $0.0e+00;
	v11 =	vadd.f32 v11, v1  }
0x6b1: {  	v15 =	vcvt.f32.s32 v15;
	v14 =	vadd.f32 v14, v1;
	v2 =	vmin.f32 v2, $2.047000000e+03  }
0x6b2: {  	v1 =	vadd.f32 v10, v1;
	v2 =	vtrunc.f32 v2;
	v10 =	vmax.f32 v11, $0.0e+00  }
0x6b3: {  	v3 =	vld.idx.msk [tilespmem:v3+s17+$0x0], $0xffff;
	v2 =	vcvt.f32.s32 v2;
	v11 =	vmax.f32 v14, $0.0e+00;
	v10 =	vmin.f32 v10, $2.047000000e+03  }
0x6b4: {  	s26 =	sadd.s32 $0x200, s26;
	v1 =	vmax.f32 v1, $0.0e+00;
	v11 =	vmin.f32 v11, $2.047000000e+03;
	v10 =	vtrunc.f32 v10  }
0x6b5: {  	v9 =	vld.idx.msk [tilespmem:v9+s17+$0x0], $0xffff;
	[tilespmem:s26+$0x80] =	vst v5;
	v1 =	vmin.f32 v1, $2.047000000e+03;
	v5 =	vtrunc.f32 v11;
	v10 =	vcvt.f32.s32 v10  }
0x6b6: {  	v4 =	vld.idx.msk [tilespmem:v4+s17+$0x0], $0xffff;
	[tilespmem:s28+$0xFFFFFF80] =	vst v6;
	v1 =	vtrunc.f32 v1;
	v5 =	vcvt.f32.s32 v5  }
0x6b7: {  	[tilespmem:s28+$0x0] =	vst v7;
	v7 =	vld.idx.msk [tilespmem:v13+s17+$0x0], $0xffff;
	v1 =	vcvt.f32.s32 v1  }
0x6b8: {  	[tilespmem:s26+$0xFFFFFF80] =	vst v3;
	v3 =	vld.idx.msk [tilespmem:v12+s17+$0x0], $0xffff  }
0x6b9: {  	s28 =	sadd.s32 $0x200, s26;
	[tilespmem:s26+$0xFFFFFF00] =	vst v8;
	v6 =	vld.idx.msk [tilespmem:v15+s17+$0x0], $0xffff  }
0x6ba: {  	[tilespmem:s28+$0x80] =	vst v9;
	v2 =	vld.idx.msk [tilespmem:v2+s17+$0x0], $0xffff  }
0x6bb: {  	[tilespmem:s26+$0x0] =	vst v4;
	v4 =	vld.idx.msk [tilespmem:v10+s17+$0x0], $0xffff  }
0x6bc: {  	[tilespmem:s28+$0xFFFFFF80] =	vst v7;
	v5 =	vld.idx.msk [tilespmem:v5+s17+$0x0], $0xffff  }
0x6bd: {  	[tilespmem:s28+$0x0] =	vst v3;
	v1 =	vld.idx.msk [tilespmem:v1+s17+$0x0], $0xffff  }
0x6be: {  	s31 =	sadd.s32 $0x200, s28;
	[tilespmem:s28+$0xFFFFFF00] =	vst v6  }
0x6bf: {  	[tilespmem:s31+$0x80] =	vst v2  }
0x6c0: {  	[tilespmem:s31+$0xFFFFFF00] =	vst v4  }
0x6c1: {  	[tilespmem:s31+$0xFFFFFF80] =	vst v5  }
0x6c2: {  	[tilespmem:s31+$0x0] =	vst v1  }
0x6c3: {  	v2 =	vld [tilespmem:$0x10];
	_ =	sdelay $0x6  }
0x6c4: {  	s31 =	simm.s32 $0x4900;
	v1 =	vld [tilespmem:$0x90]  }
0x6c5: {  	v3 =	vld.idx.msk [tilespmem:v2+s31+$0x180], $0xffff  }
0x6c6: {  	v4 =	vld.idx.msk [tilespmem:v2+s31+$0x80], $0xffff  }
0x6c7: {  	v5 =	vld.idx.msk [tilespmem:v2+s31+$0x100], $0xffff  }
0x6c8: {  	v6 =	vld.idx.msk [tilespmem:v2+s31+$0x0], $0xffff;
	s31 =	simm.s32 $0x4B00  }
0x6c9: {  	v7 =	vld.idx.msk [tilespmem:v2+s31+$0x180], $0xffff  }
0x6ca: {  	v8 =	vld.idx.msk [tilespmem:v2+s31+$0x80], $0xffff  }
0x6cb: {  	v1 =	vmul.f32 $-1.280000000e+02, v1;
	v9 =	vld.idx.msk [tilespmem:v2+s31+$0x100], $0xffff  }
0x6cc: {  	v10 =	vld.idx.msk [tilespmem:v2+s31+$0x0], $0xffff  }
0x6cd: {  	v1 =	vadd.f32 $1.024000000e+03, v1;
	v3 =	vmul.f32 $1.280000000e+02, v3;
	v4 =	vmul.f32 $1.280000000e+02, v4  }
0x6ce: {  	v5 =	vmul.f32 $1.280000000e+02, v5;
	v6 =	vmul.f32 $1.280000000e+02, v6  }
0x6cf: {  	v7 =	vmul.f32 $1.280000000e+02, v7;
	v8 =	vmul.f32 $1.280000000e+02, v8;
	v3 =	vadd.f32 v3, v1  }
0x6d0: {  	v9 =	vmul.f32 $1.280000000e+02, v9;
	v4 =	vadd.f32 v4, v1;
	v5 =	vadd.f32 v5, v1  }
0x6d1: {  	v10 =	vmul.f32 $1.280000000e+02, v10;
	v6 =	vadd.f32 v6, v1;
	v7 =	vadd.f32 v7, v1  }
0x6d2: {  	v8 =	vadd.f32 v8, v1;
	v9 =	vadd.f32 v9, v1;
	v3 =	vmax.f32 v3, $0.0e+00  }
0x6d3: {  	v4 =	vmax.f32 v4, $0.0e+00;
	v6 =	vmax.f32 v6, $0.0e+00;
	v3 =	vmin.f32 v3, $2.047000000e+03  }
0x6d4: {  	s31 =	simm.s32 $0x4D00;
	v5 =	vmax.f32 v5, $0.0e+00;
	v6 =	vmin.f32 v6, $2.047000000e+03;
	v3 =	vtrunc.f32 v3  }
0x6d5: {  	v11 =	vld.idx.msk [tilespmem:v2+s31+$0x180], $0xffff;
	v4 =	vmin.f32 v4, $2.047000000e+03;
	v6 =	vtrunc.f32 v6;
	v3 =	vcvt.f32.s32 v3  }
0x6d6: {  	v13 =	vld.idx.msk [tilespmem:v2+s31+$0x100], $0xffff;
	v5 =	vmin.f32 v5, $2.047000000e+03;
	v4 =	vtrunc.f32 v4;
	v6 =	vcvt.f32.s32 v6  }
0x6d7: {  	v7 =	vmax.f32 v7, $0.0e+00;
	v8 =	vmax.f32 v8, $0.0e+00;
	v12 =	vcvt.f32.s32 v4;
	v4 =	vld.idx.msk [tilespmem:v2+s31+$0x80], $0xffff  }
0x6d8: {  	v9 =	vmax.f32 v9, $0.0e+00;
	v5 =	vtrunc.f32 v5;
	v7 =	vmin.f32 v7, $2.047000000e+03  }
0x6d9: {  	v8 =	vmin.f32 v8, $2.047000000e+03;
	v14 =	vcvt.f32.s32 v5;
	v5 =	vadd.f32 v10, v1  }
0x6da: {  	v15 =	vld.idx.msk [tilespmem:v2+s31+$0x0], $0xffff;
	v9 =	vmin.f32 v9, $2.047000000e+03;
	v7 =	vtrunc.f32 v7;
	v8 =	vtrunc.f32 v8  }
0x6db: {  	v7 =	vcvt.f32.s32 v7;
	v5 =	vmax.f32 v5, $0.0e+00;
	v16 =	vld.idx.msk [tilespmem:v3+s17+$0x0], $0xffff;
	v3 =	vmul.f32 $1.280000000e+02, v11  }
0x6dc: {  	s31 =	simm.s32 $0x4F00;
	v5 =	vmin.f32 v5, $2.047000000e+03;
	v4 =	vmul.f32 $1.280000000e+02, v4;
	v17 =	vld.idx.msk [tilespmem:v6+s17+$0x0], $0xffff;
	v6 =	vmul.f32 $1.280000000e+02, v13  }
0x6dd: {  	v9 =	vtrunc.f32 v9;
	v18 =	vld.idx.msk [tilespmem:v2+s31+$0x180], $0xffff;
	v11 =	vadd.f32 v3, v1;
	v3 =	vtrunc.f32 v5  }
0x6de: {  	v19 =	vld.idx.msk [tilespmem:v2+s31+$0x80], $0xffff;
	v4 =	vadd.f32 v4, v1;
	v6 =	vadd.f32 v6, v1;
	v20 =	vcvt.f32.s32 v3  }
0x6df: {  	v10 =	vld.idx.msk [tilespmem:v2+s31+$0x100], $0xffff;
	v3 =	vcvt.f32.s32 v8;
	v8 =	vmul.f32 $1.280000000e+02, v15;
	v5 =	vmax.f32 v11, $0.0e+00  }
0x6e0: {  	v13 =	vmax.f32 v4, $0.0e+00;
	v4 =	vcvt.f32.s32 v9;
	v11 =	vld.idx.msk [tilespmem:v2+s31+$0x0], $0xffff;
	v15 =	vmin.f32 v5, $2.047000000e+03  }
0x6e1: {  	v6 =	vmax.f32 v6, $0.0e+00;
	v5 =	vld.idx.msk [tilespmem:v7+s17+$0x0], $0xffff;
	v7 =	vadd.f32 v8, v1;
	v8 =	vtrunc.f32 v15  }
0x6e2: {  	s26 =	simm.s32 $0xCA10;
	v13 =	vmin.f32 v13, $2.047000000e+03;
	v21 =	vmin.f32 v6, $2.047000000e+03;
	v6 =	vld.idx.msk [tilespmem:v12+s17+$0x0], $0xffff;
	v9 =	vcvt.f32.s32 v8  }
0x6e3: {  	[tilespmem:s26+$0x80] =	vst v16;
	v13 =	vtrunc.f32 v13;
	v15 =	vmul.f32 $1.280000000e+02, v18;
	v8 =	vmax.f32 v7, $0.0e+00;
	v7 =	vld.idx.msk [tilespmem:v14+s17+$0x0], $0xffff  }
0x6e4: {  	s29 =	simm.s32 $0xC;
	s30 =	simm.s32 $0x5100;
	s28 =	simm.s32 $0xCA10;
	[tilespmem:s26+$0xFFFFFF00] =	vst v17;
	v12 =	vtrunc.f32 v21;
	v14 =	vmul.f32 $1.280000000e+02, v19;
	v16 =	vmin.f32 v8, $2.047000000e+03;
	v8 =	vld.idx.msk [tilespmem:v20+s17+$0x0], $0xffff  }
.LBB2_55:
0x6e5: {  	v17 =	vld.idx.msk [tilespmem:v2+s30+$0x180], $0xffff;
	s29 =	sadd.s32 $0x4, s29;
	v18 =	vmul.f32 $1.280000000e+02, v10;
	v15 =	vadd.f32 v15, v1;
	v10 =	vtrunc.f32 v16;
	s26 =	sadd.s32 $0x200, s26  }
0x6e6: {  	v13 =	vcvt.f32.s32 v13;
	v16 =	vld.idx.msk [tilespmem:v2+s30+$0x80], $0xffff;
	p1 =	slt.u32 s29, $0x7C;
	v14 =	vadd.f32 v14, v1;
	v19 =	vcvt.f32.s32 v10;
	[tilespmem:s26+$0x80] =	vst v5  }
0x6e7: {  	v20 =	vmul.f32 $1.280000000e+02, v11;
	v10 =	vld.idx.msk [tilespmem:v2+s30+$0x100], $0xffff;
	v18 =	vadd.f32 v18, v1;
	v5 =	vmax.f32 v15, $0.0e+00  }
.Ltmp28:
0x6e8: {  	v12 =	vcvt.f32.s32 v12;
	v14 =	vmax.f32 v14, $0.0e+00;
	v15 =	vmin.f32 v5, $2.047000000e+03;
	v5 =	vld.idx.msk [tilespmem:v9+s17+$0x0], $0xffff;
	[tilespmem:s28+$0xFFFFFF80] =	vst v6;
	(pc) =	sbr.rel @p1 .LBB2_55-.Ltmp28, $4  }
0x6e9: {  	v20 =	vadd.f32 v20, v1;
	v11 =	vld.idx.msk [tilespmem:v2+s30+$0x0], $0xffff;
	v6 =	vmax.f32 v18, $0.0e+00;
	v9 =	vtrunc.f32 v15;
	[tilespmem:s28+$0x0] =	vst v7;
	s28 =	smov.u32 s26  }
0x6ea: {  	v7 =	vmin.f32 v14, $2.047000000e+03;
	v18 =	vmin.f32 v6, $2.047000000e+03;
	v9 =	vcvt.f32.s32 v9;
	[tilespmem:s26+$0xFFFFFF00] =	vst v8;
	v6 =	vld.idx.msk [tilespmem:v3+s17+$0x0], $0xffff;
	v3 =	vmovc v13  }
0x6eb: {  	v15 =	vmul.f32 $1.280000000e+02, v17;
	v8 =	vmax.f32 v20, $0.0e+00;
	v13 =	vtrunc.f32 v7;
	v7 =	vld.idx.msk [tilespmem:v4+s17+$0x0], $0xffff;
	v4 =	vmovc v12  }
0x6ec: {  	s30 =	sadd.s32 $0x200, s30;
	v14 =	vmul.f32 $1.280000000e+02, v16;
	v16 =	vmin.f32 v8, $2.047000000e+03;
	v12 =	vtrunc.f32 v18;
	v8 =	vld.idx.msk [tilespmem:v19+s17+$0x0], $0xffff  }
0x6ed: {  	_ = 	snop  }
0x6ee: {  	v2 =	vadd.f32 v15, v1;
	v10 =	vmul.f32 $1.280000000e+02, v10;
	v11 =	vmul.f32 $1.280000000e+02, v11  }
0x6ef: {  	v15 =	vtrunc.f32 v16;
	v13 =	vcvt.f32.s32 v13  }
0x6f0: {  	v12 =	vcvt.f32.s32 v12;
	v2 =	vmax.f32 v2, $0.0e+00;
	v11 =	vadd.f32 v11, v1  }
0x6f1: {  	v15 =	vcvt.f32.s32 v15;
	v14 =	vadd.f32 v14, v1;
	v2 =	vmin.f32 v2, $2.047000000e+03  }
0x6f2: {  	v1 =	vadd.f32 v10, v1;
	v2 =	vtrunc.f32 v2;
	v10 =	vmax.f32 v11, $0.0e+00  }
0x6f3: {  	v3 =	vld.idx.msk [tilespmem:v3+s17+$0x0], $0xffff;
	v2 =	vcvt.f32.s32 v2;
	v11 =	vmax.f32 v14, $0.0e+00;
	v10 =	vmin.f32 v10, $2.047000000e+03  }
0x6f4: {  	s26 =	sadd.s32 $0x200, s26;
	v1 =	vmax.f32 v1, $0.0e+00;
	v11 =	vmin.f32 v11, $2.047000000e+03;
	v10 =	vtrunc.f32 v10  }
0x6f5: {  	v9 =	vld.idx.msk [tilespmem:v9+s17+$0x0], $0xffff;
	[tilespmem:s26+$0x80] =	vst v5;
	v1 =	vmin.f32 v1, $2.047000000e+03;
	v5 =	vtrunc.f32 v11;
	v10 =	vcvt.f32.s32 v10  }
0x6f6: {  	v4 =	vld.idx.msk [tilespmem:v4+s17+$0x0], $0xffff;
	[tilespmem:s28+$0xFFFFFF80] =	vst v6;
	v1 =	vtrunc.f32 v1;
	v5 =	vcvt.f32.s32 v5  }
0x6f7: {  	[tilespmem:s28+$0x0] =	vst v7;
	v7 =	vld.idx.msk [tilespmem:v13+s17+$0x0], $0xffff;
	v1 =	vcvt.f32.s32 v1  }
0x6f8: {  	[tilespmem:s26+$0xFFFFFF80] =	vst v3;
	v3 =	vld.idx.msk [tilespmem:v12+s17+$0x0], $0xffff  }
0x6f9: {  	s28 =	sadd.s32 $0x200, s26;
	[tilespmem:s26+$0xFFFFFF00] =	vst v8;
	v6 =	vld.idx.msk [tilespmem:v15+s17+$0x0], $0xffff  }
0x6fa: {  	[tilespmem:s28+$0x80] =	vst v9;
	v2 =	vld.idx.msk [tilespmem:v2+s17+$0x0], $0xffff  }
0x6fb: {  	[tilespmem:s26+$0x0] =	vst v4;
	v4 =	vld.idx.msk [tilespmem:v10+s17+$0x0], $0xffff  }
0x6fc: {  	[tilespmem:s28+$0xFFFFFF80] =	vst v7;
	v5 =	vld.idx.msk [tilespmem:v5+s17+$0x0], $0xffff  }
0x6fd: {  	[tilespmem:s28+$0x0] =	vst v3;
	v1 =	vld.idx.msk [tilespmem:v1+s17+$0x0], $0xffff  }
0x6fe: {  	s31 =	sadd.s32 $0x200, s28;
	[tilespmem:s28+$0xFFFFFF00] =	vst v6  }
0x6ff: {  	[tilespmem:s31+$0x80] =	vst v2  }
0x700: {  	[tilespmem:s31+$0xFFFFFF00] =	vst v4  }
0x701: {  	[tilespmem:s31+$0xFFFFFF80] =	vst v5  }
0x702: {  	[tilespmem:s31+$0x0] =	vst v1  }
0x703: {  	v2 =	vld [tilespmem:$0x20];
	_ =	sdelay $0x6  }
0x704: {  	s31 =	simm.s32 $0x4900;
	v1 =	vld [tilespmem:$0xA0]  }
0x705: {  	v3 =	vld.idx.msk [tilespmem:v2+s31+$0x180], $0xffff  }
0x706: {  	v4 =	vld.idx.msk [tilespmem:v2+s31+$0x80], $0xffff  }
0x707: {  	v5 =	vld.idx.msk [tilespmem:v2+s31+$0x100], $0xffff  }
0x708: {  	v6 =	vld.idx.msk [tilespmem:v2+s31+$0x0], $0xffff;
	s31 =	simm.s32 $0x4B00  }
0x709: {  	v7 =	vld.idx.msk [tilespmem:v2+s31+$0x180], $0xffff  }
0x70a: {  	v8 =	vld.idx.msk [tilespmem:v2+s31+$0x80], $0xffff  }
0x70b: {  	v1 =	vmul.f32 $-1.280000000e+02, v1;
	v9 =	vld.idx.msk [tilespmem:v2+s31+$0x100], $0xffff  }
0x70c: {  	v10 =	vld.idx.msk [tilespmem:v2+s31+$0x0], $0xffff  }
0x70d: {  	v1 =	vadd.f32 $1.024000000e+03, v1;
	v3 =	vmul.f32 $1.280000000e+02, v3;
	v4 =	vmul.f32 $1.280000000e+02, v4  }
0x70e: {  	v5 =	vmul.f32 $1.280000000e+02, v5;
	v6 =	vmul.f32 $1.280000000e+02, v6  }
0x70f: {  	v7 =	vmul.f32 $1.280000000e+02, v7;
	v8 =	vmul.f32 $1.280000000e+02, v8;
	v3 =	vadd.f32 v3, v1  }
0x710: {  	v9 =	vmul.f32 $1.280000000e+02, v9;
	v4 =	vadd.f32 v4, v1;
	v5 =	vadd.f32 v5, v1  }
0x711: {  	v10 =	vmul.f32 $1.280000000e+02, v10;
	v6 =	vadd.f32 v6, v1;
	v7 =	vadd.f32 v7, v1  }
0x712: {  	v8 =	vadd.f32 v8, v1;
	v9 =	vadd.f32 v9, v1;
	v3 =	vmax.f32 v3, $0.0e+00  }
0x713: {  	v4 =	vmax.f32 v4, $0.0e+00;
	v6 =	vmax.f32 v6, $0.0e+00;
	v3 =	vmin.f32 v3, $2.047000000e+03  }
0x714: {  	s31 =	simm.s32 $0x4D00;
	v5 =	vmax.f32 v5, $0.0e+00;
	v6 =	vmin.f32 v6, $2.047000000e+03;
	v3 =	vtrunc.f32 v3  }
0x715: {  	v11 =	vld.idx.msk [tilespmem:v2+s31+$0x180], $0xffff;
	v4 =	vmin.f32 v4, $2.047000000e+03;
	v6 =	vtrunc.f32 v6;
	v3 =	vcvt.f32.s32 v3  }
0x716: {  	v13 =	vld.idx.msk [tilespmem:v2+s31+$0x100], $0xffff;
	v5 =	vmin.f32 v5, $2.047000000e+03;
	v4 =	vtrunc.f32 v4;
	v6 =	vcvt.f32.s32 v6  }
0x717: {  	v7 =	vmax.f32 v7, $0.0e+00;
	v8 =	vmax.f32 v8, $0.0e+00;
	v12 =	vcvt.f32.s32 v4;
	v4 =	vld.idx.msk [tilespmem:v2+s31+$0x80], $0xffff  }
0x718: {  	v9 =	vmax.f32 v9, $0.0e+00;
	v5 =	vtrunc.f32 v5;
	v7 =	vmin.f32 v7, $2.047000000e+03  }
0x719: {  	v8 =	vmin.f32 v8, $2.047000000e+03;
	v14 =	vcvt.f32.s32 v5;
	v5 =	vadd.f32 v10, v1  }
0x71a: {  	v15 =	vld.idx.msk [tilespmem:v2+s31+$0x0], $0xffff;
	v9 =	vmin.f32 v9, $2.047000000e+03;
	v7 =	vtrunc.f32 v7;
	v8 =	vtrunc.f32 v8  }
0x71b: {  	v7 =	vcvt.f32.s32 v7;
	v5 =	vmax.f32 v5, $0.0e+00;
	v16 =	vld.idx.msk [tilespmem:v3+s17+$0x0], $0xffff;
	v3 =	vmul.f32 $1.280000000e+02, v11  }
0x71c: {  	s31 =	simm.s32 $0x4F00;
	v5 =	vmin.f32 v5, $2.047000000e+03;
	v4 =	vmul.f32 $1.280000000e+02, v4;
	v17 =	vld.idx.msk [tilespmem:v6+s17+$0x0], $0xffff;
	v6 =	vmul.f32 $1.280000000e+02, v13  }
0x71d: {  	v9 =	vtrunc.f32 v9;
	v18 =	vld.idx.msk [tilespmem:v2+s31+$0x180], $0xffff;
	v11 =	vadd.f32 v3, v1;
	v3 =	vtrunc.f32 v5  }
0x71e: {  	v19 =	vld.idx.msk [tilespmem:v2+s31+$0x80], $0xffff;
	v4 =	vadd.f32 v4, v1;
	v6 =	vadd.f32 v6, v1;
	v20 =	vcvt.f32.s32 v3  }
0x71f: {  	v10 =	vld.idx.msk [tilespmem:v2+s31+$0x100], $0xffff;
	v3 =	vcvt.f32.s32 v8;
	v8 =	vmul.f32 $1.280000000e+02, v15;
	v5 =	vmax.f32 v11, $0.0e+00  }
0x720: {  	v13 =	vmax.f32 v4, $0.0e+00;
	v4 =	vcvt.f32.s32 v9;
	v11 =	vld.idx.msk [tilespmem:v2+s31+$0x0], $0xffff;
	v15 =	vmin.f32 v5, $2.047000000e+03  }
0x721: {  	v6 =	vmax.f32 v6, $0.0e+00;
	v5 =	vld.idx.msk [tilespmem:v7+s17+$0x0], $0xffff;
	v7 =	vadd.f32 v8, v1;
	v8 =	vtrunc.f32 v15  }
0x722: {  	s26 =	simm.s32 $0xCA20;
	v13 =	vmin.f32 v13, $2.047000000e+03;
	v21 =	vmin.f32 v6, $2.047000000e+03;
	v6 =	vld.idx.msk [tilespmem:v12+s17+$0x0], $0xffff;
	v9 =	vcvt.f32.s32 v8  }
0x723: {  	[tilespmem:s26+$0x80] =	vst v16;
	v13 =	vtrunc.f32 v13;
	v15 =	vmul.f32 $1.280000000e+02, v18;
	v8 =	vmax.f32 v7, $0.0e+00;
	v7 =	vld.idx.msk [tilespmem:v14+s17+$0x0], $0xffff  }
0x724: {  	s29 =	simm.s32 $0xC;
	s30 =	simm.s32 $0x5100;
	s28 =	simm.s32 $0xCA20;
	[tilespmem:s26+$0xFFFFFF00] =	vst v17;
	v12 =	vtrunc.f32 v21;
	v14 =	vmul.f32 $1.280000000e+02, v19;
	v16 =	vmin.f32 v8, $2.047000000e+03;
	v8 =	vld.idx.msk [tilespmem:v20+s17+$0x0], $0xffff  }
.LBB2_57:
0x725: {  	v17 =	vld.idx.msk [tilespmem:v2+s30+$0x180], $0xffff;
	s29 =	sadd.s32 $0x4, s29;
	v18 =	vmul.f32 $1.280000000e+02, v10;
	v15 =	vadd.f32 v15, v1;
	v10 =	vtrunc.f32 v16;
	s26 =	sadd.s32 $0x200, s26  }
0x726: {  	v13 =	vcvt.f32.s32 v13;
	v16 =	vld.idx.msk [tilespmem:v2+s30+$0x80], $0xffff;
	p1 =	slt.u32 s29, $0x7C;
	v14 =	vadd.f32 v14, v1;
	v19 =	vcvt.f32.s32 v10;
	[tilespmem:s26+$0x80] =	vst v5  }
0x727: {  	v20 =	vmul.f32 $1.280000000e+02, v11;
	v10 =	vld.idx.msk [tilespmem:v2+s30+$0x100], $0xffff;
	v18 =	vadd.f32 v18, v1;
	v5 =	vmax.f32 v15, $0.0e+00  }
.Ltmp29:
0x728: {  	v12 =	vcvt.f32.s32 v12;
	v14 =	vmax.f32 v14, $0.0e+00;
	v15 =	vmin.f32 v5, $2.047000000e+03;
	v5 =	vld.idx.msk [tilespmem:v9+s17+$0x0], $0xffff;
	[tilespmem:s28+$0xFFFFFF80] =	vst v6;
	(pc) =	sbr.rel @p1 .LBB2_57-.Ltmp29, $4  }
0x729: {  	v20 =	vadd.f32 v20, v1;
	v11 =	vld.idx.msk [tilespmem:v2+s30+$0x0], $0xffff;
	v6 =	vmax.f32 v18, $0.0e+00;
	v9 =	vtrunc.f32 v15;
	[tilespmem:s28+$0x0] =	vst v7;
	s28 =	smov.u32 s26  }
0x72a: {  	v7 =	vmin.f32 v14, $2.047000000e+03;
	v18 =	vmin.f32 v6, $2.047000000e+03;
	v9 =	vcvt.f32.s32 v9;
	[tilespmem:s26+$0xFFFFFF00] =	vst v8;
	v6 =	vld.idx.msk [tilespmem:v3+s17+$0x0], $0xffff;
	v3 =	vmovc v13  }
0x72b: {  	v15 =	vmul.f32 $1.280000000e+02, v17;
	v8 =	vmax.f32 v20, $0.0e+00;
	v13 =	vtrunc.f32 v7;
	v7 =	vld.idx.msk [tilespmem:v4+s17+$0x0], $0xffff;
	v4 =	vmovc v12  }
0x72c: {  	s30 =	sadd.s32 $0x200, s30;
	v14 =	vmul.f32 $1.280000000e+02, v16;
	v16 =	vmin.f32 v8, $2.047000000e+03;
	v12 =	vtrunc.f32 v18;
	v8 =	vld.idx.msk [tilespmem:v19+s17+$0x0], $0xffff  }
0x72d: {  	_ = 	snop  }
0x72e: {  	v2 =	vadd.f32 v15, v1;
	v10 =	vmul.f32 $1.280000000e+02, v10;
	v11 =	vmul.f32 $1.280000000e+02, v11  }
0x72f: {  	v15 =	vtrunc.f32 v16;
	v13 =	vcvt.f32.s32 v13  }
0x730: {  	v12 =	vcvt.f32.s32 v12;
	v2 =	vmax.f32 v2, $0.0e+00;
	v11 =	vadd.f32 v11, v1  }
0x731: {  	v15 =	vcvt.f32.s32 v15;
	v14 =	vadd.f32 v14, v1;
	v2 =	vmin.f32 v2, $2.047000000e+03  }
0x732: {  	v1 =	vadd.f32 v10, v1;
	v2 =	vtrunc.f32 v2;
	v10 =	vmax.f32 v11, $0.0e+00  }
0x733: {  	v3 =	vld.idx.msk [tilespmem:v3+s17+$0x0], $0xffff;
	v2 =	vcvt.f32.s32 v2;
	v11 =	vmax.f32 v14, $0.0e+00;
	v10 =	vmin.f32 v10, $2.047000000e+03  }
0x734: {  	s26 =	sadd.s32 $0x200, s26;
	v1 =	vmax.f32 v1, $0.0e+00;
	v11 =	vmin.f32 v11, $2.047000000e+03;
	v10 =	vtrunc.f32 v10  }
0x735: {  	v9 =	vld.idx.msk [tilespmem:v9+s17+$0x0], $0xffff;
	[tilespmem:s26+$0x80] =	vst v5;
	v1 =	vmin.f32 v1, $2.047000000e+03;
	v5 =	vtrunc.f32 v11;
	v10 =	vcvt.f32.s32 v10  }
0x736: {  	v4 =	vld.idx.msk [tilespmem:v4+s17+$0x0], $0xffff;
	[tilespmem:s28+$0xFFFFFF80] =	vst v6;
	v1 =	vtrunc.f32 v1;
	v5 =	vcvt.f32.s32 v5  }
0x737: {  	[tilespmem:s28+$0x0] =	vst v7;
	v7 =	vld.idx.msk [tilespmem:v13+s17+$0x0], $0xffff;
	v1 =	vcvt.f32.s32 v1  }
0x738: {  	[tilespmem:s26+$0xFFFFFF80] =	vst v3;
	v3 =	vld.idx.msk [tilespmem:v12+s17+$0x0], $0xffff  }
0x739: {  	s28 =	sadd.s32 $0x200, s26;
	[tilespmem:s26+$0xFFFFFF00] =	vst v8;
	v6 =	vld.idx.msk [tilespmem:v15+s17+$0x0], $0xffff  }
0x73a: {  	[tilespmem:s28+$0x80] =	vst v9;
	v2 =	vld.idx.msk [tilespmem:v2+s17+$0x0], $0xffff  }
0x73b: {  	[tilespmem:s26+$0x0] =	vst v4;
	v4 =	vld.idx.msk [tilespmem:v10+s17+$0x0], $0xffff  }
0x73c: {  	[tilespmem:s28+$0xFFFFFF80] =	vst v7;
	v5 =	vld.idx.msk [tilespmem:v5+s17+$0x0], $0xffff  }
0x73d: {  	[tilespmem:s28+$0x0] =	vst v3;
	v1 =	vld.idx.msk [tilespmem:v1+s17+$0x0], $0xffff  }
0x73e: {  	s31 =	sadd.s32 $0x200, s28;
	[tilespmem:s28+$0xFFFFFF00] =	vst v6  }
0x73f: {  	[tilespmem:s31+$0x80] =	vst v2  }
0x740: {  	[tilespmem:s31+$0xFFFFFF00] =	vst v4  }
0x741: {  	[tilespmem:s31+$0xFFFFFF80] =	vst v5  }
0x742: {  	[tilespmem:s31+$0x0] =	vst v1  }
0x743: {  	v2 =	vld [tilespmem:$0x30];
	_ =	sdelay $0x6  }
0x744: {  	s31 =	simm.s32 $0x4900;
	v1 =	vld [tilespmem:$0xB0]  }
0x745: {  	v3 =	vld.idx.msk [tilespmem:v2+s31+$0x180], $0xffff  }
0x746: {  	v4 =	vld.idx.msk [tilespmem:v2+s31+$0x80], $0xffff  }
0x747: {  	v5 =	vld.idx.msk [tilespmem:v2+s31+$0x100], $0xffff  }
0x748: {  	v6 =	vld.idx.msk [tilespmem:v2+s31+$0x0], $0xffff;
	s31 =	simm.s32 $0x4B00  }
0x749: {  	v7 =	vld.idx.msk [tilespmem:v2+s31+$0x180], $0xffff  }
0x74a: {  	v8 =	vld.idx.msk [tilespmem:v2+s31+$0x80], $0xffff  }
0x74b: {  	v1 =	vmul.f32 $-1.280000000e+02, v1;
	v9 =	vld.idx.msk [tilespmem:v2+s31+$0x100], $0xffff  }
0x74c: {  	v10 =	vld.idx.msk [tilespmem:v2+s31+$0x0], $0xffff  }
0x74d: {  	v1 =	vadd.f32 $1.024000000e+03, v1;
	v3 =	vmul.f32 $1.280000000e+02, v3;
	v4 =	vmul.f32 $1.280000000e+02, v4  }
0x74e: {  	v5 =	vmul.f32 $1.280000000e+02, v5;
	v6 =	vmul.f32 $1.280000000e+02, v6  }
0x74f: {  	v7 =	vmul.f32 $1.280000000e+02, v7;
	v8 =	vmul.f32 $1.280000000e+02, v8;
	v3 =	vadd.f32 v3, v1  }
0x750: {  	v9 =	vmul.f32 $1.280000000e+02, v9;
	v4 =	vadd.f32 v4, v1;
	v5 =	vadd.f32 v5, v1  }
0x751: {  	v10 =	vmul.f32 $1.280000000e+02, v10;
	v6 =	vadd.f32 v6, v1;
	v7 =	vadd.f32 v7, v1  }
0x752: {  	v8 =	vadd.f32 v8, v1;
	v9 =	vadd.f32 v9, v1;
	v3 =	vmax.f32 v3, $0.0e+00  }
0x753: {  	v4 =	vmax.f32 v4, $0.0e+00;
	v6 =	vmax.f32 v6, $0.0e+00;
	v3 =	vmin.f32 v3, $2.047000000e+03  }
0x754: {  	s31 =	simm.s32 $0x4D00;
	v5 =	vmax.f32 v5, $0.0e+00;
	v6 =	vmin.f32 v6, $2.047000000e+03;
	v3 =	vtrunc.f32 v3  }
0x755: {  	v11 =	vld.idx.msk [tilespmem:v2+s31+$0x180], $0xffff;
	v4 =	vmin.f32 v4, $2.047000000e+03;
	v6 =	vtrunc.f32 v6;
	v3 =	vcvt.f32.s32 v3  }
0x756: {  	v13 =	vld.idx.msk [tilespmem:v2+s31+$0x100], $0xffff;
	v5 =	vmin.f32 v5, $2.047000000e+03;
	v4 =	vtrunc.f32 v4;
	v6 =	vcvt.f32.s32 v6  }
0x757: {  	v7 =	vmax.f32 v7, $0.0e+00;
	v8 =	vmax.f32 v8, $0.0e+00;
	v12 =	vcvt.f32.s32 v4;
	v4 =	vld.idx.msk [tilespmem:v2+s31+$0x80], $0xffff  }
0x758: {  	v9 =	vmax.f32 v9, $0.0e+00;
	v5 =	vtrunc.f32 v5;
	v7 =	vmin.f32 v7, $2.047000000e+03  }
0x759: {  	v8 =	vmin.f32 v8, $2.047000000e+03;
	v14 =	vcvt.f32.s32 v5;
	v5 =	vadd.f32 v10, v1  }
0x75a: {  	v15 =	vld.idx.msk [tilespmem:v2+s31+$0x0], $0xffff;
	v9 =	vmin.f32 v9, $2.047000000e+03;
	v7 =	vtrunc.f32 v7;
	v8 =	vtrunc.f32 v8  }
0x75b: {  	v7 =	vcvt.f32.s32 v7;
	v5 =	vmax.f32 v5, $0.0e+00;
	v16 =	vld.idx.msk [tilespmem:v3+s17+$0x0], $0xffff;
	v3 =	vmul.f32 $1.280000000e+02, v11  }
0x75c: {  	s31 =	simm.s32 $0x4F00;
	v5 =	vmin.f32 v5, $2.047000000e+03;
	v4 =	vmul.f32 $1.280000000e+02, v4;
	v17 =	vld.idx.msk [tilespmem:v6+s17+$0x0], $0xffff;
	v6 =	vmul.f32 $1.280000000e+02, v13  }
0x75d: {  	v9 =	vtrunc.f32 v9;
	v18 =	vld.idx.msk [tilespmem:v2+s31+$0x180], $0xffff;
	v11 =	vadd.f32 v3, v1;
	v3 =	vtrunc.f32 v5  }
0x75e: {  	v19 =	vld.idx.msk [tilespmem:v2+s31+$0x80], $0xffff;
	v4 =	vadd.f32 v4, v1;
	v6 =	vadd.f32 v6, v1;
	v20 =	vcvt.f32.s32 v3  }
0x75f: {  	v10 =	vld.idx.msk [tilespmem:v2+s31+$0x100], $0xffff;
	v3 =	vcvt.f32.s32 v8;
	v8 =	vmul.f32 $1.280000000e+02, v15;
	v5 =	vmax.f32 v11, $0.0e+00  }
0x760: {  	v13 =	vmax.f32 v4, $0.0e+00;
	v4 =	vcvt.f32.s32 v9;
	v11 =	vld.idx.msk [tilespmem:v2+s31+$0x0], $0xffff;
	v15 =	vmin.f32 v5, $2.047000000e+03  }
0x761: {  	v6 =	vmax.f32 v6, $0.0e+00;
	v5 =	vld.idx.msk [tilespmem:v7+s17+$0x0], $0xffff;
	v7 =	vadd.f32 v8, v1;
	v8 =	vtrunc.f32 v15  }
0x762: {  	s26 =	simm.s32 $0xCA30;
	v13 =	vmin.f32 v13, $2.047000000e+03;
	v21 =	vmin.f32 v6, $2.047000000e+03;
	v6 =	vld.idx.msk [tilespmem:v12+s17+$0x0], $0xffff;
	v9 =	vcvt.f32.s32 v8  }
0x763: {  	[tilespmem:s26+$0x80] =	vst v16;
	v13 =	vtrunc.f32 v13;
	v15 =	vmul.f32 $1.280000000e+02, v18;
	v8 =	vmax.f32 v7, $0.0e+00;
	v7 =	vld.idx.msk [tilespmem:v14+s17+$0x0], $0xffff  }
0x764: {  	s29 =	simm.s32 $0xC;
	s30 =	simm.s32 $0x5100;
	s28 =	simm.s32 $0xCA30;
	[tilespmem:s26+$0xFFFFFF00] =	vst v17;
	v12 =	vtrunc.f32 v21;
	v14 =	vmul.f32 $1.280000000e+02, v19;
	v16 =	vmin.f32 v8, $2.047000000e+03;
	v8 =	vld.idx.msk [tilespmem:v20+s17+$0x0], $0xffff  }
.LBB2_59:
0x765: {  	v17 =	vld.idx.msk [tilespmem:v2+s30+$0x180], $0xffff;
	s29 =	sadd.s32 $0x4, s29;
	v18 =	vmul.f32 $1.280000000e+02, v10;
	v15 =	vadd.f32 v15, v1;
	v10 =	vtrunc.f32 v16;
	s26 =	sadd.s32 $0x200, s26  }
0x766: {  	v13 =	vcvt.f32.s32 v13;
	v16 =	vld.idx.msk [tilespmem:v2+s30+$0x80], $0xffff;
	p1 =	slt.u32 s29, $0x7C;
	v14 =	vadd.f32 v14, v1;
	v19 =	vcvt.f32.s32 v10;
	[tilespmem:s26+$0x80] =	vst v5  }
0x767: {  	v20 =	vmul.f32 $1.280000000e+02, v11;
	v10 =	vld.idx.msk [tilespmem:v2+s30+$0x100], $0xffff;
	v18 =	vadd.f32 v18, v1;
	v5 =	vmax.f32 v15, $0.0e+00  }
.Ltmp30:
0x768: {  	v12 =	vcvt.f32.s32 v12;
	v14 =	vmax.f32 v14, $0.0e+00;
	v15 =	vmin.f32 v5, $2.047000000e+03;
	v5 =	vld.idx.msk [tilespmem:v9+s17+$0x0], $0xffff;
	[tilespmem:s28+$0xFFFFFF80] =	vst v6;
	(pc) =	sbr.rel @p1 .LBB2_59-.Ltmp30, $4  }
0x769: {  	v20 =	vadd.f32 v20, v1;
	v11 =	vld.idx.msk [tilespmem:v2+s30+$0x0], $0xffff;
	v6 =	vmax.f32 v18, $0.0e+00;
	v9 =	vtrunc.f32 v15;
	[tilespmem:s28+$0x0] =	vst v7;
	s28 =	smov.u32 s26  }
0x76a: {  	v7 =	vmin.f32 v14, $2.047000000e+03;
	v18 =	vmin.f32 v6, $2.047000000e+03;
	v9 =	vcvt.f32.s32 v9;
	[tilespmem:s26+$0xFFFFFF00] =	vst v8;
	v6 =	vld.idx.msk [tilespmem:v3+s17+$0x0], $0xffff;
	v3 =	vmovc v13  }
0x76b: {  	v15 =	vmul.f32 $1.280000000e+02, v17;
	v8 =	vmax.f32 v20, $0.0e+00;
	v13 =	vtrunc.f32 v7;
	v7 =	vld.idx.msk [tilespmem:v4+s17+$0x0], $0xffff;
	v4 =	vmovc v12  }
0x76c: {  	s30 =	sadd.s32 $0x200, s30;
	v14 =	vmul.f32 $1.280000000e+02, v16;
	v16 =	vmin.f32 v8, $2.047000000e+03;
	v12 =	vtrunc.f32 v18;
	v8 =	vld.idx.msk [tilespmem:v19+s17+$0x0], $0xffff  }
0x76d: {  	_ = 	snop  }
0x76e: {  	v2 =	vadd.f32 v15, v1;
	v10 =	vmul.f32 $1.280000000e+02, v10;
	v11 =	vmul.f32 $1.280000000e+02, v11  }
0x76f: {  	v15 =	vtrunc.f32 v16;
	v13 =	vcvt.f32.s32 v13  }
0x770: {  	v12 =	vcvt.f32.s32 v12;
	v2 =	vmax.f32 v2, $0.0e+00;
	v11 =	vadd.f32 v11, v1  }
0x771: {  	v15 =	vcvt.f32.s32 v15;
	v14 =	vadd.f32 v14, v1;
	v2 =	vmin.f32 v2, $2.047000000e+03  }
0x772: {  	v1 =	vadd.f32 v10, v1;
	v2 =	vtrunc.f32 v2;
	v10 =	vmax.f32 v11, $0.0e+00  }
0x773: {  	v3 =	vld.idx.msk [tilespmem:v3+s17+$0x0], $0xffff;
	v2 =	vcvt.f32.s32 v2;
	v11 =	vmax.f32 v14, $0.0e+00;
	v10 =	vmin.f32 v10, $2.047000000e+03  }
0x774: {  	s26 =	sadd.s32 $0x200, s26;
	v1 =	vmax.f32 v1, $0.0e+00;
	v11 =	vmin.f32 v11, $2.047000000e+03;
	v10 =	vtrunc.f32 v10  }
0x775: {  	v9 =	vld.idx.msk [tilespmem:v9+s17+$0x0], $0xffff;
	[tilespmem:s26+$0x80] =	vst v5;
	v1 =	vmin.f32 v1, $2.047000000e+03;
	v5 =	vtrunc.f32 v11;
	v10 =	vcvt.f32.s32 v10  }
0x776: {  	v4 =	vld.idx.msk [tilespmem:v4+s17+$0x0], $0xffff;
	[tilespmem:s28+$0xFFFFFF80] =	vst v6;
	v1 =	vtrunc.f32 v1;
	v5 =	vcvt.f32.s32 v5  }
0x777: {  	[tilespmem:s28+$0x0] =	vst v7;
	v7 =	vld.idx.msk [tilespmem:v13+s17+$0x0], $0xffff;
	v1 =	vcvt.f32.s32 v1  }
0x778: {  	[tilespmem:s26+$0xFFFFFF80] =	vst v3;
	v3 =	vld.idx.msk [tilespmem:v12+s17+$0x0], $0xffff  }
0x779: {  	s28 =	sadd.s32 $0x200, s26;
	[tilespmem:s26+$0xFFFFFF00] =	vst v8;
	v6 =	vld.idx.msk [tilespmem:v15+s17+$0x0], $0xffff  }
0x77a: {  	[tilespmem:s28+$0x80] =	vst v9;
	v2 =	vld.idx.msk [tilespmem:v2+s17+$0x0], $0xffff  }
0x77b: {  	[tilespmem:s26+$0x0] =	vst v4;
	v4 =	vld.idx.msk [tilespmem:v10+s17+$0x0], $0xffff  }
0x77c: {  	[tilespmem:s28+$0xFFFFFF80] =	vst v7;
	v5 =	vld.idx.msk [tilespmem:v5+s17+$0x0], $0xffff  }
0x77d: {  	[tilespmem:s28+$0x0] =	vst v3;
	v1 =	vld.idx.msk [tilespmem:v1+s17+$0x0], $0xffff  }
0x77e: {  	s31 =	sadd.s32 $0x200, s28;
	[tilespmem:s28+$0xFFFFFF00] =	vst v6  }
0x77f: {  	[tilespmem:s31+$0x80] =	vst v2  }
0x780: {  	[tilespmem:s31+$0xFFFFFF00] =	vst v4  }
0x781: {  	[tilespmem:s31+$0xFFFFFF80] =	vst v5  }
0x782: {  	[tilespmem:s31+$0x0] =	vst v1  }
0x783: {  	v2 =	vld [tilespmem:$0x40];
	_ =	sdelay $0x6  }
0x784: {  	s31 =	simm.s32 $0x4900;
	v1 =	vld [tilespmem:$0xC0]  }
0x785: {  	v3 =	vld.idx.msk [tilespmem:v2+s31+$0x180], $0xffff  }
0x786: {  	v4 =	vld.idx.msk [tilespmem:v2+s31+$0x80], $0xffff  }
0x787: {  	v5 =	vld.idx.msk [tilespmem:v2+s31+$0x100], $0xffff  }
0x788: {  	v6 =	vld.idx.msk [tilespmem:v2+s31+$0x0], $0xffff;
	s31 =	simm.s32 $0x4B00  }
0x789: {  	v7 =	vld.idx.msk [tilespmem:v2+s31+$0x180], $0xffff  }
0x78a: {  	v8 =	vld.idx.msk [tilespmem:v2+s31+$0x80], $0xffff  }
0x78b: {  	v1 =	vmul.f32 $-1.280000000e+02, v1;
	v9 =	vld.idx.msk [tilespmem:v2+s31+$0x100], $0xffff  }
0x78c: {  	v10 =	vld.idx.msk [tilespmem:v2+s31+$0x0], $0xffff  }
0x78d: {  	v1 =	vadd.f32 $1.024000000e+03, v1;
	v3 =	vmul.f32 $1.280000000e+02, v3;
	v4 =	vmul.f32 $1.280000000e+02, v4  }
0x78e: {  	v5 =	vmul.f32 $1.280000000e+02, v5;
	v6 =	vmul.f32 $1.280000000e+02, v6  }
0x78f: {  	v7 =	vmul.f32 $1.280000000e+02, v7;
	v8 =	vmul.f32 $1.280000000e+02, v8;
	v3 =	vadd.f32 v3, v1  }
0x790: {  	v9 =	vmul.f32 $1.280000000e+02, v9;
	v4 =	vadd.f32 v4, v1;
	v5 =	vadd.f32 v5, v1  }
0x791: {  	v10 =	vmul.f32 $1.280000000e+02, v10;
	v6 =	vadd.f32 v6, v1;
	v7 =	vadd.f32 v7, v1  }
0x792: {  	v8 =	vadd.f32 v8, v1;
	v9 =	vadd.f32 v9, v1;
	v3 =	vmax.f32 v3, $0.0e+00  }
0x793: {  	v4 =	vmax.f32 v4, $0.0e+00;
	v6 =	vmax.f32 v6, $0.0e+00;
	v3 =	vmin.f32 v3, $2.047000000e+03  }
0x794: {  	s31 =	simm.s32 $0x4D00;
	v5 =	vmax.f32 v5, $0.0e+00;
	v6 =	vmin.f32 v6, $2.047000000e+03;
	v3 =	vtrunc.f32 v3  }
0x795: {  	v11 =	vld.idx.msk [tilespmem:v2+s31+$0x180], $0xffff;
	v4 =	vmin.f32 v4, $2.047000000e+03;
	v6 =	vtrunc.f32 v6;
	v3 =	vcvt.f32.s32 v3  }
0x796: {  	v13 =	vld.idx.msk [tilespmem:v2+s31+$0x100], $0xffff;
	v5 =	vmin.f32 v5, $2.047000000e+03;
	v4 =	vtrunc.f32 v4;
	v6 =	vcvt.f32.s32 v6  }
0x797: {  	v7 =	vmax.f32 v7, $0.0e+00;
	v8 =	vmax.f32 v8, $0.0e+00;
	v12 =	vcvt.f32.s32 v4;
	v4 =	vld.idx.msk [tilespmem:v2+s31+$0x80], $0xffff  }
0x798: {  	v9 =	vmax.f32 v9, $0.0e+00;
	v5 =	vtrunc.f32 v5;
	v7 =	vmin.f32 v7, $2.047000000e+03  }
0x799: {  	v8 =	vmin.f32 v8, $2.047000000e+03;
	v14 =	vcvt.f32.s32 v5;
	v5 =	vadd.f32 v10, v1  }
0x79a: {  	v15 =	vld.idx.msk [tilespmem:v2+s31+$0x0], $0xffff;
	v9 =	vmin.f32 v9, $2.047000000e+03;
	v7 =	vtrunc.f32 v7;
	v8 =	vtrunc.f32 v8  }
0x79b: {  	v7 =	vcvt.f32.s32 v7;
	v5 =	vmax.f32 v5, $0.0e+00;
	v16 =	vld.idx.msk [tilespmem:v3+s17+$0x0], $0xffff;
	v3 =	vmul.f32 $1.280000000e+02, v11  }
0x79c: {  	s31 =	simm.s32 $0x4F00;
	v5 =	vmin.f32 v5, $2.047000000e+03;
	v4 =	vmul.f32 $1.280000000e+02, v4;
	v17 =	vld.idx.msk [tilespmem:v6+s17+$0x0], $0xffff;
	v6 =	vmul.f32 $1.280000000e+02, v13  }
0x79d: {  	v9 =	vtrunc.f32 v9;
	v18 =	vld.idx.msk [tilespmem:v2+s31+$0x180], $0xffff;
	v11 =	vadd.f32 v3, v1;
	v3 =	vtrunc.f32 v5  }
0x79e: {  	v19 =	vld.idx.msk [tilespmem:v2+s31+$0x80], $0xffff;
	v4 =	vadd.f32 v4, v1;
	v6 =	vadd.f32 v6, v1;
	v20 =	vcvt.f32.s32 v3  }
0x79f: {  	v10 =	vld.idx.msk [tilespmem:v2+s31+$0x100], $0xffff;
	v3 =	vcvt.f32.s32 v8;
	v8 =	vmul.f32 $1.280000000e+02, v15;
	v5 =	vmax.f32 v11, $0.0e+00  }
0x7a0: {  	v13 =	vmax.f32 v4, $0.0e+00;
	v4 =	vcvt.f32.s32 v9;
	v11 =	vld.idx.msk [tilespmem:v2+s31+$0x0], $0xffff;
	v15 =	vmin.f32 v5, $2.047000000e+03  }
0x7a1: {  	v6 =	vmax.f32 v6, $0.0e+00;
	v5 =	vld.idx.msk [tilespmem:v7+s17+$0x0], $0xffff;
	v7 =	vadd.f32 v8, v1;
	v8 =	vtrunc.f32 v15  }
0x7a2: {  	s26 =	simm.s32 $0xCA40;
	v13 =	vmin.f32 v13, $2.047000000e+03;
	v21 =	vmin.f32 v6, $2.047000000e+03;
	v6 =	vld.idx.msk [tilespmem:v12+s17+$0x0], $0xffff;
	v9 =	vcvt.f32.s32 v8  }
0x7a3: {  	[tilespmem:s26+$0x80] =	vst v16;
	v13 =	vtrunc.f32 v13;
	v15 =	vmul.f32 $1.280000000e+02, v18;
	v8 =	vmax.f32 v7, $0.0e+00;
	v7 =	vld.idx.msk [tilespmem:v14+s17+$0x0], $0xffff  }
0x7a4: {  	s29 =	simm.s32 $0xC;
	s30 =	simm.s32 $0x5100;
	s28 =	simm.s32 $0xCA40;
	[tilespmem:s26+$0xFFFFFF00] =	vst v17;
	v12 =	vtrunc.f32 v21;
	v14 =	vmul.f32 $1.280000000e+02, v19;
	v16 =	vmin.f32 v8, $2.047000000e+03;
	v8 =	vld.idx.msk [tilespmem:v20+s17+$0x0], $0xffff  }
.LBB2_61:
0x7a5: {  	v17 =	vld.idx.msk [tilespmem:v2+s30+$0x180], $0xffff;
	s29 =	sadd.s32 $0x4, s29;
	v18 =	vmul.f32 $1.280000000e+02, v10;
	v15 =	vadd.f32 v15, v1;
	v10 =	vtrunc.f32 v16;
	s26 =	sadd.s32 $0x200, s26  }
0x7a6: {  	v13 =	vcvt.f32.s32 v13;
	v16 =	vld.idx.msk [tilespmem:v2+s30+$0x80], $0xffff;
	p1 =	slt.u32 s29, $0x7C;
	v14 =	vadd.f32 v14, v1;
	v19 =	vcvt.f32.s32 v10;
	[tilespmem:s26+$0x80] =	vst v5  }
0x7a7: {  	v20 =	vmul.f32 $1.280000000e+02, v11;
	v10 =	vld.idx.msk [tilespmem:v2+s30+$0x100], $0xffff;
	v18 =	vadd.f32 v18, v1;
	v5 =	vmax.f32 v15, $0.0e+00  }
.Ltmp31:
0x7a8: {  	v12 =	vcvt.f32.s32 v12;
	v14 =	vmax.f32 v14, $0.0e+00;
	v15 =	vmin.f32 v5, $2.047000000e+03;
	v5 =	vld.idx.msk [tilespmem:v9+s17+$0x0], $0xffff;
	[tilespmem:s28+$0xFFFFFF80] =	vst v6;
	(pc) =	sbr.rel @p1 .LBB2_61-.Ltmp31, $4  }
0x7a9: {  	v20 =	vadd.f32 v20, v1;
	v11 =	vld.idx.msk [tilespmem:v2+s30+$0x0], $0xffff;
	v6 =	vmax.f32 v18, $0.0e+00;
	v9 =	vtrunc.f32 v15;
	[tilespmem:s28+$0x0] =	vst v7;
	s28 =	smov.u32 s26  }
0x7aa: {  	v7 =	vmin.f32 v14, $2.047000000e+03;
	v18 =	vmin.f32 v6, $2.047000000e+03;
	v9 =	vcvt.f32.s32 v9;
	[tilespmem:s26+$0xFFFFFF00] =	vst v8;
	v6 =	vld.idx.msk [tilespmem:v3+s17+$0x0], $0xffff;
	v3 =	vmovc v13  }
0x7ab: {  	v15 =	vmul.f32 $1.280000000e+02, v17;
	v8 =	vmax.f32 v20, $0.0e+00;
	v13 =	vtrunc.f32 v7;
	v7 =	vld.idx.msk [tilespmem:v4+s17+$0x0], $0xffff;
	v4 =	vmovc v12  }
0x7ac: {  	s30 =	sadd.s32 $0x200, s30;
	v14 =	vmul.f32 $1.280000000e+02, v16;
	v16 =	vmin.f32 v8, $2.047000000e+03;
	v12 =	vtrunc.f32 v18;
	v8 =	vld.idx.msk [tilespmem:v19+s17+$0x0], $0xffff  }
0x7ad: {  	_ = 	snop  }
0x7ae: {  	v2 =	vadd.f32 v15, v1;
	v10 =	vmul.f32 $1.280000000e+02, v10;
	v11 =	vmul.f32 $1.280000000e+02, v11  }
0x7af: {  	v15 =	vtrunc.f32 v16;
	v13 =	vcvt.f32.s32 v13  }
0x7b0: {  	v12 =	vcvt.f32.s32 v12;
	v2 =	vmax.f32 v2, $0.0e+00;
	v11 =	vadd.f32 v11, v1  }
0x7b1: {  	v15 =	vcvt.f32.s32 v15;
	v14 =	vadd.f32 v14, v1;
	v2 =	vmin.f32 v2, $2.047000000e+03  }
0x7b2: {  	v1 =	vadd.f32 v10, v1;
	v2 =	vtrunc.f32 v2;
	v10 =	vmax.f32 v11, $0.0e+00  }
0x7b3: {  	v3 =	vld.idx.msk [tilespmem:v3+s17+$0x0], $0xffff;
	v2 =	vcvt.f32.s32 v2;
	v11 =	vmax.f32 v14, $0.0e+00;
	v10 =	vmin.f32 v10, $2.047000000e+03  }
0x7b4: {  	s26 =	sadd.s32 $0x200, s26;
	v1 =	vmax.f32 v1, $0.0e+00;
	v11 =	vmin.f32 v11, $2.047000000e+03;
	v10 =	vtrunc.f32 v10  }
0x7b5: {  	v9 =	vld.idx.msk [tilespmem:v9+s17+$0x0], $0xffff;
	[tilespmem:s26+$0x80] =	vst v5;
	v1 =	vmin.f32 v1, $2.047000000e+03;
	v5 =	vtrunc.f32 v11;
	v10 =	vcvt.f32.s32 v10  }
0x7b6: {  	v4 =	vld.idx.msk [tilespmem:v4+s17+$0x0], $0xffff;
	[tilespmem:s28+$0xFFFFFF80] =	vst v6;
	v1 =	vtrunc.f32 v1;
	v5 =	vcvt.f32.s32 v5  }
0x7b7: {  	[tilespmem:s28+$0x0] =	vst v7;
	v7 =	vld.idx.msk [tilespmem:v13+s17+$0x0], $0xffff;
	v1 =	vcvt.f32.s32 v1  }
0x7b8: {  	[tilespmem:s26+$0xFFFFFF80] =	vst v3;
	v3 =	vld.idx.msk [tilespmem:v12+s17+$0x0], $0xffff  }
0x7b9: {  	s28 =	sadd.s32 $0x200, s26;
	[tilespmem:s26+$0xFFFFFF00] =	vst v8;
	v6 =	vld.idx.msk [tilespmem:v15+s17+$0x0], $0xffff  }
0x7ba: {  	[tilespmem:s28+$0x80] =	vst v9;
	v2 =	vld.idx.msk [tilespmem:v2+s17+$0x0], $0xffff  }
0x7bb: {  	[tilespmem:s26+$0x0] =	vst v4;
	v4 =	vld.idx.msk [tilespmem:v10+s17+$0x0], $0xffff  }
0x7bc: {  	[tilespmem:s28+$0xFFFFFF80] =	vst v7;
	v5 =	vld.idx.msk [tilespmem:v5+s17+$0x0], $0xffff  }
0x7bd: {  	[tilespmem:s28+$0x0] =	vst v3;
	v1 =	vld.idx.msk [tilespmem:v1+s17+$0x0], $0xffff  }
0x7be: {  	s31 =	sadd.s32 $0x200, s28;
	[tilespmem:s28+$0xFFFFFF00] =	vst v6  }
0x7bf: {  	[tilespmem:s31+$0x80] =	vst v2  }
0x7c0: {  	[tilespmem:s31+$0xFFFFFF00] =	vst v4  }
0x7c1: {  	[tilespmem:s31+$0xFFFFFF80] =	vst v5  }
0x7c2: {  	[tilespmem:s31+$0x0] =	vst v1  }
0x7c3: {  	v2 =	vld [tilespmem:$0x50];
	_ =	sdelay $0x6  }
0x7c4: {  	s31 =	simm.s32 $0x4900;
	v1 =	vld [tilespmem:$0xD0]  }
0x7c5: {  	v3 =	vld.idx.msk [tilespmem:v2+s31+$0x180], $0xffff  }
0x7c6: {  	v4 =	vld.idx.msk [tilespmem:v2+s31+$0x80], $0xffff  }
0x7c7: {  	v5 =	vld.idx.msk [tilespmem:v2+s31+$0x100], $0xffff  }
0x7c8: {  	v6 =	vld.idx.msk [tilespmem:v2+s31+$0x0], $0xffff;
	s31 =	simm.s32 $0x4B00  }
0x7c9: {  	v7 =	vld.idx.msk [tilespmem:v2+s31+$0x180], $0xffff  }
0x7ca: {  	v8 =	vld.idx.msk [tilespmem:v2+s31+$0x80], $0xffff  }
0x7cb: {  	v1 =	vmul.f32 $-1.280000000e+02, v1;
	v9 =	vld.idx.msk [tilespmem:v2+s31+$0x100], $0xffff  }
0x7cc: {  	v10 =	vld.idx.msk [tilespmem:v2+s31+$0x0], $0xffff  }
0x7cd: {  	v1 =	vadd.f32 $1.024000000e+03, v1;
	v3 =	vmul.f32 $1.280000000e+02, v3;
	v4 =	vmul.f32 $1.280000000e+02, v4  }
0x7ce: {  	v5 =	vmul.f32 $1.280000000e+02, v5;
	v6 =	vmul.f32 $1.280000000e+02, v6  }
0x7cf: {  	v7 =	vmul.f32 $1.280000000e+02, v7;
	v8 =	vmul.f32 $1.280000000e+02, v8;
	v3 =	vadd.f32 v3, v1  }
0x7d0: {  	v9 =	vmul.f32 $1.280000000e+02, v9;
	v4 =	vadd.f32 v4, v1;
	v5 =	vadd.f32 v5, v1  }
0x7d1: {  	v10 =	vmul.f32 $1.280000000e+02, v10;
	v6 =	vadd.f32 v6, v1;
	v7 =	vadd.f32 v7, v1  }
0x7d2: {  	v8 =	vadd.f32 v8, v1;
	v9 =	vadd.f32 v9, v1;
	v3 =	vmax.f32 v3, $0.0e+00  }
0x7d3: {  	v4 =	vmax.f32 v4, $0.0e+00;
	v6 =	vmax.f32 v6, $0.0e+00;
	v3 =	vmin.f32 v3, $2.047000000e+03  }
0x7d4: {  	s31 =	simm.s32 $0x4D00;
	v5 =	vmax.f32 v5, $0.0e+00;
	v6 =	vmin.f32 v6, $2.047000000e+03;
	v3 =	vtrunc.f32 v3  }
0x7d5: {  	v11 =	vld.idx.msk [tilespmem:v2+s31+$0x180], $0xffff;
	v4 =	vmin.f32 v4, $2.047000000e+03;
	v6 =	vtrunc.f32 v6;
	v3 =	vcvt.f32.s32 v3  }
0x7d6: {  	v13 =	vld.idx.msk [tilespmem:v2+s31+$0x100], $0xffff;
	v5 =	vmin.f32 v5, $2.047000000e+03;
	v4 =	vtrunc.f32 v4;
	v6 =	vcvt.f32.s32 v6  }
0x7d7: {  	v7 =	vmax.f32 v7, $0.0e+00;
	v8 =	vmax.f32 v8, $0.0e+00;
	v12 =	vcvt.f32.s32 v4;
	v4 =	vld.idx.msk [tilespmem:v2+s31+$0x80], $0xffff  }
0x7d8: {  	v9 =	vmax.f32 v9, $0.0e+00;
	v5 =	vtrunc.f32 v5;
	v7 =	vmin.f32 v7, $2.047000000e+03  }
0x7d9: {  	v8 =	vmin.f32 v8, $2.047000000e+03;
	v14 =	vcvt.f32.s32 v5;
	v5 =	vadd.f32 v10, v1  }
0x7da: {  	v15 =	vld.idx.msk [tilespmem:v2+s31+$0x0], $0xffff;
	v9 =	vmin.f32 v9, $2.047000000e+03;
	v7 =	vtrunc.f32 v7;
	v8 =	vtrunc.f32 v8  }
0x7db: {  	v7 =	vcvt.f32.s32 v7;
	v5 =	vmax.f32 v5, $0.0e+00;
	v16 =	vld.idx.msk [tilespmem:v3+s17+$0x0], $0xffff;
	v3 =	vmul.f32 $1.280000000e+02, v11  }
0x7dc: {  	s31 =	simm.s32 $0x4F00;
	v5 =	vmin.f32 v5, $2.047000000e+03;
	v4 =	vmul.f32 $1.280000000e+02, v4;
	v17 =	vld.idx.msk [tilespmem:v6+s17+$0x0], $0xffff;
	v6 =	vmul.f32 $1.280000000e+02, v13  }
0x7dd: {  	v9 =	vtrunc.f32 v9;
	v18 =	vld.idx.msk [tilespmem:v2+s31+$0x180], $0xffff;
	v11 =	vadd.f32 v3, v1;
	v3 =	vtrunc.f32 v5  }
0x7de: {  	v19 =	vld.idx.msk [tilespmem:v2+s31+$0x80], $0xffff;
	v4 =	vadd.f32 v4, v1;
	v6 =	vadd.f32 v6, v1;
	v20 =	vcvt.f32.s32 v3  }
0x7df: {  	v10 =	vld.idx.msk [tilespmem:v2+s31+$0x100], $0xffff;
	v3 =	vcvt.f32.s32 v8;
	v8 =	vmul.f32 $1.280000000e+02, v15;
	v5 =	vmax.f32 v11, $0.0e+00  }
0x7e0: {  	v13 =	vmax.f32 v4, $0.0e+00;
	v4 =	vcvt.f32.s32 v9;
	v11 =	vld.idx.msk [tilespmem:v2+s31+$0x0], $0xffff;
	v15 =	vmin.f32 v5, $2.047000000e+03  }
0x7e1: {  	v6 =	vmax.f32 v6, $0.0e+00;
	v5 =	vld.idx.msk [tilespmem:v7+s17+$0x0], $0xffff;
	v7 =	vadd.f32 v8, v1;
	v8 =	vtrunc.f32 v15  }
0x7e2: {  	s26 =	simm.s32 $0xCA50;
	v13 =	vmin.f32 v13, $2.047000000e+03;
	v21 =	vmin.f32 v6, $2.047000000e+03;
	v6 =	vld.idx.msk [tilespmem:v12+s17+$0x0], $0xffff;
	v9 =	vcvt.f32.s32 v8  }
0x7e3: {  	[tilespmem:s26+$0x80] =	vst v16;
	v13 =	vtrunc.f32 v13;
	v15 =	vmul.f32 $1.280000000e+02, v18;
	v8 =	vmax.f32 v7, $0.0e+00;
	v7 =	vld.idx.msk [tilespmem:v14+s17+$0x0], $0xffff  }
0x7e4: {  	s29 =	simm.s32 $0xC;
	s30 =	simm.s32 $0x5100;
	s28 =	simm.s32 $0xCA50;
	[tilespmem:s26+$0xFFFFFF00] =	vst v17;
	v12 =	vtrunc.f32 v21;
	v14 =	vmul.f32 $1.280000000e+02, v19;
	v16 =	vmin.f32 v8, $2.047000000e+03;
	v8 =	vld.idx.msk [tilespmem:v20+s17+$0x0], $0xffff  }
.LBB2_63:
0x7e5: {  	v17 =	vld.idx.msk [tilespmem:v2+s30+$0x180], $0xffff;
	s29 =	sadd.s32 $0x4, s29;
	v18 =	vmul.f32 $1.280000000e+02, v10;
	v15 =	vadd.f32 v15, v1;
	v10 =	vtrunc.f32 v16;
	s26 =	sadd.s32 $0x200, s26  }
0x7e6: {  	v13 =	vcvt.f32.s32 v13;
	v16 =	vld.idx.msk [tilespmem:v2+s30+$0x80], $0xffff;
	p1 =	slt.u32 s29, $0x7C;
	v14 =	vadd.f32 v14, v1;
	v19 =	vcvt.f32.s32 v10;
	[tilespmem:s26+$0x80] =	vst v5  }
0x7e7: {  	v20 =	vmul.f32 $1.280000000e+02, v11;
	v10 =	vld.idx.msk [tilespmem:v2+s30+$0x100], $0xffff;
	v18 =	vadd.f32 v18, v1;
	v5 =	vmax.f32 v15, $0.0e+00  }
.Ltmp32:
0x7e8: {  	v12 =	vcvt.f32.s32 v12;
	v14 =	vmax.f32 v14, $0.0e+00;
	v15 =	vmin.f32 v5, $2.047000000e+03;
	v5 =	vld.idx.msk [tilespmem:v9+s17+$0x0], $0xffff;
	[tilespmem:s28+$0xFFFFFF80] =	vst v6;
	(pc) =	sbr.rel @p1 .LBB2_63-.Ltmp32, $4  }
0x7e9: {  	v20 =	vadd.f32 v20, v1;
	v11 =	vld.idx.msk [tilespmem:v2+s30+$0x0], $0xffff;
	v6 =	vmax.f32 v18, $0.0e+00;
	v9 =	vtrunc.f32 v15;
	[tilespmem:s28+$0x0] =	vst v7;
	s28 =	smov.u32 s26  }
0x7ea: {  	v7 =	vmin.f32 v14, $2.047000000e+03;
	v18 =	vmin.f32 v6, $2.047000000e+03;
	v9 =	vcvt.f32.s32 v9;
	[tilespmem:s26+$0xFFFFFF00] =	vst v8;
	v6 =	vld.idx.msk [tilespmem:v3+s17+$0x0], $0xffff;
	v3 =	vmovc v13  }
0x7eb: {  	v15 =	vmul.f32 $1.280000000e+02, v17;
	v8 =	vmax.f32 v20, $0.0e+00;
	v13 =	vtrunc.f32 v7;
	v7 =	vld.idx.msk [tilespmem:v4+s17+$0x0], $0xffff;
	v4 =	vmovc v12  }
0x7ec: {  	s30 =	sadd.s32 $0x200, s30;
	v14 =	vmul.f32 $1.280000000e+02, v16;
	v16 =	vmin.f32 v8, $2.047000000e+03;
	v12 =	vtrunc.f32 v18;
	v8 =	vld.idx.msk [tilespmem:v19+s17+$0x0], $0xffff  }
0x7ed: {  	_ = 	snop  }
0x7ee: {  	v2 =	vadd.f32 v15, v1;
	v10 =	vmul.f32 $1.280000000e+02, v10;
	v11 =	vmul.f32 $1.280000000e+02, v11  }
0x7ef: {  	v15 =	vtrunc.f32 v16;
	v13 =	vcvt.f32.s32 v13  }
0x7f0: {  	v12 =	vcvt.f32.s32 v12;
	v2 =	vmax.f32 v2, $0.0e+00;
	v11 =	vadd.f32 v11, v1  }
0x7f1: {  	v15 =	vcvt.f32.s32 v15;
	v14 =	vadd.f32 v14, v1;
	v2 =	vmin.f32 v2, $2.047000000e+03  }
0x7f2: {  	v1 =	vadd.f32 v10, v1;
	v2 =	vtrunc.f32 v2;
	v10 =	vmax.f32 v11, $0.0e+00  }
0x7f3: {  	v3 =	vld.idx.msk [tilespmem:v3+s17+$0x0], $0xffff;
	v2 =	vcvt.f32.s32 v2;
	v11 =	vmax.f32 v14, $0.0e+00;
	v10 =	vmin.f32 v10, $2.047000000e+03  }
0x7f4: {  	s26 =	sadd.s32 $0x200, s26;
	v1 =	vmax.f32 v1, $0.0e+00;
	v11 =	vmin.f32 v11, $2.047000000e+03;
	v10 =	vtrunc.f32 v10  }
0x7f5: {  	v9 =	vld.idx.msk [tilespmem:v9+s17+$0x0], $0xffff;
	[tilespmem:s26+$0x80] =	vst v5;
	v1 =	vmin.f32 v1, $2.047000000e+03;
	v5 =	vtrunc.f32 v11;
	v10 =	vcvt.f32.s32 v10  }
0x7f6: {  	v4 =	vld.idx.msk [tilespmem:v4+s17+$0x0], $0xffff;
	[tilespmem:s28+$0xFFFFFF80] =	vst v6;
	v1 =	vtrunc.f32 v1;
	v5 =	vcvt.f32.s32 v5  }
0x7f7: {  	[tilespmem:s28+$0x0] =	vst v7;
	v7 =	vld.idx.msk [tilespmem:v13+s17+$0x0], $0xffff;
	v1 =	vcvt.f32.s32 v1  }
0x7f8: {  	[tilespmem:s26+$0xFFFFFF80] =	vst v3;
	v3 =	vld.idx.msk [tilespmem:v12+s17+$0x0], $0xffff  }
0x7f9: {  	s28 =	sadd.s32 $0x200, s26;
	[tilespmem:s26+$0xFFFFFF00] =	vst v8;
	v6 =	vld.idx.msk [tilespmem:v15+s17+$0x0], $0xffff  }
0x7fa: {  	[tilespmem:s28+$0x80] =	vst v9;
	v2 =	vld.idx.msk [tilespmem:v2+s17+$0x0], $0xffff  }
0x7fb: {  	[tilespmem:s26+$0x0] =	vst v4;
	v4 =	vld.idx.msk [tilespmem:v10+s17+$0x0], $0xffff  }
0x7fc: {  	[tilespmem:s28+$0xFFFFFF80] =	vst v7;
	v5 =	vld.idx.msk [tilespmem:v5+s17+$0x0], $0xffff  }
0x7fd: {  	[tilespmem:s28+$0x0] =	vst v3;
	v1 =	vld.idx.msk [tilespmem:v1+s17+$0x0], $0xffff  }
0x7fe: {  	s31 =	sadd.s32 $0x200, s28;
	[tilespmem:s28+$0xFFFFFF00] =	vst v6  }
0x7ff: {  	[tilespmem:s31+$0x80] =	vst v2  }
0x800: {  	[tilespmem:s31+$0xFFFFFF00] =	vst v4  }
0x801: {  	[tilespmem:s31+$0xFFFFFF80] =	vst v5  }
0x802: {  	[tilespmem:s31+$0x0] =	vst v1  }
0x803: {  	v2 =	vld [tilespmem:$0x60];
	_ =	sdelay $0x6  }
0x804: {  	s31 =	simm.s32 $0x4900;
	v1 =	vld [tilespmem:$0xE0]  }
0x805: {  	v3 =	vld.idx.msk [tilespmem:v2+s31+$0x180], $0xffff  }
0x806: {  	v4 =	vld.idx.msk [tilespmem:v2+s31+$0x80], $0xffff  }
0x807: {  	v5 =	vld.idx.msk [tilespmem:v2+s31+$0x100], $0xffff  }
0x808: {  	v6 =	vld.idx.msk [tilespmem:v2+s31+$0x0], $0xffff;
	s31 =	simm.s32 $0x4B00  }
0x809: {  	v7 =	vld.idx.msk [tilespmem:v2+s31+$0x180], $0xffff  }
0x80a: {  	v8 =	vld.idx.msk [tilespmem:v2+s31+$0x80], $0xffff  }
0x80b: {  	v1 =	vmul.f32 $-1.280000000e+02, v1;
	v9 =	vld.idx.msk [tilespmem:v2+s31+$0x100], $0xffff  }
0x80c: {  	v10 =	vld.idx.msk [tilespmem:v2+s31+$0x0], $0xffff  }
0x80d: {  	v1 =	vadd.f32 $1.024000000e+03, v1;
	v3 =	vmul.f32 $1.280000000e+02, v3;
	v4 =	vmul.f32 $1.280000000e+02, v4  }
0x80e: {  	v5 =	vmul.f32 $1.280000000e+02, v5;
	v6 =	vmul.f32 $1.280000000e+02, v6  }
0x80f: {  	v7 =	vmul.f32 $1.280000000e+02, v7;
	v8 =	vmul.f32 $1.280000000e+02, v8;
	v3 =	vadd.f32 v3, v1  }
0x810: {  	v9 =	vmul.f32 $1.280000000e+02, v9;
	v4 =	vadd.f32 v4, v1;
	v5 =	vadd.f32 v5, v1  }
0x811: {  	v10 =	vmul.f32 $1.280000000e+02, v10;
	v6 =	vadd.f32 v6, v1;
	v7 =	vadd.f32 v7, v1  }
0x812: {  	v8 =	vadd.f32 v8, v1;
	v9 =	vadd.f32 v9, v1;
	v3 =	vmax.f32 v3, $0.0e+00  }
0x813: {  	v4 =	vmax.f32 v4, $0.0e+00;
	v6 =	vmax.f32 v6, $0.0e+00;
	v3 =	vmin.f32 v3, $2.047000000e+03  }
0x814: {  	s31 =	simm.s32 $0x4D00;
	v5 =	vmax.f32 v5, $0.0e+00;
	v6 =	vmin.f32 v6, $2.047000000e+03;
	v3 =	vtrunc.f32 v3  }
0x815: {  	v11 =	vld.idx.msk [tilespmem:v2+s31+$0x180], $0xffff;
	v4 =	vmin.f32 v4, $2.047000000e+03;
	v6 =	vtrunc.f32 v6;
	v3 =	vcvt.f32.s32 v3  }
0x816: {  	v13 =	vld.idx.msk [tilespmem:v2+s31+$0x100], $0xffff;
	v5 =	vmin.f32 v5, $2.047000000e+03;
	v4 =	vtrunc.f32 v4;
	v6 =	vcvt.f32.s32 v6  }
0x817: {  	v7 =	vmax.f32 v7, $0.0e+00;
	v8 =	vmax.f32 v8, $0.0e+00;
	v12 =	vcvt.f32.s32 v4;
	v4 =	vld.idx.msk [tilespmem:v2+s31+$0x80], $0xffff  }
0x818: {  	v9 =	vmax.f32 v9, $0.0e+00;
	v5 =	vtrunc.f32 v5;
	v7 =	vmin.f32 v7, $2.047000000e+03  }
0x819: {  	v8 =	vmin.f32 v8, $2.047000000e+03;
	v14 =	vcvt.f32.s32 v5;
	v5 =	vadd.f32 v10, v1  }
0x81a: {  	v15 =	vld.idx.msk [tilespmem:v2+s31+$0x0], $0xffff;
	v9 =	vmin.f32 v9, $2.047000000e+03;
	v7 =	vtrunc.f32 v7;
	v8 =	vtrunc.f32 v8  }
0x81b: {  	v7 =	vcvt.f32.s32 v7;
	v5 =	vmax.f32 v5, $0.0e+00;
	v16 =	vld.idx.msk [tilespmem:v3+s17+$0x0], $0xffff;
	v3 =	vmul.f32 $1.280000000e+02, v11  }
0x81c: {  	s31 =	simm.s32 $0x4F00;
	v5 =	vmin.f32 v5, $2.047000000e+03;
	v4 =	vmul.f32 $1.280000000e+02, v4;
	v17 =	vld.idx.msk [tilespmem:v6+s17+$0x0], $0xffff;
	v6 =	vmul.f32 $1.280000000e+02, v13  }
0x81d: {  	v9 =	vtrunc.f32 v9;
	v18 =	vld.idx.msk [tilespmem:v2+s31+$0x180], $0xffff;
	v11 =	vadd.f32 v3, v1;
	v3 =	vtrunc.f32 v5  }
0x81e: {  	v19 =	vld.idx.msk [tilespmem:v2+s31+$0x80], $0xffff;
	v4 =	vadd.f32 v4, v1;
	v6 =	vadd.f32 v6, v1;
	v20 =	vcvt.f32.s32 v3  }
0x81f: {  	v10 =	vld.idx.msk [tilespmem:v2+s31+$0x100], $0xffff;
	v3 =	vcvt.f32.s32 v8;
	v8 =	vmul.f32 $1.280000000e+02, v15;
	v5 =	vmax.f32 v11, $0.0e+00  }
0x820: {  	v13 =	vmax.f32 v4, $0.0e+00;
	v4 =	vcvt.f32.s32 v9;
	v11 =	vld.idx.msk [tilespmem:v2+s31+$0x0], $0xffff;
	v15 =	vmin.f32 v5, $2.047000000e+03  }
0x821: {  	v6 =	vmax.f32 v6, $0.0e+00;
	v5 =	vld.idx.msk [tilespmem:v7+s17+$0x0], $0xffff;
	v7 =	vadd.f32 v8, v1;
	v8 =	vtrunc.f32 v15  }
0x822: {  	s26 =	simm.s32 $0xCA60;
	v13 =	vmin.f32 v13, $2.047000000e+03;
	v21 =	vmin.f32 v6, $2.047000000e+03;
	v6 =	vld.idx.msk [tilespmem:v12+s17+$0x0], $0xffff;
	v9 =	vcvt.f32.s32 v8  }
0x823: {  	[tilespmem:s26+$0x80] =	vst v16;
	v13 =	vtrunc.f32 v13;
	v15 =	vmul.f32 $1.280000000e+02, v18;
	v8 =	vmax.f32 v7, $0.0e+00;
	v7 =	vld.idx.msk [tilespmem:v14+s17+$0x0], $0xffff  }
0x824: {  	s29 =	simm.s32 $0xC;
	s30 =	simm.s32 $0x5100;
	s28 =	simm.s32 $0xCA60;
	[tilespmem:s26+$0xFFFFFF00] =	vst v17;
	v12 =	vtrunc.f32 v21;
	v14 =	vmul.f32 $1.280000000e+02, v19;
	v16 =	vmin.f32 v8, $2.047000000e+03;
	v8 =	vld.idx.msk [tilespmem:v20+s17+$0x0], $0xffff  }
.LBB2_65:
0x825: {  	v17 =	vld.idx.msk [tilespmem:v2+s30+$0x180], $0xffff;
	s29 =	sadd.s32 $0x4, s29;
	v18 =	vmul.f32 $1.280000000e+02, v10;
	v15 =	vadd.f32 v15, v1;
	v10 =	vtrunc.f32 v16;
	s26 =	sadd.s32 $0x200, s26  }
0x826: {  	v13 =	vcvt.f32.s32 v13;
	v16 =	vld.idx.msk [tilespmem:v2+s30+$0x80], $0xffff;
	p1 =	slt.u32 s29, $0x7C;
	v14 =	vadd.f32 v14, v1;
	v19 =	vcvt.f32.s32 v10;
	[tilespmem:s26+$0x80] =	vst v5  }
0x827: {  	v20 =	vmul.f32 $1.280000000e+02, v11;
	v10 =	vld.idx.msk [tilespmem:v2+s30+$0x100], $0xffff;
	v18 =	vadd.f32 v18, v1;
	v5 =	vmax.f32 v15, $0.0e+00  }
.Ltmp33:
0x828: {  	v12 =	vcvt.f32.s32 v12;
	v14 =	vmax.f32 v14, $0.0e+00;
	v15 =	vmin.f32 v5, $2.047000000e+03;
	v5 =	vld.idx.msk [tilespmem:v9+s17+$0x0], $0xffff;
	[tilespmem:s28+$0xFFFFFF80] =	vst v6;
	(pc) =	sbr.rel @p1 .LBB2_65-.Ltmp33, $4  }
0x829: {  	v20 =	vadd.f32 v20, v1;
	v11 =	vld.idx.msk [tilespmem:v2+s30+$0x0], $0xffff;
	v6 =	vmax.f32 v18, $0.0e+00;
	v9 =	vtrunc.f32 v15;
	[tilespmem:s28+$0x0] =	vst v7;
	s28 =	smov.u32 s26  }
0x82a: {  	v7 =	vmin.f32 v14, $2.047000000e+03;
	v18 =	vmin.f32 v6, $2.047000000e+03;
	v9 =	vcvt.f32.s32 v9;
	[tilespmem:s26+$0xFFFFFF00] =	vst v8;
	v6 =	vld.idx.msk [tilespmem:v3+s17+$0x0], $0xffff;
	v3 =	vmovc v13  }
0x82b: {  	v15 =	vmul.f32 $1.280000000e+02, v17;
	v8 =	vmax.f32 v20, $0.0e+00;
	v13 =	vtrunc.f32 v7;
	v7 =	vld.idx.msk [tilespmem:v4+s17+$0x0], $0xffff;
	v4 =	vmovc v12  }
0x82c: {  	s30 =	sadd.s32 $0x200, s30;
	v14 =	vmul.f32 $1.280000000e+02, v16;
	v16 =	vmin.f32 v8, $2.047000000e+03;
	v12 =	vtrunc.f32 v18;
	v8 =	vld.idx.msk [tilespmem:v19+s17+$0x0], $0xffff  }
0x82d: {  	_ = 	snop  }
0x82e: {  	v2 =	vadd.f32 v15, v1;
	v10 =	vmul.f32 $1.280000000e+02, v10;
	v11 =	vmul.f32 $1.280000000e+02, v11  }
0x82f: {  	v15 =	vtrunc.f32 v16;
	v13 =	vcvt.f32.s32 v13  }
0x830: {  	v12 =	vcvt.f32.s32 v12;
	v2 =	vmax.f32 v2, $0.0e+00;
	v11 =	vadd.f32 v11, v1  }
0x831: {  	v15 =	vcvt.f32.s32 v15;
	v14 =	vadd.f32 v14, v1;
	v2 =	vmin.f32 v2, $2.047000000e+03  }
0x832: {  	v1 =	vadd.f32 v10, v1;
	v2 =	vtrunc.f32 v2;
	v10 =	vmax.f32 v11, $0.0e+00  }
0x833: {  	v3 =	vld.idx.msk [tilespmem:v3+s17+$0x0], $0xffff;
	v2 =	vcvt.f32.s32 v2;
	v11 =	vmax.f32 v14, $0.0e+00;
	v10 =	vmin.f32 v10, $2.047000000e+03  }
0x834: {  	s26 =	sadd.s32 $0x200, s26;
	v1 =	vmax.f32 v1, $0.0e+00;
	v11 =	vmin.f32 v11, $2.047000000e+03;
	v10 =	vtrunc.f32 v10  }
0x835: {  	v9 =	vld.idx.msk [tilespmem:v9+s17+$0x0], $0xffff;
	[tilespmem:s26+$0x80] =	vst v5;
	v1 =	vmin.f32 v1, $2.047000000e+03;
	v5 =	vtrunc.f32 v11;
	v10 =	vcvt.f32.s32 v10  }
0x836: {  	v4 =	vld.idx.msk [tilespmem:v4+s17+$0x0], $0xffff;
	[tilespmem:s28+$0xFFFFFF80] =	vst v6;
	v1 =	vtrunc.f32 v1;
	v5 =	vcvt.f32.s32 v5  }
0x837: {  	[tilespmem:s28+$0x0] =	vst v7;
	v7 =	vld.idx.msk [tilespmem:v13+s17+$0x0], $0xffff;
	v1 =	vcvt.f32.s32 v1  }
0x838: {  	[tilespmem:s26+$0xFFFFFF80] =	vst v3;
	v3 =	vld.idx.msk [tilespmem:v12+s17+$0x0], $0xffff  }
0x839: {  	s28 =	sadd.s32 $0x200, s26;
	[tilespmem:s26+$0xFFFFFF00] =	vst v8;
	v6 =	vld.idx.msk [tilespmem:v15+s17+$0x0], $0xffff  }
0x83a: {  	[tilespmem:s28+$0x80] =	vst v9;
	v2 =	vld.idx.msk [tilespmem:v2+s17+$0x0], $0xffff  }
0x83b: {  	[tilespmem:s26+$0x0] =	vst v4;
	v4 =	vld.idx.msk [tilespmem:v10+s17+$0x0], $0xffff  }
0x83c: {  	[tilespmem:s28+$0xFFFFFF80] =	vst v7;
	v5 =	vld.idx.msk [tilespmem:v5+s17+$0x0], $0xffff  }
0x83d: {  	[tilespmem:s28+$0x0] =	vst v3;
	v1 =	vld.idx.msk [tilespmem:v1+s17+$0x0], $0xffff  }
0x83e: {  	s31 =	sadd.s32 $0x200, s28;
	[tilespmem:s28+$0xFFFFFF00] =	vst v6  }
0x83f: {  	[tilespmem:s31+$0x80] =	vst v2  }
0x840: {  	[tilespmem:s31+$0xFFFFFF00] =	vst v4  }
0x841: {  	[tilespmem:s31+$0xFFFFFF80] =	vst v5  }
0x842: {  	[tilespmem:s31+$0x0] =	vst v1  }
0x843: {  	v2 =	vld [tilespmem:$0x70];
	_ =	sdelay $0x6  }
0x844: {  	s31 =	simm.s32 $0x4900;
	v1 =	vld [tilespmem:$0xF0]  }
0x845: {  	v3 =	vld.idx.msk [tilespmem:v2+s31+$0x180], $0xffff  }
0x846: {  	v4 =	vld.idx.msk [tilespmem:v2+s31+$0x80], $0xffff  }
0x847: {  	v5 =	vld.idx.msk [tilespmem:v2+s31+$0x100], $0xffff  }
0x848: {  	v6 =	vld.idx.msk [tilespmem:v2+s31+$0x0], $0xffff;
	s31 =	simm.s32 $0x4B00  }
0x849: {  	v7 =	vld.idx.msk [tilespmem:v2+s31+$0x180], $0xffff  }
0x84a: {  	v8 =	vld.idx.msk [tilespmem:v2+s31+$0x80], $0xffff  }
0x84b: {  	v1 =	vmul.f32 $-1.280000000e+02, v1;
	v9 =	vld.idx.msk [tilespmem:v2+s31+$0x100], $0xffff  }
0x84c: {  	v10 =	vld.idx.msk [tilespmem:v2+s31+$0x0], $0xffff  }
0x84d: {  	v1 =	vadd.f32 $1.024000000e+03, v1;
	v3 =	vmul.f32 $1.280000000e+02, v3;
	v4 =	vmul.f32 $1.280000000e+02, v4  }
0x84e: {  	v5 =	vmul.f32 $1.280000000e+02, v5;
	v6 =	vmul.f32 $1.280000000e+02, v6  }
0x84f: {  	v7 =	vmul.f32 $1.280000000e+02, v7;
	v8 =	vmul.f32 $1.280000000e+02, v8;
	v3 =	vadd.f32 v3, v1  }
0x850: {  	v9 =	vmul.f32 $1.280000000e+02, v9;
	v4 =	vadd.f32 v4, v1;
	v5 =	vadd.f32 v5, v1  }
0x851: {  	v10 =	vmul.f32 $1.280000000e+02, v10;
	v6 =	vadd.f32 v6, v1;
	v7 =	vadd.f32 v7, v1  }
0x852: {  	v8 =	vadd.f32 v8, v1;
	v9 =	vadd.f32 v9, v1;
	v3 =	vmax.f32 v3, $0.0e+00  }
0x853: {  	v4 =	vmax.f32 v4, $0.0e+00;
	v6 =	vmax.f32 v6, $0.0e+00;
	v3 =	vmin.f32 v3, $2.047000000e+03  }
0x854: {  	s31 =	simm.s32 $0x4D00;
	v5 =	vmax.f32 v5, $0.0e+00;
	v6 =	vmin.f32 v6, $2.047000000e+03;
	v3 =	vtrunc.f32 v3  }
0x855: {  	v11 =	vld.idx.msk [tilespmem:v2+s31+$0x180], $0xffff;
	v4 =	vmin.f32 v4, $2.047000000e+03;
	v6 =	vtrunc.f32 v6;
	v3 =	vcvt.f32.s32 v3  }
0x856: {  	v13 =	vld.idx.msk [tilespmem:v2+s31+$0x100], $0xffff;
	v5 =	vmin.f32 v5, $2.047000000e+03;
	v4 =	vtrunc.f32 v4;
	v6 =	vcvt.f32.s32 v6  }
0x857: {  	v7 =	vmax.f32 v7, $0.0e+00;
	v8 =	vmax.f32 v8, $0.0e+00;
	v12 =	vcvt.f32.s32 v4;
	v4 =	vld.idx.msk [tilespmem:v2+s31+$0x80], $0xffff  }
0x858: {  	v9 =	vmax.f32 v9, $0.0e+00;
	v5 =	vtrunc.f32 v5;
	v7 =	vmin.f32 v7, $2.047000000e+03  }
0x859: {  	v8 =	vmin.f32 v8, $2.047000000e+03;
	v14 =	vcvt.f32.s32 v5;
	v5 =	vadd.f32 v10, v1  }
0x85a: {  	v15 =	vld.idx.msk [tilespmem:v2+s31+$0x0], $0xffff;
	v9 =	vmin.f32 v9, $2.047000000e+03;
	v7 =	vtrunc.f32 v7;
	v8 =	vtrunc.f32 v8  }
0x85b: {  	v7 =	vcvt.f32.s32 v7;
	v5 =	vmax.f32 v5, $0.0e+00;
	v16 =	vld.idx.msk [tilespmem:v3+s17+$0x0], $0xffff;
	v3 =	vmul.f32 $1.280000000e+02, v11  }
0x85c: {  	s31 =	simm.s32 $0x4F00;
	v5 =	vmin.f32 v5, $2.047000000e+03;
	v4 =	vmul.f32 $1.280000000e+02, v4;
	v17 =	vld.idx.msk [tilespmem:v6+s17+$0x0], $0xffff;
	v6 =	vmul.f32 $1.280000000e+02, v13  }
0x85d: {  	v9 =	vtrunc.f32 v9;
	v18 =	vld.idx.msk [tilespmem:v2+s31+$0x180], $0xffff;
	v11 =	vadd.f32 v3, v1;
	v3 =	vtrunc.f32 v5  }
0x85e: {  	v19 =	vld.idx.msk [tilespmem:v2+s31+$0x80], $0xffff;
	v4 =	vadd.f32 v4, v1;
	v6 =	vadd.f32 v6, v1;
	v20 =	vcvt.f32.s32 v3  }
0x85f: {  	v10 =	vld.idx.msk [tilespmem:v2+s31+$0x100], $0xffff;
	v3 =	vcvt.f32.s32 v8;
	v8 =	vmul.f32 $1.280000000e+02, v15;
	v5 =	vmax.f32 v11, $0.0e+00  }
0x860: {  	v13 =	vmax.f32 v4, $0.0e+00;
	v4 =	vcvt.f32.s32 v9;
	v11 =	vld.idx.msk [tilespmem:v2+s31+$0x0], $0xffff;
	v15 =	vmin.f32 v5, $2.047000000e+03  }
0x861: {  	v6 =	vmax.f32 v6, $0.0e+00;
	v5 =	vld.idx.msk [tilespmem:v7+s17+$0x0], $0xffff;
	v7 =	vadd.f32 v8, v1;
	v8 =	vtrunc.f32 v15  }
0x862: {  	s26 =	simm.s32 $0xCA70;
	v13 =	vmin.f32 v13, $2.047000000e+03;
	v21 =	vmin.f32 v6, $2.047000000e+03;
	v6 =	vld.idx.msk [tilespmem:v12+s17+$0x0], $0xffff;
	v9 =	vcvt.f32.s32 v8  }
0x863: {  	[tilespmem:s26+$0x80] =	vst v16;
	v13 =	vtrunc.f32 v13;
	v15 =	vmul.f32 $1.280000000e+02, v18;
	v8 =	vmax.f32 v7, $0.0e+00;
	v7 =	vld.idx.msk [tilespmem:v14+s17+$0x0], $0xffff  }
0x864: {  	s29 =	simm.s32 $0xC;
	s30 =	simm.s32 $0x5100;
	s28 =	simm.s32 $0xCA70;
	[tilespmem:s26+$0xFFFFFF00] =	vst v17;
	v12 =	vtrunc.f32 v21;
	v14 =	vmul.f32 $1.280000000e+02, v19;
	v16 =	vmin.f32 v8, $2.047000000e+03;
	v8 =	vld.idx.msk [tilespmem:v20+s17+$0x0], $0xffff  }
.LBB2_67:
0x865: {  	v17 =	vld.idx.msk [tilespmem:v2+s30+$0x180], $0xffff;
	s29 =	sadd.s32 $0x4, s29;
	v18 =	vmul.f32 $1.280000000e+02, v10;
	v15 =	vadd.f32 v15, v1;
	v10 =	vtrunc.f32 v16;
	s26 =	sadd.s32 $0x200, s26  }
0x866: {  	v13 =	vcvt.f32.s32 v13;
	v16 =	vld.idx.msk [tilespmem:v2+s30+$0x80], $0xffff;
	p1 =	slt.u32 s29, $0x7C;
	v14 =	vadd.f32 v14, v1;
	v19 =	vcvt.f32.s32 v10;
	[tilespmem:s26+$0x80] =	vst v5  }
0x867: {  	v20 =	vmul.f32 $1.280000000e+02, v11;
	v10 =	vld.idx.msk [tilespmem:v2+s30+$0x100], $0xffff;
	v18 =	vadd.f32 v18, v1;
	v5 =	vmax.f32 v15, $0.0e+00  }
.Ltmp34:
0x868: {  	v12 =	vcvt.f32.s32 v12;
	v14 =	vmax.f32 v14, $0.0e+00;
	v15 =	vmin.f32 v5, $2.047000000e+03;
	v5 =	vld.idx.msk [tilespmem:v9+s17+$0x0], $0xffff;
	[tilespmem:s28+$0xFFFFFF80] =	vst v6;
	(pc) =	sbr.rel @p1 .LBB2_67-.Ltmp34, $4  }
0x869: {  	v20 =	vadd.f32 v20, v1;
	v11 =	vld.idx.msk [tilespmem:v2+s30+$0x0], $0xffff;
	v6 =	vmax.f32 v18, $0.0e+00;
	v9 =	vtrunc.f32 v15;
	[tilespmem:s28+$0x0] =	vst v7;
	s28 =	smov.u32 s26  }
0x86a: {  	v7 =	vmin.f32 v14, $2.047000000e+03;
	v18 =	vmin.f32 v6, $2.047000000e+03;
	v9 =	vcvt.f32.s32 v9;
	[tilespmem:s26+$0xFFFFFF00] =	vst v8;
	v6 =	vld.idx.msk [tilespmem:v3+s17+$0x0], $0xffff;
	v3 =	vmovc v13  }
0x86b: {  	v15 =	vmul.f32 $1.280000000e+02, v17;
	v8 =	vmax.f32 v20, $0.0e+00;
	v13 =	vtrunc.f32 v7;
	v7 =	vld.idx.msk [tilespmem:v4+s17+$0x0], $0xffff;
	v4 =	vmovc v12  }
0x86c: {  	s30 =	sadd.s32 $0x200, s30;
	v14 =	vmul.f32 $1.280000000e+02, v16;
	v16 =	vmin.f32 v8, $2.047000000e+03;
	v12 =	vtrunc.f32 v18;
	v8 =	vld.idx.msk [tilespmem:v19+s17+$0x0], $0xffff  }
0x86d: {  	v2 =	vadd.f32 v15, v1;
	v10 =	vmul.f32 $1.280000000e+02, v10;
	v57 =	vtrunc.f32 v16  }
0x86e: {  	v13 =	vcvt.f32.s32 v13;
	v11 =	vmul.f32 $1.280000000e+02, v11  }
0x86f: {  	v12 =	vcvt.f32.s32 v12;
	v14 =	vadd.f32 v14, v1;
	v2 =	vmax.f32 v2, $0.0e+00  }
0x870: {  	v15 =	vcvt.f32.s32 v57;
	v2 =	vmin.f32 v2, $2.047000000e+03;
	v11 =	vadd.f32 v11, v1  }
0x871: {  	v1 =	vadd.f32 v10, v1;
	v59 =	vmax.f32 v14, $0.0e+00;
	v2 =	vtrunc.f32 v2  }
0x872: {  	v3 =	vld.idx.msk [tilespmem:v3+s17+$0x0], $0xffff;
	v2 =	vcvt.f32.s32 v2;
	v58 =	vmax.f32 v11, $0.0e+00;
	v11 =	vmin.f32 v59, $2.047000000e+03  }
0x873: {  	s26 =	sadd.s32 $0x200, s26;
	v1 =	vmax.f32 v1, $0.0e+00;
	v10 =	vmin.f32 v58, $2.047000000e+03;
	v60 =	vtrunc.f32 v11  }
0x874: {  	v9 =	vld.idx.msk [tilespmem:v9+s17+$0x0], $0xffff;
	[tilespmem:s26+$0x80] =	vst v5;
	v1 =	vmin.f32 v1, $2.047000000e+03;
	v10 =	vtrunc.f32 v10;
	v5 =	vcvt.f32.s32 v60  }
0x875: {  	v4 =	vld.idx.msk [tilespmem:v4+s17+$0x0], $0xffff;
	[tilespmem:s28+$0xFFFFFF80] =	vst v6;
	v1 =	vtrunc.f32 v1;
	v10 =	vcvt.f32.s32 v10  }
0x876: {  	[tilespmem:s28+$0x0] =	vst v7;
	v62 =	vld.idx.msk [tilespmem:v13+s17+$0x0], $0xffff;
	v1 =	vcvt.f32.s32 v1  }
0x877: {  	[tilespmem:s26+$0xFFFFFF80] =	vst v3;
	v3 =	vld.idx.msk [tilespmem:v12+s17+$0x0], $0xffff  }
0x878: {  	s29 =	sadd.s32 $0x200, s26;
	[tilespmem:s26+$0xFFFFFF00] =	vst v8;
	v61 =	vld.idx.msk [tilespmem:v15+s17+$0x0], $0xffff  }
0x879: {  	[tilespmem:s29+$0x80] =	vst v9;
	v2 =	vld.idx.msk [tilespmem:v2+s17+$0x0], $0xffff  }
0x87a: {  	[tilespmem:s26+$0x0] =	vst v4;
	v5 =	vld.idx.msk [tilespmem:v5+s17+$0x0], $0xffff  }
0x87b: {  	[tilespmem:s29+$0xFFFFFF80] =	vst v62;
	v63 =	vld.idx.msk [tilespmem:v10+s17+$0x0], $0xffff  }
0x87c: {  	[tilespmem:s29+$0x0] =	vst v3;
	v1 =	vld.idx.msk [tilespmem:v1+s17+$0x0], $0xffff  }
0x87d: {  	s30 =	sadd.s32 $0x200, s29;
	[tilespmem:s29+$0xFFFFFF00] =	vst v61  }
.Ltmp35:
0x87e: {  	[tilespmem:s30+$0x80] =	vst v2;
	(pc) =	sbr.rel @p0 .LBB2_70-.Ltmp35, $4  }
0x87f: {  	[tilespmem:s30+$0xFFFFFF80] =	vst v5  }
0x880: {  	[tilespmem:s30+$0xFFFFFF00] =	vst v63  }
0x881: {  	s31 =	sadd.s32 s9, s25;
	[tilespmem:s30+$0x0] =	vst v1  }
0x882: {  	[hbm4b:s31+s3] =	stream.linear.scatter [tilespmem:s20], [sflag:$0x4], $0x4000, $0x38;
	[tilespmem:$0x10900] =	vst v63  }
.Ltmp36:
0x883: {  	(pc) =	sbr.rel .LBB2_36-.Ltmp36, $3  }
0x884: {  	_ =	sdelay $0x1  }
0x885: {  	s25 =	sadd.s32 s25, s10;
	s24 =	sadd.s32 $0x1, s24  }
0x886: {  	[tilespmem:s13], [sflag:$0x2] =	stream.linear.gather [hbm4b:s25+s3], $0x4000, $0x38;
	[tilespmem:$0x10900] =	vst v63  }
.LBB2_71:
0x887: {  	_ =	sfence.sel $0x180000  }
0x888: {  	[bflag:$0x0] =	sbarrier.arrive $0xFFFF  }
0x889: {  	p0 =	sne.s32 s4, $0x0;
	_ =	strace $0x90000047  }
0x88a: {  	s0 =	sadd.s32 @!p0 $0x100000, s1;
	[bflag:$0x2] =	sbarrier.arrive $0xFFFF  }
0x88b: {  	[sflag:s0] =	ssyncadd.tile.s32 @!p0 $0x1;
	_ =	shalt  }
.Lfunc_end2:
_tile_overlayer_lowered:
.L_overlay_start_2:
0x88c: {  	(tag) =	ssettag $0x2  }
0x88d: {  	s0 =	rddreg [dreg:$0x0];
	s2 =	stileid.u32  }
0x88e: {  	s1 =	rddreg [dreg:$0x1];
	p0 =	sne.s32 s2, $0x0  }
0x88f: {  	s3 =	rddreg [dreg:$0x2];
	[bflag:$0x3] =	sbarrier.arrive $0xFFFF;
	s2 =	simm.s32 @!p0 $0x1C05  }
0x890: {  	[timem:s3], [sflag:s2] =	dma.local @!p0 [hbm:s0], s1  }
0x891: {  	s0 =	simm.s32 @!p0 $0x5  }
0x892: {  	_ =	swait.ge @!p0 [sflag:s0], s1  }
0x893: {  	s1 =	ssub.s32 @!p0 $0x0, s1;
	[sflag:s0] =	ssyncset.done @!p0 $0x0  }
0x894: {  	[sflag:s0] =	ssyncadd.s32 @!p0 s1  }
0x895: {  	[bflag:$0x3] =	sbarrier.arrive $0xFFFF  }
0x896: {  	_ =	shalt  }

</sc_bundles>
